<compile_context>
chip_gen: v7x
topology: tpu7x:2x2x1
jax: 0.10.2.dev20260603
libtpu: 0.0.44.dev20260713+nightly
codegen_flags: <defaults>
</compile_context>

<pallas_src>
import functools

import jax
import jax.numpy as jnp
from jax import lax
from jax.experimental import pallas as pl
from jax.experimental.pallas import tpu as pltpu
from jax.experimental.pallas import tpu_sc as plsc

NUM_TIME = 288
TIME_SIZE = 64
DAY_SIZE = 32
NUM_DAY = 7
OUT_SIZE = TIME_SIZE + DAY_SIZE
NUM_FUSED = NUM_TIME * NUM_DAY
NUM_HOT = NUM_DAY * NUM_DAY
NUM_HOT_PAD = 56
FPAD = 128

NC = 2
NS = 16
NW = NC * NS
LANES = 16

CHUNK = 256
GROUPS = CHUNK // LANES
GROW = 128
NGATHER = CHUNK // GROW


def _sc_embed(n_tokens):
  per_w = n_tokens // NW
  iters = per_w // CHUNK
  assert per_w % CHUNK == 0 and iters % 2 == 0

  mesh = plsc.VectorSubcoreMesh(core_axis_name="c", subcore_axis_name="s")

  @functools.partial(
      pl.kernel,
      mesh=mesh,
      out_type=jax.ShapeDtypeStruct((n_tokens, FPAD), jnp.float32),
      compiler_params=pltpu.CompilerParams(
          needs_layout_passes=False, use_tc_tiling_on_sc=True
      ),
      scratch_types=[
          pltpu.VMEM((CHUNK,), jnp.int32),
          pltpu.VMEM((CHUNK,), jnp.int32),
          pltpu.VMEM((CHUNK,), jnp.int32),
          pltpu.VMEM((CHUNK,), jnp.int32),
          pltpu.VMEM((2, NGATHER, GROW), jnp.int32),
          pltpu.VMEM((2, CHUNK), jnp.int32),
          pltpu.VMEM((NUM_HOT_PAD, FPAD), jnp.float32),
          pltpu.VMEM((CHUNK, FPAD), jnp.float32),
          pltpu.VMEM((CHUNK, FPAD), jnp.float32),
          pltpu.SMEM((2,), jnp.int32),
          pltpu.SemaphoreType.DMA,
          pltpu.SemaphoreType.DMA,
          pltpu.SemaphoreType.DMA,
          pltpu.SemaphoreType.DMA,
          pltpu.SemaphoreType.DMA,
          pltpu.SemaphoreType.DMA,
      ],
  )
  def k(day_hbm, time_hbm, fused_hbm, out_hbm,
        d0, d1, t0, t1, p_v, pf_v, tab_v, blk0, blk1, mx_s,
        is0, is1, gs0, gs1, ws0, ws1):
    d_v = (d0, d1)
    t_v = (t0, t1)
    wid = lax.axis_index("s") * NC + lax.axis_index("c")
    base = wid * per_w
    blk = (blk0, blk1)
    isem = (is0, is1)
    gsem = (gs0, gs1)
    wsem = (ws0, ws1)

    def tok0(i):
      return base + i * CHUNK

    def fire_idx(i, b):
      pltpu.async_copy(day_hbm.at[pl.ds(tok0(i), CHUNK)], d_v[b], isem[b])
      pltpu.async_copy(time_hbm.at[pl.ds(tok0(i), CHUNK)], t_v[b], isem[b])

    def wait_idx(i, b):
      pltpu.make_async_copy(
          day_hbm.at[pl.ds(tok0(i), CHUNK)], d_v[b], isem[b]).wait()
      pltpu.make_async_copy(
          time_hbm.at[pl.ds(tok0(i), CHUNK)], t_v[b], isem[b]).wait()

    def compute_p(b):
      gpr = GROW // LANES
      mx = jnp.zeros((LANES,), jnp.int32)
      for g in range(GROUPS):
        d = d_v[b][pl.ds(g * LANES, LANES)]
        t = t_v[b][pl.ds(g * LANES, LANES)]
        mx = jnp.maximum(mx, jnp.maximum(d, t))
        d = jnp.clip(d, 0, NUM_DAY - 1)
        t = jnp.clip(t, 0, NUM_TIME - 1)
        p = t * NUM_DAY + d
        p_v[b, g // gpr, pl.ds((g % gpr) * LANES, LANES)] = p
        pf_v[b, pl.ds(g * LANES, LANES)] = p
      mx_s[b] = lax.reduce_max(mx, (0,))

    iota = lax.iota(jnp.int32, LANES)

    def build_fast(b):
      half = OUT_SIZE // 2
      @pl.loop(0, GROUPS)
      def _(g):
        pvec = pf_v[b, pl.ds(g * LANES, LANES)]
        tokvec = g * LANES + iota
        col_a = iota
        col_b = iota + half
        for k in range(half):
          va = plsc.load_gather(tab_v, [pvec, col_a])
          vb = plsc.load_gather(tab_v, [pvec, col_b])
          plsc.store_scatter(blk[b], [tokvec, col_a], va)
          plsc.store_scatter(blk[b], [tokvec, col_b], vb)
          if k + 1 < half:
            col_a = col_a + 1
            col_a = jnp.where(col_a >= OUT_SIZE, col_a - OUT_SIZE, col_a)
            col_b = col_b + 1
            col_b = jnp.where(col_b >= OUT_SIZE, col_b - OUT_SIZE, col_b)

    def fire_gathers(b):
      for j in range(NGATHER):
        pltpu.async_copy(
            fused_hbm.at[p_v.at[b, j]],
            blk[b].at[pl.ds(j * GROW, GROW)], gsem[b])

    def wait_gathers(b):
      for j in range(NGATHER):
        pltpu.make_async_copy(
            fused_hbm.at[p_v.at[b, j]],
            blk[b].at[pl.ds(j * GROW, GROW)], gsem[b]).wait()

    def fire_wb(i, b):
      pltpu.async_copy(blk[b], out_hbm.at[pl.ds(tok0(i), CHUNK)], wsem[b])

    def wait_wb(i, b):
      pltpu.make_async_copy(
          blk[b], out_hbm.at[pl.ds(tok0(i), CHUNK)], wsem[b]).wait()

    pltpu.sync_copy(fused_hbm.at[pl.ds(0, NUM_HOT_PAD)], tab_v)

    fire_idx(0, 0)
    wait_idx(0, 0)
    compute_p(0)
    fire_idx(1, 1)

    @pl.loop(0, iters, step=2)
    def _(o):
      for b in (0, 1):
        i = o + b
        nb = 1 - b

        @pl.when(i > 1)
        def _():
          wait_wb(i - 2, b)

        hot = mx_s[b] < NUM_DAY

        @pl.when(hot)
        def _():
          build_fast(b)

        @pl.when(jnp.logical_not(hot))
        def _():
          fire_gathers(b)
          wait_gathers(b)

        fire_wb(i, b)

        @pl.when(i + 1 < iters)
        def _():
          wait_idx(i + 1, nb)
          compute_p(nb)

          @pl.when(i + 2 < iters)
          def _():
            fire_idx(i + 2, b)

    wait_wb(iters - 2, 0)
    wait_wb(iters - 1, 1)

  return k


def kernel(data_cat, table_day, table_time):
  B, T, _ = data_cat.shape
  n = B * T
  data_cat = data_cat.astype(jnp.int32)
  day_idx = (data_cat[:, :, 0] ^ 1).reshape(n) ^ 1
  time_idx = (data_cat[:, :, 1] ^ 1).reshape(n) ^ 1
  f_time = jnp.broadcast_to(
      table_time[:, None, :], (NUM_TIME, NUM_DAY, TIME_SIZE)
  ).reshape(NUM_FUSED, TIME_SIZE)
  f_day = jnp.broadcast_to(
      table_day[None, :, :], (NUM_TIME, NUM_DAY, DAY_SIZE)
  ).reshape(NUM_FUSED, DAY_SIZE)
  f_pad = jnp.zeros((NUM_FUSED, FPAD - OUT_SIZE), jnp.float32)
  fused = jnp.concatenate([f_time, f_day, f_pad], axis=1)
  out = _sc_embed(n)(day_idx, time_idx, fused)
  return out[:, :OUT_SIZE].reshape(B, T, OUT_SIZE)

# --- scband reference (transcript-rebuilt; emitter-appended) ---
"""Pipeline reference for scband-day-time-embedding-21878563405892 (READ-ONLY COPY).

The authoritative reference and input builder live on the scoring server;
editing this copy changes nothing except your own understanding.
"""

import jax, jax.numpy as jnp
import numpy as np

NUM_TIME = 288
TIME_SIZE = 64
DAY_SIZE = 32
B = 16384
T = 200

def setup_inputs(seed: int = 0) -> dict:
    key = jax.random.key(seed)
    k1, k2, k3 = jax.random.split(key, 3)
    # data_cat[:, :, 0] -> day index in [0, 7); data_cat[:, :, 1] -> time index (< NUM_TIME; 0..6 also valid)
    data_cat = jax.random.randint(k1, (B, T, 2), 0, 7, dtype=jnp.int64 if jax.config.jax_enable_x64 else jnp.int32)
    table_day = jax.random.normal(k2, (7, DAY_SIZE), dtype=jnp.float32)
    table_time = jax.random.normal(k3, (NUM_TIME, TIME_SIZE), dtype=jnp.float32)
    return {"data_cat": data_cat, "table_day": table_day, "table_time": table_time}

def reference(data_cat, table_day, table_time):
    # embedded_day = embedding_day(data_cat[:, :, 0])
    embedded_day = jnp.take(table_day, data_cat[:, :, 0], axis=0)
    # embedded_time = embedding_time(data_cat[:, :, 1])
    embedded_time = jnp.take(table_time, data_cat[:, :, 1], axis=0)
    # dropout with p=0 is identity
    return jnp.concatenate((embedded_time, embedded_day), axis=-1)

if __name__ == "__main__":
    import jax
    _d = setup_inputs()
    print(jax.jit(kernel)(*tuple(_d.values())))

</pallas_src>

<mosaic_0001>
#map = affine_map<(d0, d1) -> (0)>
#map1 = affine_map<(d0, d1) -> (0, 0)>
module attributes {stable_mosaic.version = 14 : i64} {
  func.func @k(%arg0: i32, %arg1: i32, %arg2: memref<3276800xi32, #tpu.memory_space<hbm>>, %arg3: memref<3276800xi32, #tpu.memory_space<hbm>>, %arg4: memref<2016x128xf32, #tpu.memory_space<hbm>>, %arg5: memref<3276800x128xf32, #tpu.memory_space<hbm>>, %arg6: memref<256xi32, #tpu.memory_space<vmem>>, %arg7: memref<256xi32, #tpu.memory_space<vmem>>, %arg8: memref<256xi32, #tpu.memory_space<vmem>>, %arg9: memref<256xi32, #tpu.memory_space<vmem>>, %arg10: memref<2x2x128xi32, #tpu.memory_space<vmem>>, %arg11: memref<2x256xi32, #tpu.memory_space<vmem>>, %arg12: memref<56x128xf32, #tpu.memory_space<vmem>>, %arg13: memref<256x128xf32, #tpu.memory_space<vmem>>, %arg14: memref<256x128xf32, #tpu.memory_space<vmem>>, %arg15: memref<2xi32, #tpu.memory_space<smem>>, %arg16: memref<!tpu.dma_semaphore, #tpu.memory_space<semaphore_mem>>, %arg17: memref<!tpu.dma_semaphore, #tpu.memory_space<semaphore_mem>>, %arg18: memref<!tpu.dma_semaphore, #tpu.memory_space<semaphore_mem>>, %arg19: memref<!tpu.dma_semaphore, #tpu.memory_space<semaphore_mem>>, %arg20: memref<!tpu.dma_semaphore, #tpu.memory_space<semaphore_mem>>, %arg21: memref<!tpu.dma_semaphore, #tpu.memory_space<semaphore_mem>>) attributes {dimension_semantics = [#tpu.dimension_semantics<core_parallel>, #tpu.dimension_semantics<subcore_parallel>], iteration_bounds = array<i64: 2, 16>, scalar_prefetch = 0 : i64, scratch_operands = 16 : i64, tpu.core_type = #tpu.core_type<sc_vector_subcore>, window_params = [{transform_indices = #map}, {transform_indices = #map}, {transform_indices = #map1}, {transform_indices = #map1}]} {
    %mul3A = arith.constant 2 : i32
    %mul3A_0 = arith.muli %arg1, %mul3A : i32
    %add3A = arith.addi %mul3A_0, %arg0 : i32
    %mul3A_1 = arith.constant 102400 : i32
    %mul3A_2 = arith.muli %add3A, %mul3A_1 : i32
    %iota3A = tpu.iota {dimensions = array<i32: 0>} : vector<16xi32>
    "tpu.region"() ({
      %run_scoped3A = tpu.sem_alloc : memref<!tpu.dma_semaphore, #tpu.memory_space<semaphore_mem>>
      %dma_start3A_559 = arith.constant 0 : i32
      %dma_start3A_560 = arith.constant 0 : i32
      %dma_start3A_561 = tpu.memref_slice %arg4[%dma_start3A_559, %dma_start3A_560] : memref<2016x128xf32, #tpu.memory_space<hbm>> -> memref<56x128xf32, #tpu.memory_space<hbm>>
      %dma_start3A_562 = arith.constant 0 : i32
      %dma_start3A_563 = arith.constant 0 : i32
      %dma_start3A_564 = tpu.memref_slice %arg4[%dma_start3A_562, %dma_start3A_563] : memref<2016x128xf32, #tpu.memory_space<hbm>> -> memref<56x128xf32, #tpu.memory_space<hbm>>
      tpu.enqueue_dma source(%dma_start3A_564 : memref<56x128xf32, #tpu.memory_space<hbm>>) target(%arg12 : memref<56x128xf32, #tpu.memory_space<vmem>>) target_semaphore(%run_scoped3A : memref<!tpu.dma_semaphore, #tpu.memory_space<semaphore_mem>>)
      %dma_wait3A_565 = arith.constant 0 : i32
      %dma_wait3A_566 = arith.constant 0 : i32
      %dma_wait3A_567 = tpu.memref_slice %arg4[%dma_wait3A_565, %dma_wait3A_566] : memref<2016x128xf32, #tpu.memory_space<hbm>> -> memref<56x128xf32, #tpu.memory_space<hbm>>
      %dma_wait3A_568 = arith.constant 0 : i32
      %dma_wait3A_569 = arith.constant 0 : i32
      %dma_wait3A_570 = tpu.memref_slice %arg4[%dma_wait3A_568, %dma_wait3A_569] : memref<2016x128xf32, #tpu.memory_space<hbm>> -> memref<56x128xf32, #tpu.memory_space<hbm>>
      tpu.wait_dma2 semaphore(%run_scoped3A : memref<!tpu.dma_semaphore, #tpu.memory_space<semaphore_mem>>) src(%dma_wait3A_570 : memref<56x128xf32, #tpu.memory_space<hbm>>) dst(%arg12 : memref<56x128xf32, #tpu.memory_space<vmem>>)
      tpu.yield
    }) : () -> ()
    %add3A_3 = arith.constant 0 : i32
    %add3A_4 = arith.addi %mul3A_2, %add3A_3 : i32
    %dma_start3A = tpu.memref_slice %arg2[%add3A_4] : memref<3276800xi32, #tpu.memory_space<hbm>> -> memref<256xi32, #tpu.memory_space<hbm>>
    %dma_start3A_5 = tpu.memref_slice %arg2[%add3A_4] : memref<3276800xi32, #tpu.memory_space<hbm>> -> memref<256xi32, #tpu.memory_space<hbm>>
    tpu.enqueue_dma source(%dma_start3A_5 : memref<256xi32, #tpu.memory_space<hbm>>) target(%arg6 : memref<256xi32, #tpu.memory_space<vmem>>) target_semaphore(%arg16 : memref<!tpu.dma_semaphore, #tpu.memory_space<semaphore_mem>>)
    %add3A_6 = arith.constant 0 : i32
    %add3A_7 = arith.addi %mul3A_2, %add3A_6 : i32
    %dma_start3A_8 = tpu.memref_slice %arg3[%add3A_7] : memref<3276800xi32, #tpu.memory_space<hbm>> -> memref<256xi32, #tpu.memory_space<hbm>>
    %dma_start3A_9 = tpu.memref_slice %arg3[%add3A_7] : memref<3276800xi32, #tpu.memory_space<hbm>> -> memref<256xi32, #tpu.memory_space<hbm>>
    tpu.enqueue_dma source(%dma_start3A_9 : memref<256xi32, #tpu.memory_space<hbm>>) target(%arg8 : memref<256xi32, #tpu.memory_space<vmem>>) target_semaphore(%arg16 : memref<!tpu.dma_semaphore, #tpu.memory_space<semaphore_mem>>)
    %add3A_10 = arith.constant 0 : i32
    %add3A_11 = arith.addi %mul3A_2, %add3A_10 : i32
    %dma_wait3A = tpu.memref_slice %arg2[%add3A_11] : memref<3276800xi32, #tpu.memory_space<hbm>> -> memref<256xi32, #tpu.memory_space<hbm>>
    %dma_wait3A_12 = tpu.memref_slice %arg2[%add3A_11] : memref<3276800xi32, #tpu.memory_space<hbm>> -> memref<256xi32, #tpu.memory_space<hbm>>
    tpu.wait_dma2 semaphore(%arg16 : memref<!tpu.dma_semaphore, #tpu.memory_space<semaphore_mem>>) src(%dma_wait3A_12 : memref<256xi32, #tpu.memory_space<hbm>>) dst(%arg6 : memref<256xi32, #tpu.memory_space<vmem>>)
    %add3A_13 = arith.constant 0 : i32
    %add3A_14 = arith.addi %mul3A_2, %add3A_13 : i32
    %dma_wait3A_15 = tpu.memref_slice %arg3[%add3A_14] : memref<3276800xi32, #tpu.memory_space<hbm>> -> memref<256xi32, #tpu.memory_space<hbm>>
    %dma_wait3A_16 = tpu.memref_slice %arg3[%add3A_14] : memref<3276800xi32, #tpu.memory_space<hbm>> -> memref<256xi32, #tpu.memory_space<hbm>>
    tpu.wait_dma2 semaphore(%arg16 : memref<!tpu.dma_semaphore, #tpu.memory_space<semaphore_mem>>) src(%dma_wait3A_16 : memref<256xi32, #tpu.memory_space<hbm>>) dst(%arg8 : memref<256xi32, #tpu.memory_space<vmem>>)
    %broadcast_in_dim3A = arith.constant 0 : i32
    %broadcast_in_dim3A_17 = vector.broadcast %broadcast_in_dim3A : i32 to vector<16xi32>
    %get3A = arith.constant 0 : index
    %get3A_18 = tpu.vector_load %arg6[%get3A] {strides = array<i32>} : memref<256xi32, #tpu.memory_space<vmem>>, vector<16xi32>,
    %get3A_19 = arith.constant 0 : index
    %get3A_20 = tpu.vector_load %arg8[%get3A_19] {strides = array<i32>} : memref<256xi32, #tpu.memory_space<vmem>>, vector<16xi32>,
    %max3A = arith.maxsi %get3A_18, %get3A_20 : vector<16xi32>
    %max3A_21 = arith.maxsi %broadcast_in_dim3A_17, %max3A : vector<16xi32>
    %jit3A = arith.constant 0 : i32
    %jit3A_22 = arith.constant 6 : i32
    %max3A_23 = vector.broadcast %jit3A : i32 to vector<16xi32>
    %max3A_24 = arith.maxsi %max3A_23, %get3A_18 : vector<16xi32>
    %min3A = vector.broadcast %jit3A_22 : i32 to vector<16xi32>
    %min3A_25 = arith.minsi %min3A, %max3A_24 : vector<16xi32>
    %jit3A_26 = arith.constant 0 : i32
    %jit3A_27 = arith.constant 287 : i32
    %max3A_28 = vector.broadcast %jit3A_26 : i32 to vector<16xi32>
    %max3A_29 = arith.maxsi %max3A_28, %get3A_20 : vector<16xi32>
    %min3A_30 = vector.broadcast %jit3A_27 : i32 to vector<16xi32>
    %min3A_31 = arith.minsi %min3A_30, %max3A_29 : vector<16xi32>
    %mul3A_32 = arith.constant 7 : i32
    %mul3A_33 = vector.broadcast %mul3A_32 : i32 to vector<16xi32>
    %mul3A_34 = arith.muli %min3A_31, %mul3A_33 : vector<16xi32>
    %add3A_35 = arith.addi %mul3A_34, %min3A_25 : vector<16xi32>
    %swap3A = arith.constant 0 : i32
    %swap3A_36 = arith.constant 0 : i32
    %swap3A_37 = arith.index_cast %swap3A : i32 to index
    %swap3A_38 = arith.index_cast %swap3A_36 : i32 to index
    %swap3A_39 = arith.constant 0 : index
    %swap3A_40 = tpu.vector_load %arg10[%swap3A_37, %swap3A_38, %swap3A_39] {strides = array<i32>} : memref<2x2x128xi32, #tpu.memory_space<vmem>>, vector<16xi32>,
    tpu.vector_store %arg10[%swap3A_37, %swap3A_38, %swap3A_39], %add3A_35 {strides = array<i32>} : memref<2x2x128xi32, #tpu.memory_space<vmem>>, vector<16xi32>,
    %swap3A_41 = arith.constant 0 : i32
    %swap3A_42 = arith.index_cast %swap3A_41 : i32 to index
    %swap3A_43 = arith.constant 0 : index
    %swap3A_44 = tpu.vector_load %arg11[%swap3A_42, %swap3A_43] {strides = array<i32>} : memref<2x256xi32, #tpu.memory_space<vmem>>, vector<16xi32>,
    tpu.vector_store %arg11[%swap3A_42, %swap3A_43], %add3A_35 {strides = array<i32>} : memref<2x256xi32, #tpu.memory_space<vmem>>, vector<16xi32>,
    %get3A_45 = arith.constant 16 : index
    %get3A_46 = tpu.vector_load %arg6[%get3A_45] {strides = array<i32>} : memref<256xi32, #tpu.memory_space<vmem>>, vector<16xi32>,
    %get3A_47 = arith.constant 16 : index
    %get3A_48 = tpu.vector_load %arg8[%get3A_47] {strides = array<i32>} : memref<256xi32, #tpu.memory_space<vmem>>, vector<16xi32>,
    %max3A_49 = arith.maxsi %get3A_46, %get3A_48 : vector<16xi32>
    %max3A_50 = arith.maxsi %max3A_21, %max3A_49 : vector<16xi32>
    %jit3A_51 = arith.constant 0 : i32
    %jit3A_52 = arith.constant 6 : i32
    %max3A_53 = vector.broadcast %jit3A_51 : i32 to vector<16xi32>
    %max3A_54 = arith.maxsi %max3A_53, %get3A_46 : vector<16xi32>
    %min3A_55 = vector.broadcast %jit3A_52 : i32 to vector<16xi32>
    %min3A_56 = arith.minsi %min3A_55, %max3A_54 : vector<16xi32>
    %jit3A_57 = arith.constant 0 : i32
    %jit3A_58 = arith.constant 287 : i32
    %max3A_59 = vector.broadcast %jit3A_57 : i32 to vector<16xi32>
    %max3A_60 = arith.maxsi %max3A_59, %get3A_48 : vector<16xi32>
    %min3A_61 = vector.broadcast %jit3A_58 : i32 to vector<16xi32>
    %min3A_62 = arith.minsi %min3A_61, %max3A_60 : vector<16xi32>
    %mul3A_63 = arith.constant 7 : i32
    %mul3A_64 = vector.broadcast %mul3A_63 : i32 to vector<16xi32>
    %mul3A_65 = arith.muli %min3A_62, %mul3A_64 : vector<16xi32>
    %add3A_66 = arith.addi %mul3A_65, %min3A_56 : vector<16xi32>
    %swap3A_67 = arith.constant 0 : i32
    %swap3A_68 = arith.constant 0 : i32
    %swap3A_69 = arith.index_cast %swap3A_67 : i32 to index
    %swap3A_70 = arith.index_cast %swap3A_68 : i32 to index
    %swap3A_71 = arith.constant 16 : index
    %swap3A_72 = tpu.vector_load %arg10[%swap3A_69, %swap3A_70, %swap3A_71] {strides = array<i32>} : memref<2x2x128xi32, #tpu.memory_space<vmem>>, vector<16xi32>,
    tpu.vector_store %arg10[%swap3A_69, %swap3A_70, %swap3A_71], %add3A_66 {strides = array<i32>} : memref<2x2x128xi32, #tpu.memory_space<vmem>>, vector<16xi32>,
    %swap3A_73 = arith.constant 0 : i32
    %swap3A_74 = arith.index_cast %swap3A_73 : i32 to index
    %swap3A_75 = arith.constant 16 : index
    %swap3A_76 = tpu.vector_load %arg11[%swap3A_74, %swap3A_75] {strides = array<i32>} : memref<2x256xi32, #tpu.memory_space<vmem>>, vector<16xi32>,
    tpu.vector_store %arg11[%swap3A_74, %swap3A_75], %add3A_66 {strides = array<i32>} : memref<2x256xi32, #tpu.memory_space<vmem>>, vector<16xi32>,
    %get3A_77 = arith.constant 32 : index
    %get3A_78 = tpu.vector_load %arg6[%get3A_77] {strides = array<i32>} : memref<256xi32, #tpu.memory_space<vmem>>, vector<16xi32>,
    %get3A_79 = arith.constant 32 : index
    %get3A_80 = tpu.vector_load %arg8[%get3A_79] {strides = array<i32>} : memref<256xi32, #tpu.memory_space<vmem>>, vector<16xi32>,
    %max3A_81 = arith.maxsi %get3A_78, %get3A_80 : vector<16xi32>
    %max3A_82 = arith.maxsi %max3A_50, %max3A_81 : vector<16xi32>
    %jit3A_83 = arith.constant 0 : i32
    %jit3A_84 = arith.constant 6 : i32
    %max3A_85 = vector.broadcast %jit3A_83 : i32 to vector<16xi32>
    %max3A_86 = arith.maxsi %max3A_85, %get3A_78 : vector<16xi32>
    %min3A_87 = vector.broadcast %jit3A_84 : i32 to vector<16xi32>
    %min3A_88 = arith.minsi %min3A_87, %max3A_86 : vector<16xi32>
    %jit3A_89 = arith.constant 0 : i32
    %jit3A_90 = arith.constant 287 : i32
    %max3A_91 = vector.broadcast %jit3A_89 : i32 to vector<16xi32>
    %max3A_92 = arith.maxsi %max3A_91, %get3A_80 : vector<16xi32>
    %min3A_93 = vector.broadcast %jit3A_90 : i32 to vector<16xi32>
    %min3A_94 = arith.minsi %min3A_93, %max3A_92 : vector<16xi32>
    %mul3A_95 = arith.constant 7 : i32
    %mul3A_96 = vector.broadcast %mul3A_95 : i32 to vector<16xi32>
    %mul3A_97 = arith.muli %min3A_94, %mul3A_96 : vector<16xi32>
    %add3A_98 = arith.addi %mul3A_97, %min3A_88 : vector<16xi32>
    %swap3A_99 = arith.constant 0 : i32
    %swap3A_100 = arith.constant 0 : i32
    %swap3A_101 = arith.index_cast %swap3A_99 : i32 to index
    %swap3A_102 = arith.index_cast %swap3A_100 : i32 to index
    %swap3A_103 = arith.constant 32 : index
    %swap3A_104 = tpu.vector_load %arg10[%swap3A_101, %swap3A_102, %swap3A_103] {strides = array<i32>} : memref<2x2x128xi32, #tpu.memory_space<vmem>>, vector<16xi32>,
    tpu.vector_store %arg10[%swap3A_101, %swap3A_102, %swap3A_103], %add3A_98 {strides = array<i32>} : memref<2x2x128xi32, #tpu.memory_space<vmem>>, vector<16xi32>,
    %swap3A_105 = arith.constant 0 : i32
    %swap3A_106 = arith.index_cast %swap3A_105 : i32 to index
    %swap3A_107 = arith.constant 32 : index
    %swap3A_108 = tpu.vector_load %arg11[%swap3A_106, %swap3A_107] {strides = array<i32>} : memref<2x256xi32, #tpu.memory_space<vmem>>, vector<16xi32>,
    tpu.vector_store %arg11[%swap3A_106, %swap3A_107], %add3A_98 {strides = array<i32>} : memref<2x256xi32, #tpu.memory_space<vmem>>, vector<16xi32>,
    %get3A_109 = arith.constant 48 : index
    %get3A_110 = tpu.vector_load %arg6[%get3A_109] {strides = array<i32>} : memref<256xi32, #tpu.memory_space<vmem>>, vector<16xi32>,
    %get3A_111 = arith.constant 48 : index
    %get3A_112 = tpu.vector_load %arg8[%get3A_111] {strides = array<i32>} : memref<256xi32, #tpu.memory_space<vmem>>, vector<16xi32>,
    %max3A_113 = arith.maxsi %get3A_110, %get3A_112 : vector<16xi32>
    %max3A_114 = arith.maxsi %max3A_82, %max3A_113 : vector<16xi32>
    %jit3A_115 = arith.constant 0 : i32
    %jit3A_116 = arith.constant 6 : i32
    %max3A_117 = vector.broadcast %jit3A_115 : i32 to vector<16xi32>
    %max3A_118 = arith.maxsi %max3A_117, %get3A_110 : vector<16xi32>
    %min3A_119 = vector.broadcast %jit3A_116 : i32 to vector<16xi32>
    %min3A_120 = arith.minsi %min3A_119, %max3A_118 : vector<16xi32>
    %jit3A_121 = arith.constant 0 : i32
    %jit3A_122 = arith.constant 287 : i32
    %max3A_123 = vector.broadcast %jit3A_121 : i32 to vector<16xi32>
    %max3A_124 = arith.maxsi %max3A_123, %get3A_112 : vector<16xi32>
    %min3A_125 = vector.broadcast %jit3A_122 : i32 to vector<16xi32>
    %min3A_126 = arith.minsi %min3A_125, %max3A_124 : vector<16xi32>
    %mul3A_127 = arith.constant 7 : i32
    %mul3A_128 = vector.broadcast %mul3A_127 : i32 to vector<16xi32>
    %mul3A_129 = arith.muli %min3A_126, %mul3A_128 : vector<16xi32>
    %add3A_130 = arith.addi %mul3A_129, %min3A_120 : vector<16xi32>
    %swap3A_131 = arith.constant 0 : i32
    %swap3A_132 = arith.constant 0 : i32
    %swap3A_133 = arith.index_cast %swap3A_131 : i32 to index
    %swap3A_134 = arith.index_cast %swap3A_132 : i32 to index
    %swap3A_135 = arith.constant 48 : index
    %swap3A_136 = tpu.vector_load %arg10[%swap3A_133, %swap3A_134, %swap3A_135] {strides = array<i32>} : memref<2x2x128xi32, #tpu.memory_space<vmem>>, vector<16xi32>,
    tpu.vector_store %arg10[%swap3A_133, %swap3A_134, %swap3A_135], %add3A_130 {strides = array<i32>} : memref<2x2x128xi32, #tpu.memory_space<vmem>>, vector<16xi32>,
    %swap3A_137 = arith.constant 0 : i32
    %swap3A_138 = arith.index_cast %swap3A_137 : i32 to index
    %swap3A_139 = arith.constant 48 : index
    %swap3A_140 = tpu.vector_load %arg11[%swap3A_138, %swap3A_139] {strides = array<i32>} : memref<2x256xi32, #tpu.memory_space<vmem>>, vector<16xi32>,
    tpu.vector_store %arg11[%swap3A_138, %swap3A_139], %add3A_130 {strides = array<i32>} : memref<2x256xi32, #tpu.memory_space<vmem>>, vector<16xi32>,
    %get3A_141 = arith.constant 64 : index
    %get3A_142 = tpu.vector_load %arg6[%get3A_141] {strides = array<i32>} : memref<256xi32, #tpu.memory_space<vmem>>, vector<16xi32>,
    %get3A_143 = arith.constant 64 : index
    %get3A_144 = tpu.vector_load %arg8[%get3A_143] {strides = array<i32>} : memref<256xi32, #tpu.memory_space<vmem>>, vector<16xi32>,
    %max3A_145 = arith.maxsi %get3A_142, %get3A_144 : vector<16xi32>
    %max3A_146 = arith.maxsi %max3A_114, %max3A_145 : vector<16xi32>
    %jit3A_147 = arith.constant 0 : i32
    %jit3A_148 = arith.constant 6 : i32
    %max3A_149 = vector.broadcast %jit3A_147 : i32 to vector<16xi32>
    %max3A_150 = arith.maxsi %max3A_149, %get3A_142 : vector<16xi32>
    %min3A_151 = vector.broadcast %jit3A_148 : i32 to vector<16xi32>
    %min3A_152 = arith.minsi %min3A_151, %max3A_150 : vector<16xi32>
    %jit3A_153 = arith.constant 0 : i32
    %jit3A_154 = arith.constant 287 : i32
    %max3A_155 = vector.broadcast %jit3A_153 : i32 to vector<16xi32>
    %max3A_156 = arith.maxsi %max3A_155, %get3A_144 : vector<16xi32>
    %min3A_157 = vector.broadcast %jit3A_154 : i32 to vector<16xi32>
    %min3A_158 = arith.minsi %min3A_157, %max3A_156 : vector<16xi32>
    %mul3A_159 = arith.constant 7 : i32
    %mul3A_160 = vector.broadcast %mul3A_159 : i32 to vector<16xi32>
    %mul3A_161 = arith.muli %min3A_158, %mul3A_160 : vector<16xi32>
    %add3A_162 = arith.addi %mul3A_161, %min3A_152 : vector<16xi32>
    %swap3A_163 = arith.constant 0 : i32
    %swap3A_164 = arith.constant 0 : i32
    %swap3A_165 = arith.index_cast %swap3A_163 : i32 to index
    %swap3A_166 = arith.index_cast %swap3A_164 : i32 to index
    %swap3A_167 = arith.constant 64 : index
    %swap3A_168 = tpu.vector_load %arg10[%swap3A_165, %swap3A_166, %swap3A_167] {strides = array<i32>} : memref<2x2x128xi32, #tpu.memory_space<vmem>>, vector<16xi32>,
    tpu.vector_store %arg10[%swap3A_165, %swap3A_166, %swap3A_167], %add3A_162 {strides = array<i32>} : memref<2x2x128xi32, #tpu.memory_space<vmem>>, vector<16xi32>,
    %swap3A_169 = arith.constant 0 : i32
    %swap3A_170 = arith.index_cast %swap3A_169 : i32 to index
    %swap3A_171 = arith.constant 64 : index
    %swap3A_172 = tpu.vector_load %arg11[%swap3A_170, %swap3A_171] {strides = array<i32>} : memref<2x256xi32, #tpu.memory_space<vmem>>, vector<16xi32>,
    tpu.vector_store %arg11[%swap3A_170, %swap3A_171], %add3A_162 {strides = array<i32>} : memref<2x256xi32, #tpu.memory_space<vmem>>, vector<16xi32>,
    %get3A_173 = arith.constant 80 : index
    %get3A_174 = tpu.vector_load %arg6[%get3A_173] {strides = array<i32>} : memref<256xi32, #tpu.memory_space<vmem>>, vector<16xi32>,
    %get3A_175 = arith.constant 80 : index
    %get3A_176 = tpu.vector_load %arg8[%get3A_175] {strides = array<i32>} : memref<256xi32, #tpu.memory_space<vmem>>, vector<16xi32>,
    %max3A_177 = arith.maxsi %get3A_174, %get3A_176 : vector<16xi32>
    %max3A_178 = arith.maxsi %max3A_146, %max3A_177 : vector<16xi32>
    %jit3A_179 = arith.constant 0 : i32
    %jit3A_180 = arith.constant 6 : i32
    %max3A_181 = vector.broadcast %jit3A_179 : i32 to vector<16xi32>
    %max3A_182 = arith.maxsi %max3A_181, %get3A_174 : vector<16xi32>
    %min3A_183 = vector.broadcast %jit3A_180 : i32 to vector<16xi32>
    %min3A_184 = arith.minsi %min3A_183, %max3A_182 : vector<16xi32>
    %jit3A_185 = arith.constant 0 : i32
    %jit3A_186 = arith.constant 287 : i32
    %max3A_187 = vector.broadcast %jit3A_185 : i32 to vector<16xi32>
    %max3A_188 = arith.maxsi %max3A_187, %get3A_176 : vector<16xi32>
    %min3A_189 = vector.broadcast %jit3A_186 : i32 to vector<16xi32>
    %min3A_190 = arith.minsi %min3A_189, %max3A_188 : vector<16xi32>
    %mul3A_191 = arith.constant 7 : i32
    %mul3A_192 = vector.broadcast %mul3A_191 : i32 to vector<16xi32>
    %mul3A_193 = arith.muli %min3A_190, %mul3A_192 : vector<16xi32>
    %add3A_194 = arith.addi %mul3A_193, %min3A_184 : vector<16xi32>
    %swap3A_195 = arith.constant 0 : i32
    %swap3A_196 = arith.constant 0 : i32
    %swap3A_197 = arith.index_cast %swap3A_195 : i32 to index
    %swap3A_198 = arith.index_cast %swap3A_196 : i32 to index
    %swap3A_199 = arith.constant 80 : index
    %swap3A_200 = tpu.vector_load %arg10[%swap3A_197, %swap3A_198, %swap3A_199] {strides = array<i32>} : memref<2x2x128xi32, #tpu.memory_space<vmem>>, vector<16xi32>,
    tpu.vector_store %arg10[%swap3A_197, %swap3A_198, %swap3A_199], %add3A_194 {strides = array<i32>} : memref<2x2x128xi32, #tpu.memory_space<vmem>>, vector<16xi32>,
    %swap3A_201 = arith.constant 0 : i32
    %swap3A_202 = arith.index_cast %swap3A_201 : i32 to index
    %swap3A_203 = arith.constant 80 : index
    %swap3A_204 = tpu.vector_load %arg11[%swap3A_202, %swap3A_203] {strides = array<i32>} : memref<2x256xi32, #tpu.memory_space<vmem>>, vector<16xi32>,
    tpu.vector_store %arg11[%swap3A_202, %swap3A_203], %add3A_194 {strides = array<i32>} : memref<2x256xi32, #tpu.memory_space<vmem>>, vector<16xi32>,
    %get3A_205 = arith.constant 96 : index
    %get3A_206 = tpu.vector_load %arg6[%get3A_205] {strides = array<i32>} : memref<256xi32, #tpu.memory_space<vmem>>, vector<16xi32>,
    %get3A_207 = arith.constant 96 : index
    %get3A_208 = tpu.vector_load %arg8[%get3A_207] {strides = array<i32>} : memref<256xi32, #tpu.memory_space<vmem>>, vector<16xi32>,
    %max3A_209 = arith.maxsi %get3A_206, %get3A_208 : vector<16xi32>
    %max3A_210 = arith.maxsi %max3A_178, %max3A_209 : vector<16xi32>
    %jit3A_211 = arith.constant 0 : i32
    %jit3A_212 = arith.constant 6 : i32
    %max3A_213 = vector.broadcast %jit3A_211 : i32 to vector<16xi32>
    %max3A_214 = arith.maxsi %max3A_213, %get3A_206 : vector<16xi32>
    %min3A_215 = vector.broadcast %jit3A_212 : i32 to vector<16xi32>
    %min3A_216 = arith.minsi %min3A_215, %max3A_214 : vector<16xi32>
    %jit3A_217 = arith.constant 0 : i32
    %jit3A_218 = arith.constant 287 : i32
    %max3A_219 = vector.broadcast %jit3A_217 : i32 to vector<16xi32>
    %max3A_220 = arith.maxsi %max3A_219, %get3A_208 : vector<16xi32>
    %min3A_221 = vector.broadcast %jit3A_218 : i32 to vector<16xi32>
    %min3A_222 = arith.minsi %min3A_221, %max3A_220 : vector<16xi32>
    %mul3A_223 = arith.constant 7 : i32
    %mul3A_224 = vector.broadcast %mul3A_223 : i32 to vector<16xi32>
    %mul3A_225 = arith.muli %min3A_222, %mul3A_224 : vector<16xi32>
    %add3A_226 = arith.addi %mul3A_225, %min3A_216 : vector<16xi32>
    %swap3A_227 = arith.constant 0 : i32
    %swap3A_228 = arith.constant 0 : i32
    %swap3A_229 = arith.index_cast %swap3A_227 : i32 to index
    %swap3A_230 = arith.index_cast %swap3A_228 : i32 to index
    %swap3A_231 = arith.constant 96 : index
    %swap3A_232 = tpu.vector_load %arg10[%swap3A_229, %swap3A_230, %swap3A_231] {strides = array<i32>} : memref<2x2x128xi32, #tpu.memory_space<vmem>>, vector<16xi32>,
    tpu.vector_store %arg10[%swap3A_229, %swap3A_230, %swap3A_231], %add3A_226 {strides = array<i32>} : memref<2x2x128xi32, #tpu.memory_space<vmem>>, vector<16xi32>,
    %swap3A_233 = arith.constant 0 : i32
    %swap3A_234 = arith.index_cast %swap3A_233 : i32 to index
    %swap3A_235 = arith.constant 96 : index
    %swap3A_236 = tpu.vector_load %arg11[%swap3A_234, %swap3A_235] {strides = array<i32>} : memref<2x256xi32, #tpu.memory_space<vmem>>, vector<16xi32>,
    tpu.vector_store %arg11[%swap3A_234, %swap3A_235], %add3A_226 {strides = array<i32>} : memref<2x256xi32, #tpu.memory_space<vmem>>, vector<16xi32>,
    %get3A_237 = arith.constant 112 : index
    %get3A_238 = tpu.vector_load %arg6[%get3A_237] {strides = array<i32>} : memref<256xi32, #tpu.memory_space<vmem>>, vector<16xi32>,
    %get3A_239 = arith.constant 112 : index
    %get3A_240 = tpu.vector_load %arg8[%get3A_239] {strides = array<i32>} : memref<256xi32, #tpu.memory_space<vmem>>, vector<16xi32>,
    %max3A_241 = arith.maxsi %get3A_238, %get3A_240 : vector<16xi32>
    %max3A_242 = arith.maxsi %max3A_210, %max3A_241 : vector<16xi32>
    %jit3A_243 = arith.constant 0 : i32
    %jit3A_244 = arith.constant 6 : i32
    %max3A_245 = vector.broadcast %jit3A_243 : i32 to vector<16xi32>
    %max3A_246 = arith.maxsi %max3A_245, %get3A_238 : vector<16xi32>
    %min3A_247 = vector.broadcast %jit3A_244 : i32 to vector<16xi32>
    %min3A_248 = arith.minsi %min3A_247, %max3A_246 : vector<16xi32>
    %jit3A_249 = arith.constant 0 : i32
    %jit3A_250 = arith.constant 287 : i32
    %max3A_251 = vector.broadcast %jit3A_249 : i32 to vector<16xi32>
    %max3A_252 = arith.maxsi %max3A_251, %get3A_240 : vector<16xi32>
    %min3A_253 = vector.broadcast %jit3A_250 : i32 to vector<16xi32>
    %min3A_254 = arith.minsi %min3A_253, %max3A_252 : vector<16xi32>
    %mul3A_255 = arith.constant 7 : i32
    %mul3A_256 = vector.broadcast %mul3A_255 : i32 to vector<16xi32>
    %mul3A_257 = arith.muli %min3A_254, %mul3A_256 : vector<16xi32>
    %add3A_258 = arith.addi %mul3A_257, %min3A_248 : vector<16xi32>
    %swap3A_259 = arith.constant 0 : i32
    %swap3A_260 = arith.constant 0 : i32
    %swap3A_261 = arith.index_cast %swap3A_259 : i32 to index
    %swap3A_262 = arith.index_cast %swap3A_260 : i32 to index
    %swap3A_263 = arith.constant 112 : index
    %swap3A_264 = tpu.vector_load %arg10[%swap3A_261, %swap3A_262, %swap3A_263] {strides = array<i32>} : memref<2x2x128xi32, #tpu.memory_space<vmem>>, vector<16xi32>,
    tpu.vector_store %arg10[%swap3A_261, %swap3A_262, %swap3A_263], %add3A_258 {strides = array<i32>} : memref<2x2x128xi32, #tpu.memory_space<vmem>>, vector<16xi32>,
    %swap3A_265 = arith.constant 0 : i32
    %swap3A_266 = arith.index_cast %swap3A_265 : i32 to index
    %swap3A_267 = arith.constant 112 : index
    %swap3A_268 = tpu.vector_load %arg11[%swap3A_266, %swap3A_267] {strides = array<i32>} : memref<2x256xi32, #tpu.memory_space<vmem>>, vector<16xi32>,
    tpu.vector_store %arg11[%swap3A_266, %swap3A_267], %add3A_258 {strides = array<i32>} : memref<2x256xi32, #tpu.memory_space<vmem>>, vector<16xi32>,
    %get3A_269 = arith.constant 128 : index
    %get3A_270 = tpu.vector_load %arg6[%get3A_269] {strides = array<i32>} : memref<256xi32, #tpu.memory_space<vmem>>, vector<16xi32>,
    %get3A_271 = arith.constant 128 : index
    %get3A_272 = tpu.vector_load %arg8[%get3A_271] {strides = array<i32>} : memref<256xi32, #tpu.memory_space<vmem>>, vector<16xi32>,
    %max3A_273 = arith.maxsi %get3A_270, %get3A_272 : vector<16xi32>
    %max3A_274 = arith.maxsi %max3A_242, %max3A_273 : vector<16xi32>
    %jit3A_275 = arith.constant 0 : i32
    %jit3A_276 = arith.constant 6 : i32
    %max3A_277 = vector.broadcast %jit3A_275 : i32 to vector<16xi32>
    %max3A_278 = arith.maxsi %max3A_277, %get3A_270 : vector<16xi32>
    %min3A_279 = vector.broadcast %jit3A_276 : i32 to vector<16xi32>
    %min3A_280 = arith.minsi %min3A_279, %max3A_278 : vector<16xi32>
    %jit3A_281 = arith.constant 0 : i32
    %jit3A_282 = arith.constant 287 : i32
    %max3A_283 = vector.broadcast %jit3A_281 : i32 to vector<16xi32>
    %max3A_284 = arith.maxsi %max3A_283, %get3A_272 : vector<16xi32>
    %min3A_285 = vector.broadcast %jit3A_282 : i32 to vector<16xi32>
    %min3A_286 = arith.minsi %min3A_285, %max3A_284 : vector<16xi32>
    %mul3A_287 = arith.constant 7 : i32
    %mul3A_288 = vector.broadcast %mul3A_287 : i32 to vector<16xi32>
    %mul3A_289 = arith.muli %min3A_286, %mul3A_288 : vector<16xi32>
    %add3A_290 = arith.addi %mul3A_289, %min3A_280 : vector<16xi32>
    %swap3A_291 = arith.constant 0 : i32
    %swap3A_292 = arith.constant 1 : i32
    %swap3A_293 = arith.index_cast %swap3A_291 : i32 to index
    %swap3A_294 = arith.index_cast %swap3A_292 : i32 to index
    %swap3A_295 = arith.constant 0 : index
    %swap3A_296 = tpu.vector_load %arg10[%swap3A_293, %swap3A_294, %swap3A_295] {strides = array<i32>} : memref<2x2x128xi32, #tpu.memory_space<vmem>>, vector<16xi32>,
    tpu.vector_store %arg10[%swap3A_293, %swap3A_294, %swap3A_295], %add3A_290 {strides = array<i32>} : memref<2x2x128xi32, #tpu.memory_space<vmem>>, vector<16xi32>,
    %swap3A_297 = arith.constant 0 : i32
    %swap3A_298 = arith.index_cast %swap3A_297 : i32 to index
    %swap3A_299 = arith.constant 128 : index
    %swap3A_300 = tpu.vector_load %arg11[%swap3A_298, %swap3A_299] {strides = array<i32>} : memref<2x256xi32, #tpu.memory_space<vmem>>, vector<16xi32>,
    tpu.vector_store %arg11[%swap3A_298, %swap3A_299], %add3A_290 {strides = array<i32>} : memref<2x256xi32, #tpu.memory_space<vmem>>, vector<16xi32>,
    %get3A_301 = arith.constant 144 : index
    %get3A_302 = tpu.vector_load %arg6[%get3A_301] {strides = array<i32>} : memref<256xi32, #tpu.memory_space<vmem>>, vector<16xi32>,
    %get3A_303 = arith.constant 144 : index
    %get3A_304 = tpu.vector_load %arg8[%get3A_303] {strides = array<i32>} : memref<256xi32, #tpu.memory_space<vmem>>, vector<16xi32>,
    %max3A_305 = arith.maxsi %get3A_302, %get3A_304 : vector<16xi32>
    %max3A_306 = arith.maxsi %max3A_274, %max3A_305 : vector<16xi32>
    %jit3A_307 = arith.constant 0 : i32
    %jit3A_308 = arith.constant 6 : i32
    %max3A_309 = vector.broadcast %jit3A_307 : i32 to vector<16xi32>
    %max3A_310 = arith.maxsi %max3A_309, %get3A_302 : vector<16xi32>
    %min3A_311 = vector.broadcast %jit3A_308 : i32 to vector<16xi32>
    %min3A_312 = arith.minsi %min3A_311, %max3A_310 : vector<16xi32>
    %jit3A_313 = arith.constant 0 : i32
    %jit3A_314 = arith.constant 287 : i32
    %max3A_315 = vector.broadcast %jit3A_313 : i32 to vector<16xi32>
    %max3A_316 = arith.maxsi %max3A_315, %get3A_304 : vector<16xi32>
    %min3A_317 = vector.broadcast %jit3A_314 : i32 to vector<16xi32>
    %min3A_318 = arith.minsi %min3A_317, %max3A_316 : vector<16xi32>
    %mul3A_319 = arith.constant 7 : i32
    %mul3A_320 = vector.broadcast %mul3A_319 : i32 to vector<16xi32>
    %mul3A_321 = arith.muli %min3A_318, %mul3A_320 : vector<16xi32>
    %add3A_322 = arith.addi %mul3A_321, %min3A_312 : vector<16xi32>
    %swap3A_323 = arith.constant 0 : i32
    %swap3A_324 = arith.constant 1 : i32
    %swap3A_325 = arith.index_cast %swap3A_323 : i32 to index
    %swap3A_326 = arith.index_cast %swap3A_324 : i32 to index
    %swap3A_327 = arith.constant 16 : index
    %swap3A_328 = tpu.vector_load %arg10[%swap3A_325, %swap3A_326, %swap3A_327] {strides = array<i32>} : memref<2x2x128xi32, #tpu.memory_space<vmem>>, vector<16xi32>,
    tpu.vector_store %arg10[%swap3A_325, %swap3A_326, %swap3A_327], %add3A_322 {strides = array<i32>} : memref<2x2x128xi32, #tpu.memory_space<vmem>>, vector<16xi32>,
    %swap3A_329 = arith.constant 0 : i32
    %swap3A_330 = arith.index_cast %swap3A_329 : i32 to index
    %swap3A_331 = arith.constant 144 : index
    %swap3A_332 = tpu.vector_load %arg11[%swap3A_330, %swap3A_331] {strides = array<i32>} : memref<2x256xi32, #tpu.memory_space<vmem>>, vector<16xi32>,
    tpu.vector_store %arg11[%swap3A_330, %swap3A_331], %add3A_322 {strides = array<i32>} : memref<2x256xi32, #tpu.memory_space<vmem>>, vector<16xi32>,
    %get3A_333 = arith.constant 160 : index
    %get3A_334 = tpu.vector_load %arg6[%get3A_333] {strides = array<i32>} : memref<256xi32, #tpu.memory_space<vmem>>, vector<16xi32>,
    %get3A_335 = arith.constant 160 : index
    %get3A_336 = tpu.vector_load %arg8[%get3A_335] {strides = array<i32>} : memref<256xi32, #tpu.memory_space<vmem>>, vector<16xi32>,
    %max3A_337 = arith.maxsi %get3A_334, %get3A_336 : vector<16xi32>
    %max3A_338 = arith.maxsi %max3A_306, %max3A_337 : vector<16xi32>
    %jit3A_339 = arith.constant 0 : i32
    %jit3A_340 = arith.constant 6 : i32
    %max3A_341 = vector.broadcast %jit3A_339 : i32 to vector<16xi32>
    %max3A_342 = arith.maxsi %max3A_341, %get3A_334 : vector<16xi32>
    %min3A_343 = vector.broadcast %jit3A_340 : i32 to vector<16xi32>
    %min3A_344 = arith.minsi %min3A_343, %max3A_342 : vector<16xi32>
    %jit3A_345 = arith.constant 0 : i32
    %jit3A_346 = arith.constant 287 : i32
    %max3A_347 = vector.broadcast %jit3A_345 : i32 to vector<16xi32>
    %max3A_348 = arith.maxsi %max3A_347, %get3A_336 : vector<16xi32>
    %min3A_349 = vector.broadcast %jit3A_346 : i32 to vector<16xi32>
    %min3A_350 = arith.minsi %min3A_349, %max3A_348 : vector<16xi32>
    %mul3A_351 = arith.constant 7 : i32
    %mul3A_352 = vector.broadcast %mul3A_351 : i32 to vector<16xi32>
    %mul3A_353 = arith.muli %min3A_350, %mul3A_352 : vector<16xi32>
    %add3A_354 = arith.addi %mul3A_353, %min3A_344 : vector<16xi32>
    %swap3A_355 = arith.constant 0 : i32
    %swap3A_356 = arith.constant 1 : i32
    %swap3A_357 = arith.index_cast %swap3A_355 : i32 to index
    %swap3A_358 = arith.index_cast %swap3A_356 : i32 to index
    %swap3A_359 = arith.constant 32 : index
    %swap3A_360 = tpu.vector_load %arg10[%swap3A_357, %swap3A_358, %swap3A_359] {strides = array<i32>} : memref<2x2x128xi32, #tpu.memory_space<vmem>>, vector<16xi32>,
    tpu.vector_store %arg10[%swap3A_357, %swap3A_358, %swap3A_359], %add3A_354 {strides = array<i32>} : memref<2x2x128xi32, #tpu.memory_space<vmem>>, vector<16xi32>,
    %swap3A_361 = arith.constant 0 : i32
    %swap3A_362 = arith.index_cast %swap3A_361 : i32 to index
    %swap3A_363 = arith.constant 160 : index
    %swap3A_364 = tpu.vector_load %arg11[%swap3A_362, %swap3A_363] {strides = array<i32>} : memref<2x256xi32, #tpu.memory_space<vmem>>, vector<16xi32>,
    tpu.vector_store %arg11[%swap3A_362, %swap3A_363], %add3A_354 {strides = array<i32>} : memref<2x256xi32, #tpu.memory_space<vmem>>, vector<16xi32>,
    %get3A_365 = arith.constant 176 : index
    %get3A_366 = tpu.vector_load %arg6[%get3A_365] {strides = array<i32>} : memref<256xi32, #tpu.memory_space<vmem>>, vector<16xi32>,
    %get3A_367 = arith.constant 176 : index
    %get3A_368 = tpu.vector_load %arg8[%get3A_367] {strides = array<i32>} : memref<256xi32, #tpu.memory_space<vmem>>, vector<16xi32>,
    %max3A_369 = arith.maxsi %get3A_366, %get3A_368 : vector<16xi32>
    %max3A_370 = arith.maxsi %max3A_338, %max3A_369 : vector<16xi32>
    %jit3A_371 = arith.constant 0 : i32
    %jit3A_372 = arith.constant 6 : i32
    %max3A_373 = vector.broadcast %jit3A_371 : i32 to vector<16xi32>
    %max3A_374 = arith.maxsi %max3A_373, %get3A_366 : vector<16xi32>
    %min3A_375 = vector.broadcast %jit3A_372 : i32 to vector<16xi32>
    %min3A_376 = arith.minsi %min3A_375, %max3A_374 : vector<16xi32>
    %jit3A_377 = arith.constant 0 : i32
    %jit3A_378 = arith.constant 287 : i32
    %max3A_379 = vector.broadcast %jit3A_377 : i32 to vector<16xi32>
    %max3A_380 = arith.maxsi %max3A_379, %get3A_368 : vector<16xi32>
    %min3A_381 = vector.broadcast %jit3A_378 : i32 to vector<16xi32>
    %min3A_382 = arith.minsi %min3A_381, %max3A_380 : vector<16xi32>
    %mul3A_383 = arith.constant 7 : i32
    %mul3A_384 = vector.broadcast %mul3A_383 : i32 to vector<16xi32>
    %mul3A_385 = arith.muli %min3A_382, %mul3A_384 : vector<16xi32>
    %add3A_386 = arith.addi %mul3A_385, %min3A_376 : vector<16xi32>
    %swap3A_387 = arith.constant 0 : i32
    %swap3A_388 = arith.constant 1 : i32
    %swap3A_389 = arith.index_cast %swap3A_387 : i32 to index
    %swap3A_390 = arith.index_cast %swap3A_388 : i32 to index
    %swap3A_391 = arith.constant 48 : index
    %swap3A_392 = tpu.vector_load %arg10[%swap3A_389, %swap3A_390, %swap3A_391] {strides = array<i32>} : memref<2x2x128xi32, #tpu.memory_space<vmem>>, vector<16xi32>,
    tpu.vector_store %arg10[%swap3A_389, %swap3A_390, %swap3A_391], %add3A_386 {strides = array<i32>} : memref<2x2x128xi32, #tpu.memory_space<vmem>>, vector<16xi32>,
    %swap3A_393 = arith.constant 0 : i32
    %swap3A_394 = arith.index_cast %swap3A_393 : i32 to index
    %swap3A_395 = arith.constant 176 : index
    %swap3A_396 = tpu.vector_load %arg11[%swap3A_394, %swap3A_395] {strides = array<i32>} : memref<2x256xi32, #tpu.memory_space<vmem>>, vector<16xi32>,
    tpu.vector_store %arg11[%swap3A_394, %swap3A_395], %add3A_386 {strides = array<i32>} : memref<2x256xi32, #tpu.memory_space<vmem>>, vector<16xi32>,
    %get3A_397 = arith.constant 192 : index
    %get3A_398 = tpu.vector_load %arg6[%get3A_397] {strides = array<i32>} : memref<256xi32, #tpu.memory_space<vmem>>, vector<16xi32>,
    %get3A_399 = arith.constant 192 : index
    %get3A_400 = tpu.vector_load %arg8[%get3A_399] {strides = array<i32>} : memref<256xi32, #tpu.memory_space<vmem>>, vector<16xi32>,
    %max3A_401 = arith.maxsi %get3A_398, %get3A_400 : vector<16xi32>
    %max3A_402 = arith.maxsi %max3A_370, %max3A_401 : vector<16xi32>
    %jit3A_403 = arith.constant 0 : i32
    %jit3A_404 = arith.constant 6 : i32
    %max3A_405 = vector.broadcast %jit3A_403 : i32 to vector<16xi32>
    %max3A_406 = arith.maxsi %max3A_405, %get3A_398 : vector<16xi32>
    %min3A_407 = vector.broadcast %jit3A_404 : i32 to vector<16xi32>
    %min3A_408 = arith.minsi %min3A_407, %max3A_406 : vector<16xi32>
    %jit3A_409 = arith.constant 0 : i32
    %jit3A_410 = arith.constant 287 : i32
    %max3A_411 = vector.broadcast %jit3A_409 : i32 to vector<16xi32>
    %max3A_412 = arith.maxsi %max3A_411, %get3A_400 : vector<16xi32>
    %min3A_413 = vector.broadcast %jit3A_410 : i32 to vector<16xi32>
    %min3A_414 = arith.minsi %min3A_413, %max3A_412 : vector<16xi32>
    %mul3A_415 = arith.constant 7 : i32
    %mul3A_416 = vector.broadcast %mul3A_415 : i32 to vector<16xi32>
    %mul3A_417 = arith.muli %min3A_414, %mul3A_416 : vector<16xi32>
    %add3A_418 = arith.addi %mul3A_417, %min3A_408 : vector<16xi32>
    %swap3A_419 = arith.constant 0 : i32
    %swap3A_420 = arith.constant 1 : i32
    %swap3A_421 = arith.index_cast %swap3A_419 : i32 to index
    %swap3A_422 = arith.index_cast %swap3A_420 : i32 to index
    %swap3A_423 = arith.constant 64 : index
    %swap3A_424 = tpu.vector_load %arg10[%swap3A_421, %swap3A_422, %swap3A_423] {strides = array<i32>} : memref<2x2x128xi32, #tpu.memory_space<vmem>>, vector<16xi32>,
    tpu.vector_store %arg10[%swap3A_421, %swap3A_422, %swap3A_423], %add3A_418 {strides = array<i32>} : memref<2x2x128xi32, #tpu.memory_space<vmem>>, vector<16xi32>,
    %swap3A_425 = arith.constant 0 : i32
    %swap3A_426 = arith.index_cast %swap3A_425 : i32 to index
    %swap3A_427 = arith.constant 192 : index
    %swap3A_428 = tpu.vector_load %arg11[%swap3A_426, %swap3A_427] {strides = array<i32>} : memref<2x256xi32, #tpu.memory_space<vmem>>, vector<16xi32>,
    tpu.vector_store %arg11[%swap3A_426, %swap3A_427], %add3A_418 {strides = array<i32>} : memref<2x256xi32, #tpu.memory_space<vmem>>, vector<16xi32>,
    %get3A_429 = arith.constant 208 : index
    %get3A_430 = tpu.vector_load %arg6[%get3A_429] {strides = array<i32>} : memref<256xi32, #tpu.memory_space<vmem>>, vector<16xi32>,
    %get3A_431 = arith.constant 208 : index
    %get3A_432 = tpu.vector_load %arg8[%get3A_431] {strides = array<i32>} : memref<256xi32, #tpu.memory_space<vmem>>, vector<16xi32>,
    %max3A_433 = arith.maxsi %get3A_430, %get3A_432 : vector<16xi32>
    %max3A_434 = arith.maxsi %max3A_402, %max3A_433 : vector<16xi32>
    %jit3A_435 = arith.constant 0 : i32
    %jit3A_436 = arith.constant 6 : i32
    %max3A_437 = vector.broadcast %jit3A_435 : i32 to vector<16xi32>
    %max3A_438 = arith.maxsi %max3A_437, %get3A_430 : vector<16xi32>
    %min3A_439 = vector.broadcast %jit3A_436 : i32 to vector<16xi32>
    %min3A_440 = arith.minsi %min3A_439, %max3A_438 : vector<16xi32>
    %jit3A_441 = arith.constant 0 : i32
    %jit3A_442 = arith.constant 287 : i32
    %max3A_443 = vector.broadcast %jit3A_441 : i32 to vector<16xi32>
    %max3A_444 = arith.maxsi %max3A_443, %get3A_432 : vector<16xi32>
    %min3A_445 = vector.broadcast %jit3A_442 : i32 to vector<16xi32>
    %min3A_446 = arith.minsi %min3A_445, %max3A_444 : vector<16xi32>
    %mul3A_447 = arith.constant 7 : i32
    %mul3A_448 = vector.broadcast %mul3A_447 : i32 to vector<16xi32>
    %mul3A_449 = arith.muli %min3A_446, %mul3A_448 : vector<16xi32>
    %add3A_450 = arith.addi %mul3A_449, %min3A_440 : vector<16xi32>
    %swap3A_451 = arith.constant 0 : i32
    %swap3A_452 = arith.constant 1 : i32
    %swap3A_453 = arith.index_cast %swap3A_451 : i32 to index
    %swap3A_454 = arith.index_cast %swap3A_452 : i32 to index
    %swap3A_455 = arith.constant 80 : index
    %swap3A_456 = tpu.vector_load %arg10[%swap3A_453, %swap3A_454, %swap3A_455] {strides = array<i32>} : memref<2x2x128xi32, #tpu.memory_space<vmem>>, vector<16xi32>,
    tpu.vector_store %arg10[%swap3A_453, %swap3A_454, %swap3A_455], %add3A_450 {strides = array<i32>} : memref<2x2x128xi32, #tpu.memory_space<vmem>>, vector<16xi32>,
    %swap3A_457 = arith.constant 0 : i32
    %swap3A_458 = arith.index_cast %swap3A_457 : i32 to index
    %swap3A_459 = arith.constant 208 : index
    %swap3A_460 = tpu.vector_load %arg11[%swap3A_458, %swap3A_459] {strides = array<i32>} : memref<2x256xi32, #tpu.memory_space<vmem>>, vector<16xi32>,
    tpu.vector_store %arg11[%swap3A_458, %swap3A_459], %add3A_450 {strides = array<i32>} : memref<2x256xi32, #tpu.memory_space<vmem>>, vector<16xi32>,
    %get3A_461 = arith.constant 224 : index
    %get3A_462 = tpu.vector_load %arg6[%get3A_461] {strides = array<i32>} : memref<256xi32, #tpu.memory_space<vmem>>, vector<16xi32>,
    %get3A_463 = arith.constant 224 : index
    %get3A_464 = tpu.vector_load %arg8[%get3A_463] {strides = array<i32>} : memref<256xi32, #tpu.memory_space<vmem>>, vector<16xi32>,
    %max3A_465 = arith.maxsi %get3A_462, %get3A_464 : vector<16xi32>
    %max3A_466 = arith.maxsi %max3A_434, %max3A_465 : vector<16xi32>
    %jit3A_467 = arith.constant 0 : i32
    %jit3A_468 = arith.constant 6 : i32
    %max3A_469 = vector.broadcast %jit3A_467 : i32 to vector<16xi32>
    %max3A_470 = arith.maxsi %max3A_469, %get3A_462 : vector<16xi32>
    %min3A_471 = vector.broadcast %jit3A_468 : i32 to vector<16xi32>
    %min3A_472 = arith.minsi %min3A_471, %max3A_470 : vector<16xi32>
    %jit3A_473 = arith.constant 0 : i32
    %jit3A_474 = arith.constant 287 : i32
    %max3A_475 = vector.broadcast %jit3A_473 : i32 to vector<16xi32>
    %max3A_476 = arith.maxsi %max3A_475, %get3A_464 : vector<16xi32>
    %min3A_477 = vector.broadcast %jit3A_474 : i32 to vector<16xi32>
    %min3A_478 = arith.minsi %min3A_477, %max3A_476 : vector<16xi32>
    %mul3A_479 = arith.constant 7 : i32
    %mul3A_480 = vector.broadcast %mul3A_479 : i32 to vector<16xi32>
    %mul3A_481 = arith.muli %min3A_478, %mul3A_480 : vector<16xi32>
    %add3A_482 = arith.addi %mul3A_481, %min3A_472 : vector<16xi32>
    %swap3A_483 = arith.constant 0 : i32
    %swap3A_484 = arith.constant 1 : i32
    %swap3A_485 = arith.index_cast %swap3A_483 : i32 to index
    %swap3A_486 = arith.index_cast %swap3A_484 : i32 to index
    %swap3A_487 = arith.constant 96 : index
    %swap3A_488 = tpu.vector_load %arg10[%swap3A_485, %swap3A_486, %swap3A_487] {strides = array<i32>} : memref<2x2x128xi32, #tpu.memory_space<vmem>>, vector<16xi32>,
    tpu.vector_store %arg10[%swap3A_485, %swap3A_486, %swap3A_487], %add3A_482 {strides = array<i32>} : memref<2x2x128xi32, #tpu.memory_space<vmem>>, vector<16xi32>,
    %swap3A_489 = arith.constant 0 : i32
    %swap3A_490 = arith.index_cast %swap3A_489 : i32 to index
    %swap3A_491 = arith.constant 224 : index
    %swap3A_492 = tpu.vector_load %arg11[%swap3A_490, %swap3A_491] {strides = array<i32>} : memref<2x256xi32, #tpu.memory_space<vmem>>, vector<16xi32>,
    tpu.vector_store %arg11[%swap3A_490, %swap3A_491], %add3A_482 {strides = array<i32>} : memref<2x256xi32, #tpu.memory_space<vmem>>, vector<16xi32>,
    %get3A_493 = arith.constant 240 : index
    %get3A_494 = tpu.vector_load %arg6[%get3A_493] {strides = array<i32>} : memref<256xi32, #tpu.memory_space<vmem>>, vector<16xi32>,
    %get3A_495 = arith.constant 240 : index
    %get3A_496 = tpu.vector_load %arg8[%get3A_495] {strides = array<i32>} : memref<256xi32, #tpu.memory_space<vmem>>, vector<16xi32>,
    %max3A_497 = arith.maxsi %get3A_494, %get3A_496 : vector<16xi32>
    %max3A_498 = arith.maxsi %max3A_466, %max3A_497 : vector<16xi32>
    %jit3A_499 = arith.constant 0 : i32
    %jit3A_500 = arith.constant 6 : i32
    %max3A_501 = vector.broadcast %jit3A_499 : i32 to vector<16xi32>
    %max3A_502 = arith.maxsi %max3A_501, %get3A_494 : vector<16xi32>
    %min3A_503 = vector.broadcast %jit3A_500 : i32 to vector<16xi32>
    %min3A_504 = arith.minsi %min3A_503, %max3A_502 : vector<16xi32>
    %jit3A_505 = arith.constant 0 : i32
    %jit3A_506 = arith.constant 287 : i32
    %max3A_507 = vector.broadcast %jit3A_505 : i32 to vector<16xi32>
    %max3A_508 = arith.maxsi %max3A_507, %get3A_496 : vector<16xi32>
    %min3A_509 = vector.broadcast %jit3A_506 : i32 to vector<16xi32>
    %min3A_510 = arith.minsi %min3A_509, %max3A_508 : vector<16xi32>
    %mul3A_511 = arith.constant 7 : i32
    %mul3A_512 = vector.broadcast %mul3A_511 : i32 to vector<16xi32>
    %mul3A_513 = arith.muli %min3A_510, %mul3A_512 : vector<16xi32>
    %add3A_514 = arith.addi %mul3A_513, %min3A_504 : vector<16xi32>
    %swap3A_515 = arith.constant 0 : i32
    %swap3A_516 = arith.constant 1 : i32
    %swap3A_517 = arith.index_cast %swap3A_515 : i32 to index
    %swap3A_518 = arith.index_cast %swap3A_516 : i32 to index
    %swap3A_519 = arith.constant 112 : index
    %swap3A_520 = tpu.vector_load %arg10[%swap3A_517, %swap3A_518, %swap3A_519] {strides = array<i32>} : memref<2x2x128xi32, #tpu.memory_space<vmem>>, vector<16xi32>,
    tpu.vector_store %arg10[%swap3A_517, %swap3A_518, %swap3A_519], %add3A_514 {strides = array<i32>} : memref<2x2x128xi32, #tpu.memory_space<vmem>>, vector<16xi32>,
    %swap3A_521 = arith.constant 0 : i32
    %swap3A_522 = arith.index_cast %swap3A_521 : i32 to index
    %swap3A_523 = arith.constant 240 : index
    %swap3A_524 = tpu.vector_load %arg11[%swap3A_522, %swap3A_523] {strides = array<i32>} : memref<2x256xi32, #tpu.memory_space<vmem>>, vector<16xi32>,
    tpu.vector_store %arg11[%swap3A_522, %swap3A_523], %add3A_514 {strides = array<i32>} : memref<2x256xi32, #tpu.memory_space<vmem>>, vector<16xi32>,
    %reduce_max3A = arith.constant true
    %reduce_max3A_525 = vector.broadcast %reduce_max3A : i1 to vector<16xi1>
    %reduce_max3A_526 = arith.constant -2147483648 : i32
    %reduce_max3A_527 = vector.broadcast %reduce_max3A_526 : i32 to vector<16xi32>
    %reduce_max3A_528 = arith.xori %max3A_498, %reduce_max3A_527 : vector<16xi32>
    %reduce_max3A_529 = tpu.scan <max>, %reduce_max3A_528 masked %reduce_max3A_525 : vector<16xi32>, vector<16xi1> -> vector<16xi32>
    %reduce_max3A_530 = arith.xori %reduce_max3A_529, %reduce_max3A_527 : vector<16xi32>
    %reduce_max3A_531 = vector.extract %reduce_max3A_530[15] : i32 from vector<16xi32>
    %swap3A_532 = arith.constant 0 : i32
    %swap3A_533 = arith.index_cast %swap3A_532 : i32 to index
    %swap3A_534 = memref.load %arg15[%swap3A_533] : memref<2xi32, #tpu.memory_space<smem>>
    memref.store %reduce_max3A_531, %arg15[%swap3A_533] : memref<2xi32, #tpu.memory_space<smem>>
    %add3A_535 = arith.constant 256 : i32
    %add3A_536 = arith.addi %mul3A_2, %add3A_535 : i32
    %dma_start3A_537 = tpu.memref_slice %arg2[%add3A_536] : memref<3276800xi32, #tpu.memory_space<hbm>> -> memref<256xi32, #tpu.memory_space<hbm>>
    %dma_start3A_538 = tpu.memref_slice %arg2[%add3A_536] : memref<3276800xi32, #tpu.memory_space<hbm>> -> memref<256xi32, #tpu.memory_space<hbm>>
    tpu.enqueue_dma source(%dma_start3A_538 : memref<256xi32, #tpu.memory_space<hbm>>) target(%arg7 : memref<256xi32, #tpu.memory_space<vmem>>) target_semaphore(%arg17 : memref<!tpu.dma_semaphore, #tpu.memory_space<semaphore_mem>>)
    %add3A_539 = arith.constant 256 : i32
    %add3A_540 = arith.addi %mul3A_2, %add3A_539 : i32
    %dma_start3A_541 = tpu.memref_slice %arg3[%add3A_540] : memref<3276800xi32, #tpu.memory_space<hbm>> -> memref<256xi32, #tpu.memory_space<hbm>>
    %dma_start3A_542 = tpu.memref_slice %arg3[%add3A_540] : memref<3276800xi32, #tpu.memory_space<hbm>> -> memref<256xi32, #tpu.memory_space<hbm>>
    tpu.enqueue_dma source(%dma_start3A_542 : memref<256xi32, #tpu.memory_space<hbm>>) target(%arg9 : memref<256xi32, #tpu.memory_space<vmem>>) target_semaphore(%arg17 : memref<!tpu.dma_semaphore, #tpu.memory_space<semaphore_mem>>)
    %scan3A = arith.constant 0 : i32
    %scan3A_543 = arith.constant 200 : i32
    %scan3A_544 = arith.addi %scan3A, %scan3A_543 : i32
    %scan3A_545 = arith.constant 1 : i32
    scf.for %scan3A_559 = %scan3A to %scan3A_544 step %scan3A_545  : i32 {
      %mul3A_560 = arith.constant 2 : i32
      %mul3A_561 = arith.muli %scan3A_559, %mul3A_560 : i32
      %add3A_562 = arith.constant 0 : i32
      %add3A_563 = arith.addi %add3A_562, %mul3A_561 : i32
      %add3A_564 = arith.constant 0 : i32
      %add3A_565 = arith.addi %add3A_563, %add3A_564 : i32
      %gt3A = arith.constant 1 : i32
      %gt3A_566 = arith.cmpi sgt, %add3A_565, %gt3A : i32
      %convert_element_type3A = arith.extui %gt3A_566 : i1 to i32
      %cond3A = arith.constant 0 : i32
      %cond3A_567 = arith.cmpi ne, %convert_element_type3A, %cond3A : i32
      scf.if %cond3A_567 {
        %sub3A = arith.constant 2 : i32
        %sub3A_627 = arith.subi %add3A_565, %sub3A : i32
        %mul3A_628 = arith.constant 256 : i32
        %mul3A_629 = arith.muli %sub3A_627, %mul3A_628 : i32
        %add3A_630 = arith.addi %mul3A_2, %mul3A_629 : i32
        %dma_wait3A_631 = arith.constant 0 : i32
        %dma_wait3A_632 = tpu.memref_slice %arg5[%add3A_630, %dma_wait3A_631] : memref<3276800x128xf32, #tpu.memory_space<hbm>> -> memref<256x128xf32, #tpu.memory_space<hbm>>
        %dma_wait3A_633 = arith.constant 0 : i32
        %dma_wait3A_634 = tpu.memref_slice %arg5[%add3A_630, %dma_wait3A_633] : memref<3276800x128xf32, #tpu.memory_space<hbm>> -> memref<256x128xf32, #tpu.memory_space<hbm>>
        tpu.wait_dma2 semaphore(%arg20 : memref<!tpu.dma_semaphore, #tpu.memory_space<semaphore_mem>>) src(%arg13 : memref<256x128xf32, #tpu.memory_space<vmem>>) dst(%dma_wait3A_634 : memref<256x128xf32, #tpu.memory_space<hbm>>)
      } else {
      }
      %get3A_568 = arith.constant 0 : i32
      %get3A_569 = arith.index_cast %get3A_568 : i32 to index
      %get3A_570 = memref.load %arg15[%get3A_569] : memref<2xi32, #tpu.memory_space<smem>>
      %lt3A = arith.constant 7 : i32
      %lt3A_571 = arith.cmpi slt, %get3A_570, %lt3A : i32
      %convert_element_type3A_572 = arith.extui %lt3A_571 : i1 to i32
      %cond3A_573 = arith.constant 0 : i32
      %cond3A_574 = arith.cmpi ne, %convert_element_type3A_572, %cond3A_573 : i32
      scf.if %cond3A_574 {
        %scan3A_627 = arith.constant 0 : i32
        %scan3A_628 = arith.constant 16 : i32
        %scan3A_629 = arith.addi %scan3A_627, %scan3A_628 : i32
        %scan3A_630 = arith.constant 1 : i32
        scf.for %scan3A_632 = %scan3A_627 to %scan3A_629 step %scan3A_630  : i32 {
          %mul3A_633 = arith.constant 1 : i32
          %mul3A_634 = arith.muli %scan3A_632, %mul3A_633 : i32
          %add3A_635 = arith.constant 0 : i32
          %add3A_636 = arith.addi %add3A_635, %mul3A_634 : i32
          %mul3A_637 = arith.constant 16 : i32
          %mul3A_638 = arith.muli %add3A_636, %mul3A_637 : i32
          %get3A_639 = arith.constant 0 : i32
          %get3A_640 = arith.index_cast %get3A_639 : i32 to index
          %get3A_641 = arith.index_cast %mul3A_638 : i32 to index
          %get3A_642 = tpu.vector_load %arg11[%get3A_640, %get3A_641] {strides = array<i32>} : memref<2x256xi32, #tpu.memory_space<vmem>>, vector<16xi32>,
          %mul3A_643 = arith.constant 16 : i32
          %mul3A_644 = arith.muli %add3A_636, %mul3A_643 : i32
          %add3A_645 = vector.broadcast %mul3A_644 : i32 to vector<16xi32>
          %add3A_646 = arith.addi %add3A_645, %iota3A : vector<16xi32>
          %add3A_647 = arith.constant 48 : i32
          %add3A_648 = vector.broadcast %add3A_647 : i32 to vector<16xi32>
          %add3A_649 = arith.addi %iota3A, %add3A_648 : vector<16xi32>
          %gather3A = tpu.vector_load_idx %arg12[%get3A_642, %iota3A] : memref<56x128xf32, #tpu.memory_space<vmem>>[vector<16xi32>, vector<16xi32>], vector<16xf32>,
          %gather3A_650 = tpu.vector_load_idx %arg12[%get3A_642, %add3A_649] : memref<56x128xf32, #tpu.memory_space<vmem>>[vector<16xi32>, vector<16xi32>], vector<16xf32>,
          tpu.vector_store_idx %arg13[%add3A_646, %iota3A], %gather3A : memref<256x128xf32, #tpu.memory_space<vmem>>[vector<16xi32>, vector<16xi32>], vector<16xf32>,
          tpu.vector_store_idx %arg13[%add3A_646, %add3A_649], %gather3A_650 : memref<256x128xf32, #tpu.memory_space<vmem>>[vector<16xi32>, vector<16xi32>], vector<16xf32>,
          %add3A_651 = arith.constant 1 : i32
          %add3A_652 = vector.broadcast %add3A_651 : i32 to vector<16xi32>
          %add3A_653 = arith.addi %iota3A, %add3A_652 : vector<16xi32>
          %ge3A = arith.constant 96 : i32
          %ge3A_654 = vector.broadcast %ge3A : i32 to vector<16xi32>
          %ge3A_655 = arith.cmpi sge, %add3A_653, %ge3A_654 : vector<16xi32>
          %sub3A = arith.constant 96 : i32
          %sub3A_656 = vector.broadcast %sub3A : i32 to vector<16xi32>
          %sub3A_657 = arith.subi %add3A_653, %sub3A_656 : vector<16xi32>
          %select_n3A = arith.select %ge3A_655, %sub3A_657, %add3A_653 : vector<16xi1>, vector<16xi32>
          %add3A_658 = arith.constant 1 : i32
          %add3A_659 = vector.broadcast %add3A_658 : i32 to vector<16xi32>
          %add3A_660 = arith.addi %add3A_649, %add3A_659 : vector<16xi32>
          %ge3A_661 = arith.constant 96 : i32
          %ge3A_662 = vector.broadcast %ge3A_661 : i32 to vector<16xi32>
          %ge3A_663 = arith.cmpi sge, %add3A_660, %ge3A_662 : vector<16xi32>
          %sub3A_664 = arith.constant 96 : i32
          %sub3A_665 = vector.broadcast %sub3A_664 : i32 to vector<16xi32>
          %sub3A_666 = arith.subi %add3A_660, %sub3A_665 : vector<16xi32>
          %select_n3A_667 = arith.select %ge3A_663, %sub3A_666, %add3A_660 : vector<16xi1>, vector<16xi32>
          %gather3A_668 = tpu.vector_load_idx %arg12[%get3A_642, %select_n3A] : memref<56x128xf32, #tpu.memory_space<vmem>>[vector<16xi32>, vector<16xi32>], vector<16xf32>,
          %gather3A_669 = tpu.vector_load_idx %arg12[%get3A_642, %select_n3A_667] : memref<56x128xf32, #tpu.memory_space<vmem>>[vector<16xi32>, vector<16xi32>], vector<16xf32>,
          tpu.vector_store_idx %arg13[%add3A_646, %select_n3A], %gather3A_668 : memref<256x128xf32, #tpu.memory_space<vmem>>[vector<16xi32>, vector<16xi32>], vector<16xf32>,
          tpu.vector_store_idx %arg13[%add3A_646, %select_n3A_667], %gather3A_669 : memref<256x128xf32, #tpu.memory_space<vmem>>[vector<16xi32>, vector<16xi32>], vector<16xf32>,
          %add3A_670 = arith.constant 1 : i32
          %add3A_671 = vector.broadcast %add3A_670 : i32 to vector<16xi32>
          %add3A_672 = arith.addi %select_n3A, %add3A_671 : vector<16xi32>
          %ge3A_673 = arith.constant 96 : i32
          %ge3A_674 = vector.broadcast %ge3A_673 : i32 to vector<16xi32>
          %ge3A_675 = arith.cmpi sge, %add3A_672, %ge3A_674 : vector<16xi32>
          %sub3A_676 = arith.constant 96 : i32
          %sub3A_677 = vector.broadcast %sub3A_676 : i32 to vector<16xi32>
          %sub3A_678 = arith.subi %add3A_672, %sub3A_677 : vector<16xi32>
          %select_n3A_679 = arith.select %ge3A_675, %sub3A_678, %add3A_672 : vector<16xi1>, vector<16xi32>
          %add3A_680 = arith.constant 1 : i32
          %add3A_681 = vector.broadcast %add3A_680 : i32 to vector<16xi32>
          %add3A_682 = arith.addi %select_n3A_667, %add3A_681 : vector<16xi32>
          %ge3A_683 = arith.constant 96 : i32
          %ge3A_684 = vector.broadcast %ge3A_683 : i32 to vector<16xi32>
          %ge3A_685 = arith.cmpi sge, %add3A_682, %ge3A_684 : vector<16xi32>
          %sub3A_686 = arith.constant 96 : i32
          %sub3A_687 = vector.broadcast %sub3A_686 : i32 to vector<16xi32>
          %sub3A_688 = arith.subi %add3A_682, %sub3A_687 : vector<16xi32>
          %select_n3A_689 = arith.select %ge3A_685, %sub3A_688, %add3A_682 : vector<16xi1>, vector<16xi32>
          %gather3A_690 = tpu.vector_load_idx %arg12[%get3A_642, %select_n3A_679] : memref<56x128xf32, #tpu.memory_space<vmem>>[vector<16xi32>, vector<16xi32>], vector<16xf32>,
          %gather3A_691 = tpu.vector_load_idx %arg12[%get3A_642, %select_n3A_689] : memref<56x128xf32, #tpu.memory_space<vmem>>[vector<16xi32>, vector<16xi32>], vector<16xf32>,
          tpu.vector_store_idx %arg13[%add3A_646, %select_n3A_679], %gather3A_690 : memref<256x128xf32, #tpu.memory_space<vmem>>[vector<16xi32>, vector<16xi32>], vector<16xf32>,
          tpu.vector_store_idx %arg13[%add3A_646, %select_n3A_689], %gather3A_691 : memref<256x128xf32, #tpu.memory_space<vmem>>[vector<16xi32>, vector<16xi32>], vector<16xf32>,
          %add3A_692 = arith.constant 1 : i32
          %add3A_693 = vector.broadcast %add3A_692 : i32 to vector<16xi32>
          %add3A_694 = arith.addi %select_n3A_679, %add3A_693 : vector<16xi32>
          %ge3A_695 = arith.constant 96 : i32
          %ge3A_696 = vector.broadcast %ge3A_695 : i32 to vector<16xi32>
          %ge3A_697 = arith.cmpi sge, %add3A_694, %ge3A_696 : vector<16xi32>
          %sub3A_698 = arith.constant 96 : i32
          %sub3A_699 = vector.broadcast %sub3A_698 : i32 to vector<16xi32>
          %sub3A_700 = arith.subi %add3A_694, %sub3A_699 : vector<16xi32>
          %select_n3A_701 = arith.select %ge3A_697, %sub3A_700, %add3A_694 : vector<16xi1>, vector<16xi32>
          %add3A_702 = arith.constant 1 : i32
          %add3A_703 = vector.broadcast %add3A_702 : i32 to vector<16xi32>
          %add3A_704 = arith.addi %select_n3A_689, %add3A_703 : vector<16xi32>
          %ge3A_705 = arith.constant 96 : i32
          %ge3A_706 = vector.broadcast %ge3A_705 : i32 to vector<16xi32>
          %ge3A_707 = arith.cmpi sge, %add3A_704, %ge3A_706 : vector<16xi32>
          %sub3A_708 = arith.constant 96 : i32
          %sub3A_709 = vector.broadcast %sub3A_708 : i32 to vector<16xi32>
          %sub3A_710 = arith.subi %add3A_704, %sub3A_709 : vector<16xi32>
          %select_n3A_711 = arith.select %ge3A_707, %sub3A_710, %add3A_704 : vector<16xi1>, vector<16xi32>
          %gather3A_712 = tpu.vector_load_idx %arg12[%get3A_642, %select_n3A_701] : memref<56x128xf32, #tpu.memory_space<vmem>>[vector<16xi32>, vector<16xi32>], vector<16xf32>,
          %gather3A_713 = tpu.vector_load_idx %arg12[%get3A_642, %select_n3A_711] : memref<56x128xf32, #tpu.memory_space<vmem>>[vector<16xi32>, vector<16xi32>], vector<16xf32>,
          tpu.vector_store_idx %arg13[%add3A_646, %select_n3A_701], %gather3A_712 : memref<256x128xf32, #tpu.memory_space<vmem>>[vector<16xi32>, vector<16xi32>], vector<16xf32>,
          tpu.vector_store_idx %arg13[%add3A_646, %select_n3A_711], %gather3A_713 : memref<256x128xf32, #tpu.memory_space<vmem>>[vector<16xi32>, vector<16xi32>], vector<16xf32>,
          %add3A_714 = arith.constant 1 : i32
          %add3A_715 = vector.broadcast %add3A_714 : i32 to vector<16xi32>
          %add3A_716 = arith.addi %select_n3A_701, %add3A_715 : vector<16xi32>
          %ge3A_717 = arith.constant 96 : i32
          %ge3A_718 = vector.broadcast %ge3A_717 : i32 to vector<16xi32>
          %ge3A_719 = arith.cmpi sge, %add3A_716, %ge3A_718 : vector<16xi32>
          %sub3A_720 = arith.constant 96 : i32
          %sub3A_721 = vector.broadcast %sub3A_720 : i32 to vector<16xi32>
          %sub3A_722 = arith.subi %add3A_716, %sub3A_721 : vector<16xi32>
          %select_n3A_723 = arith.select %ge3A_719, %sub3A_722, %add3A_716 : vector<16xi1>, vector<16xi32>
          %add3A_724 = arith.constant 1 : i32
          %add3A_725 = vector.broadcast %add3A_724 : i32 to vector<16xi32>
          %add3A_726 = arith.addi %select_n3A_711, %add3A_725 : vector<16xi32>
          %ge3A_727 = arith.constant 96 : i32
          %ge3A_728 = vector.broadcast %ge3A_727 : i32 to vector<16xi32>
          %ge3A_729 = arith.cmpi sge, %add3A_726, %ge3A_728 : vector<16xi32>
          %sub3A_730 = arith.constant 96 : i32
          %sub3A_731 = vector.broadcast %sub3A_730 : i32 to vector<16xi32>
          %sub3A_732 = arith.subi %add3A_726, %sub3A_731 : vector<16xi32>
          %select_n3A_733 = arith.select %ge3A_729, %sub3A_732, %add3A_726 : vector<16xi1>, vector<16xi32>
          %gather3A_734 = tpu.vector_load_idx %arg12[%get3A_642, %select_n3A_723] : memref<56x128xf32, #tpu.memory_space<vmem>>[vector<16xi32>, vector<16xi32>], vector<16xf32>,
          %gather3A_735 = tpu.vector_load_idx %arg12[%get3A_642, %select_n3A_733] : memref<56x128xf32, #tpu.memory_space<vmem>>[vector<16xi32>, vector<16xi32>], vector<16xf32>,
          tpu.vector_store_idx %arg13[%add3A_646, %select_n3A_723], %gather3A_734 : memref<256x128xf32, #tpu.memory_space<vmem>>[vector<16xi32>, vector<16xi32>], vector<16xf32>,
          tpu.vector_store_idx %arg13[%add3A_646, %select_n3A_733], %gather3A_735 : memref<256x128xf32, #tpu.memory_space<vmem>>[vector<16xi32>, vector<16xi32>], vector<16xf32>,
          %add3A_736 = arith.constant 1 : i32
          %add3A_737 = vector.broadcast %add3A_736 : i32 to vector<16xi32>
          %add3A_738 = arith.addi %select_n3A_723, %add3A_737 : vector<16xi32>
          %ge3A_739 = arith.constant 96 : i32
          %ge3A_740 = vector.broadcast %ge3A_739 : i32 to vector<16xi32>
          %ge3A_741 = arith.cmpi sge, %add3A_738, %ge3A_740 : vector<16xi32>
          %sub3A_742 = arith.constant 96 : i32
          %sub3A_743 = vector.broadcast %sub3A_742 : i32 to vector<16xi32>
          %sub3A_744 = arith.subi %add3A_738, %sub3A_743 : vector<16xi32>
          %select_n3A_745 = arith.select %ge3A_741, %sub3A_744, %add3A_738 : vector<16xi1>, vector<16xi32>
          %add3A_746 = arith.constant 1 : i32
          %add3A_747 = vector.broadcast %add3A_746 : i32 to vector<16xi32>
          %add3A_748 = arith.addi %select_n3A_733, %add3A_747 : vector<16xi32>
          %ge3A_749 = arith.constant 96 : i32
          %ge3A_750 = vector.broadcast %ge3A_749 : i32 to vector<16xi32>
          %ge3A_751 = arith.cmpi sge, %add3A_748, %ge3A_750 : vector<16xi32>
          %sub3A_752 = arith.constant 96 : i32
          %sub3A_753 = vector.broadcast %sub3A_752 : i32 to vector<16xi32>
          %sub3A_754 = arith.subi %add3A_748, %sub3A_753 : vector<16xi32>
          %select_n3A_755 = arith.select %ge3A_751, %sub3A_754, %add3A_748 : vector<16xi1>, vector<16xi32>
          %gather3A_756 = tpu.vector_load_idx %arg12[%get3A_642, %select_n3A_745] : memref<56x128xf32, #tpu.memory_space<vmem>>[vector<16xi32>, vector<16xi32>], vector<16xf32>,
          %gather3A_757 = tpu.vector_load_idx %arg12[%get3A_642, %select_n3A_755] : memref<56x128xf32, #tpu.memory_space<vmem>>[vector<16xi32>, vector<16xi32>], vector<16xf32>,
          tpu.vector_store_idx %arg13[%add3A_646, %select_n3A_745], %gather3A_756 : memref<256x128xf32, #tpu.memory_space<vmem>>[vector<16xi32>, vector<16xi32>], vector<16xf32>,
          tpu.vector_store_idx %arg13[%add3A_646, %select_n3A_755], %gather3A_757 : memref<256x128xf32, #tpu.memory_space<vmem>>[vector<16xi32>, vector<16xi32>], vector<16xf32>,
          %add3A_758 = arith.constant 1 : i32
          %add3A_759 = vector.broadcast %add3A_758 : i32 to vector<16xi32>
          %add3A_760 = arith.addi %select_n3A_745, %add3A_759 : vector<16xi32>
          %ge3A_761 = arith.constant 96 : i32
          %ge3A_762 = vector.broadcast %ge3A_761 : i32 to vector<16xi32>
          %ge3A_763 = arith.cmpi sge, %add3A_760, %ge3A_762 : vector<16xi32>
          %sub3A_764 = arith.constant 96 : i32
          %sub3A_765 = vector.broadcast %sub3A_764 : i32 to vector<16xi32>
          %sub3A_766 = arith.subi %add3A_760, %sub3A_765 : vector<16xi32>
          %select_n3A_767 = arith.select %ge3A_763, %sub3A_766, %add3A_760 : vector<16xi1>, vector<16xi32>
          %add3A_768 = arith.constant 1 : i32
          %add3A_769 = vector.broadcast %add3A_768 : i32 to vector<16xi32>
          %add3A_770 = arith.addi %select_n3A_755, %add3A_769 : vector<16xi32>
          %ge3A_771 = arith.constant 96 : i32
          %ge3A_772 = vector.broadcast %ge3A_771 : i32 to vector<16xi32>
          %ge3A_773 = arith.cmpi sge, %add3A_770, %ge3A_772 : vector<16xi32>
          %sub3A_774 = arith.constant 96 : i32
          %sub3A_775 = vector.broadcast %sub3A_774 : i32 to vector<16xi32>
          %sub3A_776 = arith.subi %add3A_770, %sub3A_775 : vector<16xi32>
          %select_n3A_777 = arith.select %ge3A_773, %sub3A_776, %add3A_770 : vector<16xi1>, vector<16xi32>
          %gather3A_778 = tpu.vector_load_idx %arg12[%get3A_642, %select_n3A_767] : memref<56x128xf32, #tpu.memory_space<vmem>>[vector<16xi32>, vector<16xi32>], vector<16xf32>,
          %gather3A_779 = tpu.vector_load_idx %arg12[%get3A_642, %select_n3A_777] : memref<56x128xf32, #tpu.memory_space<vmem>>[vector<16xi32>, vector<16xi32>], vector<16xf32>,
          tpu.vector_store_idx %arg13[%add3A_646, %select_n3A_767], %gather3A_778 : memref<256x128xf32, #tpu.memory_space<vmem>>[vector<16xi32>, vector<16xi32>], vector<16xf32>,
          tpu.vector_store_idx %arg13[%add3A_646, %select_n3A_777], %gather3A_779 : memref<256x128xf32, #tpu.memory_space<vmem>>[vector<16xi32>, vector<16xi32>], vector<16xf32>,
          %add3A_780 = arith.constant 1 : i32
          %add3A_781 = vector.broadcast %add3A_780 : i32 to vector<16xi32>
          %add3A_782 = arith.addi %select_n3A_767, %add3A_781 : vector<16xi32>
          %ge3A_783 = arith.constant 96 : i32
          %ge3A_784 = vector.broadcast %ge3A_783 : i32 to vector<16xi32>
          %ge3A_785 = arith.cmpi sge, %add3A_782, %ge3A_784 : vector<16xi32>
          %sub3A_786 = arith.constant 96 : i32
          %sub3A_787 = vector.broadcast %sub3A_786 : i32 to vector<16xi32>
          %sub3A_788 = arith.subi %add3A_782, %sub3A_787 : vector<16xi32>
          %select_n3A_789 = arith.select %ge3A_785, %sub3A_788, %add3A_782 : vector<16xi1>, vector<16xi32>
          %add3A_790 = arith.constant 1 : i32
          %add3A_791 = vector.broadcast %add3A_790 : i32 to vector<16xi32>
          %add3A_792 = arith.addi %select_n3A_777, %add3A_791 : vector<16xi32>
          %ge3A_793 = arith.constant 96 : i32
          %ge3A_794 = vector.broadcast %ge3A_793 : i32 to vector<16xi32>
          %ge3A_795 = arith.cmpi sge, %add3A_792, %ge3A_794 : vector<16xi32>
          %sub3A_796 = arith.constant 96 : i32
          %sub3A_797 = vector.broadcast %sub3A_796 : i32 to vector<16xi32>
          %sub3A_798 = arith.subi %add3A_792, %sub3A_797 : vector<16xi32>
          %select_n3A_799 = arith.select %ge3A_795, %sub3A_798, %add3A_792 : vector<16xi1>, vector<16xi32>
          %gather3A_800 = tpu.vector_load_idx %arg12[%get3A_642, %select_n3A_789] : memref<56x128xf32, #tpu.memory_space<vmem>>[vector<16xi32>, vector<16xi32>], vector<16xf32>,
          %gather3A_801 = tpu.vector_load_idx %arg12[%get3A_642, %select_n3A_799] : memref<56x128xf32, #tpu.memory_space<vmem>>[vector<16xi32>, vector<16xi32>], vector<16xf32>,
          tpu.vector_store_idx %arg13[%add3A_646, %select_n3A_789], %gather3A_800 : memref<256x128xf32, #tpu.memory_space<vmem>>[vector<16xi32>, vector<16xi32>], vector<16xf32>,
          tpu.vector_store_idx %arg13[%add3A_646, %select_n3A_799], %gather3A_801 : memref<256x128xf32, #tpu.memory_space<vmem>>[vector<16xi32>, vector<16xi32>], vector<16xf32>,
          %add3A_802 = arith.constant 1 : i32
          %add3A_803 = vector.broadcast %add3A_802 : i32 to vector<16xi32>
          %add3A_804 = arith.addi %select_n3A_789, %add3A_803 : vector<16xi32>
          %ge3A_805 = arith.constant 96 : i32
          %ge3A_806 = vector.broadcast %ge3A_805 : i32 to vector<16xi32>
          %ge3A_807 = arith.cmpi sge, %add3A_804, %ge3A_806 : vector<16xi32>
          %sub3A_808 = arith.constant 96 : i32
          %sub3A_809 = vector.broadcast %sub3A_808 : i32 to vector<16xi32>
          %sub3A_810 = arith.subi %add3A_804, %sub3A_809 : vector<16xi32>
          %select_n3A_811 = arith.select %ge3A_807, %sub3A_810, %add3A_804 : vector<16xi1>, vector<16xi32>
          %add3A_812 = arith.constant 1 : i32
          %add3A_813 = vector.broadcast %add3A_812 : i32 to vector<16xi32>
          %add3A_814 = arith.addi %select_n3A_799, %add3A_813 : vector<16xi32>
          %ge3A_815 = arith.constant 96 : i32
          %ge3A_816 = vector.broadcast %ge3A_815 : i32 to vector<16xi32>
          %ge3A_817 = arith.cmpi sge, %add3A_814, %ge3A_816 : vector<16xi32>
          %sub3A_818 = arith.constant 96 : i32
          %sub3A_819 = vector.broadcast %sub3A_818 : i32 to vector<16xi32>
          %sub3A_820 = arith.subi %add3A_814, %sub3A_819 : vector<16xi32>
          %select_n3A_821 = arith.select %ge3A_817, %sub3A_820, %add3A_814 : vector<16xi1>, vector<16xi32>
          %gather3A_822 = tpu.vector_load_idx %arg12[%get3A_642, %select_n3A_811] : memref<56x128xf32, #tpu.memory_space<vmem>>[vector<16xi32>, vector<16xi32>], vector<16xf32>,
          %gather3A_823 = tpu.vector_load_idx %arg12[%get3A_642, %select_n3A_821] : memref<56x128xf32, #tpu.memory_space<vmem>>[vector<16xi32>, vector<16xi32>], vector<16xf32>,
          tpu.vector_store_idx %arg13[%add3A_646, %select_n3A_811], %gather3A_822 : memref<256x128xf32, #tpu.memory_space<vmem>>[vector<16xi32>, vector<16xi32>], vector<16xf32>,
          tpu.vector_store_idx %arg13[%add3A_646, %select_n3A_821], %gather3A_823 : memref<256x128xf32, #tpu.memory_space<vmem>>[vector<16xi32>, vector<16xi32>], vector<16xf32>,
          %add3A_824 = arith.constant 1 : i32
          %add3A_825 = vector.broadcast %add3A_824 : i32 to vector<16xi32>
          %add3A_826 = arith.addi %select_n3A_811, %add3A_825 : vector<16xi32>
          %ge3A_827 = arith.constant 96 : i32
          %ge3A_828 = vector.broadcast %ge3A_827 : i32 to vector<16xi32>
          %ge3A_829 = arith.cmpi sge, %add3A_826, %ge3A_828 : vector<16xi32>
          %sub3A_830 = arith.constant 96 : i32
          %sub3A_831 = vector.broadcast %sub3A_830 : i32 to vector<16xi32>
          %sub3A_832 = arith.subi %add3A_826, %sub3A_831 : vector<16xi32>
          %select_n3A_833 = arith.select %ge3A_829, %sub3A_832, %add3A_826 : vector<16xi1>, vector<16xi32>
          %add3A_834 = arith.constant 1 : i32
          %add3A_835 = vector.broadcast %add3A_834 : i32 to vector<16xi32>
          %add3A_836 = arith.addi %select_n3A_821, %add3A_835 : vector<16xi32>
          %ge3A_837 = arith.constant 96 : i32
          %ge3A_838 = vector.broadcast %ge3A_837 : i32 to vector<16xi32>
          %ge3A_839 = arith.cmpi sge, %add3A_836, %ge3A_838 : vector<16xi32>
          %sub3A_840 = arith.constant 96 : i32
          %sub3A_841 = vector.broadcast %sub3A_840 : i32 to vector<16xi32>
          %sub3A_842 = arith.subi %add3A_836, %sub3A_841 : vector<16xi32>
          %select_n3A_843 = arith.select %ge3A_839, %sub3A_842, %add3A_836 : vector<16xi1>, vector<16xi32>
          %gather3A_844 = tpu.vector_load_idx %arg12[%get3A_642, %select_n3A_833] : memref<56x128xf32, #tpu.memory_space<vmem>>[vector<16xi32>, vector<16xi32>], vector<16xf32>,
          %gather3A_845 = tpu.vector_load_idx %arg12[%get3A_642, %select_n3A_843] : memref<56x128xf32, #tpu.memory_space<vmem>>[vector<16xi32>, vector<16xi32>], vector<16xf32>,
          tpu.vector_store_idx %arg13[%add3A_646, %select_n3A_833], %gather3A_844 : memref<256x128xf32, #tpu.memory_space<vmem>>[vector<16xi32>, vector<16xi32>], vector<16xf32>,
          tpu.vector_store_idx %arg13[%add3A_646, %select_n3A_843], %gather3A_845 : memref<256x128xf32, #tpu.memory_space<vmem>>[vector<16xi32>, vector<16xi32>], vector<16xf32>,
          %add3A_846 = arith.constant 1 : i32
          %add3A_847 = vector.broadcast %add3A_846 : i32 to vector<16xi32>
          %add3A_848 = arith.addi %select_n3A_833, %add3A_847 : vector<16xi32>
          %ge3A_849 = arith.constant 96 : i32
          %ge3A_850 = vector.broadcast %ge3A_849 : i32 to vector<16xi32>
          %ge3A_851 = arith.cmpi sge, %add3A_848, %ge3A_850 : vector<16xi32>
          %sub3A_852 = arith.constant 96 : i32
          %sub3A_853 = vector.broadcast %sub3A_852 : i32 to vector<16xi32>
          %sub3A_854 = arith.subi %add3A_848, %sub3A_853 : vector<16xi32>
          %select_n3A_855 = arith.select %ge3A_851, %sub3A_854, %add3A_848 : vector<16xi1>, vector<16xi32>
          %add3A_856 = arith.constant 1 : i32
          %add3A_857 = vector.broadcast %add3A_856 : i32 to vector<16xi32>
          %add3A_858 = arith.addi %select_n3A_843, %add3A_857 : vector<16xi32>
          %ge3A_859 = arith.constant 96 : i32
          %ge3A_860 = vector.broadcast %ge3A_859 : i32 to vector<16xi32>
          %ge3A_861 = arith.cmpi sge, %add3A_858, %ge3A_860 : vector<16xi32>
          %sub3A_862 = arith.constant 96 : i32
          %sub3A_863 = vector.broadcast %sub3A_862 : i32 to vector<16xi32>
          %sub3A_864 = arith.subi %add3A_858, %sub3A_863 : vector<16xi32>
          %select_n3A_865 = arith.select %ge3A_861, %sub3A_864, %add3A_858 : vector<16xi1>, vector<16xi32>
          %gather3A_866 = tpu.vector_load_idx %arg12[%get3A_642, %select_n3A_855] : memref<56x128xf32, #tpu.memory_space<vmem>>[vector<16xi32>, vector<16xi32>], vector<16xf32>,
          %gather3A_867 = tpu.vector_load_idx %arg12[%get3A_642, %select_n3A_865] : memref<56x128xf32, #tpu.memory_space<vmem>>[vector<16xi32>, vector<16xi32>], vector<16xf32>,
          tpu.vector_store_idx %arg13[%add3A_646, %select_n3A_855], %gather3A_866 : memref<256x128xf32, #tpu.memory_space<vmem>>[vector<16xi32>, vector<16xi32>], vector<16xf32>,
          tpu.vector_store_idx %arg13[%add3A_646, %select_n3A_865], %gather3A_867 : memref<256x128xf32, #tpu.memory_space<vmem>>[vector<16xi32>, vector<16xi32>], vector<16xf32>,
          %add3A_868 = arith.constant 1 : i32
          %add3A_869 = vector.broadcast %add3A_868 : i32 to vector<16xi32>
          %add3A_870 = arith.addi %select_n3A_855, %add3A_869 : vector<16xi32>
          %ge3A_871 = arith.constant 96 : i32
          %ge3A_872 = vector.broadcast %ge3A_871 : i32 to vector<16xi32>
          %ge3A_873 = arith.cmpi sge, %add3A_870, %ge3A_872 : vector<16xi32>
          %sub3A_874 = arith.constant 96 : i32
          %sub3A_875 = vector.broadcast %sub3A_874 : i32 to vector<16xi32>
          %sub3A_876 = arith.subi %add3A_870, %sub3A_875 : vector<16xi32>
          %select_n3A_877 = arith.select %ge3A_873, %sub3A_876, %add3A_870 : vector<16xi1>, vector<16xi32>
          %add3A_878 = arith.constant 1 : i32
          %add3A_879 = vector.broadcast %add3A_878 : i32 to vector<16xi32>
          %add3A_880 = arith.addi %select_n3A_865, %add3A_879 : vector<16xi32>
          %ge3A_881 = arith.constant 96 : i32
          %ge3A_882 = vector.broadcast %ge3A_881 : i32 to vector<16xi32>
          %ge3A_883 = arith.cmpi sge, %add3A_880, %ge3A_882 : vector<16xi32>
          %sub3A_884 = arith.constant 96 : i32
          %sub3A_885 = vector.broadcast %sub3A_884 : i32 to vector<16xi32>
          %sub3A_886 = arith.subi %add3A_880, %sub3A_885 : vector<16xi32>
          %select_n3A_887 = arith.select %ge3A_883, %sub3A_886, %add3A_880 : vector<16xi1>, vector<16xi32>
          %gather3A_888 = tpu.vector_load_idx %arg12[%get3A_642, %select_n3A_877] : memref<56x128xf32, #tpu.memory_space<vmem>>[vector<16xi32>, vector<16xi32>], vector<16xf32>,
          %gather3A_889 = tpu.vector_load_idx %arg12[%get3A_642, %select_n3A_887] : memref<56x128xf32, #tpu.memory_space<vmem>>[vector<16xi32>, vector<16xi32>], vector<16xf32>,
          tpu.vector_store_idx %arg13[%add3A_646, %select_n3A_877], %gather3A_888 : memref<256x128xf32, #tpu.memory_space<vmem>>[vector<16xi32>, vector<16xi32>], vector<16xf32>,
          tpu.vector_store_idx %arg13[%add3A_646, %select_n3A_887], %gather3A_889 : memref<256x128xf32, #tpu.memory_space<vmem>>[vector<16xi32>, vector<16xi32>], vector<16xf32>,
          %add3A_890 = arith.constant 1 : i32
          %add3A_891 = vector.broadcast %add3A_890 : i32 to vector<16xi32>
          %add3A_892 = arith.addi %select_n3A_877, %add3A_891 : vector<16xi32>
          %ge3A_893 = arith.constant 96 : i32
          %ge3A_894 = vector.broadcast %ge3A_893 : i32 to vector<16xi32>
          %ge3A_895 = arith.cmpi sge, %add3A_892, %ge3A_894 : vector<16xi32>
          %sub3A_896 = arith.constant 96 : i32
          %sub3A_897 = vector.broadcast %sub3A_896 : i32 to vector<16xi32>
          %sub3A_898 = arith.subi %add3A_892, %sub3A_897 : vector<16xi32>
          %select_n3A_899 = arith.select %ge3A_895, %sub3A_898, %add3A_892 : vector<16xi1>, vector<16xi32>
          %add3A_900 = arith.constant 1 : i32
          %add3A_901 = vector.broadcast %add3A_900 : i32 to vector<16xi32>
          %add3A_902 = arith.addi %select_n3A_887, %add3A_901 : vector<16xi32>
          %ge3A_903 = arith.constant 96 : i32
          %ge3A_904 = vector.broadcast %ge3A_903 : i32 to vector<16xi32>
          %ge3A_905 = arith.cmpi sge, %add3A_902, %ge3A_904 : vector<16xi32>
          %sub3A_906 = arith.constant 96 : i32
          %sub3A_907 = vector.broadcast %sub3A_906 : i32 to vector<16xi32>
          %sub3A_908 = arith.subi %add3A_902, %sub3A_907 : vector<16xi32>
          %select_n3A_909 = arith.select %ge3A_905, %sub3A_908, %add3A_902 : vector<16xi1>, vector<16xi32>
          %gather3A_910 = tpu.vector_load_idx %arg12[%get3A_642, %select_n3A_899] : memref<56x128xf32, #tpu.memory_space<vmem>>[vector<16xi32>, vector<16xi32>], vector<16xf32>,
          %gather3A_911 = tpu.vector_load_idx %arg12[%get3A_642, %select_n3A_909] : memref<56x128xf32, #tpu.memory_space<vmem>>[vector<16xi32>, vector<16xi32>], vector<16xf32>,
          tpu.vector_store_idx %arg13[%add3A_646, %select_n3A_899], %gather3A_910 : memref<256x128xf32, #tpu.memory_space<vmem>>[vector<16xi32>, vector<16xi32>], vector<16xf32>,
          tpu.vector_store_idx %arg13[%add3A_646, %select_n3A_909], %gather3A_911 : memref<256x128xf32, #tpu.memory_space<vmem>>[vector<16xi32>, vector<16xi32>], vector<16xf32>,
          %add3A_912 = arith.constant 1 : i32
          %add3A_913 = vector.broadcast %add3A_912 : i32 to vector<16xi32>
          %add3A_914 = arith.addi %select_n3A_899, %add3A_913 : vector<16xi32>
          %ge3A_915 = arith.constant 96 : i32
          %ge3A_916 = vector.broadcast %ge3A_915 : i32 to vector<16xi32>
          %ge3A_917 = arith.cmpi sge, %add3A_914, %ge3A_916 : vector<16xi32>
          %sub3A_918 = arith.constant 96 : i32
          %sub3A_919 = vector.broadcast %sub3A_918 : i32 to vector<16xi32>
          %sub3A_920 = arith.subi %add3A_914, %sub3A_919 : vector<16xi32>
          %select_n3A_921 = arith.select %ge3A_917, %sub3A_920, %add3A_914 : vector<16xi1>, vector<16xi32>
          %add3A_922 = arith.constant 1 : i32
          %add3A_923 = vector.broadcast %add3A_922 : i32 to vector<16xi32>
          %add3A_924 = arith.addi %select_n3A_909, %add3A_923 : vector<16xi32>
          %ge3A_925 = arith.constant 96 : i32
          %ge3A_926 = vector.broadcast %ge3A_925 : i32 to vector<16xi32>
          %ge3A_927 = arith.cmpi sge, %add3A_924, %ge3A_926 : vector<16xi32>
          %sub3A_928 = arith.constant 96 : i32
          %sub3A_929 = vector.broadcast %sub3A_928 : i32 to vector<16xi32>
          %sub3A_930 = arith.subi %add3A_924, %sub3A_929 : vector<16xi32>
          %select_n3A_931 = arith.select %ge3A_927, %sub3A_930, %add3A_924 : vector<16xi1>, vector<16xi32>
          %gather3A_932 = tpu.vector_load_idx %arg12[%get3A_642, %select_n3A_921] : memref<56x128xf32, #tpu.memory_space<vmem>>[vector<16xi32>, vector<16xi32>], vector<16xf32>,
          %gather3A_933 = tpu.vector_load_idx %arg12[%get3A_642, %select_n3A_931] : memref<56x128xf32, #tpu.memory_space<vmem>>[vector<16xi32>, vector<16xi32>], vector<16xf32>,
          tpu.vector_store_idx %arg13[%add3A_646, %select_n3A_921], %gather3A_932 : memref<256x128xf32, #tpu.memory_space<vmem>>[vector<16xi32>, vector<16xi32>], vector<16xf32>,
          tpu.vector_store_idx %arg13[%add3A_646, %select_n3A_931], %gather3A_933 : memref<256x128xf32, #tpu.memory_space<vmem>>[vector<16xi32>, vector<16xi32>], vector<16xf32>,
          %add3A_934 = arith.constant 1 : i32
          %add3A_935 = vector.broadcast %add3A_934 : i32 to vector<16xi32>
          %add3A_936 = arith.addi %select_n3A_921, %add3A_935 : vector<16xi32>
          %ge3A_937 = arith.constant 96 : i32
          %ge3A_938 = vector.broadcast %ge3A_937 : i32 to vector<16xi32>
          %ge3A_939 = arith.cmpi sge, %add3A_936, %ge3A_938 : vector<16xi32>
          %sub3A_940 = arith.constant 96 : i32
          %sub3A_941 = vector.broadcast %sub3A_940 : i32 to vector<16xi32>
          %sub3A_942 = arith.subi %add3A_936, %sub3A_941 : vector<16xi32>
          %select_n3A_943 = arith.select %ge3A_939, %sub3A_942, %add3A_936 : vector<16xi1>, vector<16xi32>
          %add3A_944 = arith.constant 1 : i32
          %add3A_945 = vector.broadcast %add3A_944 : i32 to vector<16xi32>
          %add3A_946 = arith.addi %select_n3A_931, %add3A_945 : vector<16xi32>
          %ge3A_947 = arith.constant 96 : i32
          %ge3A_948 = vector.broadcast %ge3A_947 : i32 to vector<16xi32>
          %ge3A_949 = arith.cmpi sge, %add3A_946, %ge3A_948 : vector<16xi32>
          %sub3A_950 = arith.constant 96 : i32
          %sub3A_951 = vector.broadcast %sub3A_950 : i32 to vector<16xi32>
          %sub3A_952 = arith.subi %add3A_946, %sub3A_951 : vector<16xi32>
          %select_n3A_953 = arith.select %ge3A_949, %sub3A_952, %add3A_946 : vector<16xi1>, vector<16xi32>
          %gather3A_954 = tpu.vector_load_idx %arg12[%get3A_642, %select_n3A_943] : memref<56x128xf32, #tpu.memory_space<vmem>>[vector<16xi32>, vector<16xi32>], vector<16xf32>,
          %gather3A_955 = tpu.vector_load_idx %arg12[%get3A_642, %select_n3A_953] : memref<56x128xf32, #tpu.memory_space<vmem>>[vector<16xi32>, vector<16xi32>], vector<16xf32>,
          tpu.vector_store_idx %arg13[%add3A_646, %select_n3A_943], %gather3A_954 : memref<256x128xf32, #tpu.memory_space<vmem>>[vector<16xi32>, vector<16xi32>], vector<16xf32>,
          tpu.vector_store_idx %arg13[%add3A_646, %select_n3A_953], %gather3A_955 : memref<256x128xf32, #tpu.memory_space<vmem>>[vector<16xi32>, vector<16xi32>], vector<16xf32>,
          %add3A_956 = arith.constant 1 : i32
          %add3A_957 = vector.broadcast %add3A_956 : i32 to vector<16xi32>
          %add3A_958 = arith.addi %select_n3A_943, %add3A_957 : vector<16xi32>
          %ge3A_959 = arith.constant 96 : i32
          %ge3A_960 = vector.broadcast %ge3A_959 : i32 to vector<16xi32>
          %ge3A_961 = arith.cmpi sge, %add3A_958, %ge3A_960 : vector<16xi32>
          %sub3A_962 = arith.constant 96 : i32
          %sub3A_963 = vector.broadcast %sub3A_962 : i32 to vector<16xi32>
          %sub3A_964 = arith.subi %add3A_958, %sub3A_963 : vector<16xi32>
          %select_n3A_965 = arith.select %ge3A_961, %sub3A_964, %add3A_958 : vector<16xi1>, vector<16xi32>
          %add3A_966 = arith.constant 1 : i32
          %add3A_967 = vector.broadcast %add3A_966 : i32 to vector<16xi32>
          %add3A_968 = arith.addi %select_n3A_953, %add3A_967 : vector<16xi32>
          %ge3A_969 = arith.constant 96 : i32
          %ge3A_970 = vector.broadcast %ge3A_969 : i32 to vector<16xi32>
          %ge3A_971 = arith.cmpi sge, %add3A_968, %ge3A_970 : vector<16xi32>
          %sub3A_972 = arith.constant 96 : i32
          %sub3A_973 = vector.broadcast %sub3A_972 : i32 to vector<16xi32>
          %sub3A_974 = arith.subi %add3A_968, %sub3A_973 : vector<16xi32>
          %select_n3A_975 = arith.select %ge3A_971, %sub3A_974, %add3A_968 : vector<16xi1>, vector<16xi32>
          %gather3A_976 = tpu.vector_load_idx %arg12[%get3A_642, %select_n3A_965] : memref<56x128xf32, #tpu.memory_space<vmem>>[vector<16xi32>, vector<16xi32>], vector<16xf32>,
          %gather3A_977 = tpu.vector_load_idx %arg12[%get3A_642, %select_n3A_975] : memref<56x128xf32, #tpu.memory_space<vmem>>[vector<16xi32>, vector<16xi32>], vector<16xf32>,
          tpu.vector_store_idx %arg13[%add3A_646, %select_n3A_965], %gather3A_976 : memref<256x128xf32, #tpu.memory_space<vmem>>[vector<16xi32>, vector<16xi32>], vector<16xf32>,
          tpu.vector_store_idx %arg13[%add3A_646, %select_n3A_975], %gather3A_977 : memref<256x128xf32, #tpu.memory_space<vmem>>[vector<16xi32>, vector<16xi32>], vector<16xf32>,
          %add3A_978 = arith.constant 1 : i32
          %add3A_979 = vector.broadcast %add3A_978 : i32 to vector<16xi32>
          %add3A_980 = arith.addi %select_n3A_965, %add3A_979 : vector<16xi32>
          %ge3A_981 = arith.constant 96 : i32
          %ge3A_982 = vector.broadcast %ge3A_981 : i32 to vector<16xi32>
          %ge3A_983 = arith.cmpi sge, %add3A_980, %ge3A_982 : vector<16xi32>
          %sub3A_984 = arith.constant 96 : i32
          %sub3A_985 = vector.broadcast %sub3A_984 : i32 to vector<16xi32>
          %sub3A_986 = arith.subi %add3A_980, %sub3A_985 : vector<16xi32>
          %select_n3A_987 = arith.select %ge3A_983, %sub3A_986, %add3A_980 : vector<16xi1>, vector<16xi32>
          %add3A_988 = arith.constant 1 : i32
          %add3A_989 = vector.broadcast %add3A_988 : i32 to vector<16xi32>
          %add3A_990 = arith.addi %select_n3A_975, %add3A_989 : vector<16xi32>
          %ge3A_991 = arith.constant 96 : i32
          %ge3A_992 = vector.broadcast %ge3A_991 : i32 to vector<16xi32>
          %ge3A_993 = arith.cmpi sge, %add3A_990, %ge3A_992 : vector<16xi32>
          %sub3A_994 = arith.constant 96 : i32
          %sub3A_995 = vector.broadcast %sub3A_994 : i32 to vector<16xi32>
          %sub3A_996 = arith.subi %add3A_990, %sub3A_995 : vector<16xi32>
          %select_n3A_997 = arith.select %ge3A_993, %sub3A_996, %add3A_990 : vector<16xi1>, vector<16xi32>
          %gather3A_998 = tpu.vector_load_idx %arg12[%get3A_642, %select_n3A_987] : memref<56x128xf32, #tpu.memory_space<vmem>>[vector<16xi32>, vector<16xi32>], vector<16xf32>,
          %gather3A_999 = tpu.vector_load_idx %arg12[%get3A_642, %select_n3A_997] : memref<56x128xf32, #tpu.memory_space<vmem>>[vector<16xi32>, vector<16xi32>], vector<16xf32>,
          tpu.vector_store_idx %arg13[%add3A_646, %select_n3A_987], %gather3A_998 : memref<256x128xf32, #tpu.memory_space<vmem>>[vector<16xi32>, vector<16xi32>], vector<16xf32>,
          tpu.vector_store_idx %arg13[%add3A_646, %select_n3A_997], %gather3A_999 : memref<256x128xf32, #tpu.memory_space<vmem>>[vector<16xi32>, vector<16xi32>], vector<16xf32>,
          %add3A_1000 = arith.constant 1 : i32
          %add3A_1001 = vector.broadcast %add3A_1000 : i32 to vector<16xi32>
          %add3A_1002 = arith.addi %select_n3A_987, %add3A_1001 : vector<16xi32>
          %ge3A_1003 = arith.constant 96 : i32
          %ge3A_1004 = vector.broadcast %ge3A_1003 : i32 to vector<16xi32>
          %ge3A_1005 = arith.cmpi sge, %add3A_1002, %ge3A_1004 : vector<16xi32>
          %sub3A_1006 = arith.constant 96 : i32
          %sub3A_1007 = vector.broadcast %sub3A_1006 : i32 to vector<16xi32>
          %sub3A_1008 = arith.subi %add3A_1002, %sub3A_1007 : vector<16xi32>
          %select_n3A_1009 = arith.select %ge3A_1005, %sub3A_1008, %add3A_1002 : vector<16xi1>, vector<16xi32>
          %add3A_1010 = arith.constant 1 : i32
          %add3A_1011 = vector.broadcast %add3A_1010 : i32 to vector<16xi32>
          %add3A_1012 = arith.addi %select_n3A_997, %add3A_1011 : vector<16xi32>
          %ge3A_1013 = arith.constant 96 : i32
          %ge3A_1014 = vector.broadcast %ge3A_1013 : i32 to vector<16xi32>
          %ge3A_1015 = arith.cmpi sge, %add3A_1012, %ge3A_1014 : vector<16xi32>
          %sub3A_1016 = arith.constant 96 : i32
          %sub3A_1017 = vector.broadcast %sub3A_1016 : i32 to vector<16xi32>
          %sub3A_1018 = arith.subi %add3A_1012, %sub3A_1017 : vector<16xi32>
          %select_n3A_1019 = arith.select %ge3A_1015, %sub3A_1018, %add3A_1012 : vector<16xi1>, vector<16xi32>
          %gather3A_1020 = tpu.vector_load_idx %arg12[%get3A_642, %select_n3A_1009] : memref<56x128xf32, #tpu.memory_space<vmem>>[vector<16xi32>, vector<16xi32>], vector<16xf32>,
          %gather3A_1021 = tpu.vector_load_idx %arg12[%get3A_642, %select_n3A_1019] : memref<56x128xf32, #tpu.memory_space<vmem>>[vector<16xi32>, vector<16xi32>], vector<16xf32>,
          tpu.vector_store_idx %arg13[%add3A_646, %select_n3A_1009], %gather3A_1020 : memref<256x128xf32, #tpu.memory_space<vmem>>[vector<16xi32>, vector<16xi32>], vector<16xf32>,
          tpu.vector_store_idx %arg13[%add3A_646, %select_n3A_1019], %gather3A_1021 : memref<256x128xf32, #tpu.memory_space<vmem>>[vector<16xi32>, vector<16xi32>], vector<16xf32>,
          %add3A_1022 = arith.constant 1 : i32
          %add3A_1023 = vector.broadcast %add3A_1022 : i32 to vector<16xi32>
          %add3A_1024 = arith.addi %select_n3A_1009, %add3A_1023 : vector<16xi32>
          %ge3A_1025 = arith.constant 96 : i32
          %ge3A_1026 = vector.broadcast %ge3A_1025 : i32 to vector<16xi32>
          %ge3A_1027 = arith.cmpi sge, %add3A_1024, %ge3A_1026 : vector<16xi32>
          %sub3A_1028 = arith.constant 96 : i32
          %sub3A_1029 = vector.broadcast %sub3A_1028 : i32 to vector<16xi32>
          %sub3A_1030 = arith.subi %add3A_1024, %sub3A_1029 : vector<16xi32>
          %select_n3A_1031 = arith.select %ge3A_1027, %sub3A_1030, %add3A_1024 : vector<16xi1>, vector<16xi32>
          %add3A_1032 = arith.constant 1 : i32
          %add3A_1033 = vector.broadcast %add3A_1032 : i32 to vector<16xi32>
          %add3A_1034 = arith.addi %select_n3A_1019, %add3A_1033 : vector<16xi32>
          %ge3A_1035 = arith.constant 96 : i32
          %ge3A_1036 = vector.broadcast %ge3A_1035 : i32 to vector<16xi32>
          %ge3A_1037 = arith.cmpi sge, %add3A_1034, %ge3A_1036 : vector<16xi32>
          %sub3A_1038 = arith.constant 96 : i32
          %sub3A_1039 = vector.broadcast %sub3A_1038 : i32 to vector<16xi32>
          %sub3A_1040 = arith.subi %add3A_1034, %sub3A_1039 : vector<16xi32>
          %select_n3A_1041 = arith.select %ge3A_1037, %sub3A_1040, %add3A_1034 : vector<16xi1>, vector<16xi32>
          %gather3A_1042 = tpu.vector_load_idx %arg12[%get3A_642, %select_n3A_1031] : memref<56x128xf32, #tpu.memory_space<vmem>>[vector<16xi32>, vector<16xi32>], vector<16xf32>,
          %gather3A_1043 = tpu.vector_load_idx %arg12[%get3A_642, %select_n3A_1041] : memref<56x128xf32, #tpu.memory_space<vmem>>[vector<16xi32>, vector<16xi32>], vector<16xf32>,
          tpu.vector_store_idx %arg13[%add3A_646, %select_n3A_1031], %gather3A_1042 : memref<256x128xf32, #tpu.memory_space<vmem>>[vector<16xi32>, vector<16xi32>], vector<16xf32>,
          tpu.vector_store_idx %arg13[%add3A_646, %select_n3A_1041], %gather3A_1043 : memref<256x128xf32, #tpu.memory_space<vmem>>[vector<16xi32>, vector<16xi32>], vector<16xf32>,
          %add3A_1044 = arith.constant 1 : i32
          %add3A_1045 = vector.broadcast %add3A_1044 : i32 to vector<16xi32>
          %add3A_1046 = arith.addi %select_n3A_1031, %add3A_1045 : vector<16xi32>
          %ge3A_1047 = arith.constant 96 : i32
          %ge3A_1048 = vector.broadcast %ge3A_1047 : i32 to vector<16xi32>
          %ge3A_1049 = arith.cmpi sge, %add3A_1046, %ge3A_1048 : vector<16xi32>
          %sub3A_1050 = arith.constant 96 : i32
          %sub3A_1051 = vector.broadcast %sub3A_1050 : i32 to vector<16xi32>
          %sub3A_1052 = arith.subi %add3A_1046, %sub3A_1051 : vector<16xi32>
          %select_n3A_1053 = arith.select %ge3A_1049, %sub3A_1052, %add3A_1046 : vector<16xi1>, vector<16xi32>
          %add3A_1054 = arith.constant 1 : i32
          %add3A_1055 = vector.broadcast %add3A_1054 : i32 to vector<16xi32>
          %add3A_1056 = arith.addi %select_n3A_1041, %add3A_1055 : vector<16xi32>
          %ge3A_1057 = arith.constant 96 : i32
          %ge3A_1058 = vector.broadcast %ge3A_1057 : i32 to vector<16xi32>
          %ge3A_1059 = arith.cmpi sge, %add3A_1056, %ge3A_1058 : vector<16xi32>
          %sub3A_1060 = arith.constant 96 : i32
          %sub3A_1061 = vector.broadcast %sub3A_1060 : i32 to vector<16xi32>
          %sub3A_1062 = arith.subi %add3A_1056, %sub3A_1061 : vector<16xi32>
          %select_n3A_1063 = arith.select %ge3A_1059, %sub3A_1062, %add3A_1056 : vector<16xi1>, vector<16xi32>
          %gather3A_1064 = tpu.vector_load_idx %arg12[%get3A_642, %select_n3A_1053] : memref<56x128xf32, #tpu.memory_space<vmem>>[vector<16xi32>, vector<16xi32>], vector<16xf32>,
          %gather3A_1065 = tpu.vector_load_idx %arg12[%get3A_642, %select_n3A_1063] : memref<56x128xf32, #tpu.memory_space<vmem>>[vector<16xi32>, vector<16xi32>], vector<16xf32>,
          tpu.vector_store_idx %arg13[%add3A_646, %select_n3A_1053], %gather3A_1064 : memref<256x128xf32, #tpu.memory_space<vmem>>[vector<16xi32>, vector<16xi32>], vector<16xf32>,
          tpu.vector_store_idx %arg13[%add3A_646, %select_n3A_1063], %gather3A_1065 : memref<256x128xf32, #tpu.memory_space<vmem>>[vector<16xi32>, vector<16xi32>], vector<16xf32>,
          %add3A_1066 = arith.constant 1 : i32
          %add3A_1067 = vector.broadcast %add3A_1066 : i32 to vector<16xi32>
          %add3A_1068 = arith.addi %select_n3A_1053, %add3A_1067 : vector<16xi32>
          %ge3A_1069 = arith.constant 96 : i32
          %ge3A_1070 = vector.broadcast %ge3A_1069 : i32 to vector<16xi32>
          %ge3A_1071 = arith.cmpi sge, %add3A_1068, %ge3A_1070 : vector<16xi32>
          %sub3A_1072 = arith.constant 96 : i32
          %sub3A_1073 = vector.broadcast %sub3A_1072 : i32 to vector<16xi32>
          %sub3A_1074 = arith.subi %add3A_1068, %sub3A_1073 : vector<16xi32>
          %select_n3A_1075 = arith.select %ge3A_1071, %sub3A_1074, %add3A_1068 : vector<16xi1>, vector<16xi32>
          %add3A_1076 = arith.constant 1 : i32
          %add3A_1077 = vector.broadcast %add3A_1076 : i32 to vector<16xi32>
          %add3A_1078 = arith.addi %select_n3A_1063, %add3A_1077 : vector<16xi32>
          %ge3A_1079 = arith.constant 96 : i32
          %ge3A_1080 = vector.broadcast %ge3A_1079 : i32 to vector<16xi32>
          %ge3A_1081 = arith.cmpi sge, %add3A_1078, %ge3A_1080 : vector<16xi32>
          %sub3A_1082 = arith.constant 96 : i32
          %sub3A_1083 = vector.broadcast %sub3A_1082 : i32 to vector<16xi32>
          %sub3A_1084 = arith.subi %add3A_1078, %sub3A_1083 : vector<16xi32>
          %select_n3A_1085 = arith.select %ge3A_1081, %sub3A_1084, %add3A_1078 : vector<16xi1>, vector<16xi32>
          %gather3A_1086 = tpu.vector_load_idx %arg12[%get3A_642, %select_n3A_1075] : memref<56x128xf32, #tpu.memory_space<vmem>>[vector<16xi32>, vector<16xi32>], vector<16xf32>,
          %gather3A_1087 = tpu.vector_load_idx %arg12[%get3A_642, %select_n3A_1085] : memref<56x128xf32, #tpu.memory_space<vmem>>[vector<16xi32>, vector<16xi32>], vector<16xf32>,
          tpu.vector_store_idx %arg13[%add3A_646, %select_n3A_1075], %gather3A_1086 : memref<256x128xf32, #tpu.memory_space<vmem>>[vector<16xi32>, vector<16xi32>], vector<16xf32>,
          tpu.vector_store_idx %arg13[%add3A_646, %select_n3A_1085], %gather3A_1087 : memref<256x128xf32, #tpu.memory_space<vmem>>[vector<16xi32>, vector<16xi32>], vector<16xf32>,
          %add3A_1088 = arith.constant 1 : i32
          %add3A_1089 = vector.broadcast %add3A_1088 : i32 to vector<16xi32>
          %add3A_1090 = arith.addi %select_n3A_1075, %add3A_1089 : vector<16xi32>
          %ge3A_1091 = arith.constant 96 : i32
          %ge3A_1092 = vector.broadcast %ge3A_1091 : i32 to vector<16xi32>
          %ge3A_1093 = arith.cmpi sge, %add3A_1090, %ge3A_1092 : vector<16xi32>
          %sub3A_1094 = arith.constant 96 : i32
          %sub3A_1095 = vector.broadcast %sub3A_1094 : i32 to vector<16xi32>
          %sub3A_1096 = arith.subi %add3A_1090, %sub3A_1095 : vector<16xi32>
          %select_n3A_1097 = arith.select %ge3A_1093, %sub3A_1096, %add3A_1090 : vector<16xi1>, vector<16xi32>
          %add3A_1098 = arith.constant 1 : i32
          %add3A_1099 = vector.broadcast %add3A_1098 : i32 to vector<16xi32>
          %add3A_1100 = arith.addi %select_n3A_1085, %add3A_1099 : vector<16xi32>
          %ge3A_1101 = arith.constant 96 : i32
          %ge3A_1102 = vector.broadcast %ge3A_1101 : i32 to vector<16xi32>
          %ge3A_1103 = arith.cmpi sge, %add3A_1100, %ge3A_1102 : vector<16xi32>
          %sub3A_1104 = arith.constant 96 : i32
          %sub3A_1105 = vector.broadcast %sub3A_1104 : i32 to vector<16xi32>
          %sub3A_1106 = arith.subi %add3A_1100, %sub3A_1105 : vector<16xi32>
          %select_n3A_1107 = arith.select %ge3A_1103, %sub3A_1106, %add3A_1100 : vector<16xi1>, vector<16xi32>
          %gather3A_1108 = tpu.vector_load_idx %arg12[%get3A_642, %select_n3A_1097] : memref<56x128xf32, #tpu.memory_space<vmem>>[vector<16xi32>, vector<16xi32>], vector<16xf32>,
          %gather3A_1109 = tpu.vector_load_idx %arg12[%get3A_642, %select_n3A_1107] : memref<56x128xf32, #tpu.memory_space<vmem>>[vector<16xi32>, vector<16xi32>], vector<16xf32>,
          tpu.vector_store_idx %arg13[%add3A_646, %select_n3A_1097], %gather3A_1108 : memref<256x128xf32, #tpu.memory_space<vmem>>[vector<16xi32>, vector<16xi32>], vector<16xf32>,
          tpu.vector_store_idx %arg13[%add3A_646, %select_n3A_1107], %gather3A_1109 : memref<256x128xf32, #tpu.memory_space<vmem>>[vector<16xi32>, vector<16xi32>], vector<16xf32>,
          %add3A_1110 = arith.constant 1 : i32
          %add3A_1111 = vector.broadcast %add3A_1110 : i32 to vector<16xi32>
          %add3A_1112 = arith.addi %select_n3A_1097, %add3A_1111 : vector<16xi32>
          %ge3A_1113 = arith.constant 96 : i32
          %ge3A_1114 = vector.broadcast %ge3A_1113 : i32 to vector<16xi32>
          %ge3A_1115 = arith.cmpi sge, %add3A_1112, %ge3A_1114 : vector<16xi32>
          %sub3A_1116 = arith.constant 96 : i32
          %sub3A_1117 = vector.broadcast %sub3A_1116 : i32 to vector<16xi32>
          %sub3A_1118 = arith.subi %add3A_1112, %sub3A_1117 : vector<16xi32>
          %select_n3A_1119 = arith.select %ge3A_1115, %sub3A_1118, %add3A_1112 : vector<16xi1>, vector<16xi32>
          %add3A_1120 = arith.constant 1 : i32
          %add3A_1121 = vector.broadcast %add3A_1120 : i32 to vector<16xi32>
          %add3A_1122 = arith.addi %select_n3A_1107, %add3A_1121 : vector<16xi32>
          %ge3A_1123 = arith.constant 96 : i32
          %ge3A_1124 = vector.broadcast %ge3A_1123 : i32 to vector<16xi32>
          %ge3A_1125 = arith.cmpi sge, %add3A_1122, %ge3A_1124 : vector<16xi32>
          %sub3A_1126 = arith.constant 96 : i32
          %sub3A_1127 = vector.broadcast %sub3A_1126 : i32 to vector<16xi32>
          %sub3A_1128 = arith.subi %add3A_1122, %sub3A_1127 : vector<16xi32>
          %select_n3A_1129 = arith.select %ge3A_1125, %sub3A_1128, %add3A_1122 : vector<16xi1>, vector<16xi32>
          %gather3A_1130 = tpu.vector_load_idx %arg12[%get3A_642, %select_n3A_1119] : memref<56x128xf32, #tpu.memory_space<vmem>>[vector<16xi32>, vector<16xi32>], vector<16xf32>,
          %gather3A_1131 = tpu.vector_load_idx %arg12[%get3A_642, %select_n3A_1129] : memref<56x128xf32, #tpu.memory_space<vmem>>[vector<16xi32>, vector<16xi32>], vector<16xf32>,
          tpu.vector_store_idx %arg13[%add3A_646, %select_n3A_1119], %gather3A_1130 : memref<256x128xf32, #tpu.memory_space<vmem>>[vector<16xi32>, vector<16xi32>], vector<16xf32>,
          tpu.vector_store_idx %arg13[%add3A_646, %select_n3A_1129], %gather3A_1131 : memref<256x128xf32, #tpu.memory_space<vmem>>[vector<16xi32>, vector<16xi32>], vector<16xf32>,
          %add3A_1132 = arith.constant 1 : i32
          %add3A_1133 = vector.broadcast %add3A_1132 : i32 to vector<16xi32>
          %add3A_1134 = arith.addi %select_n3A_1119, %add3A_1133 : vector<16xi32>
          %ge3A_1135 = arith.constant 96 : i32
          %ge3A_1136 = vector.broadcast %ge3A_1135 : i32 to vector<16xi32>
          %ge3A_1137 = arith.cmpi sge, %add3A_1134, %ge3A_1136 : vector<16xi32>
          %sub3A_1138 = arith.constant 96 : i32
          %sub3A_1139 = vector.broadcast %sub3A_1138 : i32 to vector<16xi32>
          %sub3A_1140 = arith.subi %add3A_1134, %sub3A_1139 : vector<16xi32>
          %select_n3A_1141 = arith.select %ge3A_1137, %sub3A_1140, %add3A_1134 : vector<16xi1>, vector<16xi32>
          %add3A_1142 = arith.constant 1 : i32
          %add3A_1143 = vector.broadcast %add3A_1142 : i32 to vector<16xi32>
          %add3A_1144 = arith.addi %select_n3A_1129, %add3A_1143 : vector<16xi32>
          %ge3A_1145 = arith.constant 96 : i32
          %ge3A_1146 = vector.broadcast %ge3A_1145 : i32 to vector<16xi32>
          %ge3A_1147 = arith.cmpi sge, %add3A_1144, %ge3A_1146 : vector<16xi32>
          %sub3A_1148 = arith.constant 96 : i32
          %sub3A_1149 = vector.broadcast %sub3A_1148 : i32 to vector<16xi32>
          %sub3A_1150 = arith.subi %add3A_1144, %sub3A_1149 : vector<16xi32>
          %select_n3A_1151 = arith.select %ge3A_1147, %sub3A_1150, %add3A_1144 : vector<16xi1>, vector<16xi32>
          %gather3A_1152 = tpu.vector_load_idx %arg12[%get3A_642, %select_n3A_1141] : memref<56x128xf32, #tpu.memory_space<vmem>>[vector<16xi32>, vector<16xi32>], vector<16xf32>,
          %gather3A_1153 = tpu.vector_load_idx %arg12[%get3A_642, %select_n3A_1151] : memref<56x128xf32, #tpu.memory_space<vmem>>[vector<16xi32>, vector<16xi32>], vector<16xf32>,
          tpu.vector_store_idx %arg13[%add3A_646, %select_n3A_1141], %gather3A_1152 : memref<256x128xf32, #tpu.memory_space<vmem>>[vector<16xi32>, vector<16xi32>], vector<16xf32>,
          tpu.vector_store_idx %arg13[%add3A_646, %select_n3A_1151], %gather3A_1153 : memref<256x128xf32, #tpu.memory_space<vmem>>[vector<16xi32>, vector<16xi32>], vector<16xf32>,
          %add3A_1154 = arith.constant 1 : i32
          %add3A_1155 = vector.broadcast %add3A_1154 : i32 to vector<16xi32>
          %add3A_1156 = arith.addi %select_n3A_1141, %add3A_1155 : vector<16xi32>
          %ge3A_1157 = arith.constant 96 : i32
          %ge3A_1158 = vector.broadcast %ge3A_1157 : i32 to vector<16xi32>
          %ge3A_1159 = arith.cmpi sge, %add3A_1156, %ge3A_1158 : vector<16xi32>
          %sub3A_1160 = arith.constant 96 : i32
          %sub3A_1161 = vector.broadcast %sub3A_1160 : i32 to vector<16xi32>
          %sub3A_1162 = arith.subi %add3A_1156, %sub3A_1161 : vector<16xi32>
          %select_n3A_1163 = arith.select %ge3A_1159, %sub3A_1162, %add3A_1156 : vector<16xi1>, vector<16xi32>
          %add3A_1164 = arith.constant 1 : i32
          %add3A_1165 = vector.broadcast %add3A_1164 : i32 to vector<16xi32>
          %add3A_1166 = arith.addi %select_n3A_1151, %add3A_1165 : vector<16xi32>
          %ge3A_1167 = arith.constant 96 : i32
          %ge3A_1168 = vector.broadcast %ge3A_1167 : i32 to vector<16xi32>
          %ge3A_1169 = arith.cmpi sge, %add3A_1166, %ge3A_1168 : vector<16xi32>
          %sub3A_1170 = arith.constant 96 : i32
          %sub3A_1171 = vector.broadcast %sub3A_1170 : i32 to vector<16xi32>
          %sub3A_1172 = arith.subi %add3A_1166, %sub3A_1171 : vector<16xi32>
          %select_n3A_1173 = arith.select %ge3A_1169, %sub3A_1172, %add3A_1166 : vector<16xi1>, vector<16xi32>
          %gather3A_1174 = tpu.vector_load_idx %arg12[%get3A_642, %select_n3A_1163] : memref<56x128xf32, #tpu.memory_space<vmem>>[vector<16xi32>, vector<16xi32>], vector<16xf32>,
          %gather3A_1175 = tpu.vector_load_idx %arg12[%get3A_642, %select_n3A_1173] : memref<56x128xf32, #tpu.memory_space<vmem>>[vector<16xi32>, vector<16xi32>], vector<16xf32>,
          tpu.vector_store_idx %arg13[%add3A_646, %select_n3A_1163], %gather3A_1174 : memref<256x128xf32, #tpu.memory_space<vmem>>[vector<16xi32>, vector<16xi32>], vector<16xf32>,
          tpu.vector_store_idx %arg13[%add3A_646, %select_n3A_1173], %gather3A_1175 : memref<256x128xf32, #tpu.memory_space<vmem>>[vector<16xi32>, vector<16xi32>], vector<16xf32>,
          %add3A_1176 = arith.constant 1 : i32
          %add3A_1177 = vector.broadcast %add3A_1176 : i32 to vector<16xi32>
          %add3A_1178 = arith.addi %select_n3A_1163, %add3A_1177 : vector<16xi32>
          %ge3A_1179 = arith.constant 96 : i32
          %ge3A_1180 = vector.broadcast %ge3A_1179 : i32 to vector<16xi32>
          %ge3A_1181 = arith.cmpi sge, %add3A_1178, %ge3A_1180 : vector<16xi32>
          %sub3A_1182 = arith.constant 96 : i32
          %sub3A_1183 = vector.broadcast %sub3A_1182 : i32 to vector<16xi32>
          %sub3A_1184 = arith.subi %add3A_1178, %sub3A_1183 : vector<16xi32>
          %select_n3A_1185 = arith.select %ge3A_1181, %sub3A_1184, %add3A_1178 : vector<16xi1>, vector<16xi32>
          %add3A_1186 = arith.constant 1 : i32
          %add3A_1187 = vector.broadcast %add3A_1186 : i32 to vector<16xi32>
          %add3A_1188 = arith.addi %select_n3A_1173, %add3A_1187 : vector<16xi32>
          %ge3A_1189 = arith.constant 96 : i32
          %ge3A_1190 = vector.broadcast %ge3A_1189 : i32 to vector<16xi32>
          %ge3A_1191 = arith.cmpi sge, %add3A_1188, %ge3A_1190 : vector<16xi32>
          %sub3A_1192 = arith.constant 96 : i32
          %sub3A_1193 = vector.broadcast %sub3A_1192 : i32 to vector<16xi32>
          %sub3A_1194 = arith.subi %add3A_1188, %sub3A_1193 : vector<16xi32>
          %select_n3A_1195 = arith.select %ge3A_1191, %sub3A_1194, %add3A_1188 : vector<16xi1>, vector<16xi32>
          %gather3A_1196 = tpu.vector_load_idx %arg12[%get3A_642, %select_n3A_1185] : memref<56x128xf32, #tpu.memory_space<vmem>>[vector<16xi32>, vector<16xi32>], vector<16xf32>,
          %gather3A_1197 = tpu.vector_load_idx %arg12[%get3A_642, %select_n3A_1195] : memref<56x128xf32, #tpu.memory_space<vmem>>[vector<16xi32>, vector<16xi32>], vector<16xf32>,
          tpu.vector_store_idx %arg13[%add3A_646, %select_n3A_1185], %gather3A_1196 : memref<256x128xf32, #tpu.memory_space<vmem>>[vector<16xi32>, vector<16xi32>], vector<16xf32>,
          tpu.vector_store_idx %arg13[%add3A_646, %select_n3A_1195], %gather3A_1197 : memref<256x128xf32, #tpu.memory_space<vmem>>[vector<16xi32>, vector<16xi32>], vector<16xf32>,
          %add3A_1198 = arith.constant 1 : i32
          %add3A_1199 = vector.broadcast %add3A_1198 : i32 to vector<16xi32>
          %add3A_1200 = arith.addi %select_n3A_1185, %add3A_1199 : vector<16xi32>
          %ge3A_1201 = arith.constant 96 : i32
          %ge3A_1202 = vector.broadcast %ge3A_1201 : i32 to vector<16xi32>
          %ge3A_1203 = arith.cmpi sge, %add3A_1200, %ge3A_1202 : vector<16xi32>
          %sub3A_1204 = arith.constant 96 : i32
          %sub3A_1205 = vector.broadcast %sub3A_1204 : i32 to vector<16xi32>
          %sub3A_1206 = arith.subi %add3A_1200, %sub3A_1205 : vector<16xi32>
          %select_n3A_1207 = arith.select %ge3A_1203, %sub3A_1206, %add3A_1200 : vector<16xi1>, vector<16xi32>
          %add3A_1208 = arith.constant 1 : i32
          %add3A_1209 = vector.broadcast %add3A_1208 : i32 to vector<16xi32>
          %add3A_1210 = arith.addi %select_n3A_1195, %add3A_1209 : vector<16xi32>
          %ge3A_1211 = arith.constant 96 : i32
          %ge3A_1212 = vector.broadcast %ge3A_1211 : i32 to vector<16xi32>
          %ge3A_1213 = arith.cmpi sge, %add3A_1210, %ge3A_1212 : vector<16xi32>
          %sub3A_1214 = arith.constant 96 : i32
          %sub3A_1215 = vector.broadcast %sub3A_1214 : i32 to vector<16xi32>
          %sub3A_1216 = arith.subi %add3A_1210, %sub3A_1215 : vector<16xi32>
          %select_n3A_1217 = arith.select %ge3A_1213, %sub3A_1216, %add3A_1210 : vector<16xi1>, vector<16xi32>
          %gather3A_1218 = tpu.vector_load_idx %arg12[%get3A_642, %select_n3A_1207] : memref<56x128xf32, #tpu.memory_space<vmem>>[vector<16xi32>, vector<16xi32>], vector<16xf32>,
          %gather3A_1219 = tpu.vector_load_idx %arg12[%get3A_642, %select_n3A_1217] : memref<56x128xf32, #tpu.memory_space<vmem>>[vector<16xi32>, vector<16xi32>], vector<16xf32>,
          tpu.vector_store_idx %arg13[%add3A_646, %select_n3A_1207], %gather3A_1218 : memref<256x128xf32, #tpu.memory_space<vmem>>[vector<16xi32>, vector<16xi32>], vector<16xf32>,
          tpu.vector_store_idx %arg13[%add3A_646, %select_n3A_1217], %gather3A_1219 : memref<256x128xf32, #tpu.memory_space<vmem>>[vector<16xi32>, vector<16xi32>], vector<16xf32>,
          %add3A_1220 = arith.constant 1 : i32
          %add3A_1221 = vector.broadcast %add3A_1220 : i32 to vector<16xi32>
          %add3A_1222 = arith.addi %select_n3A_1207, %add3A_1221 : vector<16xi32>
          %ge3A_1223 = arith.constant 96 : i32
          %ge3A_1224 = vector.broadcast %ge3A_1223 : i32 to vector<16xi32>
          %ge3A_1225 = arith.cmpi sge, %add3A_1222, %ge3A_1224 : vector<16xi32>
          %sub3A_1226 = arith.constant 96 : i32
          %sub3A_1227 = vector.broadcast %sub3A_1226 : i32 to vector<16xi32>
          %sub3A_1228 = arith.subi %add3A_1222, %sub3A_1227 : vector<16xi32>
          %select_n3A_1229 = arith.select %ge3A_1225, %sub3A_1228, %add3A_1222 : vector<16xi1>, vector<16xi32>
          %add3A_1230 = arith.constant 1 : i32
          %add3A_1231 = vector.broadcast %add3A_1230 : i32 to vector<16xi32>
          %add3A_1232 = arith.addi %select_n3A_1217, %add3A_1231 : vector<16xi32>
          %ge3A_1233 = arith.constant 96 : i32
          %ge3A_1234 = vector.broadcast %ge3A_1233 : i32 to vector<16xi32>
          %ge3A_1235 = arith.cmpi sge, %add3A_1232, %ge3A_1234 : vector<16xi32>
          %sub3A_1236 = arith.constant 96 : i32
          %sub3A_1237 = vector.broadcast %sub3A_1236 : i32 to vector<16xi32>
          %sub3A_1238 = arith.subi %add3A_1232, %sub3A_1237 : vector<16xi32>
          %select_n3A_1239 = arith.select %ge3A_1235, %sub3A_1238, %add3A_1232 : vector<16xi1>, vector<16xi32>
          %gather3A_1240 = tpu.vector_load_idx %arg12[%get3A_642, %select_n3A_1229] : memref<56x128xf32, #tpu.memory_space<vmem>>[vector<16xi32>, vector<16xi32>], vector<16xf32>,
          %gather3A_1241 = tpu.vector_load_idx %arg12[%get3A_642, %select_n3A_1239] : memref<56x128xf32, #tpu.memory_space<vmem>>[vector<16xi32>, vector<16xi32>], vector<16xf32>,
          tpu.vector_store_idx %arg13[%add3A_646, %select_n3A_1229], %gather3A_1240 : memref<256x128xf32, #tpu.memory_space<vmem>>[vector<16xi32>, vector<16xi32>], vector<16xf32>,
          tpu.vector_store_idx %arg13[%add3A_646, %select_n3A_1239], %gather3A_1241 : memref<256x128xf32, #tpu.memory_space<vmem>>[vector<16xi32>, vector<16xi32>], vector<16xf32>,
          %add3A_1242 = arith.constant 1 : i32
          %add3A_1243 = vector.broadcast %add3A_1242 : i32 to vector<16xi32>
          %add3A_1244 = arith.addi %select_n3A_1229, %add3A_1243 : vector<16xi32>
          %ge3A_1245 = arith.constant 96 : i32
          %ge3A_1246 = vector.broadcast %ge3A_1245 : i32 to vector<16xi32>
          %ge3A_1247 = arith.cmpi sge, %add3A_1244, %ge3A_1246 : vector<16xi32>
          %sub3A_1248 = arith.constant 96 : i32
          %sub3A_1249 = vector.broadcast %sub3A_1248 : i32 to vector<16xi32>
          %sub3A_1250 = arith.subi %add3A_1244, %sub3A_1249 : vector<16xi32>
          %select_n3A_1251 = arith.select %ge3A_1247, %sub3A_1250, %add3A_1244 : vector<16xi1>, vector<16xi32>
          %add3A_1252 = arith.constant 1 : i32
          %add3A_1253 = vector.broadcast %add3A_1252 : i32 to vector<16xi32>
          %add3A_1254 = arith.addi %select_n3A_1239, %add3A_1253 : vector<16xi32>
          %ge3A_1255 = arith.constant 96 : i32
          %ge3A_1256 = vector.broadcast %ge3A_1255 : i32 to vector<16xi32>
          %ge3A_1257 = arith.cmpi sge, %add3A_1254, %ge3A_1256 : vector<16xi32>
          %sub3A_1258 = arith.constant 96 : i32
          %sub3A_1259 = vector.broadcast %sub3A_1258 : i32 to vector<16xi32>
          %sub3A_1260 = arith.subi %add3A_1254, %sub3A_1259 : vector<16xi32>
          %select_n3A_1261 = arith.select %ge3A_1257, %sub3A_1260, %add3A_1254 : vector<16xi1>, vector<16xi32>
          %gather3A_1262 = tpu.vector_load_idx %arg12[%get3A_642, %select_n3A_1251] : memref<56x128xf32, #tpu.memory_space<vmem>>[vector<16xi32>, vector<16xi32>], vector<16xf32>,
          %gather3A_1263 = tpu.vector_load_idx %arg12[%get3A_642, %select_n3A_1261] : memref<56x128xf32, #tpu.memory_space<vmem>>[vector<16xi32>, vector<16xi32>], vector<16xf32>,
          tpu.vector_store_idx %arg13[%add3A_646, %select_n3A_1251], %gather3A_1262 : memref<256x128xf32, #tpu.memory_space<vmem>>[vector<16xi32>, vector<16xi32>], vector<16xf32>,
          tpu.vector_store_idx %arg13[%add3A_646, %select_n3A_1261], %gather3A_1263 : memref<256x128xf32, #tpu.memory_space<vmem>>[vector<16xi32>, vector<16xi32>], vector<16xf32>,
          %add3A_1264 = arith.constant 1 : i32
          %add3A_1265 = vector.broadcast %add3A_1264 : i32 to vector<16xi32>
          %add3A_1266 = arith.addi %select_n3A_1251, %add3A_1265 : vector<16xi32>
          %ge3A_1267 = arith.constant 96 : i32
          %ge3A_1268 = vector.broadcast %ge3A_1267 : i32 to vector<16xi32>
          %ge3A_1269 = arith.cmpi sge, %add3A_1266, %ge3A_1268 : vector<16xi32>
          %sub3A_1270 = arith.constant 96 : i32
          %sub3A_1271 = vector.broadcast %sub3A_1270 : i32 to vector<16xi32>
          %sub3A_1272 = arith.subi %add3A_1266, %sub3A_1271 : vector<16xi32>
          %select_n3A_1273 = arith.select %ge3A_1269, %sub3A_1272, %add3A_1266 : vector<16xi1>, vector<16xi32>
          %add3A_1274 = arith.constant 1 : i32
          %add3A_1275 = vector.broadcast %add3A_1274 : i32 to vector<16xi32>
          %add3A_1276 = arith.addi %select_n3A_1261, %add3A_1275 : vector<16xi32>
          %ge3A_1277 = arith.constant 96 : i32
          %ge3A_1278 = vector.broadcast %ge3A_1277 : i32 to vector<16xi32>
          %ge3A_1279 = arith.cmpi sge, %add3A_1276, %ge3A_1278 : vector<16xi32>
          %sub3A_1280 = arith.constant 96 : i32
          %sub3A_1281 = vector.broadcast %sub3A_1280 : i32 to vector<16xi32>
          %sub3A_1282 = arith.subi %add3A_1276, %sub3A_1281 : vector<16xi32>
          %select_n3A_1283 = arith.select %ge3A_1279, %sub3A_1282, %add3A_1276 : vector<16xi1>, vector<16xi32>
          %gather3A_1284 = tpu.vector_load_idx %arg12[%get3A_642, %select_n3A_1273] : memref<56x128xf32, #tpu.memory_space<vmem>>[vector<16xi32>, vector<16xi32>], vector<16xf32>,
          %gather3A_1285 = tpu.vector_load_idx %arg12[%get3A_642, %select_n3A_1283] : memref<56x128xf32, #tpu.memory_space<vmem>>[vector<16xi32>, vector<16xi32>], vector<16xf32>,
          tpu.vector_store_idx %arg13[%add3A_646, %select_n3A_1273], %gather3A_1284 : memref<256x128xf32, #tpu.memory_space<vmem>>[vector<16xi32>, vector<16xi32>], vector<16xf32>,
          tpu.vector_store_idx %arg13[%add3A_646, %select_n3A_1283], %gather3A_1285 : memref<256x128xf32, #tpu.memory_space<vmem>>[vector<16xi32>, vector<16xi32>], vector<16xf32>,
          %add3A_1286 = arith.constant 1 : i32
          %add3A_1287 = vector.broadcast %add3A_1286 : i32 to vector<16xi32>
          %add3A_1288 = arith.addi %select_n3A_1273, %add3A_1287 : vector<16xi32>
          %ge3A_1289 = arith.constant 96 : i32
          %ge3A_1290 = vector.broadcast %ge3A_1289 : i32 to vector<16xi32>
          %ge3A_1291 = arith.cmpi sge, %add3A_1288, %ge3A_1290 : vector<16xi32>
          %sub3A_1292 = arith.constant 96 : i32
          %sub3A_1293 = vector.broadcast %sub3A_1292 : i32 to vector<16xi32>
          %sub3A_1294 = arith.subi %add3A_1288, %sub3A_1293 : vector<16xi32>
          %select_n3A_1295 = arith.select %ge3A_1291, %sub3A_1294, %add3A_1288 : vector<16xi1>, vector<16xi32>
          %add3A_1296 = arith.constant 1 : i32
          %add3A_1297 = vector.broadcast %add3A_1296 : i32 to vector<16xi32>
          %add3A_1298 = arith.addi %select_n3A_1283, %add3A_1297 : vector<16xi32>
          %ge3A_1299 = arith.constant 96 : i32
          %ge3A_1300 = vector.broadcast %ge3A_1299 : i32 to vector<16xi32>
          %ge3A_1301 = arith.cmpi sge, %add3A_1298, %ge3A_1300 : vector<16xi32>
          %sub3A_1302 = arith.constant 96 : i32
          %sub3A_1303 = vector.broadcast %sub3A_1302 : i32 to vector<16xi32>
          %sub3A_1304 = arith.subi %add3A_1298, %sub3A_1303 : vector<16xi32>
          %select_n3A_1305 = arith.select %ge3A_1301, %sub3A_1304, %add3A_1298 : vector<16xi1>, vector<16xi32>
          %gather3A_1306 = tpu.vector_load_idx %arg12[%get3A_642, %select_n3A_1295] : memref<56x128xf32, #tpu.memory_space<vmem>>[vector<16xi32>, vector<16xi32>], vector<16xf32>,
          %gather3A_1307 = tpu.vector_load_idx %arg12[%get3A_642, %select_n3A_1305] : memref<56x128xf32, #tpu.memory_space<vmem>>[vector<16xi32>, vector<16xi32>], vector<16xf32>,
          tpu.vector_store_idx %arg13[%add3A_646, %select_n3A_1295], %gather3A_1306 : memref<256x128xf32, #tpu.memory_space<vmem>>[vector<16xi32>, vector<16xi32>], vector<16xf32>,
          tpu.vector_store_idx %arg13[%add3A_646, %select_n3A_1305], %gather3A_1307 : memref<256x128xf32, #tpu.memory_space<vmem>>[vector<16xi32>, vector<16xi32>], vector<16xf32>,
          %add3A_1308 = arith.constant 1 : i32
          %add3A_1309 = vector.broadcast %add3A_1308 : i32 to vector<16xi32>
          %add3A_1310 = arith.addi %select_n3A_1295, %add3A_1309 : vector<16xi32>
          %ge3A_1311 = arith.constant 96 : i32
          %ge3A_1312 = vector.broadcast %ge3A_1311 : i32 to vector<16xi32>
          %ge3A_1313 = arith.cmpi sge, %add3A_1310, %ge3A_1312 : vector<16xi32>
          %sub3A_1314 = arith.constant 96 : i32
          %sub3A_1315 = vector.broadcast %sub3A_1314 : i32 to vector<16xi32>
          %sub3A_1316 = arith.subi %add3A_1310, %sub3A_1315 : vector<16xi32>
          %select_n3A_1317 = arith.select %ge3A_1313, %sub3A_1316, %add3A_1310 : vector<16xi1>, vector<16xi32>
          %add3A_1318 = arith.constant 1 : i32
          %add3A_1319 = vector.broadcast %add3A_1318 : i32 to vector<16xi32>
          %add3A_1320 = arith.addi %select_n3A_1305, %add3A_1319 : vector<16xi32>
          %ge3A_1321 = arith.constant 96 : i32
          %ge3A_1322 = vector.broadcast %ge3A_1321 : i32 to vector<16xi32>
          %ge3A_1323 = arith.cmpi sge, %add3A_1320, %ge3A_1322 : vector<16xi32>
          %sub3A_1324 = arith.constant 96 : i32
          %sub3A_1325 = vector.broadcast %sub3A_1324 : i32 to vector<16xi32>
          %sub3A_1326 = arith.subi %add3A_1320, %sub3A_1325 : vector<16xi32>
          %select_n3A_1327 = arith.select %ge3A_1323, %sub3A_1326, %add3A_1320 : vector<16xi1>, vector<16xi32>
          %gather3A_1328 = tpu.vector_load_idx %arg12[%get3A_642, %select_n3A_1317] : memref<56x128xf32, #tpu.memory_space<vmem>>[vector<16xi32>, vector<16xi32>], vector<16xf32>,
          %gather3A_1329 = tpu.vector_load_idx %arg12[%get3A_642, %select_n3A_1327] : memref<56x128xf32, #tpu.memory_space<vmem>>[vector<16xi32>, vector<16xi32>], vector<16xf32>,
          tpu.vector_store_idx %arg13[%add3A_646, %select_n3A_1317], %gather3A_1328 : memref<256x128xf32, #tpu.memory_space<vmem>>[vector<16xi32>, vector<16xi32>], vector<16xf32>,
          tpu.vector_store_idx %arg13[%add3A_646, %select_n3A_1327], %gather3A_1329 : memref<256x128xf32, #tpu.memory_space<vmem>>[vector<16xi32>, vector<16xi32>], vector<16xf32>,
          %add3A_1330 = arith.constant 1 : i32
          %add3A_1331 = vector.broadcast %add3A_1330 : i32 to vector<16xi32>
          %add3A_1332 = arith.addi %select_n3A_1317, %add3A_1331 : vector<16xi32>
          %ge3A_1333 = arith.constant 96 : i32
          %ge3A_1334 = vector.broadcast %ge3A_1333 : i32 to vector<16xi32>
          %ge3A_1335 = arith.cmpi sge, %add3A_1332, %ge3A_1334 : vector<16xi32>
          %sub3A_1336 = arith.constant 96 : i32
          %sub3A_1337 = vector.broadcast %sub3A_1336 : i32 to vector<16xi32>
          %sub3A_1338 = arith.subi %add3A_1332, %sub3A_1337 : vector<16xi32>
          %select_n3A_1339 = arith.select %ge3A_1335, %sub3A_1338, %add3A_1332 : vector<16xi1>, vector<16xi32>
          %add3A_1340 = arith.constant 1 : i32
          %add3A_1341 = vector.broadcast %add3A_1340 : i32 to vector<16xi32>
          %add3A_1342 = arith.addi %select_n3A_1327, %add3A_1341 : vector<16xi32>
          %ge3A_1343 = arith.constant 96 : i32
          %ge3A_1344 = vector.broadcast %ge3A_1343 : i32 to vector<16xi32>
          %ge3A_1345 = arith.cmpi sge, %add3A_1342, %ge3A_1344 : vector<16xi32>
          %sub3A_1346 = arith.constant 96 : i32
          %sub3A_1347 = vector.broadcast %sub3A_1346 : i32 to vector<16xi32>
          %sub3A_1348 = arith.subi %add3A_1342, %sub3A_1347 : vector<16xi32>
          %select_n3A_1349 = arith.select %ge3A_1345, %sub3A_1348, %add3A_1342 : vector<16xi1>, vector<16xi32>
          %gather3A_1350 = tpu.vector_load_idx %arg12[%get3A_642, %select_n3A_1339] : memref<56x128xf32, #tpu.memory_space<vmem>>[vector<16xi32>, vector<16xi32>], vector<16xf32>,
          %gather3A_1351 = tpu.vector_load_idx %arg12[%get3A_642, %select_n3A_1349] : memref<56x128xf32, #tpu.memory_space<vmem>>[vector<16xi32>, vector<16xi32>], vector<16xf32>,
          tpu.vector_store_idx %arg13[%add3A_646, %select_n3A_1339], %gather3A_1350 : memref<256x128xf32, #tpu.memory_space<vmem>>[vector<16xi32>, vector<16xi32>], vector<16xf32>,
          tpu.vector_store_idx %arg13[%add3A_646, %select_n3A_1349], %gather3A_1351 : memref<256x128xf32, #tpu.memory_space<vmem>>[vector<16xi32>, vector<16xi32>], vector<16xf32>,
          %add3A_1352 = arith.constant 1 : i32
          %add3A_1353 = vector.broadcast %add3A_1352 : i32 to vector<16xi32>
          %add3A_1354 = arith.addi %select_n3A_1339, %add3A_1353 : vector<16xi32>
          %ge3A_1355 = arith.constant 96 : i32
          %ge3A_1356 = vector.broadcast %ge3A_1355 : i32 to vector<16xi32>
          %ge3A_1357 = arith.cmpi sge, %add3A_1354, %ge3A_1356 : vector<16xi32>
          %sub3A_1358 = arith.constant 96 : i32
          %sub3A_1359 = vector.broadcast %sub3A_1358 : i32 to vector<16xi32>
          %sub3A_1360 = arith.subi %add3A_1354, %sub3A_1359 : vector<16xi32>
          %select_n3A_1361 = arith.select %ge3A_1357, %sub3A_1360, %add3A_1354 : vector<16xi1>, vector<16xi32>
          %add3A_1362 = arith.constant 1 : i32
          %add3A_1363 = vector.broadcast %add3A_1362 : i32 to vector<16xi32>
          %add3A_1364 = arith.addi %select_n3A_1349, %add3A_1363 : vector<16xi32>
          %ge3A_1365 = arith.constant 96 : i32
          %ge3A_1366 = vector.broadcast %ge3A_1365 : i32 to vector<16xi32>
          %ge3A_1367 = arith.cmpi sge, %add3A_1364, %ge3A_1366 : vector<16xi32>
          %sub3A_1368 = arith.constant 96 : i32
          %sub3A_1369 = vector.broadcast %sub3A_1368 : i32 to vector<16xi32>
          %sub3A_1370 = arith.subi %add3A_1364, %sub3A_1369 : vector<16xi32>
          %select_n3A_1371 = arith.select %ge3A_1367, %sub3A_1370, %add3A_1364 : vector<16xi1>, vector<16xi32>
          %gather3A_1372 = tpu.vector_load_idx %arg12[%get3A_642, %select_n3A_1361] : memref<56x128xf32, #tpu.memory_space<vmem>>[vector<16xi32>, vector<16xi32>], vector<16xf32>,
          %gather3A_1373 = tpu.vector_load_idx %arg12[%get3A_642, %select_n3A_1371] : memref<56x128xf32, #tpu.memory_space<vmem>>[vector<16xi32>, vector<16xi32>], vector<16xf32>,
          tpu.vector_store_idx %arg13[%add3A_646, %select_n3A_1361], %gather3A_1372 : memref<256x128xf32, #tpu.memory_space<vmem>>[vector<16xi32>, vector<16xi32>], vector<16xf32>,
          tpu.vector_store_idx %arg13[%add3A_646, %select_n3A_1371], %gather3A_1373 : memref<256x128xf32, #tpu.memory_space<vmem>>[vector<16xi32>, vector<16xi32>], vector<16xf32>,
          %add3A_1374 = arith.constant 1 : i32
          %add3A_1375 = vector.broadcast %add3A_1374 : i32 to vector<16xi32>
          %add3A_1376 = arith.addi %select_n3A_1361, %add3A_1375 : vector<16xi32>
          %ge3A_1377 = arith.constant 96 : i32
          %ge3A_1378 = vector.broadcast %ge3A_1377 : i32 to vector<16xi32>
          %ge3A_1379 = arith.cmpi sge, %add3A_1376, %ge3A_1378 : vector<16xi32>
          %sub3A_1380 = arith.constant 96 : i32
          %sub3A_1381 = vector.broadcast %sub3A_1380 : i32 to vector<16xi32>
          %sub3A_1382 = arith.subi %add3A_1376, %sub3A_1381 : vector<16xi32>
          %select_n3A_1383 = arith.select %ge3A_1379, %sub3A_1382, %add3A_1376 : vector<16xi1>, vector<16xi32>
          %add3A_1384 = arith.constant 1 : i32
          %add3A_1385 = vector.broadcast %add3A_1384 : i32 to vector<16xi32>
          %add3A_1386 = arith.addi %select_n3A_1371, %add3A_1385 : vector<16xi32>
          %ge3A_1387 = arith.constant 96 : i32
          %ge3A_1388 = vector.broadcast %ge3A_1387 : i32 to vector<16xi32>
          %ge3A_1389 = arith.cmpi sge, %add3A_1386, %ge3A_1388 : vector<16xi32>
          %sub3A_1390 = arith.constant 96 : i32
          %sub3A_1391 = vector.broadcast %sub3A_1390 : i32 to vector<16xi32>
          %sub3A_1392 = arith.subi %add3A_1386, %sub3A_1391 : vector<16xi32>
          %select_n3A_1393 = arith.select %ge3A_1389, %sub3A_1392, %add3A_1386 : vector<16xi1>, vector<16xi32>
          %gather3A_1394 = tpu.vector_load_idx %arg12[%get3A_642, %select_n3A_1383] : memref<56x128xf32, #tpu.memory_space<vmem>>[vector<16xi32>, vector<16xi32>], vector<16xf32>,
          %gather3A_1395 = tpu.vector_load_idx %arg12[%get3A_642, %select_n3A_1393] : memref<56x128xf32, #tpu.memory_space<vmem>>[vector<16xi32>, vector<16xi32>], vector<16xf32>,
          tpu.vector_store_idx %arg13[%add3A_646, %select_n3A_1383], %gather3A_1394 : memref<256x128xf32, #tpu.memory_space<vmem>>[vector<16xi32>, vector<16xi32>], vector<16xf32>,
          tpu.vector_store_idx %arg13[%add3A_646, %select_n3A_1393], %gather3A_1395 : memref<256x128xf32, #tpu.memory_space<vmem>>[vector<16xi32>, vector<16xi32>], vector<16xf32>,
          %add3A_1396 = arith.constant 1 : i32
          %add3A_1397 = vector.broadcast %add3A_1396 : i32 to vector<16xi32>
          %add3A_1398 = arith.addi %select_n3A_1383, %add3A_1397 : vector<16xi32>
          %ge3A_1399 = arith.constant 96 : i32
          %ge3A_1400 = vector.broadcast %ge3A_1399 : i32 to vector<16xi32>
          %ge3A_1401 = arith.cmpi sge, %add3A_1398, %ge3A_1400 : vector<16xi32>
          %sub3A_1402 = arith.constant 96 : i32
          %sub3A_1403 = vector.broadcast %sub3A_1402 : i32 to vector<16xi32>
          %sub3A_1404 = arith.subi %add3A_1398, %sub3A_1403 : vector<16xi32>
          %select_n3A_1405 = arith.select %ge3A_1401, %sub3A_1404, %add3A_1398 : vector<16xi1>, vector<16xi32>
          %add3A_1406 = arith.constant 1 : i32
          %add3A_1407 = vector.broadcast %add3A_1406 : i32 to vector<16xi32>
          %add3A_1408 = arith.addi %select_n3A_1393, %add3A_1407 : vector<16xi32>
          %ge3A_1409 = arith.constant 96 : i32
          %ge3A_1410 = vector.broadcast %ge3A_1409 : i32 to vector<16xi32>
          %ge3A_1411 = arith.cmpi sge, %add3A_1408, %ge3A_1410 : vector<16xi32>
          %sub3A_1412 = arith.constant 96 : i32
          %sub3A_1413 = vector.broadcast %sub3A_1412 : i32 to vector<16xi32>
          %sub3A_1414 = arith.subi %add3A_1408, %sub3A_1413 : vector<16xi32>
          %select_n3A_1415 = arith.select %ge3A_1411, %sub3A_1414, %add3A_1408 : vector<16xi1>, vector<16xi32>
          %gather3A_1416 = tpu.vector_load_idx %arg12[%get3A_642, %select_n3A_1405] : memref<56x128xf32, #tpu.memory_space<vmem>>[vector<16xi32>, vector<16xi32>], vector<16xf32>,
          %gather3A_1417 = tpu.vector_load_idx %arg12[%get3A_642, %select_n3A_1415] : memref<56x128xf32, #tpu.memory_space<vmem>>[vector<16xi32>, vector<16xi32>], vector<16xf32>,
          tpu.vector_store_idx %arg13[%add3A_646, %select_n3A_1405], %gather3A_1416 : memref<256x128xf32, #tpu.memory_space<vmem>>[vector<16xi32>, vector<16xi32>], vector<16xf32>,
          tpu.vector_store_idx %arg13[%add3A_646, %select_n3A_1415], %gather3A_1417 : memref<256x128xf32, #tpu.memory_space<vmem>>[vector<16xi32>, vector<16xi32>], vector<16xf32>,
          %add3A_1418 = arith.constant 1 : i32
          %add3A_1419 = vector.broadcast %add3A_1418 : i32 to vector<16xi32>
          %add3A_1420 = arith.addi %select_n3A_1405, %add3A_1419 : vector<16xi32>
          %ge3A_1421 = arith.constant 96 : i32
          %ge3A_1422 = vector.broadcast %ge3A_1421 : i32 to vector<16xi32>
          %ge3A_1423 = arith.cmpi sge, %add3A_1420, %ge3A_1422 : vector<16xi32>
          %sub3A_1424 = arith.constant 96 : i32
          %sub3A_1425 = vector.broadcast %sub3A_1424 : i32 to vector<16xi32>
          %sub3A_1426 = arith.subi %add3A_1420, %sub3A_1425 : vector<16xi32>
          %select_n3A_1427 = arith.select %ge3A_1423, %sub3A_1426, %add3A_1420 : vector<16xi1>, vector<16xi32>
          %add3A_1428 = arith.constant 1 : i32
          %add3A_1429 = vector.broadcast %add3A_1428 : i32 to vector<16xi32>
          %add3A_1430 = arith.addi %select_n3A_1415, %add3A_1429 : vector<16xi32>
          %ge3A_1431 = arith.constant 96 : i32
          %ge3A_1432 = vector.broadcast %ge3A_1431 : i32 to vector<16xi32>
          %ge3A_1433 = arith.cmpi sge, %add3A_1430, %ge3A_1432 : vector<16xi32>
          %sub3A_1434 = arith.constant 96 : i32
          %sub3A_1435 = vector.broadcast %sub3A_1434 : i32 to vector<16xi32>
          %sub3A_1436 = arith.subi %add3A_1430, %sub3A_1435 : vector<16xi32>
          %select_n3A_1437 = arith.select %ge3A_1433, %sub3A_1436, %add3A_1430 : vector<16xi1>, vector<16xi32>
          %gather3A_1438 = tpu.vector_load_idx %arg12[%get3A_642, %select_n3A_1427] : memref<56x128xf32, #tpu.memory_space<vmem>>[vector<16xi32>, vector<16xi32>], vector<16xf32>,
          %gather3A_1439 = tpu.vector_load_idx %arg12[%get3A_642, %select_n3A_1437] : memref<56x128xf32, #tpu.memory_space<vmem>>[vector<16xi32>, vector<16xi32>], vector<16xf32>,
          tpu.vector_store_idx %arg13[%add3A_646, %select_n3A_1427], %gather3A_1438 : memref<256x128xf32, #tpu.memory_space<vmem>>[vector<16xi32>, vector<16xi32>], vector<16xf32>,
          tpu.vector_store_idx %arg13[%add3A_646, %select_n3A_1437], %gather3A_1439 : memref<256x128xf32, #tpu.memory_space<vmem>>[vector<16xi32>, vector<16xi32>], vector<16xf32>,
          %add3A_1440 = arith.constant 1 : i32
          %add3A_1441 = vector.broadcast %add3A_1440 : i32 to vector<16xi32>
          %add3A_1442 = arith.addi %select_n3A_1427, %add3A_1441 : vector<16xi32>
          %ge3A_1443 = arith.constant 96 : i32
          %ge3A_1444 = vector.broadcast %ge3A_1443 : i32 to vector<16xi32>
          %ge3A_1445 = arith.cmpi sge, %add3A_1442, %ge3A_1444 : vector<16xi32>
          %sub3A_1446 = arith.constant 96 : i32
          %sub3A_1447 = vector.broadcast %sub3A_1446 : i32 to vector<16xi32>
          %sub3A_1448 = arith.subi %add3A_1442, %sub3A_1447 : vector<16xi32>
          %select_n3A_1449 = arith.select %ge3A_1445, %sub3A_1448, %add3A_1442 : vector<16xi1>, vector<16xi32>
          %add3A_1450 = arith.constant 1 : i32
          %add3A_1451 = vector.broadcast %add3A_1450 : i32 to vector<16xi32>
          %add3A_1452 = arith.addi %select_n3A_1437, %add3A_1451 : vector<16xi32>
          %ge3A_1453 = arith.constant 96 : i32
          %ge3A_1454 = vector.broadcast %ge3A_1453 : i32 to vector<16xi32>
          %ge3A_1455 = arith.cmpi sge, %add3A_1452, %ge3A_1454 : vector<16xi32>
          %sub3A_1456 = arith.constant 96 : i32
          %sub3A_1457 = vector.broadcast %sub3A_1456 : i32 to vector<16xi32>
          %sub3A_1458 = arith.subi %add3A_1452, %sub3A_1457 : vector<16xi32>
          %select_n3A_1459 = arith.select %ge3A_1455, %sub3A_1458, %add3A_1452 : vector<16xi1>, vector<16xi32>
          %gather3A_1460 = tpu.vector_load_idx %arg12[%get3A_642, %select_n3A_1449] : memref<56x128xf32, #tpu.memory_space<vmem>>[vector<16xi32>, vector<16xi32>], vector<16xf32>,
          %gather3A_1461 = tpu.vector_load_idx %arg12[%get3A_642, %select_n3A_1459] : memref<56x128xf32, #tpu.memory_space<vmem>>[vector<16xi32>, vector<16xi32>], vector<16xf32>,
          tpu.vector_store_idx %arg13[%add3A_646, %select_n3A_1449], %gather3A_1460 : memref<256x128xf32, #tpu.memory_space<vmem>>[vector<16xi32>, vector<16xi32>], vector<16xf32>,
          tpu.vector_store_idx %arg13[%add3A_646, %select_n3A_1459], %gather3A_1461 : memref<256x128xf32, #tpu.memory_space<vmem>>[vector<16xi32>, vector<16xi32>], vector<16xf32>,
          %add3A_1462 = arith.constant 1 : i32
          %add3A_1463 = vector.broadcast %add3A_1462 : i32 to vector<16xi32>
          %add3A_1464 = arith.addi %select_n3A_1449, %add3A_1463 : vector<16xi32>
          %ge3A_1465 = arith.constant 96 : i32
          %ge3A_1466 = vector.broadcast %ge3A_1465 : i32 to vector<16xi32>
          %ge3A_1467 = arith.cmpi sge, %add3A_1464, %ge3A_1466 : vector<16xi32>
          %sub3A_1468 = arith.constant 96 : i32
          %sub3A_1469 = vector.broadcast %sub3A_1468 : i32 to vector<16xi32>
          %sub3A_1470 = arith.subi %add3A_1464, %sub3A_1469 : vector<16xi32>
          %select_n3A_1471 = arith.select %ge3A_1467, %sub3A_1470, %add3A_1464 : vector<16xi1>, vector<16xi32>
          %add3A_1472 = arith.constant 1 : i32
          %add3A_1473 = vector.broadcast %add3A_1472 : i32 to vector<16xi32>
          %add3A_1474 = arith.addi %select_n3A_1459, %add3A_1473 : vector<16xi32>
          %ge3A_1475 = arith.constant 96 : i32
          %ge3A_1476 = vector.broadcast %ge3A_1475 : i32 to vector<16xi32>
          %ge3A_1477 = arith.cmpi sge, %add3A_1474, %ge3A_1476 : vector<16xi32>
          %sub3A_1478 = arith.constant 96 : i32
          %sub3A_1479 = vector.broadcast %sub3A_1478 : i32 to vector<16xi32>
          %sub3A_1480 = arith.subi %add3A_1474, %sub3A_1479 : vector<16xi32>
          %select_n3A_1481 = arith.select %ge3A_1477, %sub3A_1480, %add3A_1474 : vector<16xi1>, vector<16xi32>
          %gather3A_1482 = tpu.vector_load_idx %arg12[%get3A_642, %select_n3A_1471] : memref<56x128xf32, #tpu.memory_space<vmem>>[vector<16xi32>, vector<16xi32>], vector<16xf32>,
          %gather3A_1483 = tpu.vector_load_idx %arg12[%get3A_642, %select_n3A_1481] : memref<56x128xf32, #tpu.memory_space<vmem>>[vector<16xi32>, vector<16xi32>], vector<16xf32>,
          tpu.vector_store_idx %arg13[%add3A_646, %select_n3A_1471], %gather3A_1482 : memref<256x128xf32, #tpu.memory_space<vmem>>[vector<16xi32>, vector<16xi32>], vector<16xf32>,
          tpu.vector_store_idx %arg13[%add3A_646, %select_n3A_1481], %gather3A_1483 : memref<256x128xf32, #tpu.memory_space<vmem>>[vector<16xi32>, vector<16xi32>], vector<16xf32>,
          %add3A_1484 = arith.constant 1 : i32
          %add3A_1485 = vector.broadcast %add3A_1484 : i32 to vector<16xi32>
          %add3A_1486 = arith.addi %select_n3A_1471, %add3A_1485 : vector<16xi32>
          %ge3A_1487 = arith.constant 96 : i32
          %ge3A_1488 = vector.broadcast %ge3A_1487 : i32 to vector<16xi32>
          %ge3A_1489 = arith.cmpi sge, %add3A_1486, %ge3A_1488 : vector<16xi32>
          %sub3A_1490 = arith.constant 96 : i32
          %sub3A_1491 = vector.broadcast %sub3A_1490 : i32 to vector<16xi32>
          %sub3A_1492 = arith.subi %add3A_1486, %sub3A_1491 : vector<16xi32>
          %select_n3A_1493 = arith.select %ge3A_1489, %sub3A_1492, %add3A_1486 : vector<16xi1>, vector<16xi32>
          %add3A_1494 = arith.constant 1 : i32
          %add3A_1495 = vector.broadcast %add3A_1494 : i32 to vector<16xi32>
          %add3A_1496 = arith.addi %select_n3A_1481, %add3A_1495 : vector<16xi32>
          %ge3A_1497 = arith.constant 96 : i32
          %ge3A_1498 = vector.broadcast %ge3A_1497 : i32 to vector<16xi32>
          %ge3A_1499 = arith.cmpi sge, %add3A_1496, %ge3A_1498 : vector<16xi32>
          %sub3A_1500 = arith.constant 96 : i32
          %sub3A_1501 = vector.broadcast %sub3A_1500 : i32 to vector<16xi32>
          %sub3A_1502 = arith.subi %add3A_1496, %sub3A_1501 : vector<16xi32>
          %select_n3A_1503 = arith.select %ge3A_1499, %sub3A_1502, %add3A_1496 : vector<16xi1>, vector<16xi32>
          %gather3A_1504 = tpu.vector_load_idx %arg12[%get3A_642, %select_n3A_1493] : memref<56x128xf32, #tpu.memory_space<vmem>>[vector<16xi32>, vector<16xi32>], vector<16xf32>,
          %gather3A_1505 = tpu.vector_load_idx %arg12[%get3A_642, %select_n3A_1503] : memref<56x128xf32, #tpu.memory_space<vmem>>[vector<16xi32>, vector<16xi32>], vector<16xf32>,
          tpu.vector_store_idx %arg13[%add3A_646, %select_n3A_1493], %gather3A_1504 : memref<256x128xf32, #tpu.memory_space<vmem>>[vector<16xi32>, vector<16xi32>], vector<16xf32>,
          tpu.vector_store_idx %arg13[%add3A_646, %select_n3A_1503], %gather3A_1505 : memref<256x128xf32, #tpu.memory_space<vmem>>[vector<16xi32>, vector<16xi32>], vector<16xf32>,
          %add3A_1506 = arith.constant 1 : i32
          %add3A_1507 = vector.broadcast %add3A_1506 : i32 to vector<16xi32>
          %add3A_1508 = arith.addi %select_n3A_1493, %add3A_1507 : vector<16xi32>
          %ge3A_1509 = arith.constant 96 : i32
          %ge3A_1510 = vector.broadcast %ge3A_1509 : i32 to vector<16xi32>
          %ge3A_1511 = arith.cmpi sge, %add3A_1508, %ge3A_1510 : vector<16xi32>
          %sub3A_1512 = arith.constant 96 : i32
          %sub3A_1513 = vector.broadcast %sub3A_1512 : i32 to vector<16xi32>
          %sub3A_1514 = arith.subi %add3A_1508, %sub3A_1513 : vector<16xi32>
          %select_n3A_1515 = arith.select %ge3A_1511, %sub3A_1514, %add3A_1508 : vector<16xi1>, vector<16xi32>
          %add3A_1516 = arith.constant 1 : i32
          %add3A_1517 = vector.broadcast %add3A_1516 : i32 to vector<16xi32>
          %add3A_1518 = arith.addi %select_n3A_1503, %add3A_1517 : vector<16xi32>
          %ge3A_1519 = arith.constant 96 : i32
          %ge3A_1520 = vector.broadcast %ge3A_1519 : i32 to vector<16xi32>
          %ge3A_1521 = arith.cmpi sge, %add3A_1518, %ge3A_1520 : vector<16xi32>
          %sub3A_1522 = arith.constant 96 : i32
          %sub3A_1523 = vector.broadcast %sub3A_1522 : i32 to vector<16xi32>
          %sub3A_1524 = arith.subi %add3A_1518, %sub3A_1523 : vector<16xi32>
          %select_n3A_1525 = arith.select %ge3A_1521, %sub3A_1524, %add3A_1518 : vector<16xi1>, vector<16xi32>
          %gather3A_1526 = tpu.vector_load_idx %arg12[%get3A_642, %select_n3A_1515] : memref<56x128xf32, #tpu.memory_space<vmem>>[vector<16xi32>, vector<16xi32>], vector<16xf32>,
          %gather3A_1527 = tpu.vector_load_idx %arg12[%get3A_642, %select_n3A_1525] : memref<56x128xf32, #tpu.memory_space<vmem>>[vector<16xi32>, vector<16xi32>], vector<16xf32>,
          tpu.vector_store_idx %arg13[%add3A_646, %select_n3A_1515], %gather3A_1526 : memref<256x128xf32, #tpu.memory_space<vmem>>[vector<16xi32>, vector<16xi32>], vector<16xf32>,
          tpu.vector_store_idx %arg13[%add3A_646, %select_n3A_1525], %gather3A_1527 : memref<256x128xf32, #tpu.memory_space<vmem>>[vector<16xi32>, vector<16xi32>], vector<16xf32>,
          %add3A_1528 = arith.constant 1 : i32
          %add3A_1529 = vector.broadcast %add3A_1528 : i32 to vector<16xi32>
          %add3A_1530 = arith.addi %select_n3A_1515, %add3A_1529 : vector<16xi32>
          %ge3A_1531 = arith.constant 96 : i32
          %ge3A_1532 = vector.broadcast %ge3A_1531 : i32 to vector<16xi32>
          %ge3A_1533 = arith.cmpi sge, %add3A_1530, %ge3A_1532 : vector<16xi32>
          %sub3A_1534 = arith.constant 96 : i32
          %sub3A_1535 = vector.broadcast %sub3A_1534 : i32 to vector<16xi32>
          %sub3A_1536 = arith.subi %add3A_1530, %sub3A_1535 : vector<16xi32>
          %select_n3A_1537 = arith.select %ge3A_1533, %sub3A_1536, %add3A_1530 : vector<16xi1>, vector<16xi32>
          %add3A_1538 = arith.constant 1 : i32
          %add3A_1539 = vector.broadcast %add3A_1538 : i32 to vector<16xi32>
          %add3A_1540 = arith.addi %select_n3A_1525, %add3A_1539 : vector<16xi32>
          %ge3A_1541 = arith.constant 96 : i32
          %ge3A_1542 = vector.broadcast %ge3A_1541 : i32 to vector<16xi32>
          %ge3A_1543 = arith.cmpi sge, %add3A_1540, %ge3A_1542 : vector<16xi32>
          %sub3A_1544 = arith.constant 96 : i32
          %sub3A_1545 = vector.broadcast %sub3A_1544 : i32 to vector<16xi32>
          %sub3A_1546 = arith.subi %add3A_1540, %sub3A_1545 : vector<16xi32>
          %select_n3A_1547 = arith.select %ge3A_1543, %sub3A_1546, %add3A_1540 : vector<16xi1>, vector<16xi32>
          %gather3A_1548 = tpu.vector_load_idx %arg12[%get3A_642, %select_n3A_1537] : memref<56x128xf32, #tpu.memory_space<vmem>>[vector<16xi32>, vector<16xi32>], vector<16xf32>,
          %gather3A_1549 = tpu.vector_load_idx %arg12[%get3A_642, %select_n3A_1547] : memref<56x128xf32, #tpu.memory_space<vmem>>[vector<16xi32>, vector<16xi32>], vector<16xf32>,
          tpu.vector_store_idx %arg13[%add3A_646, %select_n3A_1537], %gather3A_1548 : memref<256x128xf32, #tpu.memory_space<vmem>>[vector<16xi32>, vector<16xi32>], vector<16xf32>,
          tpu.vector_store_idx %arg13[%add3A_646, %select_n3A_1547], %gather3A_1549 : memref<256x128xf32, #tpu.memory_space<vmem>>[vector<16xi32>, vector<16xi32>], vector<16xf32>,
          %add3A_1550 = arith.constant 1 : i32
          %add3A_1551 = vector.broadcast %add3A_1550 : i32 to vector<16xi32>
          %add3A_1552 = arith.addi %select_n3A_1537, %add3A_1551 : vector<16xi32>
          %ge3A_1553 = arith.constant 96 : i32
          %ge3A_1554 = vector.broadcast %ge3A_1553 : i32 to vector<16xi32>
          %ge3A_1555 = arith.cmpi sge, %add3A_1552, %ge3A_1554 : vector<16xi32>
          %sub3A_1556 = arith.constant 96 : i32
          %sub3A_1557 = vector.broadcast %sub3A_1556 : i32 to vector<16xi32>
          %sub3A_1558 = arith.subi %add3A_1552, %sub3A_1557 : vector<16xi32>
          %select_n3A_1559 = arith.select %ge3A_1555, %sub3A_1558, %add3A_1552 : vector<16xi1>, vector<16xi32>
          %add3A_1560 = arith.constant 1 : i32
          %add3A_1561 = vector.broadcast %add3A_1560 : i32 to vector<16xi32>
          %add3A_1562 = arith.addi %select_n3A_1547, %add3A_1561 : vector<16xi32>
          %ge3A_1563 = arith.constant 96 : i32
          %ge3A_1564 = vector.broadcast %ge3A_1563 : i32 to vector<16xi32>
          %ge3A_1565 = arith.cmpi sge, %add3A_1562, %ge3A_1564 : vector<16xi32>
          %sub3A_1566 = arith.constant 96 : i32
          %sub3A_1567 = vector.broadcast %sub3A_1566 : i32 to vector<16xi32>
          %sub3A_1568 = arith.subi %add3A_1562, %sub3A_1567 : vector<16xi32>
          %select_n3A_1569 = arith.select %ge3A_1565, %sub3A_1568, %add3A_1562 : vector<16xi1>, vector<16xi32>
          %gather3A_1570 = tpu.vector_load_idx %arg12[%get3A_642, %select_n3A_1559] : memref<56x128xf32, #tpu.memory_space<vmem>>[vector<16xi32>, vector<16xi32>], vector<16xf32>,
          %gather3A_1571 = tpu.vector_load_idx %arg12[%get3A_642, %select_n3A_1569] : memref<56x128xf32, #tpu.memory_space<vmem>>[vector<16xi32>, vector<16xi32>], vector<16xf32>,
          tpu.vector_store_idx %arg13[%add3A_646, %select_n3A_1559], %gather3A_1570 : memref<256x128xf32, #tpu.memory_space<vmem>>[vector<16xi32>, vector<16xi32>], vector<16xf32>,
          tpu.vector_store_idx %arg13[%add3A_646, %select_n3A_1569], %gather3A_1571 : memref<256x128xf32, #tpu.memory_space<vmem>>[vector<16xi32>, vector<16xi32>], vector<16xf32>,
          %add3A_1572 = arith.constant 1 : i32
          %add3A_1573 = vector.broadcast %add3A_1572 : i32 to vector<16xi32>
          %add3A_1574 = arith.addi %select_n3A_1559, %add3A_1573 : vector<16xi32>
          %ge3A_1575 = arith.constant 96 : i32
          %ge3A_1576 = vector.broadcast %ge3A_1575 : i32 to vector<16xi32>
          %ge3A_1577 = arith.cmpi sge, %add3A_1574, %ge3A_1576 : vector<16xi32>
          %sub3A_1578 = arith.constant 96 : i32
          %sub3A_1579 = vector.broadcast %sub3A_1578 : i32 to vector<16xi32>
          %sub3A_1580 = arith.subi %add3A_1574, %sub3A_1579 : vector<16xi32>
          %select_n3A_1581 = arith.select %ge3A_1577, %sub3A_1580, %add3A_1574 : vector<16xi1>, vector<16xi32>
          %add3A_1582 = arith.constant 1 : i32
          %add3A_1583 = vector.broadcast %add3A_1582 : i32 to vector<16xi32>
          %add3A_1584 = arith.addi %select_n3A_1569, %add3A_1583 : vector<16xi32>
          %ge3A_1585 = arith.constant 96 : i32
          %ge3A_1586 = vector.broadcast %ge3A_1585 : i32 to vector<16xi32>
          %ge3A_1587 = arith.cmpi sge, %add3A_1584, %ge3A_1586 : vector<16xi32>
          %sub3A_1588 = arith.constant 96 : i32
          %sub3A_1589 = vector.broadcast %sub3A_1588 : i32 to vector<16xi32>
          %sub3A_1590 = arith.subi %add3A_1584, %sub3A_1589 : vector<16xi32>
          %select_n3A_1591 = arith.select %ge3A_1587, %sub3A_1590, %add3A_1584 : vector<16xi1>, vector<16xi32>
          %gather3A_1592 = tpu.vector_load_idx %arg12[%get3A_642, %select_n3A_1581] : memref<56x128xf32, #tpu.memory_space<vmem>>[vector<16xi32>, vector<16xi32>], vector<16xf32>,
          %gather3A_1593 = tpu.vector_load_idx %arg12[%get3A_642, %select_n3A_1591] : memref<56x128xf32, #tpu.memory_space<vmem>>[vector<16xi32>, vector<16xi32>], vector<16xf32>,
          tpu.vector_store_idx %arg13[%add3A_646, %select_n3A_1581], %gather3A_1592 : memref<256x128xf32, #tpu.memory_space<vmem>>[vector<16xi32>, vector<16xi32>], vector<16xf32>,
          tpu.vector_store_idx %arg13[%add3A_646, %select_n3A_1591], %gather3A_1593 : memref<256x128xf32, #tpu.memory_space<vmem>>[vector<16xi32>, vector<16xi32>], vector<16xf32>,
          %add3A_1594 = arith.constant 1 : i32
          %add3A_1595 = vector.broadcast %add3A_1594 : i32 to vector<16xi32>
          %add3A_1596 = arith.addi %select_n3A_1581, %add3A_1595 : vector<16xi32>
          %ge3A_1597 = arith.constant 96 : i32
          %ge3A_1598 = vector.broadcast %ge3A_1597 : i32 to vector<16xi32>
          %ge3A_1599 = arith.cmpi sge, %add3A_1596, %ge3A_1598 : vector<16xi32>
          %sub3A_1600 = arith.constant 96 : i32
          %sub3A_1601 = vector.broadcast %sub3A_1600 : i32 to vector<16xi32>
          %sub3A_1602 = arith.subi %add3A_1596, %sub3A_1601 : vector<16xi32>
          %select_n3A_1603 = arith.select %ge3A_1599, %sub3A_1602, %add3A_1596 : vector<16xi1>, vector<16xi32>
          %add3A_1604 = arith.constant 1 : i32
          %add3A_1605 = vector.broadcast %add3A_1604 : i32 to vector<16xi32>
          %add3A_1606 = arith.addi %select_n3A_1591, %add3A_1605 : vector<16xi32>
          %ge3A_1607 = arith.constant 96 : i32
          %ge3A_1608 = vector.broadcast %ge3A_1607 : i32 to vector<16xi32>
          %ge3A_1609 = arith.cmpi sge, %add3A_1606, %ge3A_1608 : vector<16xi32>
          %sub3A_1610 = arith.constant 96 : i32
          %sub3A_1611 = vector.broadcast %sub3A_1610 : i32 to vector<16xi32>
          %sub3A_1612 = arith.subi %add3A_1606, %sub3A_1611 : vector<16xi32>
          %select_n3A_1613 = arith.select %ge3A_1609, %sub3A_1612, %add3A_1606 : vector<16xi1>, vector<16xi32>
          %gather3A_1614 = tpu.vector_load_idx %arg12[%get3A_642, %select_n3A_1603] : memref<56x128xf32, #tpu.memory_space<vmem>>[vector<16xi32>, vector<16xi32>], vector<16xf32>,
          %gather3A_1615 = tpu.vector_load_idx %arg12[%get3A_642, %select_n3A_1613] : memref<56x128xf32, #tpu.memory_space<vmem>>[vector<16xi32>, vector<16xi32>], vector<16xf32>,
          tpu.vector_store_idx %arg13[%add3A_646, %select_n3A_1603], %gather3A_1614 : memref<256x128xf32, #tpu.memory_space<vmem>>[vector<16xi32>, vector<16xi32>], vector<16xf32>,
          tpu.vector_store_idx %arg13[%add3A_646, %select_n3A_1613], %gather3A_1615 : memref<256x128xf32, #tpu.memory_space<vmem>>[vector<16xi32>, vector<16xi32>], vector<16xf32>,
          %add3A_1616 = arith.constant 1 : i32
          %add3A_1617 = vector.broadcast %add3A_1616 : i32 to vector<16xi32>
          %add3A_1618 = arith.addi %select_n3A_1603, %add3A_1617 : vector<16xi32>
          %ge3A_1619 = arith.constant 96 : i32
          %ge3A_1620 = vector.broadcast %ge3A_1619 : i32 to vector<16xi32>
          %ge3A_1621 = arith.cmpi sge, %add3A_1618, %ge3A_1620 : vector<16xi32>
          %sub3A_1622 = arith.constant 96 : i32
          %sub3A_1623 = vector.broadcast %sub3A_1622 : i32 to vector<16xi32>
          %sub3A_1624 = arith.subi %add3A_1618, %sub3A_1623 : vector<16xi32>
          %select_n3A_1625 = arith.select %ge3A_1621, %sub3A_1624, %add3A_1618 : vector<16xi1>, vector<16xi32>
          %add3A_1626 = arith.constant 1 : i32
          %add3A_1627 = vector.broadcast %add3A_1626 : i32 to vector<16xi32>
          %add3A_1628 = arith.addi %select_n3A_1613, %add3A_1627 : vector<16xi32>
          %ge3A_1629 = arith.constant 96 : i32
          %ge3A_1630 = vector.broadcast %ge3A_1629 : i32 to vector<16xi32>
          %ge3A_1631 = arith.cmpi sge, %add3A_1628, %ge3A_1630 : vector<16xi32>
          %sub3A_1632 = arith.constant 96 : i32
          %sub3A_1633 = vector.broadcast %sub3A_1632 : i32 to vector<16xi32>
          %sub3A_1634 = arith.subi %add3A_1628, %sub3A_1633 : vector<16xi32>
          %select_n3A_1635 = arith.select %ge3A_1631, %sub3A_1634, %add3A_1628 : vector<16xi1>, vector<16xi32>
          %gather3A_1636 = tpu.vector_load_idx %arg12[%get3A_642, %select_n3A_1625] : memref<56x128xf32, #tpu.memory_space<vmem>>[vector<16xi32>, vector<16xi32>], vector<16xf32>,
          %gather3A_1637 = tpu.vector_load_idx %arg12[%get3A_642, %select_n3A_1635] : memref<56x128xf32, #tpu.memory_space<vmem>>[vector<16xi32>, vector<16xi32>], vector<16xf32>,
          tpu.vector_store_idx %arg13[%add3A_646, %select_n3A_1625], %gather3A_1636 : memref<256x128xf32, #tpu.memory_space<vmem>>[vector<16xi32>, vector<16xi32>], vector<16xf32>,
          tpu.vector_store_idx %arg13[%add3A_646, %select_n3A_1635], %gather3A_1637 : memref<256x128xf32, #tpu.memory_space<vmem>>[vector<16xi32>, vector<16xi32>], vector<16xf32>,
          %add3A_1638 = arith.constant 1 : i32
          %add3A_1639 = vector.broadcast %add3A_1638 : i32 to vector<16xi32>
          %add3A_1640 = arith.addi %select_n3A_1625, %add3A_1639 : vector<16xi32>
          %ge3A_1641 = arith.constant 96 : i32
          %ge3A_1642 = vector.broadcast %ge3A_1641 : i32 to vector<16xi32>
          %ge3A_1643 = arith.cmpi sge, %add3A_1640, %ge3A_1642 : vector<16xi32>
          %sub3A_1644 = arith.constant 96 : i32
          %sub3A_1645 = vector.broadcast %sub3A_1644 : i32 to vector<16xi32>
          %sub3A_1646 = arith.subi %add3A_1640, %sub3A_1645 : vector<16xi32>
          %select_n3A_1647 = arith.select %ge3A_1643, %sub3A_1646, %add3A_1640 : vector<16xi1>, vector<16xi32>
          %add3A_1648 = arith.constant 1 : i32
          %add3A_1649 = vector.broadcast %add3A_1648 : i32 to vector<16xi32>
          %add3A_1650 = arith.addi %select_n3A_1635, %add3A_1649 : vector<16xi32>
          %ge3A_1651 = arith.constant 96 : i32
          %ge3A_1652 = vector.broadcast %ge3A_1651 : i32 to vector<16xi32>
          %ge3A_1653 = arith.cmpi sge, %add3A_1650, %ge3A_1652 : vector<16xi32>
          %sub3A_1654 = arith.constant 96 : i32
          %sub3A_1655 = vector.broadcast %sub3A_1654 : i32 to vector<16xi32>
          %sub3A_1656 = arith.subi %add3A_1650, %sub3A_1655 : vector<16xi32>
          %select_n3A_1657 = arith.select %ge3A_1653, %sub3A_1656, %add3A_1650 : vector<16xi1>, vector<16xi32>
          %gather3A_1658 = tpu.vector_load_idx %arg12[%get3A_642, %select_n3A_1647] : memref<56x128xf32, #tpu.memory_space<vmem>>[vector<16xi32>, vector<16xi32>], vector<16xf32>,
          %gather3A_1659 = tpu.vector_load_idx %arg12[%get3A_642, %select_n3A_1657] : memref<56x128xf32, #tpu.memory_space<vmem>>[vector<16xi32>, vector<16xi32>], vector<16xf32>,
          tpu.vector_store_idx %arg13[%add3A_646, %select_n3A_1647], %gather3A_1658 : memref<256x128xf32, #tpu.memory_space<vmem>>[vector<16xi32>, vector<16xi32>], vector<16xf32>,
          tpu.vector_store_idx %arg13[%add3A_646, %select_n3A_1657], %gather3A_1659 : memref<256x128xf32, #tpu.memory_space<vmem>>[vector<16xi32>, vector<16xi32>], vector<16xf32>,
          %add3A_1660 = arith.constant 1 : i32
          %add3A_1661 = vector.broadcast %add3A_1660 : i32 to vector<16xi32>
          %add3A_1662 = arith.addi %select_n3A_1647, %add3A_1661 : vector<16xi32>
          %ge3A_1663 = arith.constant 96 : i32
          %ge3A_1664 = vector.broadcast %ge3A_1663 : i32 to vector<16xi32>
          %ge3A_1665 = arith.cmpi sge, %add3A_1662, %ge3A_1664 : vector<16xi32>
          %sub3A_1666 = arith.constant 96 : i32
          %sub3A_1667 = vector.broadcast %sub3A_1666 : i32 to vector<16xi32>
          %sub3A_1668 = arith.subi %add3A_1662, %sub3A_1667 : vector<16xi32>
          %select_n3A_1669 = arith.select %ge3A_1665, %sub3A_1668, %add3A_1662 : vector<16xi1>, vector<16xi32>
          %add3A_1670 = arith.constant 1 : i32
          %add3A_1671 = vector.broadcast %add3A_1670 : i32 to vector<16xi32>
          %add3A_1672 = arith.addi %select_n3A_1657, %add3A_1671 : vector<16xi32>
          %ge3A_1673 = arith.constant 96 : i32
          %ge3A_1674 = vector.broadcast %ge3A_1673 : i32 to vector<16xi32>
          %ge3A_1675 = arith.cmpi sge, %add3A_1672, %ge3A_1674 : vector<16xi32>
          %sub3A_1676 = arith.constant 96 : i32
          %sub3A_1677 = vector.broadcast %sub3A_1676 : i32 to vector<16xi32>
          %sub3A_1678 = arith.subi %add3A_1672, %sub3A_1677 : vector<16xi32>
          %select_n3A_1679 = arith.select %ge3A_1675, %sub3A_1678, %add3A_1672 : vector<16xi1>, vector<16xi32>
          %gather3A_1680 = tpu.vector_load_idx %arg12[%get3A_642, %select_n3A_1669] : memref<56x128xf32, #tpu.memory_space<vmem>>[vector<16xi32>, vector<16xi32>], vector<16xf32>,
          %gather3A_1681 = tpu.vector_load_idx %arg12[%get3A_642, %select_n3A_1679] : memref<56x128xf32, #tpu.memory_space<vmem>>[vector<16xi32>, vector<16xi32>], vector<16xf32>,
          tpu.vector_store_idx %arg13[%add3A_646, %select_n3A_1669], %gather3A_1680 : memref<256x128xf32, #tpu.memory_space<vmem>>[vector<16xi32>, vector<16xi32>], vector<16xf32>,
          tpu.vector_store_idx %arg13[%add3A_646, %select_n3A_1679], %gather3A_1681 : memref<256x128xf32, #tpu.memory_space<vmem>>[vector<16xi32>, vector<16xi32>], vector<16xf32>,
        }
        %scan3A_631 = arith.constant 16 : i32
      } else {
      }
      %not3A = arith.constant true
      %not3A_575 = arith.xori %lt3A_571, %not3A : i1
      %convert_element_type3A_576 = arith.extui %not3A_575 : i1 to i32
      %cond3A_577 = arith.constant 0 : i32
      %cond3A_578 = arith.cmpi ne, %convert_element_type3A_576, %cond3A_577 : i32
      scf.if %cond3A_578 {
        %dma_start3A_627 = arith.constant 0 : i32
        %dma_start3A_628 = arith.constant 0 : i32
        %dma_start3A_629 = arith.constant 0 : i32
        %dma_start3A_630 = arith.constant 0 : i32
        %dma_start3A_631 = tpu.memref_slice %arg13[%dma_start3A_629, %dma_start3A_630] : memref<256x128xf32, #tpu.memory_space<vmem>> -> memref<128x128xf32, #tpu.memory_space<vmem>>
        %dma_start3A_632 = arith.constant 0 : i32
        %dma_start3A_633 = tpu.memref_slice %arg10[%dma_start3A_627, %dma_start3A_628, %dma_start3A_632] : memref<2x2x128xi32, #tpu.memory_space<vmem>> -> memref<1x1x128xi32, #tpu.memory_space<vmem>>
        %dma_start3A_634 = tpu.memref_squeeze %dma_start3A_633 : memref<1x1x128xi32, #tpu.memory_space<vmem>> -> memref<128xi32, #tpu.memory_space<vmem>>
        %dma_start3A_635 = arith.constant 0 : i32
        %dma_start3A_636 = arith.constant 0 : i32
        %dma_start3A_637 = tpu.memref_slice %arg4[%dma_start3A_635, %dma_start3A_636] : memref<2016x128xf32, #tpu.memory_space<hbm>> -> memref<2016x128xf32, #tpu.memory_space<hbm>>
        tpu.enqueue_indirect_dma source(%dma_start3A_637 : memref<2016x128xf32, #tpu.memory_space<hbm>>) target(%dma_start3A_631 : memref<128x128xf32, #tpu.memory_space<vmem>>) offsets(%dma_start3A_634 : memref<128xi32, #tpu.memory_space<vmem>>) semaphore(%arg18 : memref<!tpu.dma_semaphore, #tpu.memory_space<semaphore_mem>>)
        %dma_start3A_638 = arith.constant 0 : i32
        %dma_start3A_639 = arith.constant 1 : i32
        %dma_start3A_640 = arith.constant 128 : i32
        %dma_start3A_641 = arith.constant 0 : i32
        %dma_start3A_642 = tpu.memref_slice %arg13[%dma_start3A_640, %dma_start3A_641] : memref<256x128xf32, #tpu.memory_space<vmem>> -> memref<128x128xf32, #tpu.memory_space<vmem>>
        %dma_start3A_643 = arith.constant 0 : i32
        %dma_start3A_644 = tpu.memref_slice %arg10[%dma_start3A_638, %dma_start3A_639, %dma_start3A_643] : memref<2x2x128xi32, #tpu.memory_space<vmem>> -> memref<1x1x128xi32, #tpu.memory_space<vmem>>
        %dma_start3A_645 = tpu.memref_squeeze %dma_start3A_644 : memref<1x1x128xi32, #tpu.memory_space<vmem>> -> memref<128xi32, #tpu.memory_space<vmem>>
        %dma_start3A_646 = arith.constant 0 : i32
        %dma_start3A_647 = arith.constant 0 : i32
        %dma_start3A_648 = tpu.memref_slice %arg4[%dma_start3A_646, %dma_start3A_647] : memref<2016x128xf32, #tpu.memory_space<hbm>> -> memref<2016x128xf32, #tpu.memory_space<hbm>>
        tpu.enqueue_indirect_dma source(%dma_start3A_648 : memref<2016x128xf32, #tpu.memory_space<hbm>>) target(%dma_start3A_642 : memref<128x128xf32, #tpu.memory_space<vmem>>) offsets(%dma_start3A_645 : memref<128xi32, #tpu.memory_space<vmem>>) semaphore(%arg18 : memref<!tpu.dma_semaphore, #tpu.memory_space<semaphore_mem>>)
        %dma_wait3A_649 = arith.constant 0 : i32
        %dma_wait3A_650 = arith.constant 0 : i32
        %dma_wait3A_651 = arith.constant 0 : i32
        %dma_wait3A_652 = arith.constant 0 : i32
        %dma_wait3A_653 = tpu.memref_slice %arg13[%dma_wait3A_651, %dma_wait3A_652] : memref<256x128xf32, #tpu.memory_space<vmem>> -> memref<128x128xf32, #tpu.memory_space<vmem>>
        %dma_wait3A_654 = arith.constant 0 : i32
        %dma_wait3A_655 = tpu.memref_slice %arg10[%dma_wait3A_649, %dma_wait3A_650, %dma_wait3A_654] : memref<2x2x128xi32, #tpu.memory_space<vmem>> -> memref<1x1x128xi32, #tpu.memory_space<vmem>>
        %dma_wait3A_656 = tpu.memref_squeeze %dma_wait3A_655 : memref<1x1x128xi32, #tpu.memory_space<vmem>> -> memref<128xi32, #tpu.memory_space<vmem>>
        %dma_wait3A_657 = arith.constant 0 : i32
        %dma_wait3A_658 = arith.constant 0 : i32
        %dma_wait3A_659 = tpu.memref_slice %arg4[%dma_wait3A_657, %dma_wait3A_658] : memref<2016x128xf32, #tpu.memory_space<hbm>> -> memref<2016x128xf32, #tpu.memory_space<hbm>>
        tpu.wait_indirect_dma semaphore(%arg18 : memref<!tpu.dma_semaphore, #tpu.memory_space<semaphore_mem>>) src(%dma_wait3A_659 : memref<2016x128xf32, #tpu.memory_space<hbm>>) dst(%dma_wait3A_653 : memref<128x128xf32, #tpu.memory_space<vmem>>)
        %dma_wait3A_660 = arith.constant 0 : i32
        %dma_wait3A_661 = arith.constant 1 : i32
        %dma_wait3A_662 = arith.constant 128 : i32
        %dma_wait3A_663 = arith.constant 0 : i32
        %dma_wait3A_664 = tpu.memref_slice %arg13[%dma_wait3A_662, %dma_wait3A_663] : memref<256x128xf32, #tpu.memory_space<vmem>> -> memref<128x128xf32, #tpu.memory_space<vmem>>
        %dma_wait3A_665 = arith.constant 0 : i32
        %dma_wait3A_666 = tpu.memref_slice %arg10[%dma_wait3A_660, %dma_wait3A_661, %dma_wait3A_665] : memref<2x2x128xi32, #tpu.memory_space<vmem>> -> memref<1x1x128xi32, #tpu.memory_space<vmem>>
        %dma_wait3A_667 = tpu.memref_squeeze %dma_wait3A_666 : memref<1x1x128xi32, #tpu.memory_space<vmem>> -> memref<128xi32, #tpu.memory_space<vmem>>
        %dma_wait3A_668 = arith.constant 0 : i32
        %dma_wait3A_669 = arith.constant 0 : i32
        %dma_wait3A_670 = tpu.memref_slice %arg4[%dma_wait3A_668, %dma_wait3A_669] : memref<2016x128xf32, #tpu.memory_space<hbm>> -> memref<2016x128xf32, #tpu.memory_space<hbm>>
        tpu.wait_indirect_dma semaphore(%arg18 : memref<!tpu.dma_semaphore, #tpu.memory_space<semaphore_mem>>) src(%dma_wait3A_670 : memref<2016x128xf32, #tpu.memory_space<hbm>>) dst(%dma_wait3A_664 : memref<128x128xf32, #tpu.memory_space<vmem>>)
      } else {
      }
      %mul3A_579 = arith.constant 256 : i32
      %mul3A_580 = arith.muli %add3A_565, %mul3A_579 : i32
      %add3A_581 = arith.addi %mul3A_2, %mul3A_580 : i32
      %dma_start3A_582 = arith.constant 0 : i32
      %dma_start3A_583 = tpu.memref_slice %arg5[%add3A_581, %dma_start3A_582] : memref<3276800x128xf32, #tpu.memory_space<hbm>> -> memref<256x128xf32, #tpu.memory_space<hbm>>
      %dma_start3A_584 = arith.constant 0 : i32
      %dma_start3A_585 = tpu.memref_slice %arg5[%add3A_581, %dma_start3A_584] : memref<3276800x128xf32, #tpu.memory_space<hbm>> -> memref<256x128xf32, #tpu.memory_space<hbm>>
      tpu.enqueue_dma source(%arg13 : memref<256x128xf32, #tpu.memory_space<vmem>>) target(%dma_start3A_585 : memref<256x128xf32, #tpu.memory_space<hbm>>) target_semaphore(%arg20 : memref<!tpu.dma_semaphore, #tpu.memory_space<semaphore_mem>>)
      %add3A_586 = arith.constant 1 : i32
      %add3A_587 = arith.addi %add3A_565, %add3A_586 : i32
      %lt3A_588 = arith.constant 400 : i32
      %lt3A_589 = arith.cmpi slt, %add3A_587, %lt3A_588 : i32
      %convert_element_type3A_590 = arith.extui %lt3A_589 : i1 to i32
      %cond3A_591 = arith.constant 0 : i32
      %cond3A_592 = arith.cmpi ne, %convert_element_type3A_590, %cond3A_591 : i32
      scf.if %cond3A_592 {
        %add3A_627 = arith.constant 1 : i32
        %add3A_628 = arith.addi %add3A_565, %add3A_627 : i32
        %mul3A_629 = arith.constant 256 : i32
        %mul3A_630 = arith.muli %add3A_628, %mul3A_629 : i32
        %add3A_631 = arith.addi %mul3A_2, %mul3A_630 : i32
        %dma_wait3A_632 = tpu.memref_slice %arg2[%add3A_631] : memref<3276800xi32, #tpu.memory_space<hbm>> -> memref<256xi32, #tpu.memory_space<hbm>>
        %dma_wait3A_633 = tpu.memref_slice %arg2[%add3A_631] : memref<3276800xi32, #tpu.memory_space<hbm>> -> memref<256xi32, #tpu.memory_space<hbm>>
        tpu.wait_dma2 semaphore(%arg17 : memref<!tpu.dma_semaphore, #tpu.memory_space<semaphore_mem>>) src(%dma_wait3A_633 : memref<256xi32, #tpu.memory_space<hbm>>) dst(%arg7 : memref<256xi32, #tpu.memory_space<vmem>>)
        %mul3A_634 = arith.constant 256 : i32
        %mul3A_635 = arith.muli %add3A_628, %mul3A_634 : i32
        %add3A_636 = arith.addi %mul3A_2, %mul3A_635 : i32
        %dma_wait3A_637 = tpu.memref_slice %arg3[%add3A_636] : memref<3276800xi32, #tpu.memory_space<hbm>> -> memref<256xi32, #tpu.memory_space<hbm>>
        %dma_wait3A_638 = tpu.memref_slice %arg3[%add3A_636] : memref<3276800xi32, #tpu.memory_space<hbm>> -> memref<256xi32, #tpu.memory_space<hbm>>
        tpu.wait_dma2 semaphore(%arg17 : memref<!tpu.dma_semaphore, #tpu.memory_space<semaphore_mem>>) src(%dma_wait3A_638 : memref<256xi32, #tpu.memory_space<hbm>>) dst(%arg9 : memref<256xi32, #tpu.memory_space<vmem>>)
        %broadcast_in_dim3A_639 = arith.constant 0 : i32
        %broadcast_in_dim3A_640 = vector.broadcast %broadcast_in_dim3A_639 : i32 to vector<16xi32>
        %get3A_641 = arith.constant 0 : index
        %get3A_642 = tpu.vector_load %arg7[%get3A_641] {strides = array<i32>} : memref<256xi32, #tpu.memory_space<vmem>>, vector<16xi32>,
        %get3A_643 = arith.constant 0 : index
        %get3A_644 = tpu.vector_load %arg9[%get3A_643] {strides = array<i32>} : memref<256xi32, #tpu.memory_space<vmem>>, vector<16xi32>,
        %max3A_645 = arith.maxsi %get3A_642, %get3A_644 : vector<16xi32>
        %max3A_646 = arith.maxsi %broadcast_in_dim3A_640, %max3A_645 : vector<16xi32>
        %jit3A_647 = arith.constant 0 : i32
        %jit3A_648 = arith.constant 6 : i32
        %max3A_649 = vector.broadcast %jit3A_647 : i32 to vector<16xi32>
        %max3A_650 = arith.maxsi %max3A_649, %get3A_642 : vector<16xi32>
        %min3A_651 = vector.broadcast %jit3A_648 : i32 to vector<16xi32>
        %min3A_652 = arith.minsi %min3A_651, %max3A_650 : vector<16xi32>
        %jit3A_653 = arith.constant 0 : i32
        %jit3A_654 = arith.constant 287 : i32
        %max3A_655 = vector.broadcast %jit3A_653 : i32 to vector<16xi32>
        %max3A_656 = arith.maxsi %max3A_655, %get3A_644 : vector<16xi32>
        %min3A_657 = vector.broadcast %jit3A_654 : i32 to vector<16xi32>
        %min3A_658 = arith.minsi %min3A_657, %max3A_656 : vector<16xi32>
        %mul3A_659 = arith.constant 7 : i32
        %mul3A_660 = vector.broadcast %mul3A_659 : i32 to vector<16xi32>
        %mul3A_661 = arith.muli %min3A_658, %mul3A_660 : vector<16xi32>
        %add3A_662 = arith.addi %mul3A_661, %min3A_652 : vector<16xi32>
        %swap3A_663 = arith.constant 1 : i32
        %swap3A_664 = arith.constant 0 : i32
        %swap3A_665 = arith.index_cast %swap3A_663 : i32 to index
        %swap3A_666 = arith.index_cast %swap3A_664 : i32 to index
        %swap3A_667 = arith.constant 0 : index
        %swap3A_668 = tpu.vector_load %arg10[%swap3A_665, %swap3A_666, %swap3A_667] {strides = array<i32>} : memref<2x2x128xi32, #tpu.memory_space<vmem>>, vector<16xi32>,
        tpu.vector_store %arg10[%swap3A_665, %swap3A_666, %swap3A_667], %add3A_662 {strides = array<i32>} : memref<2x2x128xi32, #tpu.memory_space<vmem>>, vector<16xi32>,
        %swap3A_669 = arith.constant 1 : i32
        %swap3A_670 = arith.index_cast %swap3A_669 : i32 to index
        %swap3A_671 = arith.constant 0 : index
        %swap3A_672 = tpu.vector_load %arg11[%swap3A_670, %swap3A_671] {strides = array<i32>} : memref<2x256xi32, #tpu.memory_space<vmem>>, vector<16xi32>,
        tpu.vector_store %arg11[%swap3A_670, %swap3A_671], %add3A_662 {strides = array<i32>} : memref<2x256xi32, #tpu.memory_space<vmem>>, vector<16xi32>,
        %get3A_673 = arith.constant 16 : index
        %get3A_674 = tpu.vector_load %arg7[%get3A_673] {strides = array<i32>} : memref<256xi32, #tpu.memory_space<vmem>>, vector<16xi32>,
        %get3A_675 = arith.constant 16 : index
        %get3A_676 = tpu.vector_load %arg9[%get3A_675] {strides = array<i32>} : memref<256xi32, #tpu.memory_space<vmem>>, vector<16xi32>,
        %max3A_677 = arith.maxsi %get3A_674, %get3A_676 : vector<16xi32>
        %max3A_678 = arith.maxsi %max3A_646, %max3A_677 : vector<16xi32>
        %jit3A_679 = arith.constant 0 : i32
        %jit3A_680 = arith.constant 6 : i32
        %max3A_681 = vector.broadcast %jit3A_679 : i32 to vector<16xi32>
        %max3A_682 = arith.maxsi %max3A_681, %get3A_674 : vector<16xi32>
        %min3A_683 = vector.broadcast %jit3A_680 : i32 to vector<16xi32>
        %min3A_684 = arith.minsi %min3A_683, %max3A_682 : vector<16xi32>
        %jit3A_685 = arith.constant 0 : i32
        %jit3A_686 = arith.constant 287 : i32
        %max3A_687 = vector.broadcast %jit3A_685 : i32 to vector<16xi32>
        %max3A_688 = arith.maxsi %max3A_687, %get3A_676 : vector<16xi32>
        %min3A_689 = vector.broadcast %jit3A_686 : i32 to vector<16xi32>
        %min3A_690 = arith.minsi %min3A_689, %max3A_688 : vector<16xi32>
        %mul3A_691 = arith.constant 7 : i32
        %mul3A_692 = vector.broadcast %mul3A_691 : i32 to vector<16xi32>
        %mul3A_693 = arith.muli %min3A_690, %mul3A_692 : vector<16xi32>
        %add3A_694 = arith.addi %mul3A_693, %min3A_684 : vector<16xi32>
        %swap3A_695 = arith.constant 1 : i32
        %swap3A_696 = arith.constant 0 : i32
        %swap3A_697 = arith.index_cast %swap3A_695 : i32 to index
        %swap3A_698 = arith.index_cast %swap3A_696 : i32 to index
        %swap3A_699 = arith.constant 16 : index
        %swap3A_700 = tpu.vector_load %arg10[%swap3A_697, %swap3A_698, %swap3A_699] {strides = array<i32>} : memref<2x2x128xi32, #tpu.memory_space<vmem>>, vector<16xi32>,
        tpu.vector_store %arg10[%swap3A_697, %swap3A_698, %swap3A_699], %add3A_694 {strides = array<i32>} : memref<2x2x128xi32, #tpu.memory_space<vmem>>, vector<16xi32>,
        %swap3A_701 = arith.constant 1 : i32
        %swap3A_702 = arith.index_cast %swap3A_701 : i32 to index
        %swap3A_703 = arith.constant 16 : index
        %swap3A_704 = tpu.vector_load %arg11[%swap3A_702, %swap3A_703] {strides = array<i32>} : memref<2x256xi32, #tpu.memory_space<vmem>>, vector<16xi32>,
        tpu.vector_store %arg11[%swap3A_702, %swap3A_703], %add3A_694 {strides = array<i32>} : memref<2x256xi32, #tpu.memory_space<vmem>>, vector<16xi32>,
        %get3A_705 = arith.constant 32 : index
        %get3A_706 = tpu.vector_load %arg7[%get3A_705] {strides = array<i32>} : memref<256xi32, #tpu.memory_space<vmem>>, vector<16xi32>,
        %get3A_707 = arith.constant 32 : index
        %get3A_708 = tpu.vector_load %arg9[%get3A_707] {strides = array<i32>} : memref<256xi32, #tpu.memory_space<vmem>>, vector<16xi32>,
        %max3A_709 = arith.maxsi %get3A_706, %get3A_708 : vector<16xi32>
        %max3A_710 = arith.maxsi %max3A_678, %max3A_709 : vector<16xi32>
        %jit3A_711 = arith.constant 0 : i32
        %jit3A_712 = arith.constant 6 : i32
        %max3A_713 = vector.broadcast %jit3A_711 : i32 to vector<16xi32>
        %max3A_714 = arith.maxsi %max3A_713, %get3A_706 : vector<16xi32>
        %min3A_715 = vector.broadcast %jit3A_712 : i32 to vector<16xi32>
        %min3A_716 = arith.minsi %min3A_715, %max3A_714 : vector<16xi32>
        %jit3A_717 = arith.constant 0 : i32
        %jit3A_718 = arith.constant 287 : i32
        %max3A_719 = vector.broadcast %jit3A_717 : i32 to vector<16xi32>
        %max3A_720 = arith.maxsi %max3A_719, %get3A_708 : vector<16xi32>
        %min3A_721 = vector.broadcast %jit3A_718 : i32 to vector<16xi32>
        %min3A_722 = arith.minsi %min3A_721, %max3A_720 : vector<16xi32>
        %mul3A_723 = arith.constant 7 : i32
        %mul3A_724 = vector.broadcast %mul3A_723 : i32 to vector<16xi32>
        %mul3A_725 = arith.muli %min3A_722, %mul3A_724 : vector<16xi32>
        %add3A_726 = arith.addi %mul3A_725, %min3A_716 : vector<16xi32>
        %swap3A_727 = arith.constant 1 : i32
        %swap3A_728 = arith.constant 0 : i32
        %swap3A_729 = arith.index_cast %swap3A_727 : i32 to index
        %swap3A_730 = arith.index_cast %swap3A_728 : i32 to index
        %swap3A_731 = arith.constant 32 : index
        %swap3A_732 = tpu.vector_load %arg10[%swap3A_729, %swap3A_730, %swap3A_731] {strides = array<i32>} : memref<2x2x128xi32, #tpu.memory_space<vmem>>, vector<16xi32>,
        tpu.vector_store %arg10[%swap3A_729, %swap3A_730, %swap3A_731], %add3A_726 {strides = array<i32>} : memref<2x2x128xi32, #tpu.memory_space<vmem>>, vector<16xi32>,
        %swap3A_733 = arith.constant 1 : i32
        %swap3A_734 = arith.index_cast %swap3A_733 : i32 to index
        %swap3A_735 = arith.constant 32 : index
        %swap3A_736 = tpu.vector_load %arg11[%swap3A_734, %swap3A_735] {strides = array<i32>} : memref<2x256xi32, #tpu.memory_space<vmem>>, vector<16xi32>,
        tpu.vector_store %arg11[%swap3A_734, %swap3A_735], %add3A_726 {strides = array<i32>} : memref<2x256xi32, #tpu.memory_space<vmem>>, vector<16xi32>,
        %get3A_737 = arith.constant 48 : index
        %get3A_738 = tpu.vector_load %arg7[%get3A_737] {strides = array<i32>} : memref<256xi32, #tpu.memory_space<vmem>>, vector<16xi32>,
        %get3A_739 = arith.constant 48 : index
        %get3A_740 = tpu.vector_load %arg9[%get3A_739] {strides = array<i32>} : memref<256xi32, #tpu.memory_space<vmem>>, vector<16xi32>,
        %max3A_741 = arith.maxsi %get3A_738, %get3A_740 : vector<16xi32>
        %max3A_742 = arith.maxsi %max3A_710, %max3A_741 : vector<16xi32>
        %jit3A_743 = arith.constant 0 : i32
        %jit3A_744 = arith.constant 6 : i32
        %max3A_745 = vector.broadcast %jit3A_743 : i32 to vector<16xi32>
        %max3A_746 = arith.maxsi %max3A_745, %get3A_738 : vector<16xi32>
        %min3A_747 = vector.broadcast %jit3A_744 : i32 to vector<16xi32>
        %min3A_748 = arith.minsi %min3A_747, %max3A_746 : vector<16xi32>
        %jit3A_749 = arith.constant 0 : i32
        %jit3A_750 = arith.constant 287 : i32
        %max3A_751 = vector.broadcast %jit3A_749 : i32 to vector<16xi32>
        %max3A_752 = arith.maxsi %max3A_751, %get3A_740 : vector<16xi32>
        %min3A_753 = vector.broadcast %jit3A_750 : i32 to vector<16xi32>
        %min3A_754 = arith.minsi %min3A_753, %max3A_752 : vector<16xi32>
        %mul3A_755 = arith.constant 7 : i32
        %mul3A_756 = vector.broadcast %mul3A_755 : i32 to vector<16xi32>
        %mul3A_757 = arith.muli %min3A_754, %mul3A_756 : vector<16xi32>
        %add3A_758 = arith.addi %mul3A_757, %min3A_748 : vector<16xi32>
        %swap3A_759 = arith.constant 1 : i32
        %swap3A_760 = arith.constant 0 : i32
        %swap3A_761 = arith.index_cast %swap3A_759 : i32 to index
        %swap3A_762 = arith.index_cast %swap3A_760 : i32 to index
        %swap3A_763 = arith.constant 48 : index
        %swap3A_764 = tpu.vector_load %arg10[%swap3A_761, %swap3A_762, %swap3A_763] {strides = array<i32>} : memref<2x2x128xi32, #tpu.memory_space<vmem>>, vector<16xi32>,
        tpu.vector_store %arg10[%swap3A_761, %swap3A_762, %swap3A_763], %add3A_758 {strides = array<i32>} : memref<2x2x128xi32, #tpu.memory_space<vmem>>, vector<16xi32>,
        %swap3A_765 = arith.constant 1 : i32
        %swap3A_766 = arith.index_cast %swap3A_765 : i32 to index
        %swap3A_767 = arith.constant 48 : index
        %swap3A_768 = tpu.vector_load %arg11[%swap3A_766, %swap3A_767] {strides = array<i32>} : memref<2x256xi32, #tpu.memory_space<vmem>>, vector<16xi32>,
        tpu.vector_store %arg11[%swap3A_766, %swap3A_767], %add3A_758 {strides = array<i32>} : memref<2x256xi32, #tpu.memory_space<vmem>>, vector<16xi32>,
        %get3A_769 = arith.constant 64 : index
        %get3A_770 = tpu.vector_load %arg7[%get3A_769] {strides = array<i32>} : memref<256xi32, #tpu.memory_space<vmem>>, vector<16xi32>,
        %get3A_771 = arith.constant 64 : index
        %get3A_772 = tpu.vector_load %arg9[%get3A_771] {strides = array<i32>} : memref<256xi32, #tpu.memory_space<vmem>>, vector<16xi32>,
        %max3A_773 = arith.maxsi %get3A_770, %get3A_772 : vector<16xi32>
        %max3A_774 = arith.maxsi %max3A_742, %max3A_773 : vector<16xi32>
        %jit3A_775 = arith.constant 0 : i32
        %jit3A_776 = arith.constant 6 : i32
        %max3A_777 = vector.broadcast %jit3A_775 : i32 to vector<16xi32>
        %max3A_778 = arith.maxsi %max3A_777, %get3A_770 : vector<16xi32>
        %min3A_779 = vector.broadcast %jit3A_776 : i32 to vector<16xi32>
        %min3A_780 = arith.minsi %min3A_779, %max3A_778 : vector<16xi32>
        %jit3A_781 = arith.constant 0 : i32
        %jit3A_782 = arith.constant 287 : i32
        %max3A_783 = vector.broadcast %jit3A_781 : i32 to vector<16xi32>
        %max3A_784 = arith.maxsi %max3A_783, %get3A_772 : vector<16xi32>
        %min3A_785 = vector.broadcast %jit3A_782 : i32 to vector<16xi32>
        %min3A_786 = arith.minsi %min3A_785, %max3A_784 : vector<16xi32>
        %mul3A_787 = arith.constant 7 : i32
        %mul3A_788 = vector.broadcast %mul3A_787 : i32 to vector<16xi32>
        %mul3A_789 = arith.muli %min3A_786, %mul3A_788 : vector<16xi32>
        %add3A_790 = arith.addi %mul3A_789, %min3A_780 : vector<16xi32>
        %swap3A_791 = arith.constant 1 : i32
        %swap3A_792 = arith.constant 0 : i32
        %swap3A_793 = arith.index_cast %swap3A_791 : i32 to index
        %swap3A_794 = arith.index_cast %swap3A_792 : i32 to index
        %swap3A_795 = arith.constant 64 : index
        %swap3A_796 = tpu.vector_load %arg10[%swap3A_793, %swap3A_794, %swap3A_795] {strides = array<i32>} : memref<2x2x128xi32, #tpu.memory_space<vmem>>, vector<16xi32>,
        tpu.vector_store %arg10[%swap3A_793, %swap3A_794, %swap3A_795], %add3A_790 {strides = array<i32>} : memref<2x2x128xi32, #tpu.memory_space<vmem>>, vector<16xi32>,
        %swap3A_797 = arith.constant 1 : i32
        %swap3A_798 = arith.index_cast %swap3A_797 : i32 to index
        %swap3A_799 = arith.constant 64 : index
        %swap3A_800 = tpu.vector_load %arg11[%swap3A_798, %swap3A_799] {strides = array<i32>} : memref<2x256xi32, #tpu.memory_space<vmem>>, vector<16xi32>,
        tpu.vector_store %arg11[%swap3A_798, %swap3A_799], %add3A_790 {strides = array<i32>} : memref<2x256xi32, #tpu.memory_space<vmem>>, vector<16xi32>,
        %get3A_801 = arith.constant 80 : index
        %get3A_802 = tpu.vector_load %arg7[%get3A_801] {strides = array<i32>} : memref<256xi32, #tpu.memory_space<vmem>>, vector<16xi32>,
        %get3A_803 = arith.constant 80 : index
        %get3A_804 = tpu.vector_load %arg9[%get3A_803] {strides = array<i32>} : memref<256xi32, #tpu.memory_space<vmem>>, vector<16xi32>,
        %max3A_805 = arith.maxsi %get3A_802, %get3A_804 : vector<16xi32>
        %max3A_806 = arith.maxsi %max3A_774, %max3A_805 : vector<16xi32>
        %jit3A_807 = arith.constant 0 : i32
        %jit3A_808 = arith.constant 6 : i32
        %max3A_809 = vector.broadcast %jit3A_807 : i32 to vector<16xi32>
        %max3A_810 = arith.maxsi %max3A_809, %get3A_802 : vector<16xi32>
        %min3A_811 = vector.broadcast %jit3A_808 : i32 to vector<16xi32>
        %min3A_812 = arith.minsi %min3A_811, %max3A_810 : vector<16xi32>
        %jit3A_813 = arith.constant 0 : i32
        %jit3A_814 = arith.constant 287 : i32
        %max3A_815 = vector.broadcast %jit3A_813 : i32 to vector<16xi32>
        %max3A_816 = arith.maxsi %max3A_815, %get3A_804 : vector<16xi32>
        %min3A_817 = vector.broadcast %jit3A_814 : i32 to vector<16xi32>
        %min3A_818 = arith.minsi %min3A_817, %max3A_816 : vector<16xi32>
        %mul3A_819 = arith.constant 7 : i32
        %mul3A_820 = vector.broadcast %mul3A_819 : i32 to vector<16xi32>
        %mul3A_821 = arith.muli %min3A_818, %mul3A_820 : vector<16xi32>
        %add3A_822 = arith.addi %mul3A_821, %min3A_812 : vector<16xi32>
        %swap3A_823 = arith.constant 1 : i32
        %swap3A_824 = arith.constant 0 : i32
        %swap3A_825 = arith.index_cast %swap3A_823 : i32 to index
        %swap3A_826 = arith.index_cast %swap3A_824 : i32 to index
        %swap3A_827 = arith.constant 80 : index
        %swap3A_828 = tpu.vector_load %arg10[%swap3A_825, %swap3A_826, %swap3A_827] {strides = array<i32>} : memref<2x2x128xi32, #tpu.memory_space<vmem>>, vector<16xi32>,
        tpu.vector_store %arg10[%swap3A_825, %swap3A_826, %swap3A_827], %add3A_822 {strides = array<i32>} : memref<2x2x128xi32, #tpu.memory_space<vmem>>, vector<16xi32>,
        %swap3A_829 = arith.constant 1 : i32
        %swap3A_830 = arith.index_cast %swap3A_829 : i32 to index
        %swap3A_831 = arith.constant 80 : index
        %swap3A_832 = tpu.vector_load %arg11[%swap3A_830, %swap3A_831] {strides = array<i32>} : memref<2x256xi32, #tpu.memory_space<vmem>>, vector<16xi32>,
        tpu.vector_store %arg11[%swap3A_830, %swap3A_831], %add3A_822 {strides = array<i32>} : memref<2x256xi32, #tpu.memory_space<vmem>>, vector<16xi32>,
        %get3A_833 = arith.constant 96 : index
        %get3A_834 = tpu.vector_load %arg7[%get3A_833] {strides = array<i32>} : memref<256xi32, #tpu.memory_space<vmem>>, vector<16xi32>,
        %get3A_835 = arith.constant 96 : index
        %get3A_836 = tpu.vector_load %arg9[%get3A_835] {strides = array<i32>} : memref<256xi32, #tpu.memory_space<vmem>>, vector<16xi32>,
        %max3A_837 = arith.maxsi %get3A_834, %get3A_836 : vector<16xi32>
        %max3A_838 = arith.maxsi %max3A_806, %max3A_837 : vector<16xi32>
        %jit3A_839 = arith.constant 0 : i32
        %jit3A_840 = arith.constant 6 : i32
        %max3A_841 = vector.broadcast %jit3A_839 : i32 to vector<16xi32>
        %max3A_842 = arith.maxsi %max3A_841, %get3A_834 : vector<16xi32>
        %min3A_843 = vector.broadcast %jit3A_840 : i32 to vector<16xi32>
        %min3A_844 = arith.minsi %min3A_843, %max3A_842 : vector<16xi32>
        %jit3A_845 = arith.constant 0 : i32
        %jit3A_846 = arith.constant 287 : i32
        %max3A_847 = vector.broadcast %jit3A_845 : i32 to vector<16xi32>
        %max3A_848 = arith.maxsi %max3A_847, %get3A_836 : vector<16xi32>
        %min3A_849 = vector.broadcast %jit3A_846 : i32 to vector<16xi32>
        %min3A_850 = arith.minsi %min3A_849, %max3A_848 : vector<16xi32>
        %mul3A_851 = arith.constant 7 : i32
        %mul3A_852 = vector.broadcast %mul3A_851 : i32 to vector<16xi32>
        %mul3A_853 = arith.muli %min3A_850, %mul3A_852 : vector<16xi32>
        %add3A_854 = arith.addi %mul3A_853, %min3A_844 : vector<16xi32>
        %swap3A_855 = arith.constant 1 : i32
        %swap3A_856 = arith.constant 0 : i32
        %swap3A_857 = arith.index_cast %swap3A_855 : i32 to index
        %swap3A_858 = arith.index_cast %swap3A_856 : i32 to index
        %swap3A_859 = arith.constant 96 : index
        %swap3A_860 = tpu.vector_load %arg10[%swap3A_857, %swap3A_858, %swap3A_859] {strides = array<i32>} : memref<2x2x128xi32, #tpu.memory_space<vmem>>, vector<16xi32>,
        tpu.vector_store %arg10[%swap3A_857, %swap3A_858, %swap3A_859], %add3A_854 {strides = array<i32>} : memref<2x2x128xi32, #tpu.memory_space<vmem>>, vector<16xi32>,
        %swap3A_861 = arith.constant 1 : i32
        %swap3A_862 = arith.index_cast %swap3A_861 : i32 to index
        %swap3A_863 = arith.constant 96 : index
        %swap3A_864 = tpu.vector_load %arg11[%swap3A_862, %swap3A_863] {strides = array<i32>} : memref<2x256xi32, #tpu.memory_space<vmem>>, vector<16xi32>,
        tpu.vector_store %arg11[%swap3A_862, %swap3A_863], %add3A_854 {strides = array<i32>} : memref<2x256xi32, #tpu.memory_space<vmem>>, vector<16xi32>,
        %get3A_865 = arith.constant 112 : index
        %get3A_866 = tpu.vector_load %arg7[%get3A_865] {strides = array<i32>} : memref<256xi32, #tpu.memory_space<vmem>>, vector<16xi32>,
        %get3A_867 = arith.constant 112 : index
        %get3A_868 = tpu.vector_load %arg9[%get3A_867] {strides = array<i32>} : memref<256xi32, #tpu.memory_space<vmem>>, vector<16xi32>,
        %max3A_869 = arith.maxsi %get3A_866, %get3A_868 : vector<16xi32>
        %max3A_870 = arith.maxsi %max3A_838, %max3A_869 : vector<16xi32>
        %jit3A_871 = arith.constant 0 : i32
        %jit3A_872 = arith.constant 6 : i32
        %max3A_873 = vector.broadcast %jit3A_871 : i32 to vector<16xi32>
        %max3A_874 = arith.maxsi %max3A_873, %get3A_866 : vector<16xi32>
        %min3A_875 = vector.broadcast %jit3A_872 : i32 to vector<16xi32>
        %min3A_876 = arith.minsi %min3A_875, %max3A_874 : vector<16xi32>
        %jit3A_877 = arith.constant 0 : i32
        %jit3A_878 = arith.constant 287 : i32
        %max3A_879 = vector.broadcast %jit3A_877 : i32 to vector<16xi32>
        %max3A_880 = arith.maxsi %max3A_879, %get3A_868 : vector<16xi32>
        %min3A_881 = vector.broadcast %jit3A_878 : i32 to vector<16xi32>
        %min3A_882 = arith.minsi %min3A_881, %max3A_880 : vector<16xi32>
        %mul3A_883 = arith.constant 7 : i32
        %mul3A_884 = vector.broadcast %mul3A_883 : i32 to vector<16xi32>
        %mul3A_885 = arith.muli %min3A_882, %mul3A_884 : vector<16xi32>
        %add3A_886 = arith.addi %mul3A_885, %min3A_876 : vector<16xi32>
        %swap3A_887 = arith.constant 1 : i32
        %swap3A_888 = arith.constant 0 : i32
        %swap3A_889 = arith.index_cast %swap3A_887 : i32 to index
        %swap3A_890 = arith.index_cast %swap3A_888 : i32 to index
        %swap3A_891 = arith.constant 112 : index
        %swap3A_892 = tpu.vector_load %arg10[%swap3A_889, %swap3A_890, %swap3A_891] {strides = array<i32>} : memref<2x2x128xi32, #tpu.memory_space<vmem>>, vector<16xi32>,
        tpu.vector_store %arg10[%swap3A_889, %swap3A_890, %swap3A_891], %add3A_886 {strides = array<i32>} : memref<2x2x128xi32, #tpu.memory_space<vmem>>, vector<16xi32>,
        %swap3A_893 = arith.constant 1 : i32
        %swap3A_894 = arith.index_cast %swap3A_893 : i32 to index
        %swap3A_895 = arith.constant 112 : index
        %swap3A_896 = tpu.vector_load %arg11[%swap3A_894, %swap3A_895] {strides = array<i32>} : memref<2x256xi32, #tpu.memory_space<vmem>>, vector<16xi32>,
        tpu.vector_store %arg11[%swap3A_894, %swap3A_895], %add3A_886 {strides = array<i32>} : memref<2x256xi32, #tpu.memory_space<vmem>>, vector<16xi32>,
        %get3A_897 = arith.constant 128 : index
        %get3A_898 = tpu.vector_load %arg7[%get3A_897] {strides = array<i32>} : memref<256xi32, #tpu.memory_space<vmem>>, vector<16xi32>,
        %get3A_899 = arith.constant 128 : index
        %get3A_900 = tpu.vector_load %arg9[%get3A_899] {strides = array<i32>} : memref<256xi32, #tpu.memory_space<vmem>>, vector<16xi32>,
        %max3A_901 = arith.maxsi %get3A_898, %get3A_900 : vector<16xi32>
        %max3A_902 = arith.maxsi %max3A_870, %max3A_901 : vector<16xi32>
        %jit3A_903 = arith.constant 0 : i32
        %jit3A_904 = arith.constant 6 : i32
        %max3A_905 = vector.broadcast %jit3A_903 : i32 to vector<16xi32>
        %max3A_906 = arith.maxsi %max3A_905, %get3A_898 : vector<16xi32>
        %min3A_907 = vector.broadcast %jit3A_904 : i32 to vector<16xi32>
        %min3A_908 = arith.minsi %min3A_907, %max3A_906 : vector<16xi32>
        %jit3A_909 = arith.constant 0 : i32
        %jit3A_910 = arith.constant 287 : i32
        %max3A_911 = vector.broadcast %jit3A_909 : i32 to vector<16xi32>
        %max3A_912 = arith.maxsi %max3A_911, %get3A_900 : vector<16xi32>
        %min3A_913 = vector.broadcast %jit3A_910 : i32 to vector<16xi32>
        %min3A_914 = arith.minsi %min3A_913, %max3A_912 : vector<16xi32>
        %mul3A_915 = arith.constant 7 : i32
        %mul3A_916 = vector.broadcast %mul3A_915 : i32 to vector<16xi32>
        %mul3A_917 = arith.muli %min3A_914, %mul3A_916 : vector<16xi32>
        %add3A_918 = arith.addi %mul3A_917, %min3A_908 : vector<16xi32>
        %swap3A_919 = arith.constant 1 : i32
        %swap3A_920 = arith.constant 1 : i32
        %swap3A_921 = arith.index_cast %swap3A_919 : i32 to index
        %swap3A_922 = arith.index_cast %swap3A_920 : i32 to index
        %swap3A_923 = arith.constant 0 : index
        %swap3A_924 = tpu.vector_load %arg10[%swap3A_921, %swap3A_922, %swap3A_923] {strides = array<i32>} : memref<2x2x128xi32, #tpu.memory_space<vmem>>, vector<16xi32>,
        tpu.vector_store %arg10[%swap3A_921, %swap3A_922, %swap3A_923], %add3A_918 {strides = array<i32>} : memref<2x2x128xi32, #tpu.memory_space<vmem>>, vector<16xi32>,
        %swap3A_925 = arith.constant 1 : i32
        %swap3A_926 = arith.index_cast %swap3A_925 : i32 to index
        %swap3A_927 = arith.constant 128 : index
        %swap3A_928 = tpu.vector_load %arg11[%swap3A_926, %swap3A_927] {strides = array<i32>} : memref<2x256xi32, #tpu.memory_space<vmem>>, vector<16xi32>,
        tpu.vector_store %arg11[%swap3A_926, %swap3A_927], %add3A_918 {strides = array<i32>} : memref<2x256xi32, #tpu.memory_space<vmem>>, vector<16xi32>,
        %get3A_929 = arith.constant 144 : index
        %get3A_930 = tpu.vector_load %arg7[%get3A_929] {strides = array<i32>} : memref<256xi32, #tpu.memory_space<vmem>>, vector<16xi32>,
        %get3A_931 = arith.constant 144 : index
        %get3A_932 = tpu.vector_load %arg9[%get3A_931] {strides = array<i32>} : memref<256xi32, #tpu.memory_space<vmem>>, vector<16xi32>,
        %max3A_933 = arith.maxsi %get3A_930, %get3A_932 : vector<16xi32>
        %max3A_934 = arith.maxsi %max3A_902, %max3A_933 : vector<16xi32>
        %jit3A_935 = arith.constant 0 : i32
        %jit3A_936 = arith.constant 6 : i32
        %max3A_937 = vector.broadcast %jit3A_935 : i32 to vector<16xi32>
        %max3A_938 = arith.maxsi %max3A_937, %get3A_930 : vector<16xi32>
        %min3A_939 = vector.broadcast %jit3A_936 : i32 to vector<16xi32>
        %min3A_940 = arith.minsi %min3A_939, %max3A_938 : vector<16xi32>
        %jit3A_941 = arith.constant 0 : i32
        %jit3A_942 = arith.constant 287 : i32
        %max3A_943 = vector.broadcast %jit3A_941 : i32 to vector<16xi32>
        %max3A_944 = arith.maxsi %max3A_943, %get3A_932 : vector<16xi32>
        %min3A_945 = vector.broadcast %jit3A_942 : i32 to vector<16xi32>
        %min3A_946 = arith.minsi %min3A_945, %max3A_944 : vector<16xi32>
        %mul3A_947 = arith.constant 7 : i32
        %mul3A_948 = vector.broadcast %mul3A_947 : i32 to vector<16xi32>
        %mul3A_949 = arith.muli %min3A_946, %mul3A_948 : vector<16xi32>
        %add3A_950 = arith.addi %mul3A_949, %min3A_940 : vector<16xi32>
        %swap3A_951 = arith.constant 1 : i32
        %swap3A_952 = arith.constant 1 : i32
        %swap3A_953 = arith.index_cast %swap3A_951 : i32 to index
        %swap3A_954 = arith.index_cast %swap3A_952 : i32 to index
        %swap3A_955 = arith.constant 16 : index
        %swap3A_956 = tpu.vector_load %arg10[%swap3A_953, %swap3A_954, %swap3A_955] {strides = array<i32>} : memref<2x2x128xi32, #tpu.memory_space<vmem>>, vector<16xi32>,
        tpu.vector_store %arg10[%swap3A_953, %swap3A_954, %swap3A_955], %add3A_950 {strides = array<i32>} : memref<2x2x128xi32, #tpu.memory_space<vmem>>, vector<16xi32>,
        %swap3A_957 = arith.constant 1 : i32
        %swap3A_958 = arith.index_cast %swap3A_957 : i32 to index
        %swap3A_959 = arith.constant 144 : index
        %swap3A_960 = tpu.vector_load %arg11[%swap3A_958, %swap3A_959] {strides = array<i32>} : memref<2x256xi32, #tpu.memory_space<vmem>>, vector<16xi32>,
        tpu.vector_store %arg11[%swap3A_958, %swap3A_959], %add3A_950 {strides = array<i32>} : memref<2x256xi32, #tpu.memory_space<vmem>>, vector<16xi32>,
        %get3A_961 = arith.constant 160 : index
        %get3A_962 = tpu.vector_load %arg7[%get3A_961] {strides = array<i32>} : memref<256xi32, #tpu.memory_space<vmem>>, vector<16xi32>,
        %get3A_963 = arith.constant 160 : index
        %get3A_964 = tpu.vector_load %arg9[%get3A_963] {strides = array<i32>} : memref<256xi32, #tpu.memory_space<vmem>>, vector<16xi32>,
        %max3A_965 = arith.maxsi %get3A_962, %get3A_964 : vector<16xi32>
        %max3A_966 = arith.maxsi %max3A_934, %max3A_965 : vector<16xi32>
        %jit3A_967 = arith.constant 0 : i32
        %jit3A_968 = arith.constant 6 : i32
        %max3A_969 = vector.broadcast %jit3A_967 : i32 to vector<16xi32>
        %max3A_970 = arith.maxsi %max3A_969, %get3A_962 : vector<16xi32>
        %min3A_971 = vector.broadcast %jit3A_968 : i32 to vector<16xi32>
        %min3A_972 = arith.minsi %min3A_971, %max3A_970 : vector<16xi32>
        %jit3A_973 = arith.constant 0 : i32
        %jit3A_974 = arith.constant 287 : i32
        %max3A_975 = vector.broadcast %jit3A_973 : i32 to vector<16xi32>
        %max3A_976 = arith.maxsi %max3A_975, %get3A_964 : vector<16xi32>
        %min3A_977 = vector.broadcast %jit3A_974 : i32 to vector<16xi32>
        %min3A_978 = arith.minsi %min3A_977, %max3A_976 : vector<16xi32>
        %mul3A_979 = arith.constant 7 : i32
        %mul3A_980 = vector.broadcast %mul3A_979 : i32 to vector<16xi32>
        %mul3A_981 = arith.muli %min3A_978, %mul3A_980 : vector<16xi32>
        %add3A_982 = arith.addi %mul3A_981, %min3A_972 : vector<16xi32>
        %swap3A_983 = arith.constant 1 : i32
        %swap3A_984 = arith.constant 1 : i32
        %swap3A_985 = arith.index_cast %swap3A_983 : i32 to index
        %swap3A_986 = arith.index_cast %swap3A_984 : i32 to index
        %swap3A_987 = arith.constant 32 : index
        %swap3A_988 = tpu.vector_load %arg10[%swap3A_985, %swap3A_986, %swap3A_987] {strides = array<i32>} : memref<2x2x128xi32, #tpu.memory_space<vmem>>, vector<16xi32>,
        tpu.vector_store %arg10[%swap3A_985, %swap3A_986, %swap3A_987], %add3A_982 {strides = array<i32>} : memref<2x2x128xi32, #tpu.memory_space<vmem>>, vector<16xi32>,
        %swap3A_989 = arith.constant 1 : i32
        %swap3A_990 = arith.index_cast %swap3A_989 : i32 to index
        %swap3A_991 = arith.constant 160 : index
        %swap3A_992 = tpu.vector_load %arg11[%swap3A_990, %swap3A_991] {strides = array<i32>} : memref<2x256xi32, #tpu.memory_space<vmem>>, vector<16xi32>,
        tpu.vector_store %arg11[%swap3A_990, %swap3A_991], %add3A_982 {strides = array<i32>} : memref<2x256xi32, #tpu.memory_space<vmem>>, vector<16xi32>,
        %get3A_993 = arith.constant 176 : index
        %get3A_994 = tpu.vector_load %arg7[%get3A_993] {strides = array<i32>} : memref<256xi32, #tpu.memory_space<vmem>>, vector<16xi32>,
        %get3A_995 = arith.constant 176 : index
        %get3A_996 = tpu.vector_load %arg9[%get3A_995] {strides = array<i32>} : memref<256xi32, #tpu.memory_space<vmem>>, vector<16xi32>,
        %max3A_997 = arith.maxsi %get3A_994, %get3A_996 : vector<16xi32>
        %max3A_998 = arith.maxsi %max3A_966, %max3A_997 : vector<16xi32>
        %jit3A_999 = arith.constant 0 : i32
        %jit3A_1000 = arith.constant 6 : i32
        %max3A_1001 = vector.broadcast %jit3A_999 : i32 to vector<16xi32>
        %max3A_1002 = arith.maxsi %max3A_1001, %get3A_994 : vector<16xi32>
        %min3A_1003 = vector.broadcast %jit3A_1000 : i32 to vector<16xi32>
        %min3A_1004 = arith.minsi %min3A_1003, %max3A_1002 : vector<16xi32>
        %jit3A_1005 = arith.constant 0 : i32
        %jit3A_1006 = arith.constant 287 : i32
        %max3A_1007 = vector.broadcast %jit3A_1005 : i32 to vector<16xi32>
        %max3A_1008 = arith.maxsi %max3A_1007, %get3A_996 : vector<16xi32>
        %min3A_1009 = vector.broadcast %jit3A_1006 : i32 to vector<16xi32>
        %min3A_1010 = arith.minsi %min3A_1009, %max3A_1008 : vector<16xi32>
        %mul3A_1011 = arith.constant 7 : i32
        %mul3A_1012 = vector.broadcast %mul3A_1011 : i32 to vector<16xi32>
        %mul3A_1013 = arith.muli %min3A_1010, %mul3A_1012 : vector<16xi32>
        %add3A_1014 = arith.addi %mul3A_1013, %min3A_1004 : vector<16xi32>
        %swap3A_1015 = arith.constant 1 : i32
        %swap3A_1016 = arith.constant 1 : i32
        %swap3A_1017 = arith.index_cast %swap3A_1015 : i32 to index
        %swap3A_1018 = arith.index_cast %swap3A_1016 : i32 to index
        %swap3A_1019 = arith.constant 48 : index
        %swap3A_1020 = tpu.vector_load %arg10[%swap3A_1017, %swap3A_1018, %swap3A_1019] {strides = array<i32>} : memref<2x2x128xi32, #tpu.memory_space<vmem>>, vector<16xi32>,
        tpu.vector_store %arg10[%swap3A_1017, %swap3A_1018, %swap3A_1019], %add3A_1014 {strides = array<i32>} : memref<2x2x128xi32, #tpu.memory_space<vmem>>, vector<16xi32>,
        %swap3A_1021 = arith.constant 1 : i32
        %swap3A_1022 = arith.index_cast %swap3A_1021 : i32 to index
        %swap3A_1023 = arith.constant 176 : index
        %swap3A_1024 = tpu.vector_load %arg11[%swap3A_1022, %swap3A_1023] {strides = array<i32>} : memref<2x256xi32, #tpu.memory_space<vmem>>, vector<16xi32>,
        tpu.vector_store %arg11[%swap3A_1022, %swap3A_1023], %add3A_1014 {strides = array<i32>} : memref<2x256xi32, #tpu.memory_space<vmem>>, vector<16xi32>,
        %get3A_1025 = arith.constant 192 : index
        %get3A_1026 = tpu.vector_load %arg7[%get3A_1025] {strides = array<i32>} : memref<256xi32, #tpu.memory_space<vmem>>, vector<16xi32>,
        %get3A_1027 = arith.constant 192 : index
        %get3A_1028 = tpu.vector_load %arg9[%get3A_1027] {strides = array<i32>} : memref<256xi32, #tpu.memory_space<vmem>>, vector<16xi32>,
        %max3A_1029 = arith.maxsi %get3A_1026, %get3A_1028 : vector<16xi32>
        %max3A_1030 = arith.maxsi %max3A_998, %max3A_1029 : vector<16xi32>
        %jit3A_1031 = arith.constant 0 : i32
        %jit3A_1032 = arith.constant 6 : i32
        %max3A_1033 = vector.broadcast %jit3A_1031 : i32 to vector<16xi32>
        %max3A_1034 = arith.maxsi %max3A_1033, %get3A_1026 : vector<16xi32>
        %min3A_1035 = vector.broadcast %jit3A_1032 : i32 to vector<16xi32>
        %min3A_1036 = arith.minsi %min3A_1035, %max3A_1034 : vector<16xi32>
        %jit3A_1037 = arith.constant 0 : i32
        %jit3A_1038 = arith.constant 287 : i32
        %max3A_1039 = vector.broadcast %jit3A_1037 : i32 to vector<16xi32>
        %max3A_1040 = arith.maxsi %max3A_1039, %get3A_1028 : vector<16xi32>
        %min3A_1041 = vector.broadcast %jit3A_1038 : i32 to vector<16xi32>
        %min3A_1042 = arith.minsi %min3A_1041, %max3A_1040 : vector<16xi32>
        %mul3A_1043 = arith.constant 7 : i32
        %mul3A_1044 = vector.broadcast %mul3A_1043 : i32 to vector<16xi32>
        %mul3A_1045 = arith.muli %min3A_1042, %mul3A_1044 : vector<16xi32>
        %add3A_1046 = arith.addi %mul3A_1045, %min3A_1036 : vector<16xi32>
        %swap3A_1047 = arith.constant 1 : i32
        %swap3A_1048 = arith.constant 1 : i32
        %swap3A_1049 = arith.index_cast %swap3A_1047 : i32 to index
        %swap3A_1050 = arith.index_cast %swap3A_1048 : i32 to index
        %swap3A_1051 = arith.constant 64 : index
        %swap3A_1052 = tpu.vector_load %arg10[%swap3A_1049, %swap3A_1050, %swap3A_1051] {strides = array<i32>} : memref<2x2x128xi32, #tpu.memory_space<vmem>>, vector<16xi32>,
        tpu.vector_store %arg10[%swap3A_1049, %swap3A_1050, %swap3A_1051], %add3A_1046 {strides = array<i32>} : memref<2x2x128xi32, #tpu.memory_space<vmem>>, vector<16xi32>,
        %swap3A_1053 = arith.constant 1 : i32
        %swap3A_1054 = arith.index_cast %swap3A_1053 : i32 to index
        %swap3A_1055 = arith.constant 192 : index
        %swap3A_1056 = tpu.vector_load %arg11[%swap3A_1054, %swap3A_1055] {strides = array<i32>} : memref<2x256xi32, #tpu.memory_space<vmem>>, vector<16xi32>,
        tpu.vector_store %arg11[%swap3A_1054, %swap3A_1055], %add3A_1046 {strides = array<i32>} : memref<2x256xi32, #tpu.memory_space<vmem>>, vector<16xi32>,
        %get3A_1057 = arith.constant 208 : index
        %get3A_1058 = tpu.vector_load %arg7[%get3A_1057] {strides = array<i32>} : memref<256xi32, #tpu.memory_space<vmem>>, vector<16xi32>,
        %get3A_1059 = arith.constant 208 : index
        %get3A_1060 = tpu.vector_load %arg9[%get3A_1059] {strides = array<i32>} : memref<256xi32, #tpu.memory_space<vmem>>, vector<16xi32>,
        %max3A_1061 = arith.maxsi %get3A_1058, %get3A_1060 : vector<16xi32>
        %max3A_1062 = arith.maxsi %max3A_1030, %max3A_1061 : vector<16xi32>
        %jit3A_1063 = arith.constant 0 : i32
        %jit3A_1064 = arith.constant 6 : i32
        %max3A_1065 = vector.broadcast %jit3A_1063 : i32 to vector<16xi32>
        %max3A_1066 = arith.maxsi %max3A_1065, %get3A_1058 : vector<16xi32>
        %min3A_1067 = vector.broadcast %jit3A_1064 : i32 to vector<16xi32>
        %min3A_1068 = arith.minsi %min3A_1067, %max3A_1066 : vector<16xi32>
        %jit3A_1069 = arith.constant 0 : i32
        %jit3A_1070 = arith.constant 287 : i32
        %max3A_1071 = vector.broadcast %jit3A_1069 : i32 to vector<16xi32>
        %max3A_1072 = arith.maxsi %max3A_1071, %get3A_1060 : vector<16xi32>
        %min3A_1073 = vector.broadcast %jit3A_1070 : i32 to vector<16xi32>
        %min3A_1074 = arith.minsi %min3A_1073, %max3A_1072 : vector<16xi32>
        %mul3A_1075 = arith.constant 7 : i32
        %mul3A_1076 = vector.broadcast %mul3A_1075 : i32 to vector<16xi32>
        %mul3A_1077 = arith.muli %min3A_1074, %mul3A_1076 : vector<16xi32>
        %add3A_1078 = arith.addi %mul3A_1077, %min3A_1068 : vector<16xi32>
        %swap3A_1079 = arith.constant 1 : i32
        %swap3A_1080 = arith.constant 1 : i32
        %swap3A_1081 = arith.index_cast %swap3A_1079 : i32 to index
        %swap3A_1082 = arith.index_cast %swap3A_1080 : i32 to index
        %swap3A_1083 = arith.constant 80 : index
        %swap3A_1084 = tpu.vector_load %arg10[%swap3A_1081, %swap3A_1082, %swap3A_1083] {strides = array<i32>} : memref<2x2x128xi32, #tpu.memory_space<vmem>>, vector<16xi32>,
        tpu.vector_store %arg10[%swap3A_1081, %swap3A_1082, %swap3A_1083], %add3A_1078 {strides = array<i32>} : memref<2x2x128xi32, #tpu.memory_space<vmem>>, vector<16xi32>,
        %swap3A_1085 = arith.constant 1 : i32
        %swap3A_1086 = arith.index_cast %swap3A_1085 : i32 to index
        %swap3A_1087 = arith.constant 208 : index
        %swap3A_1088 = tpu.vector_load %arg11[%swap3A_1086, %swap3A_1087] {strides = array<i32>} : memref<2x256xi32, #tpu.memory_space<vmem>>, vector<16xi32>,
        tpu.vector_store %arg11[%swap3A_1086, %swap3A_1087], %add3A_1078 {strides = array<i32>} : memref<2x256xi32, #tpu.memory_space<vmem>>, vector<16xi32>,
        %get3A_1089 = arith.constant 224 : index
        %get3A_1090 = tpu.vector_load %arg7[%get3A_1089] {strides = array<i32>} : memref<256xi32, #tpu.memory_space<vmem>>, vector<16xi32>,
        %get3A_1091 = arith.constant 224 : index
        %get3A_1092 = tpu.vector_load %arg9[%get3A_1091] {strides = array<i32>} : memref<256xi32, #tpu.memory_space<vmem>>, vector<16xi32>,
        %max3A_1093 = arith.maxsi %get3A_1090, %get3A_1092 : vector<16xi32>
        %max3A_1094 = arith.maxsi %max3A_1062, %max3A_1093 : vector<16xi32>
        %jit3A_1095 = arith.constant 0 : i32
        %jit3A_1096 = arith.constant 6 : i32
        %max3A_1097 = vector.broadcast %jit3A_1095 : i32 to vector<16xi32>
        %max3A_1098 = arith.maxsi %max3A_1097, %get3A_1090 : vector<16xi32>
        %min3A_1099 = vector.broadcast %jit3A_1096 : i32 to vector<16xi32>
        %min3A_1100 = arith.minsi %min3A_1099, %max3A_1098 : vector<16xi32>
        %jit3A_1101 = arith.constant 0 : i32
        %jit3A_1102 = arith.constant 287 : i32
        %max3A_1103 = vector.broadcast %jit3A_1101 : i32 to vector<16xi32>
        %max3A_1104 = arith.maxsi %max3A_1103, %get3A_1092 : vector<16xi32>
        %min3A_1105 = vector.broadcast %jit3A_1102 : i32 to vector<16xi32>
        %min3A_1106 = arith.minsi %min3A_1105, %max3A_1104 : vector<16xi32>
        %mul3A_1107 = arith.constant 7 : i32
        %mul3A_1108 = vector.broadcast %mul3A_1107 : i32 to vector<16xi32>
        %mul3A_1109 = arith.muli %min3A_1106, %mul3A_1108 : vector<16xi32>
        %add3A_1110 = arith.addi %mul3A_1109, %min3A_1100 : vector<16xi32>
        %swap3A_1111 = arith.constant 1 : i32
        %swap3A_1112 = arith.constant 1 : i32
        %swap3A_1113 = arith.index_cast %swap3A_1111 : i32 to index
        %swap3A_1114 = arith.index_cast %swap3A_1112 : i32 to index
        %swap3A_1115 = arith.constant 96 : index
        %swap3A_1116 = tpu.vector_load %arg10[%swap3A_1113, %swap3A_1114, %swap3A_1115] {strides = array<i32>} : memref<2x2x128xi32, #tpu.memory_space<vmem>>, vector<16xi32>,
        tpu.vector_store %arg10[%swap3A_1113, %swap3A_1114, %swap3A_1115], %add3A_1110 {strides = array<i32>} : memref<2x2x128xi32, #tpu.memory_space<vmem>>, vector<16xi32>,
        %swap3A_1117 = arith.constant 1 : i32
        %swap3A_1118 = arith.index_cast %swap3A_1117 : i32 to index
        %swap3A_1119 = arith.constant 224 : index
        %swap3A_1120 = tpu.vector_load %arg11[%swap3A_1118, %swap3A_1119] {strides = array<i32>} : memref<2x256xi32, #tpu.memory_space<vmem>>, vector<16xi32>,
        tpu.vector_store %arg11[%swap3A_1118, %swap3A_1119], %add3A_1110 {strides = array<i32>} : memref<2x256xi32, #tpu.memory_space<vmem>>, vector<16xi32>,
        %get3A_1121 = arith.constant 240 : index
        %get3A_1122 = tpu.vector_load %arg7[%get3A_1121] {strides = array<i32>} : memref<256xi32, #tpu.memory_space<vmem>>, vector<16xi32>,
        %get3A_1123 = arith.constant 240 : index
        %get3A_1124 = tpu.vector_load %arg9[%get3A_1123] {strides = array<i32>} : memref<256xi32, #tpu.memory_space<vmem>>, vector<16xi32>,
        %max3A_1125 = arith.maxsi %get3A_1122, %get3A_1124 : vector<16xi32>
        %max3A_1126 = arith.maxsi %max3A_1094, %max3A_1125 : vector<16xi32>
        %jit3A_1127 = arith.constant 0 : i32
        %jit3A_1128 = arith.constant 6 : i32
        %max3A_1129 = vector.broadcast %jit3A_1127 : i32 to vector<16xi32>
        %max3A_1130 = arith.maxsi %max3A_1129, %get3A_1122 : vector<16xi32>
        %min3A_1131 = vector.broadcast %jit3A_1128 : i32 to vector<16xi32>
        %min3A_1132 = arith.minsi %min3A_1131, %max3A_1130 : vector<16xi32>
        %jit3A_1133 = arith.constant 0 : i32
        %jit3A_1134 = arith.constant 287 : i32
        %max3A_1135 = vector.broadcast %jit3A_1133 : i32 to vector<16xi32>
        %max3A_1136 = arith.maxsi %max3A_1135, %get3A_1124 : vector<16xi32>
        %min3A_1137 = vector.broadcast %jit3A_1134 : i32 to vector<16xi32>
        %min3A_1138 = arith.minsi %min3A_1137, %max3A_1136 : vector<16xi32>
        %mul3A_1139 = arith.constant 7 : i32
        %mul3A_1140 = vector.broadcast %mul3A_1139 : i32 to vector<16xi32>
        %mul3A_1141 = arith.muli %min3A_1138, %mul3A_1140 : vector<16xi32>
        %add3A_1142 = arith.addi %mul3A_1141, %min3A_1132 : vector<16xi32>
        %swap3A_1143 = arith.constant 1 : i32
        %swap3A_1144 = arith.constant 1 : i32
        %swap3A_1145 = arith.index_cast %swap3A_1143 : i32 to index
        %swap3A_1146 = arith.index_cast %swap3A_1144 : i32 to index
        %swap3A_1147 = arith.constant 112 : index
        %swap3A_1148 = tpu.vector_load %arg10[%swap3A_1145, %swap3A_1146, %swap3A_1147] {strides = array<i32>} : memref<2x2x128xi32, #tpu.memory_space<vmem>>, vector<16xi32>,
        tpu.vector_store %arg10[%swap3A_1145, %swap3A_1146, %swap3A_1147], %add3A_1142 {strides = array<i32>} : memref<2x2x128xi32, #tpu.memory_space<vmem>>, vector<16xi32>,
        %swap3A_1149 = arith.constant 1 : i32
        %swap3A_1150 = arith.index_cast %swap3A_1149 : i32 to index
        %swap3A_1151 = arith.constant 240 : index
        %swap3A_1152 = tpu.vector_load %arg11[%swap3A_1150, %swap3A_1151] {strides = array<i32>} : memref<2x256xi32, #tpu.memory_space<vmem>>, vector<16xi32>,
        tpu.vector_store %arg11[%swap3A_1150, %swap3A_1151], %add3A_1142 {strides = array<i32>} : memref<2x256xi32, #tpu.memory_space<vmem>>, vector<16xi32>,
        %reduce_max3A_1153 = arith.constant true
        %reduce_max3A_1154 = vector.broadcast %reduce_max3A_1153 : i1 to vector<16xi1>
        %reduce_max3A_1155 = arith.constant -2147483648 : i32
        %reduce_max3A_1156 = vector.broadcast %reduce_max3A_1155 : i32 to vector<16xi32>
        %reduce_max3A_1157 = arith.xori %max3A_1126, %reduce_max3A_1156 : vector<16xi32>
        %reduce_max3A_1158 = tpu.scan <max>, %reduce_max3A_1157 masked %reduce_max3A_1154 : vector<16xi32>, vector<16xi1> -> vector<16xi32>
        %reduce_max3A_1159 = arith.xori %reduce_max3A_1158, %reduce_max3A_1156 : vector<16xi32>
        %reduce_max3A_1160 = vector.extract %reduce_max3A_1159[15] : i32 from vector<16xi32>
        %swap3A_1161 = arith.constant 1 : i32
        %swap3A_1162 = arith.index_cast %swap3A_1161 : i32 to index
        %swap3A_1163 = memref.load %arg15[%swap3A_1162] : memref<2xi32, #tpu.memory_space<smem>>
        memref.store %reduce_max3A_1160, %arg15[%swap3A_1162] : memref<2xi32, #tpu.memory_space<smem>>
        %add3A_1164 = arith.constant 2 : i32
        %add3A_1165 = arith.addi %add3A_565, %add3A_1164 : i32
        %lt3A_1166 = arith.constant 400 : i32
        %lt3A_1167 = arith.cmpi slt, %add3A_1165, %lt3A_1166 : i32
        %convert_element_type3A_1168 = arith.extui %lt3A_1167 : i1 to i32
        %cond3A_1169 = arith.constant 0 : i32
        %cond3A_1170 = arith.cmpi ne, %convert_element_type3A_1168, %cond3A_1169 : i32
        scf.if %cond3A_1170 {
          %add3A_1171 = arith.constant 2 : i32
          %add3A_1172 = arith.addi %add3A_565, %add3A_1171 : i32
          %mul3A_1173 = arith.constant 256 : i32
          %mul3A_1174 = arith.muli %add3A_1172, %mul3A_1173 : i32
          %add3A_1175 = arith.addi %mul3A_2, %mul3A_1174 : i32
          %dma_start3A_1176 = tpu.memref_slice %arg2[%add3A_1175] : memref<3276800xi32, #tpu.memory_space<hbm>> -> memref<256xi32, #tpu.memory_space<hbm>>
          %dma_start3A_1177 = tpu.memref_slice %arg2[%add3A_1175] : memref<3276800xi32, #tpu.memory_space<hbm>> -> memref<256xi32, #tpu.memory_space<hbm>>
          tpu.enqueue_dma source(%dma_start3A_1177 : memref<256xi32, #tpu.memory_space<hbm>>) target(%arg6 : memref<256xi32, #tpu.memory_space<vmem>>) target_semaphore(%arg16 : memref<!tpu.dma_semaphore, #tpu.memory_space<semaphore_mem>>)
          %mul3A_1178 = arith.constant 256 : i32
          %mul3A_1179 = arith.muli %add3A_1172, %mul3A_1178 : i32
          %add3A_1180 = arith.addi %mul3A_2, %mul3A_1179 : i32
          %dma_start3A_1181 = tpu.memref_slice %arg3[%add3A_1180] : memref<3276800xi32, #tpu.memory_space<hbm>> -> memref<256xi32, #tpu.memory_space<hbm>>
          %dma_start3A_1182 = tpu.memref_slice %arg3[%add3A_1180] : memref<3276800xi32, #tpu.memory_space<hbm>> -> memref<256xi32, #tpu.memory_space<hbm>>
          tpu.enqueue_dma source(%dma_start3A_1182 : memref<256xi32, #tpu.memory_space<hbm>>) target(%arg8 : memref<256xi32, #tpu.memory_space<vmem>>) target_semaphore(%arg16 : memref<!tpu.dma_semaphore, #tpu.memory_space<semaphore_mem>>)
        } else {
        }
      } else {
      }
      %add3A_593 = arith.constant 1 : i32
      %add3A_594 = arith.addi %add3A_563, %add3A_593 : i32
      %gt3A_595 = arith.constant 1 : i32
      %gt3A_596 = arith.cmpi sgt, %add3A_594, %gt3A_595 : i32
      %convert_element_type3A_597 = arith.extui %gt3A_596 : i1 to i32
      %cond3A_598 = arith.constant 0 : i32
      %cond3A_599 = arith.cmpi ne, %convert_element_type3A_597, %cond3A_598 : i32
      scf.if %cond3A_599 {
        %sub3A = arith.constant 2 : i32
        %sub3A_627 = arith.subi %add3A_594, %sub3A : i32
        %mul3A_628 = arith.constant 256 : i32
        %mul3A_629 = arith.muli %sub3A_627, %mul3A_628 : i32
        %add3A_630 = arith.addi %mul3A_2, %mul3A_629 : i32
        %dma_wait3A_631 = arith.constant 0 : i32
        %dma_wait3A_632 = tpu.memref_slice %arg5[%add3A_630, %dma_wait3A_631] : memref<3276800x128xf32, #tpu.memory_space<hbm>> -> memref<256x128xf32, #tpu.memory_space<hbm>>
        %dma_wait3A_633 = arith.constant 0 : i32
        %dma_wait3A_634 = tpu.memref_slice %arg5[%add3A_630, %dma_wait3A_633] : memref<3276800x128xf32, #tpu.memory_space<hbm>> -> memref<256x128xf32, #tpu.memory_space<hbm>>
        tpu.wait_dma2 semaphore(%arg21 : memref<!tpu.dma_semaphore, #tpu.memory_space<semaphore_mem>>) src(%arg14 : memref<256x128xf32, #tpu.memory_space<vmem>>) dst(%dma_wait3A_634 : memref<256x128xf32, #tpu.memory_space<hbm>>)
      } else {
      }
      %get3A_600 = arith.constant 1 : i32
      %get3A_601 = arith.index_cast %get3A_600 : i32 to index
      %get3A_602 = memref.load %arg15[%get3A_601] : memref<2xi32, #tpu.memory_space<smem>>
      %lt3A_603 = arith.constant 7 : i32
      %lt3A_604 = arith.cmpi slt, %get3A_602, %lt3A_603 : i32
      %convert_element_type3A_605 = arith.extui %lt3A_604 : i1 to i32
      %cond3A_606 = arith.constant 0 : i32
      %cond3A_607 = arith.cmpi ne, %convert_element_type3A_605, %cond3A_606 : i32
      scf.if %cond3A_607 {
        %scan3A_627 = arith.constant 0 : i32
        %scan3A_628 = arith.constant 16 : i32
        %scan3A_629 = arith.addi %scan3A_627, %scan3A_628 : i32
        %scan3A_630 = arith.constant 1 : i32
        scf.for %scan3A_632 = %scan3A_627 to %scan3A_629 step %scan3A_630  : i32 {
          %mul3A_633 = arith.constant 1 : i32
          %mul3A_634 = arith.muli %scan3A_632, %mul3A_633 : i32
          %add3A_635 = arith.constant 0 : i32
          %add3A_636 = arith.addi %add3A_635, %mul3A_634 : i32
          %mul3A_637 = arith.constant 16 : i32
          %mul3A_638 = arith.muli %add3A_636, %mul3A_637 : i32
          %get3A_639 = arith.constant 1 : i32
          %get3A_640 = arith.index_cast %get3A_639 : i32 to index
          %get3A_641 = arith.index_cast %mul3A_638 : i32 to index
          %get3A_642 = tpu.vector_load %arg11[%get3A_640, %get3A_641] {strides = array<i32>} : memref<2x256xi32, #tpu.memory_space<vmem>>, vector<16xi32>,
          %mul3A_643 = arith.constant 16 : i32
          %mul3A_644 = arith.muli %add3A_636, %mul3A_643 : i32
          %add3A_645 = vector.broadcast %mul3A_644 : i32 to vector<16xi32>
          %add3A_646 = arith.addi %add3A_645, %iota3A : vector<16xi32>
          %add3A_647 = arith.constant 48 : i32
          %add3A_648 = vector.broadcast %add3A_647 : i32 to vector<16xi32>
          %add3A_649 = arith.addi %iota3A, %add3A_648 : vector<16xi32>
          %gather3A = tpu.vector_load_idx %arg12[%get3A_642, %iota3A] : memref<56x128xf32, #tpu.memory_space<vmem>>[vector<16xi32>, vector<16xi32>], vector<16xf32>,
          %gather3A_650 = tpu.vector_load_idx %arg12[%get3A_642, %add3A_649] : memref<56x128xf32, #tpu.memory_space<vmem>>[vector<16xi32>, vector<16xi32>], vector<16xf32>,
          tpu.vector_store_idx %arg14[%add3A_646, %iota3A], %gather3A : memref<256x128xf32, #tpu.memory_space<vmem>>[vector<16xi32>, vector<16xi32>], vector<16xf32>,
          tpu.vector_store_idx %arg14[%add3A_646, %add3A_649], %gather3A_650 : memref<256x128xf32, #tpu.memory_space<vmem>>[vector<16xi32>, vector<16xi32>], vector<16xf32>,
          %add3A_651 = arith.constant 1 : i32
          %add3A_652 = vector.broadcast %add3A_651 : i32 to vector<16xi32>
          %add3A_653 = arith.addi %iota3A, %add3A_652 : vector<16xi32>
          %ge3A = arith.constant 96 : i32
          %ge3A_654 = vector.broadcast %ge3A : i32 to vector<16xi32>
          %ge3A_655 = arith.cmpi sge, %add3A_653, %ge3A_654 : vector<16xi32>
          %sub3A = arith.constant 96 : i32
          %sub3A_656 = vector.broadcast %sub3A : i32 to vector<16xi32>
          %sub3A_657 = arith.subi %add3A_653, %sub3A_656 : vector<16xi32>
          %select_n3A = arith.select %ge3A_655, %sub3A_657, %add3A_653 : vector<16xi1>, vector<16xi32>
          %add3A_658 = arith.constant 1 : i32
          %add3A_659 = vector.broadcast %add3A_658 : i32 to vector<16xi32>
          %add3A_660 = arith.addi %add3A_649, %add3A_659 : vector<16xi32>
          %ge3A_661 = arith.constant 96 : i32
          %ge3A_662 = vector.broadcast %ge3A_661 : i32 to vector<16xi32>
          %ge3A_663 = arith.cmpi sge, %add3A_660, %ge3A_662 : vector<16xi32>
          %sub3A_664 = arith.constant 96 : i32
          %sub3A_665 = vector.broadcast %sub3A_664 : i32 to vector<16xi32>
          %sub3A_666 = arith.subi %add3A_660, %sub3A_665 : vector<16xi32>
          %select_n3A_667 = arith.select %ge3A_663, %sub3A_666, %add3A_660 : vector<16xi1>, vector<16xi32>
          %gather3A_668 = tpu.vector_load_idx %arg12[%get3A_642, %select_n3A] : memref<56x128xf32, #tpu.memory_space<vmem>>[vector<16xi32>, vector<16xi32>], vector<16xf32>,
          %gather3A_669 = tpu.vector_load_idx %arg12[%get3A_642, %select_n3A_667] : memref<56x128xf32, #tpu.memory_space<vmem>>[vector<16xi32>, vector<16xi32>], vector<16xf32>,
          tpu.vector_store_idx %arg14[%add3A_646, %select_n3A], %gather3A_668 : memref<256x128xf32, #tpu.memory_space<vmem>>[vector<16xi32>, vector<16xi32>], vector<16xf32>,
          tpu.vector_store_idx %arg14[%add3A_646, %select_n3A_667], %gather3A_669 : memref<256x128xf32, #tpu.memory_space<vmem>>[vector<16xi32>, vector<16xi32>], vector<16xf32>,
          %add3A_670 = arith.constant 1 : i32
          %add3A_671 = vector.broadcast %add3A_670 : i32 to vector<16xi32>
          %add3A_672 = arith.addi %select_n3A, %add3A_671 : vector<16xi32>
          %ge3A_673 = arith.constant 96 : i32
          %ge3A_674 = vector.broadcast %ge3A_673 : i32 to vector<16xi32>
          %ge3A_675 = arith.cmpi sge, %add3A_672, %ge3A_674 : vector<16xi32>
          %sub3A_676 = arith.constant 96 : i32
          %sub3A_677 = vector.broadcast %sub3A_676 : i32 to vector<16xi32>
          %sub3A_678 = arith.subi %add3A_672, %sub3A_677 : vector<16xi32>
          %select_n3A_679 = arith.select %ge3A_675, %sub3A_678, %add3A_672 : vector<16xi1>, vector<16xi32>
          %add3A_680 = arith.constant 1 : i32
          %add3A_681 = vector.broadcast %add3A_680 : i32 to vector<16xi32>
          %add3A_682 = arith.addi %select_n3A_667, %add3A_681 : vector<16xi32>
          %ge3A_683 = arith.constant 96 : i32
          %ge3A_684 = vector.broadcast %ge3A_683 : i32 to vector<16xi32>
          %ge3A_685 = arith.cmpi sge, %add3A_682, %ge3A_684 : vector<16xi32>
          %sub3A_686 = arith.constant 96 : i32
          %sub3A_687 = vector.broadcast %sub3A_686 : i32 to vector<16xi32>
          %sub3A_688 = arith.subi %add3A_682, %sub3A_687 : vector<16xi32>
          %select_n3A_689 = arith.select %ge3A_685, %sub3A_688, %add3A_682 : vector<16xi1>, vector<16xi32>
          %gather3A_690 = tpu.vector_load_idx %arg12[%get3A_642, %select_n3A_679] : memref<56x128xf32, #tpu.memory_space<vmem>>[vector<16xi32>, vector<16xi32>], vector<16xf32>,
          %gather3A_691 = tpu.vector_load_idx %arg12[%get3A_642, %select_n3A_689] : memref<56x128xf32, #tpu.memory_space<vmem>>[vector<16xi32>, vector<16xi32>], vector<16xf32>,
          tpu.vector_store_idx %arg14[%add3A_646, %select_n3A_679], %gather3A_690 : memref<256x128xf32, #tpu.memory_space<vmem>>[vector<16xi32>, vector<16xi32>], vector<16xf32>,
          tpu.vector_store_idx %arg14[%add3A_646, %select_n3A_689], %gather3A_691 : memref<256x128xf32, #tpu.memory_space<vmem>>[vector<16xi32>, vector<16xi32>], vector<16xf32>,
          %add3A_692 = arith.constant 1 : i32
          %add3A_693 = vector.broadcast %add3A_692 : i32 to vector<16xi32>
          %add3A_694 = arith.addi %select_n3A_679, %add3A_693 : vector<16xi32>
          %ge3A_695 = arith.constant 96 : i32
          %ge3A_696 = vector.broadcast %ge3A_695 : i32 to vector<16xi32>
          %ge3A_697 = arith.cmpi sge, %add3A_694, %ge3A_696 : vector<16xi32>
          %sub3A_698 = arith.constant 96 : i32
          %sub3A_699 = vector.broadcast %sub3A_698 : i32 to vector<16xi32>
          %sub3A_700 = arith.subi %add3A_694, %sub3A_699 : vector<16xi32>
          %select_n3A_701 = arith.select %ge3A_697, %sub3A_700, %add3A_694 : vector<16xi1>, vector<16xi32>
          %add3A_702 = arith.constant 1 : i32
          %add3A_703 = vector.broadcast %add3A_702 : i32 to vector<16xi32>
          %add3A_704 = arith.addi %select_n3A_689, %add3A_703 : vector<16xi32>
          %ge3A_705 = arith.constant 96 : i32
          %ge3A_706 = vector.broadcast %ge3A_705 : i32 to vector<16xi32>
          %ge3A_707 = arith.cmpi sge, %add3A_704, %ge3A_706 : vector<16xi32>
          %sub3A_708 = arith.constant 96 : i32
          %sub3A_709 = vector.broadcast %sub3A_708 : i32 to vector<16xi32>
          %sub3A_710 = arith.subi %add3A_704, %sub3A_709 : vector<16xi32>
          %select_n3A_711 = arith.select %ge3A_707, %sub3A_710, %add3A_704 : vector<16xi1>, vector<16xi32>
          %gather3A_712 = tpu.vector_load_idx %arg12[%get3A_642, %select_n3A_701] : memref<56x128xf32, #tpu.memory_space<vmem>>[vector<16xi32>, vector<16xi32>], vector<16xf32>,
          %gather3A_713 = tpu.vector_load_idx %arg12[%get3A_642, %select_n3A_711] : memref<56x128xf32, #tpu.memory_space<vmem>>[vector<16xi32>, vector<16xi32>], vector<16xf32>,
          tpu.vector_store_idx %arg14[%add3A_646, %select_n3A_701], %gather3A_712 : memref<256x128xf32, #tpu.memory_space<vmem>>[vector<16xi32>, vector<16xi32>], vector<16xf32>,
          tpu.vector_store_idx %arg14[%add3A_646, %select_n3A_711], %gather3A_713 : memref<256x128xf32, #tpu.memory_space<vmem>>[vector<16xi32>, vector<16xi32>], vector<16xf32>,
          %add3A_714 = arith.constant 1 : i32
          %add3A_715 = vector.broadcast %add3A_714 : i32 to vector<16xi32>
          %add3A_716 = arith.addi %select_n3A_701, %add3A_715 : vector<16xi32>
          %ge3A_717 = arith.constant 96 : i32
          %ge3A_718 = vector.broadcast %ge3A_717 : i32 to vector<16xi32>
          %ge3A_719 = arith.cmpi sge, %add3A_716, %ge3A_718 : vector<16xi32>
          %sub3A_720 = arith.constant 96 : i32
          %sub3A_721 = vector.broadcast %sub3A_720 : i32 to vector<16xi32>
          %sub3A_722 = arith.subi %add3A_716, %sub3A_721 : vector<16xi32>
          %select_n3A_723 = arith.select %ge3A_719, %sub3A_722, %add3A_716 : vector<16xi1>, vector<16xi32>
          %add3A_724 = arith.constant 1 : i32
          %add3A_725 = vector.broadcast %add3A_724 : i32 to vector<16xi32>
          %add3A_726 = arith.addi %select_n3A_711, %add3A_725 : vector<16xi32>
          %ge3A_727 = arith.constant 96 : i32
          %ge3A_728 = vector.broadcast %ge3A_727 : i32 to vector<16xi32>
          %ge3A_729 = arith.cmpi sge, %add3A_726, %ge3A_728 : vector<16xi32>
          %sub3A_730 = arith.constant 96 : i32
          %sub3A_731 = vector.broadcast %sub3A_730 : i32 to vector<16xi32>
          %sub3A_732 = arith.subi %add3A_726, %sub3A_731 : vector<16xi32>
          %select_n3A_733 = arith.select %ge3A_729, %sub3A_732, %add3A_726 : vector<16xi1>, vector<16xi32>
          %gather3A_734 = tpu.vector_load_idx %arg12[%get3A_642, %select_n3A_723] : memref<56x128xf32, #tpu.memory_space<vmem>>[vector<16xi32>, vector<16xi32>], vector<16xf32>,
          %gather3A_735 = tpu.vector_load_idx %arg12[%get3A_642, %select_n3A_733] : memref<56x128xf32, #tpu.memory_space<vmem>>[vector<16xi32>, vector<16xi32>], vector<16xf32>,
          tpu.vector_store_idx %arg14[%add3A_646, %select_n3A_723], %gather3A_734 : memref<256x128xf32, #tpu.memory_space<vmem>>[vector<16xi32>, vector<16xi32>], vector<16xf32>,
          tpu.vector_store_idx %arg14[%add3A_646, %select_n3A_733], %gather3A_735 : memref<256x128xf32, #tpu.memory_space<vmem>>[vector<16xi32>, vector<16xi32>], vector<16xf32>,
          %add3A_736 = arith.constant 1 : i32
          %add3A_737 = vector.broadcast %add3A_736 : i32 to vector<16xi32>
          %add3A_738 = arith.addi %select_n3A_723, %add3A_737 : vector<16xi32>
          %ge3A_739 = arith.constant 96 : i32
          %ge3A_740 = vector.broadcast %ge3A_739 : i32 to vector<16xi32>
          %ge3A_741 = arith.cmpi sge, %add3A_738, %ge3A_740 : vector<16xi32>
          %sub3A_742 = arith.constant 96 : i32
          %sub3A_743 = vector.broadcast %sub3A_742 : i32 to vector<16xi32>
          %sub3A_744 = arith.subi %add3A_738, %sub3A_743 : vector<16xi32>
          %select_n3A_745 = arith.select %ge3A_741, %sub3A_744, %add3A_738 : vector<16xi1>, vector<16xi32>
          %add3A_746 = arith.constant 1 : i32
          %add3A_747 = vector.broadcast %add3A_746 : i32 to vector<16xi32>
          %add3A_748 = arith.addi %select_n3A_733, %add3A_747 : vector<16xi32>
          %ge3A_749 = arith.constant 96 : i32
          %ge3A_750 = vector.broadcast %ge3A_749 : i32 to vector<16xi32>
          %ge3A_751 = arith.cmpi sge, %add3A_748, %ge3A_750 : vector<16xi32>
          %sub3A_752 = arith.constant 96 : i32
          %sub3A_753 = vector.broadcast %sub3A_752 : i32 to vector<16xi32>
          %sub3A_754 = arith.subi %add3A_748, %sub3A_753 : vector<16xi32>
          %select_n3A_755 = arith.select %ge3A_751, %sub3A_754, %add3A_748 : vector<16xi1>, vector<16xi32>
          %gather3A_756 = tpu.vector_load_idx %arg12[%get3A_642, %select_n3A_745] : memref<56x128xf32, #tpu.memory_space<vmem>>[vector<16xi32>, vector<16xi32>], vector<16xf32>,
          %gather3A_757 = tpu.vector_load_idx %arg12[%get3A_642, %select_n3A_755] : memref<56x128xf32, #tpu.memory_space<vmem>>[vector<16xi32>, vector<16xi32>], vector<16xf32>,
          tpu.vector_store_idx %arg14[%add3A_646, %select_n3A_745], %gather3A_756 : memref<256x128xf32, #tpu.memory_space<vmem>>[vector<16xi32>, vector<16xi32>], vector<16xf32>,
          tpu.vector_store_idx %arg14[%add3A_646, %select_n3A_755], %gather3A_757 : memref<256x128xf32, #tpu.memory_space<vmem>>[vector<16xi32>, vector<16xi32>], vector<16xf32>,
          %add3A_758 = arith.constant 1 : i32
          %add3A_759 = vector.broadcast %add3A_758 : i32 to vector<16xi32>
          %add3A_760 = arith.addi %select_n3A_745, %add3A_759 : vector<16xi32>
          %ge3A_761 = arith.constant 96 : i32
          %ge3A_762 = vector.broadcast %ge3A_761 : i32 to vector<16xi32>
          %ge3A_763 = arith.cmpi sge, %add3A_760, %ge3A_762 : vector<16xi32>
          %sub3A_764 = arith.constant 96 : i32
          %sub3A_765 = vector.broadcast %sub3A_764 : i32 to vector<16xi32>
          %sub3A_766 = arith.subi %add3A_760, %sub3A_765 : vector<16xi32>
          %select_n3A_767 = arith.select %ge3A_763, %sub3A_766, %add3A_760 : vector<16xi1>, vector<16xi32>
          %add3A_768 = arith.constant 1 : i32
          %add3A_769 = vector.broadcast %add3A_768 : i32 to vector<16xi32>
          %add3A_770 = arith.addi %select_n3A_755, %add3A_769 : vector<16xi32>
          %ge3A_771 = arith.constant 96 : i32
          %ge3A_772 = vector.broadcast %ge3A_771 : i32 to vector<16xi32>
          %ge3A_773 = arith.cmpi sge, %add3A_770, %ge3A_772 : vector<16xi32>
          %sub3A_774 = arith.constant 96 : i32
          %sub3A_775 = vector.broadcast %sub3A_774 : i32 to vector<16xi32>
          %sub3A_776 = arith.subi %add3A_770, %sub3A_775 : vector<16xi32>
          %select_n3A_777 = arith.select %ge3A_773, %sub3A_776, %add3A_770 : vector<16xi1>, vector<16xi32>
          %gather3A_778 = tpu.vector_load_idx %arg12[%get3A_642, %select_n3A_767] : memref<56x128xf32, #tpu.memory_space<vmem>>[vector<16xi32>, vector<16xi32>], vector<16xf32>,
          %gather3A_779 = tpu.vector_load_idx %arg12[%get3A_642, %select_n3A_777] : memref<56x128xf32, #tpu.memory_space<vmem>>[vector<16xi32>, vector<16xi32>], vector<16xf32>,
          tpu.vector_store_idx %arg14[%add3A_646, %select_n3A_767], %gather3A_778 : memref<256x128xf32, #tpu.memory_space<vmem>>[vector<16xi32>, vector<16xi32>], vector<16xf32>,
          tpu.vector_store_idx %arg14[%add3A_646, %select_n3A_777], %gather3A_779 : memref<256x128xf32, #tpu.memory_space<vmem>>[vector<16xi32>, vector<16xi32>], vector<16xf32>,
          %add3A_780 = arith.constant 1 : i32
          %add3A_781 = vector.broadcast %add3A_780 : i32 to vector<16xi32>
          %add3A_782 = arith.addi %select_n3A_767, %add3A_781 : vector<16xi32>
          %ge3A_783 = arith.constant 96 : i32
          %ge3A_784 = vector.broadcast %ge3A_783 : i32 to vector<16xi32>
          %ge3A_785 = arith.cmpi sge, %add3A_782, %ge3A_784 : vector<16xi32>
          %sub3A_786 = arith.constant 96 : i32
          %sub3A_787 = vector.broadcast %sub3A_786 : i32 to vector<16xi32>
          %sub3A_788 = arith.subi %add3A_782, %sub3A_787 : vector<16xi32>
          %select_n3A_789 = arith.select %ge3A_785, %sub3A_788, %add3A_782 : vector<16xi1>, vector<16xi32>
          %add3A_790 = arith.constant 1 : i32
          %add3A_791 = vector.broadcast %add3A_790 : i32 to vector<16xi32>
          %add3A_792 = arith.addi %select_n3A_777, %add3A_791 : vector<16xi32>
          %ge3A_793 = arith.constant 96 : i32
          %ge3A_794 = vector.broadcast %ge3A_793 : i32 to vector<16xi32>
          %ge3A_795 = arith.cmpi sge, %add3A_792, %ge3A_794 : vector<16xi32>
          %sub3A_796 = arith.constant 96 : i32
          %sub3A_797 = vector.broadcast %sub3A_796 : i32 to vector<16xi32>
          %sub3A_798 = arith.subi %add3A_792, %sub3A_797 : vector<16xi32>
          %select_n3A_799 = arith.select %ge3A_795, %sub3A_798, %add3A_792 : vector<16xi1>, vector<16xi32>
          %gather3A_800 = tpu.vector_load_idx %arg12[%get3A_642, %select_n3A_789] : memref<56x128xf32, #tpu.memory_space<vmem>>[vector<16xi32>, vector<16xi32>], vector<16xf32>,
          %gather3A_801 = tpu.vector_load_idx %arg12[%get3A_642, %select_n3A_799] : memref<56x128xf32, #tpu.memory_space<vmem>>[vector<16xi32>, vector<16xi32>], vector<16xf32>,
          tpu.vector_store_idx %arg14[%add3A_646, %select_n3A_789], %gather3A_800 : memref<256x128xf32, #tpu.memory_space<vmem>>[vector<16xi32>, vector<16xi32>], vector<16xf32>,
          tpu.vector_store_idx %arg14[%add3A_646, %select_n3A_799], %gather3A_801 : memref<256x128xf32, #tpu.memory_space<vmem>>[vector<16xi32>, vector<16xi32>], vector<16xf32>,
          %add3A_802 = arith.constant 1 : i32
          %add3A_803 = vector.broadcast %add3A_802 : i32 to vector<16xi32>
          %add3A_804 = arith.addi %select_n3A_789, %add3A_803 : vector<16xi32>
          %ge3A_805 = arith.constant 96 : i32
          %ge3A_806 = vector.broadcast %ge3A_805 : i32 to vector<16xi32>
          %ge3A_807 = arith.cmpi sge, %add3A_804, %ge3A_806 : vector<16xi32>
          %sub3A_808 = arith.constant 96 : i32
          %sub3A_809 = vector.broadcast %sub3A_808 : i32 to vector<16xi32>
          %sub3A_810 = arith.subi %add3A_804, %sub3A_809 : vector<16xi32>
          %select_n3A_811 = arith.select %ge3A_807, %sub3A_810, %add3A_804 : vector<16xi1>, vector<16xi32>
          %add3A_812 = arith.constant 1 : i32
          %add3A_813 = vector.broadcast %add3A_812 : i32 to vector<16xi32>
          %add3A_814 = arith.addi %select_n3A_799, %add3A_813 : vector<16xi32>
          %ge3A_815 = arith.constant 96 : i32
          %ge3A_816 = vector.broadcast %ge3A_815 : i32 to vector<16xi32>
          %ge3A_817 = arith.cmpi sge, %add3A_814, %ge3A_816 : vector<16xi32>
          %sub3A_818 = arith.constant 96 : i32
          %sub3A_819 = vector.broadcast %sub3A_818 : i32 to vector<16xi32>
          %sub3A_820 = arith.subi %add3A_814, %sub3A_819 : vector<16xi32>
          %select_n3A_821 = arith.select %ge3A_817, %sub3A_820, %add3A_814 : vector<16xi1>, vector<16xi32>
          %gather3A_822 = tpu.vector_load_idx %arg12[%get3A_642, %select_n3A_811] : memref<56x128xf32, #tpu.memory_space<vmem>>[vector<16xi32>, vector<16xi32>], vector<16xf32>,
          %gather3A_823 = tpu.vector_load_idx %arg12[%get3A_642, %select_n3A_821] : memref<56x128xf32, #tpu.memory_space<vmem>>[vector<16xi32>, vector<16xi32>], vector<16xf32>,
          tpu.vector_store_idx %arg14[%add3A_646, %select_n3A_811], %gather3A_822 : memref<256x128xf32, #tpu.memory_space<vmem>>[vector<16xi32>, vector<16xi32>], vector<16xf32>,
          tpu.vector_store_idx %arg14[%add3A_646, %select_n3A_821], %gather3A_823 : memref<256x128xf32, #tpu.memory_space<vmem>>[vector<16xi32>, vector<16xi32>], vector<16xf32>,
          %add3A_824 = arith.constant 1 : i32
          %add3A_825 = vector.broadcast %add3A_824 : i32 to vector<16xi32>
          %add3A_826 = arith.addi %select_n3A_811, %add3A_825 : vector<16xi32>
          %ge3A_827 = arith.constant 96 : i32
          %ge3A_828 = vector.broadcast %ge3A_827 : i32 to vector<16xi32>
          %ge3A_829 = arith.cmpi sge, %add3A_826, %ge3A_828 : vector<16xi32>
          %sub3A_830 = arith.constant 96 : i32
          %sub3A_831 = vector.broadcast %sub3A_830 : i32 to vector<16xi32>
          %sub3A_832 = arith.subi %add3A_826, %sub3A_831 : vector<16xi32>
          %select_n3A_833 = arith.select %ge3A_829, %sub3A_832, %add3A_826 : vector<16xi1>, vector<16xi32>
          %add3A_834 = arith.constant 1 : i32
          %add3A_835 = vector.broadcast %add3A_834 : i32 to vector<16xi32>
          %add3A_836 = arith.addi %select_n3A_821, %add3A_835 : vector<16xi32>
          %ge3A_837 = arith.constant 96 : i32
          %ge3A_838 = vector.broadcast %ge3A_837 : i32 to vector<16xi32>
          %ge3A_839 = arith.cmpi sge, %add3A_836, %ge3A_838 : vector<16xi32>
          %sub3A_840 = arith.constant 96 : i32
          %sub3A_841 = vector.broadcast %sub3A_840 : i32 to vector<16xi32>
          %sub3A_842 = arith.subi %add3A_836, %sub3A_841 : vector<16xi32>
          %select_n3A_843 = arith.select %ge3A_839, %sub3A_842, %add3A_836 : vector<16xi1>, vector<16xi32>
          %gather3A_844 = tpu.vector_load_idx %arg12[%get3A_642, %select_n3A_833] : memref<56x128xf32, #tpu.memory_space<vmem>>[vector<16xi32>, vector<16xi32>], vector<16xf32>,
          %gather3A_845 = tpu.vector_load_idx %arg12[%get3A_642, %select_n3A_843] : memref<56x128xf32, #tpu.memory_space<vmem>>[vector<16xi32>, vector<16xi32>], vector<16xf32>,
          tpu.vector_store_idx %arg14[%add3A_646, %select_n3A_833], %gather3A_844 : memref<256x128xf32, #tpu.memory_space<vmem>>[vector<16xi32>, vector<16xi32>], vector<16xf32>,
          tpu.vector_store_idx %arg14[%add3A_646, %select_n3A_843], %gather3A_845 : memref<256x128xf32, #tpu.memory_space<vmem>>[vector<16xi32>, vector<16xi32>], vector<16xf32>,
          %add3A_846 = arith.constant 1 : i32
          %add3A_847 = vector.broadcast %add3A_846 : i32 to vector<16xi32>
          %add3A_848 = arith.addi %select_n3A_833, %add3A_847 : vector<16xi32>
          %ge3A_849 = arith.constant 96 : i32
          %ge3A_850 = vector.broadcast %ge3A_849 : i32 to vector<16xi32>
          %ge3A_851 = arith.cmpi sge, %add3A_848, %ge3A_850 : vector<16xi32>
          %sub3A_852 = arith.constant 96 : i32
          %sub3A_853 = vector.broadcast %sub3A_852 : i32 to vector<16xi32>
          %sub3A_854 = arith.subi %add3A_848, %sub3A_853 : vector<16xi32>
          %select_n3A_855 = arith.select %ge3A_851, %sub3A_854, %add3A_848 : vector<16xi1>, vector<16xi32>
          %add3A_856 = arith.constant 1 : i32
          %add3A_857 = vector.broadcast %add3A_856 : i32 to vector<16xi32>
          %add3A_858 = arith.addi %select_n3A_843, %add3A_857 : vector<16xi32>
          %ge3A_859 = arith.constant 96 : i32
          %ge3A_860 = vector.broadcast %ge3A_859 : i32 to vector<16xi32>
          %ge3A_861 = arith.cmpi sge, %add3A_858, %ge3A_860 : vector<16xi32>
          %sub3A_862 = arith.constant 96 : i32
          %sub3A_863 = vector.broadcast %sub3A_862 : i32 to vector<16xi32>
          %sub3A_864 = arith.subi %add3A_858, %sub3A_863 : vector<16xi32>
          %select_n3A_865 = arith.select %ge3A_861, %sub3A_864, %add3A_858 : vector<16xi1>, vector<16xi32>
          %gather3A_866 = tpu.vector_load_idx %arg12[%get3A_642, %select_n3A_855] : memref<56x128xf32, #tpu.memory_space<vmem>>[vector<16xi32>, vector<16xi32>], vector<16xf32>,
          %gather3A_867 = tpu.vector_load_idx %arg12[%get3A_642, %select_n3A_865] : memref<56x128xf32, #tpu.memory_space<vmem>>[vector<16xi32>, vector<16xi32>], vector<16xf32>,
          tpu.vector_store_idx %arg14[%add3A_646, %select_n3A_855], %gather3A_866 : memref<256x128xf32, #tpu.memory_space<vmem>>[vector<16xi32>, vector<16xi32>], vector<16xf32>,
          tpu.vector_store_idx %arg14[%add3A_646, %select_n3A_865], %gather3A_867 : memref<256x128xf32, #tpu.memory_space<vmem>>[vector<16xi32>, vector<16xi32>], vector<16xf32>,
          %add3A_868 = arith.constant 1 : i32
          %add3A_869 = vector.broadcast %add3A_868 : i32 to vector<16xi32>
          %add3A_870 = arith.addi %select_n3A_855, %add3A_869 : vector<16xi32>
          %ge3A_871 = arith.constant 96 : i32
          %ge3A_872 = vector.broadcast %ge3A_871 : i32 to vector<16xi32>
          %ge3A_873 = arith.cmpi sge, %add3A_870, %ge3A_872 : vector<16xi32>
          %sub3A_874 = arith.constant 96 : i32
          %sub3A_875 = vector.broadcast %sub3A_874 : i32 to vector<16xi32>
          %sub3A_876 = arith.subi %add3A_870, %sub3A_875 : vector<16xi32>
          %select_n3A_877 = arith.select %ge3A_873, %sub3A_876, %add3A_870 : vector<16xi1>, vector<16xi32>
          %add3A_878 = arith.constant 1 : i32
          %add3A_879 = vector.broadcast %add3A_878 : i32 to vector<16xi32>
          %add3A_880 = arith.addi %select_n3A_865, %add3A_879 : vector<16xi32>
          %ge3A_881 = arith.constant 96 : i32
          %ge3A_882 = vector.broadcast %ge3A_881 : i32 to vector<16xi32>
          %ge3A_883 = arith.cmpi sge, %add3A_880, %ge3A_882 : vector<16xi32>
          %sub3A_884 = arith.constant 96 : i32
          %sub3A_885 = vector.broadcast %sub3A_884 : i32 to vector<16xi32>
          %sub3A_886 = arith.subi %add3A_880, %sub3A_885 : vector<16xi32>
          %select_n3A_887 = arith.select %ge3A_883, %sub3A_886, %add3A_880 : vector<16xi1>, vector<16xi32>
          %gather3A_888 = tpu.vector_load_idx %arg12[%get3A_642, %select_n3A_877] : memref<56x128xf32, #tpu.memory_space<vmem>>[vector<16xi32>, vector<16xi32>], vector<16xf32>,
          %gather3A_889 = tpu.vector_load_idx %arg12[%get3A_642, %select_n3A_887] : memref<56x128xf32, #tpu.memory_space<vmem>>[vector<16xi32>, vector<16xi32>], vector<16xf32>,
          tpu.vector_store_idx %arg14[%add3A_646, %select_n3A_877], %gather3A_888 : memref<256x128xf32, #tpu.memory_space<vmem>>[vector<16xi32>, vector<16xi32>], vector<16xf32>,
          tpu.vector_store_idx %arg14[%add3A_646, %select_n3A_887], %gather3A_889 : memref<256x128xf32, #tpu.memory_space<vmem>>[vector<16xi32>, vector<16xi32>], vector<16xf32>,
          %add3A_890 = arith.constant 1 : i32
          %add3A_891 = vector.broadcast %add3A_890 : i32 to vector<16xi32>
          %add3A_892 = arith.addi %select_n3A_877, %add3A_891 : vector<16xi32>
          %ge3A_893 = arith.constant 96 : i32
          %ge3A_894 = vector.broadcast %ge3A_893 : i32 to vector<16xi32>
          %ge3A_895 = arith.cmpi sge, %add3A_892, %ge3A_894 : vector<16xi32>
          %sub3A_896 = arith.constant 96 : i32
          %sub3A_897 = vector.broadcast %sub3A_896 : i32 to vector<16xi32>
          %sub3A_898 = arith.subi %add3A_892, %sub3A_897 : vector<16xi32>
          %select_n3A_899 = arith.select %ge3A_895, %sub3A_898, %add3A_892 : vector<16xi1>, vector<16xi32>
          %add3A_900 = arith.constant 1 : i32
          %add3A_901 = vector.broadcast %add3A_900 : i32 to vector<16xi32>
          %add3A_902 = arith.addi %select_n3A_887, %add3A_901 : vector<16xi32>
          %ge3A_903 = arith.constant 96 : i32
          %ge3A_904 = vector.broadcast %ge3A_903 : i32 to vector<16xi32>
          %ge3A_905 = arith.cmpi sge, %add3A_902, %ge3A_904 : vector<16xi32>
          %sub3A_906 = arith.constant 96 : i32
          %sub3A_907 = vector.broadcast %sub3A_906 : i32 to vector<16xi32>
          %sub3A_908 = arith.subi %add3A_902, %sub3A_907 : vector<16xi32>
          %select_n3A_909 = arith.select %ge3A_905, %sub3A_908, %add3A_902 : vector<16xi1>, vector<16xi32>
          %gather3A_910 = tpu.vector_load_idx %arg12[%get3A_642, %select_n3A_899] : memref<56x128xf32, #tpu.memory_space<vmem>>[vector<16xi32>, vector<16xi32>], vector<16xf32>,
          %gather3A_911 = tpu.vector_load_idx %arg12[%get3A_642, %select_n3A_909] : memref<56x128xf32, #tpu.memory_space<vmem>>[vector<16xi32>, vector<16xi32>], vector<16xf32>,
          tpu.vector_store_idx %arg14[%add3A_646, %select_n3A_899], %gather3A_910 : memref<256x128xf32, #tpu.memory_space<vmem>>[vector<16xi32>, vector<16xi32>], vector<16xf32>,
          tpu.vector_store_idx %arg14[%add3A_646, %select_n3A_909], %gather3A_911 : memref<256x128xf32, #tpu.memory_space<vmem>>[vector<16xi32>, vector<16xi32>], vector<16xf32>,
          %add3A_912 = arith.constant 1 : i32
          %add3A_913 = vector.broadcast %add3A_912 : i32 to vector<16xi32>
          %add3A_914 = arith.addi %select_n3A_899, %add3A_913 : vector<16xi32>
          %ge3A_915 = arith.constant 96 : i32
          %ge3A_916 = vector.broadcast %ge3A_915 : i32 to vector<16xi32>
          %ge3A_917 = arith.cmpi sge, %add3A_914, %ge3A_916 : vector<16xi32>
          %sub3A_918 = arith.constant 96 : i32
          %sub3A_919 = vector.broadcast %sub3A_918 : i32 to vector<16xi32>
          %sub3A_920 = arith.subi %add3A_914, %sub3A_919 : vector<16xi32>
          %select_n3A_921 = arith.select %ge3A_917, %sub3A_920, %add3A_914 : vector<16xi1>, vector<16xi32>
          %add3A_922 = arith.constant 1 : i32
          %add3A_923 = vector.broadcast %add3A_922 : i32 to vector<16xi32>
          %add3A_924 = arith.addi %select_n3A_909, %add3A_923 : vector<16xi32>
          %ge3A_925 = arith.constant 96 : i32
          %ge3A_926 = vector.broadcast %ge3A_925 : i32 to vector<16xi32>
          %ge3A_927 = arith.cmpi sge, %add3A_924, %ge3A_926 : vector<16xi32>
          %sub3A_928 = arith.constant 96 : i32
          %sub3A_929 = vector.broadcast %sub3A_928 : i32 to vector<16xi32>
          %sub3A_930 = arith.subi %add3A_924, %sub3A_929 : vector<16xi32>
          %select_n3A_931 = arith.select %ge3A_927, %sub3A_930, %add3A_924 : vector<16xi1>, vector<16xi32>
          %gather3A_932 = tpu.vector_load_idx %arg12[%get3A_642, %select_n3A_921] : memref<56x128xf32, #tpu.memory_space<vmem>>[vector<16xi32>, vector<16xi32>], vector<16xf32>,
          %gather3A_933 = tpu.vector_load_idx %arg12[%get3A_642, %select_n3A_931] : memref<56x128xf32, #tpu.memory_space<vmem>>[vector<16xi32>, vector<16xi32>], vector<16xf32>,
          tpu.vector_store_idx %arg14[%add3A_646, %select_n3A_921], %gather3A_932 : memref<256x128xf32, #tpu.memory_space<vmem>>[vector<16xi32>, vector<16xi32>], vector<16xf32>,
          tpu.vector_store_idx %arg14[%add3A_646, %select_n3A_931], %gather3A_933 : memref<256x128xf32, #tpu.memory_space<vmem>>[vector<16xi32>, vector<16xi32>], vector<16xf32>,
          %add3A_934 = arith.constant 1 : i32
          %add3A_935 = vector.broadcast %add3A_934 : i32 to vector<16xi32>
          %add3A_936 = arith.addi %select_n3A_921, %add3A_935 : vector<16xi32>
          %ge3A_937 = arith.constant 96 : i32
          %ge3A_938 = vector.broadcast %ge3A_937 : i32 to vector<16xi32>
          %ge3A_939 = arith.cmpi sge, %add3A_936, %ge3A_938 : vector<16xi32>
          %sub3A_940 = arith.constant 96 : i32
          %sub3A_941 = vector.broadcast %sub3A_940 : i32 to vector<16xi32>
          %sub3A_942 = arith.subi %add3A_936, %sub3A_941 : vector<16xi32>
          %select_n3A_943 = arith.select %ge3A_939, %sub3A_942, %add3A_936 : vector<16xi1>, vector<16xi32>
          %add3A_944 = arith.constant 1 : i32
          %add3A_945 = vector.broadcast %add3A_944 : i32 to vector<16xi32>
          %add3A_946 = arith.addi %select_n3A_931, %add3A_945 : vector<16xi32>
          %ge3A_947 = arith.constant 96 : i32
          %ge3A_948 = vector.broadcast %ge3A_947 : i32 to vector<16xi32>
          %ge3A_949 = arith.cmpi sge, %add3A_946, %ge3A_948 : vector<16xi32>
          %sub3A_950 = arith.constant 96 : i32
          %sub3A_951 = vector.broadcast %sub3A_950 : i32 to vector<16xi32>
          %sub3A_952 = arith.subi %add3A_946, %sub3A_951 : vector<16xi32>
          %select_n3A_953 = arith.select %ge3A_949, %sub3A_952, %add3A_946 : vector<16xi1>, vector<16xi32>
          %gather3A_954 = tpu.vector_load_idx %arg12[%get3A_642, %select_n3A_943] : memref<56x128xf32, #tpu.memory_space<vmem>>[vector<16xi32>, vector<16xi32>], vector<16xf32>,
          %gather3A_955 = tpu.vector_load_idx %arg12[%get3A_642, %select_n3A_953] : memref<56x128xf32, #tpu.memory_space<vmem>>[vector<16xi32>, vector<16xi32>], vector<16xf32>,
          tpu.vector_store_idx %arg14[%add3A_646, %select_n3A_943], %gather3A_954 : memref<256x128xf32, #tpu.memory_space<vmem>>[vector<16xi32>, vector<16xi32>], vector<16xf32>,
          tpu.vector_store_idx %arg14[%add3A_646, %select_n3A_953], %gather3A_955 : memref<256x128xf32, #tpu.memory_space<vmem>>[vector<16xi32>, vector<16xi32>], vector<16xf32>,
          %add3A_956 = arith.constant 1 : i32
          %add3A_957 = vector.broadcast %add3A_956 : i32 to vector<16xi32>
          %add3A_958 = arith.addi %select_n3A_943, %add3A_957 : vector<16xi32>
          %ge3A_959 = arith.constant 96 : i32
          %ge3A_960 = vector.broadcast %ge3A_959 : i32 to vector<16xi32>
          %ge3A_961 = arith.cmpi sge, %add3A_958, %ge3A_960 : vector<16xi32>
          %sub3A_962 = arith.constant 96 : i32
          %sub3A_963 = vector.broadcast %sub3A_962 : i32 to vector<16xi32>
          %sub3A_964 = arith.subi %add3A_958, %sub3A_963 : vector<16xi32>
          %select_n3A_965 = arith.select %ge3A_961, %sub3A_964, %add3A_958 : vector<16xi1>, vector<16xi32>
          %add3A_966 = arith.constant 1 : i32
          %add3A_967 = vector.broadcast %add3A_966 : i32 to vector<16xi32>
          %add3A_968 = arith.addi %select_n3A_953, %add3A_967 : vector<16xi32>
          %ge3A_969 = arith.constant 96 : i32
          %ge3A_970 = vector.broadcast %ge3A_969 : i32 to vector<16xi32>
          %ge3A_971 = arith.cmpi sge, %add3A_968, %ge3A_970 : vector<16xi32>
          %sub3A_972 = arith.constant 96 : i32
          %sub3A_973 = vector.broadcast %sub3A_972 : i32 to vector<16xi32>
          %sub3A_974 = arith.subi %add3A_968, %sub3A_973 : vector<16xi32>
          %select_n3A_975 = arith.select %ge3A_971, %sub3A_974, %add3A_968 : vector<16xi1>, vector<16xi32>
          %gather3A_976 = tpu.vector_load_idx %arg12[%get3A_642, %select_n3A_965] : memref<56x128xf32, #tpu.memory_space<vmem>>[vector<16xi32>, vector<16xi32>], vector<16xf32>,
          %gather3A_977 = tpu.vector_load_idx %arg12[%get3A_642, %select_n3A_975] : memref<56x128xf32, #tpu.memory_space<vmem>>[vector<16xi32>, vector<16xi32>], vector<16xf32>,
          tpu.vector_store_idx %arg14[%add3A_646, %select_n3A_965], %gather3A_976 : memref<256x128xf32, #tpu.memory_space<vmem>>[vector<16xi32>, vector<16xi32>], vector<16xf32>,
          tpu.vector_store_idx %arg14[%add3A_646, %select_n3A_975], %gather3A_977 : memref<256x128xf32, #tpu.memory_space<vmem>>[vector<16xi32>, vector<16xi32>], vector<16xf32>,
          %add3A_978 = arith.constant 1 : i32
          %add3A_979 = vector.broadcast %add3A_978 : i32 to vector<16xi32>
          %add3A_980 = arith.addi %select_n3A_965, %add3A_979 : vector<16xi32>
          %ge3A_981 = arith.constant 96 : i32
          %ge3A_982 = vector.broadcast %ge3A_981 : i32 to vector<16xi32>
          %ge3A_983 = arith.cmpi sge, %add3A_980, %ge3A_982 : vector<16xi32>
          %sub3A_984 = arith.constant 96 : i32
          %sub3A_985 = vector.broadcast %sub3A_984 : i32 to vector<16xi32>
          %sub3A_986 = arith.subi %add3A_980, %sub3A_985 : vector<16xi32>
          %select_n3A_987 = arith.select %ge3A_983, %sub3A_986, %add3A_980 : vector<16xi1>, vector<16xi32>
          %add3A_988 = arith.constant 1 : i32
          %add3A_989 = vector.broadcast %add3A_988 : i32 to vector<16xi32>
          %add3A_990 = arith.addi %select_n3A_975, %add3A_989 : vector<16xi32>
          %ge3A_991 = arith.constant 96 : i32
          %ge3A_992 = vector.broadcast %ge3A_991 : i32 to vector<16xi32>
          %ge3A_993 = arith.cmpi sge, %add3A_990, %ge3A_992 : vector<16xi32>
          %sub3A_994 = arith.constant 96 : i32
          %sub3A_995 = vector.broadcast %sub3A_994 : i32 to vector<16xi32>
          %sub3A_996 = arith.subi %add3A_990, %sub3A_995 : vector<16xi32>
          %select_n3A_997 = arith.select %ge3A_993, %sub3A_996, %add3A_990 : vector<16xi1>, vector<16xi32>
          %gather3A_998 = tpu.vector_load_idx %arg12[%get3A_642, %select_n3A_987] : memref<56x128xf32, #tpu.memory_space<vmem>>[vector<16xi32>, vector<16xi32>], vector<16xf32>,
          %gather3A_999 = tpu.vector_load_idx %arg12[%get3A_642, %select_n3A_997] : memref<56x128xf32, #tpu.memory_space<vmem>>[vector<16xi32>, vector<16xi32>], vector<16xf32>,
          tpu.vector_store_idx %arg14[%add3A_646, %select_n3A_987], %gather3A_998 : memref<256x128xf32, #tpu.memory_space<vmem>>[vector<16xi32>, vector<16xi32>], vector<16xf32>,
          tpu.vector_store_idx %arg14[%add3A_646, %select_n3A_997], %gather3A_999 : memref<256x128xf32, #tpu.memory_space<vmem>>[vector<16xi32>, vector<16xi32>], vector<16xf32>,
          %add3A_1000 = arith.constant 1 : i32
          %add3A_1001 = vector.broadcast %add3A_1000 : i32 to vector<16xi32>
          %add3A_1002 = arith.addi %select_n3A_987, %add3A_1001 : vector<16xi32>
          %ge3A_1003 = arith.constant 96 : i32
          %ge3A_1004 = vector.broadcast %ge3A_1003 : i32 to vector<16xi32>
          %ge3A_1005 = arith.cmpi sge, %add3A_1002, %ge3A_1004 : vector<16xi32>
          %sub3A_1006 = arith.constant 96 : i32
          %sub3A_1007 = vector.broadcast %sub3A_1006 : i32 to vector<16xi32>
          %sub3A_1008 = arith.subi %add3A_1002, %sub3A_1007 : vector<16xi32>
          %select_n3A_1009 = arith.select %ge3A_1005, %sub3A_1008, %add3A_1002 : vector<16xi1>, vector<16xi32>
          %add3A_1010 = arith.constant 1 : i32
          %add3A_1011 = vector.broadcast %add3A_1010 : i32 to vector<16xi32>
          %add3A_1012 = arith.addi %select_n3A_997, %add3A_1011 : vector<16xi32>
          %ge3A_1013 = arith.constant 96 : i32
          %ge3A_1014 = vector.broadcast %ge3A_1013 : i32 to vector<16xi32>
          %ge3A_1015 = arith.cmpi sge, %add3A_1012, %ge3A_1014 : vector<16xi32>
          %sub3A_1016 = arith.constant 96 : i32
          %sub3A_1017 = vector.broadcast %sub3A_1016 : i32 to vector<16xi32>
          %sub3A_1018 = arith.subi %add3A_1012, %sub3A_1017 : vector<16xi32>
          %select_n3A_1019 = arith.select %ge3A_1015, %sub3A_1018, %add3A_1012 : vector<16xi1>, vector<16xi32>
          %gather3A_1020 = tpu.vector_load_idx %arg12[%get3A_642, %select_n3A_1009] : memref<56x128xf32, #tpu.memory_space<vmem>>[vector<16xi32>, vector<16xi32>], vector<16xf32>,
          %gather3A_1021 = tpu.vector_load_idx %arg12[%get3A_642, %select_n3A_1019] : memref<56x128xf32, #tpu.memory_space<vmem>>[vector<16xi32>, vector<16xi32>], vector<16xf32>,
          tpu.vector_store_idx %arg14[%add3A_646, %select_n3A_1009], %gather3A_1020 : memref<256x128xf32, #tpu.memory_space<vmem>>[vector<16xi32>, vector<16xi32>], vector<16xf32>,
          tpu.vector_store_idx %arg14[%add3A_646, %select_n3A_1019], %gather3A_1021 : memref<256x128xf32, #tpu.memory_space<vmem>>[vector<16xi32>, vector<16xi32>], vector<16xf32>,
          %add3A_1022 = arith.constant 1 : i32
          %add3A_1023 = vector.broadcast %add3A_1022 : i32 to vector<16xi32>
          %add3A_1024 = arith.addi %select_n3A_1009, %add3A_1023 : vector<16xi32>
          %ge3A_1025 = arith.constant 96 : i32
          %ge3A_1026 = vector.broadcast %ge3A_1025 : i32 to vector<16xi32>
          %ge3A_1027 = arith.cmpi sge, %add3A_1024, %ge3A_1026 : vector<16xi32>
          %sub3A_1028 = arith.constant 96 : i32
          %sub3A_1029 = vector.broadcast %sub3A_1028 : i32 to vector<16xi32>
          %sub3A_1030 = arith.subi %add3A_1024, %sub3A_1029 : vector<16xi32>
          %select_n3A_1031 = arith.select %ge3A_1027, %sub3A_1030, %add3A_1024 : vector<16xi1>, vector<16xi32>
          %add3A_1032 = arith.constant 1 : i32
          %add3A_1033 = vector.broadcast %add3A_1032 : i32 to vector<16xi32>
          %add3A_1034 = arith.addi %select_n3A_1019, %add3A_1033 : vector<16xi32>
          %ge3A_1035 = arith.constant 96 : i32
          %ge3A_1036 = vector.broadcast %ge3A_1035 : i32 to vector<16xi32>
          %ge3A_1037 = arith.cmpi sge, %add3A_1034, %ge3A_1036 : vector<16xi32>
          %sub3A_1038 = arith.constant 96 : i32
          %sub3A_1039 = vector.broadcast %sub3A_1038 : i32 to vector<16xi32>
          %sub3A_1040 = arith.subi %add3A_1034, %sub3A_1039 : vector<16xi32>
          %select_n3A_1041 = arith.select %ge3A_1037, %sub3A_1040, %add3A_1034 : vector<16xi1>, vector<16xi32>
          %gather3A_1042 = tpu.vector_load_idx %arg12[%get3A_642, %select_n3A_1031] : memref<56x128xf32, #tpu.memory_space<vmem>>[vector<16xi32>, vector<16xi32>], vector<16xf32>,
          %gather3A_1043 = tpu.vector_load_idx %arg12[%get3A_642, %select_n3A_1041] : memref<56x128xf32, #tpu.memory_space<vmem>>[vector<16xi32>, vector<16xi32>], vector<16xf32>,
          tpu.vector_store_idx %arg14[%add3A_646, %select_n3A_1031], %gather3A_1042 : memref<256x128xf32, #tpu.memory_space<vmem>>[vector<16xi32>, vector<16xi32>], vector<16xf32>,
          tpu.vector_store_idx %arg14[%add3A_646, %select_n3A_1041], %gather3A_1043 : memref<256x128xf32, #tpu.memory_space<vmem>>[vector<16xi32>, vector<16xi32>], vector<16xf32>,
          %add3A_1044 = arith.constant 1 : i32
          %add3A_1045 = vector.broadcast %add3A_1044 : i32 to vector<16xi32>
          %add3A_1046 = arith.addi %select_n3A_1031, %add3A_1045 : vector<16xi32>
          %ge3A_1047 = arith.constant 96 : i32
          %ge3A_1048 = vector.broadcast %ge3A_1047 : i32 to vector<16xi32>
          %ge3A_1049 = arith.cmpi sge, %add3A_1046, %ge3A_1048 : vector<16xi32>
          %sub3A_1050 = arith.constant 96 : i32
          %sub3A_1051 = vector.broadcast %sub3A_1050 : i32 to vector<16xi32>
          %sub3A_1052 = arith.subi %add3A_1046, %sub3A_1051 : vector<16xi32>
          %select_n3A_1053 = arith.select %ge3A_1049, %sub3A_1052, %add3A_1046 : vector<16xi1>, vector<16xi32>
          %add3A_1054 = arith.constant 1 : i32
          %add3A_1055 = vector.broadcast %add3A_1054 : i32 to vector<16xi32>
          %add3A_1056 = arith.addi %select_n3A_1041, %add3A_1055 : vector<16xi32>
          %ge3A_1057 = arith.constant 96 : i32
          %ge3A_1058 = vector.broadcast %ge3A_1057 : i32 to vector<16xi32>
          %ge3A_1059 = arith.cmpi sge, %add3A_1056, %ge3A_1058 : vector<16xi32>
          %sub3A_1060 = arith.constant 96 : i32
          %sub3A_1061 = vector.broadcast %sub3A_1060 : i32 to vector<16xi32>
          %sub3A_1062 = arith.subi %add3A_1056, %sub3A_1061 : vector<16xi32>
          %select_n3A_1063 = arith.select %ge3A_1059, %sub3A_1062, %add3A_1056 : vector<16xi1>, vector<16xi32>
          %gather3A_1064 = tpu.vector_load_idx %arg12[%get3A_642, %select_n3A_1053] : memref<56x128xf32, #tpu.memory_space<vmem>>[vector<16xi32>, vector<16xi32>], vector<16xf32>,
          %gather3A_1065 = tpu.vector_load_idx %arg12[%get3A_642, %select_n3A_1063] : memref<56x128xf32, #tpu.memory_space<vmem>>[vector<16xi32>, vector<16xi32>], vector<16xf32>,
          tpu.vector_store_idx %arg14[%add3A_646, %select_n3A_1053], %gather3A_1064 : memref<256x128xf32, #tpu.memory_space<vmem>>[vector<16xi32>, vector<16xi32>], vector<16xf32>,
          tpu.vector_store_idx %arg14[%add3A_646, %select_n3A_1063], %gather3A_1065 : memref<256x128xf32, #tpu.memory_space<vmem>>[vector<16xi32>, vector<16xi32>], vector<16xf32>,
          %add3A_1066 = arith.constant 1 : i32
          %add3A_1067 = vector.broadcast %add3A_1066 : i32 to vector<16xi32>
          %add3A_1068 = arith.addi %select_n3A_1053, %add3A_1067 : vector<16xi32>
          %ge3A_1069 = arith.constant 96 : i32
          %ge3A_1070 = vector.broadcast %ge3A_1069 : i32 to vector<16xi32>
          %ge3A_1071 = arith.cmpi sge, %add3A_1068, %ge3A_1070 : vector<16xi32>
          %sub3A_1072 = arith.constant 96 : i32
          %sub3A_1073 = vector.broadcast %sub3A_1072 : i32 to vector<16xi32>
          %sub3A_1074 = arith.subi %add3A_1068, %sub3A_1073 : vector<16xi32>
          %select_n3A_1075 = arith.select %ge3A_1071, %sub3A_1074, %add3A_1068 : vector<16xi1>, vector<16xi32>
          %add3A_1076 = arith.constant 1 : i32
          %add3A_1077 = vector.broadcast %add3A_1076 : i32 to vector<16xi32>
          %add3A_1078 = arith.addi %select_n3A_1063, %add3A_1077 : vector<16xi32>
          %ge3A_1079 = arith.constant 96 : i32
          %ge3A_1080 = vector.broadcast %ge3A_1079 : i32 to vector<16xi32>
          %ge3A_1081 = arith.cmpi sge, %add3A_1078, %ge3A_1080 : vector<16xi32>
          %sub3A_1082 = arith.constant 96 : i32
          %sub3A_1083 = vector.broadcast %sub3A_1082 : i32 to vector<16xi32>
          %sub3A_1084 = arith.subi %add3A_1078, %sub3A_1083 : vector<16xi32>
          %select_n3A_1085 = arith.select %ge3A_1081, %sub3A_1084, %add3A_1078 : vector<16xi1>, vector<16xi32>
          %gather3A_1086 = tpu.vector_load_idx %arg12[%get3A_642, %select_n3A_1075] : memref<56x128xf32, #tpu.memory_space<vmem>>[vector<16xi32>, vector<16xi32>], vector<16xf32>,
          %gather3A_1087 = tpu.vector_load_idx %arg12[%get3A_642, %select_n3A_1085] : memref<56x128xf32, #tpu.memory_space<vmem>>[vector<16xi32>, vector<16xi32>], vector<16xf32>,
          tpu.vector_store_idx %arg14[%add3A_646, %select_n3A_1075], %gather3A_1086 : memref<256x128xf32, #tpu.memory_space<vmem>>[vector<16xi32>, vector<16xi32>], vector<16xf32>,
          tpu.vector_store_idx %arg14[%add3A_646, %select_n3A_1085], %gather3A_1087 : memref<256x128xf32, #tpu.memory_space<vmem>>[vector<16xi32>, vector<16xi32>], vector<16xf32>,
          %add3A_1088 = arith.constant 1 : i32
          %add3A_1089 = vector.broadcast %add3A_1088 : i32 to vector<16xi32>
          %add3A_1090 = arith.addi %select_n3A_1075, %add3A_1089 : vector<16xi32>
          %ge3A_1091 = arith.constant 96 : i32
          %ge3A_1092 = vector.broadcast %ge3A_1091 : i32 to vector<16xi32>
          %ge3A_1093 = arith.cmpi sge, %add3A_1090, %ge3A_1092 : vector<16xi32>
          %sub3A_1094 = arith.constant 96 : i32
          %sub3A_1095 = vector.broadcast %sub3A_1094 : i32 to vector<16xi32>
          %sub3A_1096 = arith.subi %add3A_1090, %sub3A_1095 : vector<16xi32>
          %select_n3A_1097 = arith.select %ge3A_1093, %sub3A_1096, %add3A_1090 : vector<16xi1>, vector<16xi32>
          %add3A_1098 = arith.constant 1 : i32
          %add3A_1099 = vector.broadcast %add3A_1098 : i32 to vector<16xi32>
          %add3A_1100 = arith.addi %select_n3A_1085, %add3A_1099 : vector<16xi32>
          %ge3A_1101 = arith.constant 96 : i32
          %ge3A_1102 = vector.broadcast %ge3A_1101 : i32 to vector<16xi32>
          %ge3A_1103 = arith.cmpi sge, %add3A_1100, %ge3A_1102 : vector<16xi32>
          %sub3A_1104 = arith.constant 96 : i32
          %sub3A_1105 = vector.broadcast %sub3A_1104 : i32 to vector<16xi32>
          %sub3A_1106 = arith.subi %add3A_1100, %sub3A_1105 : vector<16xi32>
          %select_n3A_1107 = arith.select %ge3A_1103, %sub3A_1106, %add3A_1100 : vector<16xi1>, vector<16xi32>
          %gather3A_1108 = tpu.vector_load_idx %arg12[%get3A_642, %select_n3A_1097] : memref<56x128xf32, #tpu.memory_space<vmem>>[vector<16xi32>, vector<16xi32>], vector<16xf32>,
          %gather3A_1109 = tpu.vector_load_idx %arg12[%get3A_642, %select_n3A_1107] : memref<56x128xf32, #tpu.memory_space<vmem>>[vector<16xi32>, vector<16xi32>], vector<16xf32>,
          tpu.vector_store_idx %arg14[%add3A_646, %select_n3A_1097], %gather3A_1108 : memref<256x128xf32, #tpu.memory_space<vmem>>[vector<16xi32>, vector<16xi32>], vector<16xf32>,
          tpu.vector_store_idx %arg14[%add3A_646, %select_n3A_1107], %gather3A_1109 : memref<256x128xf32, #tpu.memory_space<vmem>>[vector<16xi32>, vector<16xi32>], vector<16xf32>,
          %add3A_1110 = arith.constant 1 : i32
          %add3A_1111 = vector.broadcast %add3A_1110 : i32 to vector<16xi32>
          %add3A_1112 = arith.addi %select_n3A_1097, %add3A_1111 : vector<16xi32>
          %ge3A_1113 = arith.constant 96 : i32
          %ge3A_1114 = vector.broadcast %ge3A_1113 : i32 to vector<16xi32>
          %ge3A_1115 = arith.cmpi sge, %add3A_1112, %ge3A_1114 : vector<16xi32>
          %sub3A_1116 = arith.constant 96 : i32
          %sub3A_1117 = vector.broadcast %sub3A_1116 : i32 to vector<16xi32>
          %sub3A_1118 = arith.subi %add3A_1112, %sub3A_1117 : vector<16xi32>
          %select_n3A_1119 = arith.select %ge3A_1115, %sub3A_1118, %add3A_1112 : vector<16xi1>, vector<16xi32>
          %add3A_1120 = arith.constant 1 : i32
          %add3A_1121 = vector.broadcast %add3A_1120 : i32 to vector<16xi32>
          %add3A_1122 = arith.addi %select_n3A_1107, %add3A_1121 : vector<16xi32>
          %ge3A_1123 = arith.constant 96 : i32
          %ge3A_1124 = vector.broadcast %ge3A_1123 : i32 to vector<16xi32>
          %ge3A_1125 = arith.cmpi sge, %add3A_1122, %ge3A_1124 : vector<16xi32>
          %sub3A_1126 = arith.constant 96 : i32
          %sub3A_1127 = vector.broadcast %sub3A_1126 : i32 to vector<16xi32>
          %sub3A_1128 = arith.subi %add3A_1122, %sub3A_1127 : vector<16xi32>
          %select_n3A_1129 = arith.select %ge3A_1125, %sub3A_1128, %add3A_1122 : vector<16xi1>, vector<16xi32>
          %gather3A_1130 = tpu.vector_load_idx %arg12[%get3A_642, %select_n3A_1119] : memref<56x128xf32, #tpu.memory_space<vmem>>[vector<16xi32>, vector<16xi32>], vector<16xf32>,
          %gather3A_1131 = tpu.vector_load_idx %arg12[%get3A_642, %select_n3A_1129] : memref<56x128xf32, #tpu.memory_space<vmem>>[vector<16xi32>, vector<16xi32>], vector<16xf32>,
          tpu.vector_store_idx %arg14[%add3A_646, %select_n3A_1119], %gather3A_1130 : memref<256x128xf32, #tpu.memory_space<vmem>>[vector<16xi32>, vector<16xi32>], vector<16xf32>,
          tpu.vector_store_idx %arg14[%add3A_646, %select_n3A_1129], %gather3A_1131 : memref<256x128xf32, #tpu.memory_space<vmem>>[vector<16xi32>, vector<16xi32>], vector<16xf32>,
          %add3A_1132 = arith.constant 1 : i32
          %add3A_1133 = vector.broadcast %add3A_1132 : i32 to vector<16xi32>
          %add3A_1134 = arith.addi %select_n3A_1119, %add3A_1133 : vector<16xi32>
          %ge3A_1135 = arith.constant 96 : i32
          %ge3A_1136 = vector.broadcast %ge3A_1135 : i32 to vector<16xi32>
          %ge3A_1137 = arith.cmpi sge, %add3A_1134, %ge3A_1136 : vector<16xi32>
          %sub3A_1138 = arith.constant 96 : i32
          %sub3A_1139 = vector.broadcast %sub3A_1138 : i32 to vector<16xi32>
          %sub3A_1140 = arith.subi %add3A_1134, %sub3A_1139 : vector<16xi32>
          %select_n3A_1141 = arith.select %ge3A_1137, %sub3A_1140, %add3A_1134 : vector<16xi1>, vector<16xi32>
          %add3A_1142 = arith.constant 1 : i32
          %add3A_1143 = vector.broadcast %add3A_1142 : i32 to vector<16xi32>
          %add3A_1144 = arith.addi %select_n3A_1129, %add3A_1143 : vector<16xi32>
          %ge3A_1145 = arith.constant 96 : i32
          %ge3A_1146 = vector.broadcast %ge3A_1145 : i32 to vector<16xi32>
          %ge3A_1147 = arith.cmpi sge, %add3A_1144, %ge3A_1146 : vector<16xi32>
          %sub3A_1148 = arith.constant 96 : i32
          %sub3A_1149 = vector.broadcast %sub3A_1148 : i32 to vector<16xi32>
          %sub3A_1150 = arith.subi %add3A_1144, %sub3A_1149 : vector<16xi32>
          %select_n3A_1151 = arith.select %ge3A_1147, %sub3A_1150, %add3A_1144 : vector<16xi1>, vector<16xi32>
          %gather3A_1152 = tpu.vector_load_idx %arg12[%get3A_642, %select_n3A_1141] : memref<56x128xf32, #tpu.memory_space<vmem>>[vector<16xi32>, vector<16xi32>], vector<16xf32>,
          %gather3A_1153 = tpu.vector_load_idx %arg12[%get3A_642, %select_n3A_1151] : memref<56x128xf32, #tpu.memory_space<vmem>>[vector<16xi32>, vector<16xi32>], vector<16xf32>,
          tpu.vector_store_idx %arg14[%add3A_646, %select_n3A_1141], %gather3A_1152 : memref<256x128xf32, #tpu.memory_space<vmem>>[vector<16xi32>, vector<16xi32>], vector<16xf32>,
          tpu.vector_store_idx %arg14[%add3A_646, %select_n3A_1151], %gather3A_1153 : memref<256x128xf32, #tpu.memory_space<vmem>>[vector<16xi32>, vector<16xi32>], vector<16xf32>,
          %add3A_1154 = arith.constant 1 : i32
          %add3A_1155 = vector.broadcast %add3A_1154 : i32 to vector<16xi32>
          %add3A_1156 = arith.addi %select_n3A_1141, %add3A_1155 : vector<16xi32>
          %ge3A_1157 = arith.constant 96 : i32
          %ge3A_1158 = vector.broadcast %ge3A_1157 : i32 to vector<16xi32>
          %ge3A_1159 = arith.cmpi sge, %add3A_1156, %ge3A_1158 : vector<16xi32>
          %sub3A_1160 = arith.constant 96 : i32
          %sub3A_1161 = vector.broadcast %sub3A_1160 : i32 to vector<16xi32>
          %sub3A_1162 = arith.subi %add3A_1156, %sub3A_1161 : vector<16xi32>
          %select_n3A_1163 = arith.select %ge3A_1159, %sub3A_1162, %add3A_1156 : vector<16xi1>, vector<16xi32>
          %add3A_1164 = arith.constant 1 : i32
          %add3A_1165 = vector.broadcast %add3A_1164 : i32 to vector<16xi32>
          %add3A_1166 = arith.addi %select_n3A_1151, %add3A_1165 : vector<16xi32>
          %ge3A_1167 = arith.constant 96 : i32
          %ge3A_1168 = vector.broadcast %ge3A_1167 : i32 to vector<16xi32>
          %ge3A_1169 = arith.cmpi sge, %add3A_1166, %ge3A_1168 : vector<16xi32>
          %sub3A_1170 = arith.constant 96 : i32
          %sub3A_1171 = vector.broadcast %sub3A_1170 : i32 to vector<16xi32>
          %sub3A_1172 = arith.subi %add3A_1166, %sub3A_1171 : vector<16xi32>
          %select_n3A_1173 = arith.select %ge3A_1169, %sub3A_1172, %add3A_1166 : vector<16xi1>, vector<16xi32>
          %gather3A_1174 = tpu.vector_load_idx %arg12[%get3A_642, %select_n3A_1163] : memref<56x128xf32, #tpu.memory_space<vmem>>[vector<16xi32>, vector<16xi32>], vector<16xf32>,
          %gather3A_1175 = tpu.vector_load_idx %arg12[%get3A_642, %select_n3A_1173] : memref<56x128xf32, #tpu.memory_space<vmem>>[vector<16xi32>, vector<16xi32>], vector<16xf32>,
          tpu.vector_store_idx %arg14[%add3A_646, %select_n3A_1163], %gather3A_1174 : memref<256x128xf32, #tpu.memory_space<vmem>>[vector<16xi32>, vector<16xi32>], vector<16xf32>,
          tpu.vector_store_idx %arg14[%add3A_646, %select_n3A_1173], %gather3A_1175 : memref<256x128xf32, #tpu.memory_space<vmem>>[vector<16xi32>, vector<16xi32>], vector<16xf32>,
          %add3A_1176 = arith.constant 1 : i32
          %add3A_1177 = vector.broadcast %add3A_1176 : i32 to vector<16xi32>
          %add3A_1178 = arith.addi %select_n3A_1163, %add3A_1177 : vector<16xi32>
          %ge3A_1179 = arith.constant 96 : i32
          %ge3A_1180 = vector.broadcast %ge3A_1179 : i32 to vector<16xi32>
          %ge3A_1181 = arith.cmpi sge, %add3A_1178, %ge3A_1180 : vector<16xi32>
          %sub3A_1182 = arith.constant 96 : i32
          %sub3A_1183 = vector.broadcast %sub3A_1182 : i32 to vector<16xi32>
          %sub3A_1184 = arith.subi %add3A_1178, %sub3A_1183 : vector<16xi32>
          %select_n3A_1185 = arith.select %ge3A_1181, %sub3A_1184, %add3A_1178 : vector<16xi1>, vector<16xi32>
          %add3A_1186 = arith.constant 1 : i32
          %add3A_1187 = vector.broadcast %add3A_1186 : i32 to vector<16xi32>
          %add3A_1188 = arith.addi %select_n3A_1173, %add3A_1187 : vector<16xi32>
          %ge3A_1189 = arith.constant 96 : i32
          %ge3A_1190 = vector.broadcast %ge3A_1189 : i32 to vector<16xi32>
          %ge3A_1191 = arith.cmpi sge, %add3A_1188, %ge3A_1190 : vector<16xi32>
          %sub3A_1192 = arith.constant 96 : i32
          %sub3A_1193 = vector.broadcast %sub3A_1192 : i32 to vector<16xi32>
          %sub3A_1194 = arith.subi %add3A_1188, %sub3A_1193 : vector<16xi32>
          %select_n3A_1195 = arith.select %ge3A_1191, %sub3A_1194, %add3A_1188 : vector<16xi1>, vector<16xi32>
          %gather3A_1196 = tpu.vector_load_idx %arg12[%get3A_642, %select_n3A_1185] : memref<56x128xf32, #tpu.memory_space<vmem>>[vector<16xi32>, vector<16xi32>], vector<16xf32>,
          %gather3A_1197 = tpu.vector_load_idx %arg12[%get3A_642, %select_n3A_1195] : memref<56x128xf32, #tpu.memory_space<vmem>>[vector<16xi32>, vector<16xi32>], vector<16xf32>,
          tpu.vector_store_idx %arg14[%add3A_646, %select_n3A_1185], %gather3A_1196 : memref<256x128xf32, #tpu.memory_space<vmem>>[vector<16xi32>, vector<16xi32>], vector<16xf32>,
          tpu.vector_store_idx %arg14[%add3A_646, %select_n3A_1195], %gather3A_1197 : memref<256x128xf32, #tpu.memory_space<vmem>>[vector<16xi32>, vector<16xi32>], vector<16xf32>,
          %add3A_1198 = arith.constant 1 : i32
          %add3A_1199 = vector.broadcast %add3A_1198 : i32 to vector<16xi32>
          %add3A_1200 = arith.addi %select_n3A_1185, %add3A_1199 : vector<16xi32>
          %ge3A_1201 = arith.constant 96 : i32
          %ge3A_1202 = vector.broadcast %ge3A_1201 : i32 to vector<16xi32>
          %ge3A_1203 = arith.cmpi sge, %add3A_1200, %ge3A_1202 : vector<16xi32>
          %sub3A_1204 = arith.constant 96 : i32
          %sub3A_1205 = vector.broadcast %sub3A_1204 : i32 to vector<16xi32>
          %sub3A_1206 = arith.subi %add3A_1200, %sub3A_1205 : vector<16xi32>
          %select_n3A_1207 = arith.select %ge3A_1203, %sub3A_1206, %add3A_1200 : vector<16xi1>, vector<16xi32>
          %add3A_1208 = arith.constant 1 : i32
          %add3A_1209 = vector.broadcast %add3A_1208 : i32 to vector<16xi32>
          %add3A_1210 = arith.addi %select_n3A_1195, %add3A_1209 : vector<16xi32>
          %ge3A_1211 = arith.constant 96 : i32
          %ge3A_1212 = vector.broadcast %ge3A_1211 : i32 to vector<16xi32>
          %ge3A_1213 = arith.cmpi sge, %add3A_1210, %ge3A_1212 : vector<16xi32>
          %sub3A_1214 = arith.constant 96 : i32
          %sub3A_1215 = vector.broadcast %sub3A_1214 : i32 to vector<16xi32>
          %sub3A_1216 = arith.subi %add3A_1210, %sub3A_1215 : vector<16xi32>
          %select_n3A_1217 = arith.select %ge3A_1213, %sub3A_1216, %add3A_1210 : vector<16xi1>, vector<16xi32>
          %gather3A_1218 = tpu.vector_load_idx %arg12[%get3A_642, %select_n3A_1207] : memref<56x128xf32, #tpu.memory_space<vmem>>[vector<16xi32>, vector<16xi32>], vector<16xf32>,
          %gather3A_1219 = tpu.vector_load_idx %arg12[%get3A_642, %select_n3A_1217] : memref<56x128xf32, #tpu.memory_space<vmem>>[vector<16xi32>, vector<16xi32>], vector<16xf32>,
          tpu.vector_store_idx %arg14[%add3A_646, %select_n3A_1207], %gather3A_1218 : memref<256x128xf32, #tpu.memory_space<vmem>>[vector<16xi32>, vector<16xi32>], vector<16xf32>,
          tpu.vector_store_idx %arg14[%add3A_646, %select_n3A_1217], %gather3A_1219 : memref<256x128xf32, #tpu.memory_space<vmem>>[vector<16xi32>, vector<16xi32>], vector<16xf32>,
          %add3A_1220 = arith.constant 1 : i32
          %add3A_1221 = vector.broadcast %add3A_1220 : i32 to vector<16xi32>
          %add3A_1222 = arith.addi %select_n3A_1207, %add3A_1221 : vector<16xi32>
          %ge3A_1223 = arith.constant 96 : i32
          %ge3A_1224 = vector.broadcast %ge3A_1223 : i32 to vector<16xi32>
          %ge3A_1225 = arith.cmpi sge, %add3A_1222, %ge3A_1224 : vector<16xi32>
          %sub3A_1226 = arith.constant 96 : i32
          %sub3A_1227 = vector.broadcast %sub3A_1226 : i32 to vector<16xi32>
          %sub3A_1228 = arith.subi %add3A_1222, %sub3A_1227 : vector<16xi32>
          %select_n3A_1229 = arith.select %ge3A_1225, %sub3A_1228, %add3A_1222 : vector<16xi1>, vector<16xi32>
          %add3A_1230 = arith.constant 1 : i32
          %add3A_1231 = vector.broadcast %add3A_1230 : i32 to vector<16xi32>
          %add3A_1232 = arith.addi %select_n3A_1217, %add3A_1231 : vector<16xi32>
          %ge3A_1233 = arith.constant 96 : i32
          %ge3A_1234 = vector.broadcast %ge3A_1233 : i32 to vector<16xi32>
          %ge3A_1235 = arith.cmpi sge, %add3A_1232, %ge3A_1234 : vector<16xi32>
          %sub3A_1236 = arith.constant 96 : i32
          %sub3A_1237 = vector.broadcast %sub3A_1236 : i32 to vector<16xi32>
          %sub3A_1238 = arith.subi %add3A_1232, %sub3A_1237 : vector<16xi32>
          %select_n3A_1239 = arith.select %ge3A_1235, %sub3A_1238, %add3A_1232 : vector<16xi1>, vector<16xi32>
          %gather3A_1240 = tpu.vector_load_idx %arg12[%get3A_642, %select_n3A_1229] : memref<56x128xf32, #tpu.memory_space<vmem>>[vector<16xi32>, vector<16xi32>], vector<16xf32>,
          %gather3A_1241 = tpu.vector_load_idx %arg12[%get3A_642, %select_n3A_1239] : memref<56x128xf32, #tpu.memory_space<vmem>>[vector<16xi32>, vector<16xi32>], vector<16xf32>,
          tpu.vector_store_idx %arg14[%add3A_646, %select_n3A_1229], %gather3A_1240 : memref<256x128xf32, #tpu.memory_space<vmem>>[vector<16xi32>, vector<16xi32>], vector<16xf32>,
          tpu.vector_store_idx %arg14[%add3A_646, %select_n3A_1239], %gather3A_1241 : memref<256x128xf32, #tpu.memory_space<vmem>>[vector<16xi32>, vector<16xi32>], vector<16xf32>,
          %add3A_1242 = arith.constant 1 : i32
          %add3A_1243 = vector.broadcast %add3A_1242 : i32 to vector<16xi32>
          %add3A_1244 = arith.addi %select_n3A_1229, %add3A_1243 : vector<16xi32>
          %ge3A_1245 = arith.constant 96 : i32
          %ge3A_1246 = vector.broadcast %ge3A_1245 : i32 to vector<16xi32>
          %ge3A_1247 = arith.cmpi sge, %add3A_1244, %ge3A_1246 : vector<16xi32>
          %sub3A_1248 = arith.constant 96 : i32
          %sub3A_1249 = vector.broadcast %sub3A_1248 : i32 to vector<16xi32>
          %sub3A_1250 = arith.subi %add3A_1244, %sub3A_1249 : vector<16xi32>
          %select_n3A_1251 = arith.select %ge3A_1247, %sub3A_1250, %add3A_1244 : vector<16xi1>, vector<16xi32>
          %add3A_1252 = arith.constant 1 : i32
          %add3A_1253 = vector.broadcast %add3A_1252 : i32 to vector<16xi32>
          %add3A_1254 = arith.addi %select_n3A_1239, %add3A_1253 : vector<16xi32>
          %ge3A_1255 = arith.constant 96 : i32
          %ge3A_1256 = vector.broadcast %ge3A_1255 : i32 to vector<16xi32>
          %ge3A_1257 = arith.cmpi sge, %add3A_1254, %ge3A_1256 : vector<16xi32>
          %sub3A_1258 = arith.constant 96 : i32
          %sub3A_1259 = vector.broadcast %sub3A_1258 : i32 to vector<16xi32>
          %sub3A_1260 = arith.subi %add3A_1254, %sub3A_1259 : vector<16xi32>
          %select_n3A_1261 = arith.select %ge3A_1257, %sub3A_1260, %add3A_1254 : vector<16xi1>, vector<16xi32>
          %gather3A_1262 = tpu.vector_load_idx %arg12[%get3A_642, %select_n3A_1251] : memref<56x128xf32, #tpu.memory_space<vmem>>[vector<16xi32>, vector<16xi32>], vector<16xf32>,
          %gather3A_1263 = tpu.vector_load_idx %arg12[%get3A_642, %select_n3A_1261] : memref<56x128xf32, #tpu.memory_space<vmem>>[vector<16xi32>, vector<16xi32>], vector<16xf32>,
          tpu.vector_store_idx %arg14[%add3A_646, %select_n3A_1251], %gather3A_1262 : memref<256x128xf32, #tpu.memory_space<vmem>>[vector<16xi32>, vector<16xi32>], vector<16xf32>,
          tpu.vector_store_idx %arg14[%add3A_646, %select_n3A_1261], %gather3A_1263 : memref<256x128xf32, #tpu.memory_space<vmem>>[vector<16xi32>, vector<16xi32>], vector<16xf32>,
          %add3A_1264 = arith.constant 1 : i32
          %add3A_1265 = vector.broadcast %add3A_1264 : i32 to vector<16xi32>
          %add3A_1266 = arith.addi %select_n3A_1251, %add3A_1265 : vector<16xi32>
          %ge3A_1267 = arith.constant 96 : i32
          %ge3A_1268 = vector.broadcast %ge3A_1267 : i32 to vector<16xi32>
          %ge3A_1269 = arith.cmpi sge, %add3A_1266, %ge3A_1268 : vector<16xi32>
          %sub3A_1270 = arith.constant 96 : i32
          %sub3A_1271 = vector.broadcast %sub3A_1270 : i32 to vector<16xi32>
          %sub3A_1272 = arith.subi %add3A_1266, %sub3A_1271 : vector<16xi32>
          %select_n3A_1273 = arith.select %ge3A_1269, %sub3A_1272, %add3A_1266 : vector<16xi1>, vector<16xi32>
          %add3A_1274 = arith.constant 1 : i32
          %add3A_1275 = vector.broadcast %add3A_1274 : i32 to vector<16xi32>
          %add3A_1276 = arith.addi %select_n3A_1261, %add3A_1275 : vector<16xi32>
          %ge3A_1277 = arith.constant 96 : i32
          %ge3A_1278 = vector.broadcast %ge3A_1277 : i32 to vector<16xi32>
          %ge3A_1279 = arith.cmpi sge, %add3A_1276, %ge3A_1278 : vector<16xi32>
          %sub3A_1280 = arith.constant 96 : i32
          %sub3A_1281 = vector.broadcast %sub3A_1280 : i32 to vector<16xi32>
          %sub3A_1282 = arith.subi %add3A_1276, %sub3A_1281 : vector<16xi32>
          %select_n3A_1283 = arith.select %ge3A_1279, %sub3A_1282, %add3A_1276 : vector<16xi1>, vector<16xi32>
          %gather3A_1284 = tpu.vector_load_idx %arg12[%get3A_642, %select_n3A_1273] : memref<56x128xf32, #tpu.memory_space<vmem>>[vector<16xi32>, vector<16xi32>], vector<16xf32>,
          %gather3A_1285 = tpu.vector_load_idx %arg12[%get3A_642, %select_n3A_1283] : memref<56x128xf32, #tpu.memory_space<vmem>>[vector<16xi32>, vector<16xi32>], vector<16xf32>,
          tpu.vector_store_idx %arg14[%add3A_646, %select_n3A_1273], %gather3A_1284 : memref<256x128xf32, #tpu.memory_space<vmem>>[vector<16xi32>, vector<16xi32>], vector<16xf32>,
          tpu.vector_store_idx %arg14[%add3A_646, %select_n3A_1283], %gather3A_1285 : memref<256x128xf32, #tpu.memory_space<vmem>>[vector<16xi32>, vector<16xi32>], vector<16xf32>,
          %add3A_1286 = arith.constant 1 : i32
          %add3A_1287 = vector.broadcast %add3A_1286 : i32 to vector<16xi32>
          %add3A_1288 = arith.addi %select_n3A_1273, %add3A_1287 : vector<16xi32>
          %ge3A_1289 = arith.constant 96 : i32
          %ge3A_1290 = vector.broadcast %ge3A_1289 : i32 to vector<16xi32>
          %ge3A_1291 = arith.cmpi sge, %add3A_1288, %ge3A_1290 : vector<16xi32>
          %sub3A_1292 = arith.constant 96 : i32
          %sub3A_1293 = vector.broadcast %sub3A_1292 : i32 to vector<16xi32>
          %sub3A_1294 = arith.subi %add3A_1288, %sub3A_1293 : vector<16xi32>
          %select_n3A_1295 = arith.select %ge3A_1291, %sub3A_1294, %add3A_1288 : vector<16xi1>, vector<16xi32>
          %add3A_1296 = arith.constant 1 : i32
          %add3A_1297 = vector.broadcast %add3A_1296 : i32 to vector<16xi32>
          %add3A_1298 = arith.addi %select_n3A_1283, %add3A_1297 : vector<16xi32>
          %ge3A_1299 = arith.constant 96 : i32
          %ge3A_1300 = vector.broadcast %ge3A_1299 : i32 to vector<16xi32>
          %ge3A_1301 = arith.cmpi sge, %add3A_1298, %ge3A_1300 : vector<16xi32>
          %sub3A_1302 = arith.constant 96 : i32
          %sub3A_1303 = vector.broadcast %sub3A_1302 : i32 to vector<16xi32>
          %sub3A_1304 = arith.subi %add3A_1298, %sub3A_1303 : vector<16xi32>
          %select_n3A_1305 = arith.select %ge3A_1301, %sub3A_1304, %add3A_1298 : vector<16xi1>, vector<16xi32>
          %gather3A_1306 = tpu.vector_load_idx %arg12[%get3A_642, %select_n3A_1295] : memref<56x128xf32, #tpu.memory_space<vmem>>[vector<16xi32>, vector<16xi32>], vector<16xf32>,
          %gather3A_1307 = tpu.vector_load_idx %arg12[%get3A_642, %select_n3A_1305] : memref<56x128xf32, #tpu.memory_space<vmem>>[vector<16xi32>, vector<16xi32>], vector<16xf32>,
          tpu.vector_store_idx %arg14[%add3A_646, %select_n3A_1295], %gather3A_1306 : memref<256x128xf32, #tpu.memory_space<vmem>>[vector<16xi32>, vector<16xi32>], vector<16xf32>,
          tpu.vector_store_idx %arg14[%add3A_646, %select_n3A_1305], %gather3A_1307 : memref<256x128xf32, #tpu.memory_space<vmem>>[vector<16xi32>, vector<16xi32>], vector<16xf32>,
          %add3A_1308 = arith.constant 1 : i32
          %add3A_1309 = vector.broadcast %add3A_1308 : i32 to vector<16xi32>
          %add3A_1310 = arith.addi %select_n3A_1295, %add3A_1309 : vector<16xi32>
          %ge3A_1311 = arith.constant 96 : i32
          %ge3A_1312 = vector.broadcast %ge3A_1311 : i32 to vector<16xi32>
          %ge3A_1313 = arith.cmpi sge, %add3A_1310, %ge3A_1312 : vector<16xi32>
          %sub3A_1314 = arith.constant 96 : i32
          %sub3A_1315 = vector.broadcast %sub3A_1314 : i32 to vector<16xi32>
          %sub3A_1316 = arith.subi %add3A_1310, %sub3A_1315 : vector<16xi32>
          %select_n3A_1317 = arith.select %ge3A_1313, %sub3A_1316, %add3A_1310 : vector<16xi1>, vector<16xi32>
          %add3A_1318 = arith.constant 1 : i32
          %add3A_1319 = vector.broadcast %add3A_1318 : i32 to vector<16xi32>
          %add3A_1320 = arith.addi %select_n3A_1305, %add3A_1319 : vector<16xi32>
          %ge3A_1321 = arith.constant 96 : i32
          %ge3A_1322 = vector.broadcast %ge3A_1321 : i32 to vector<16xi32>
          %ge3A_1323 = arith.cmpi sge, %add3A_1320, %ge3A_1322 : vector<16xi32>
          %sub3A_1324 = arith.constant 96 : i32
          %sub3A_1325 = vector.broadcast %sub3A_1324 : i32 to vector<16xi32>
          %sub3A_1326 = arith.subi %add3A_1320, %sub3A_1325 : vector<16xi32>
          %select_n3A_1327 = arith.select %ge3A_1323, %sub3A_1326, %add3A_1320 : vector<16xi1>, vector<16xi32>
          %gather3A_1328 = tpu.vector_load_idx %arg12[%get3A_642, %select_n3A_1317] : memref<56x128xf32, #tpu.memory_space<vmem>>[vector<16xi32>, vector<16xi32>], vector<16xf32>,
          %gather3A_1329 = tpu.vector_load_idx %arg12[%get3A_642, %select_n3A_1327] : memref<56x128xf32, #tpu.memory_space<vmem>>[vector<16xi32>, vector<16xi32>], vector<16xf32>,
          tpu.vector_store_idx %arg14[%add3A_646, %select_n3A_1317], %gather3A_1328 : memref<256x128xf32, #tpu.memory_space<vmem>>[vector<16xi32>, vector<16xi32>], vector<16xf32>,
          tpu.vector_store_idx %arg14[%add3A_646, %select_n3A_1327], %gather3A_1329 : memref<256x128xf32, #tpu.memory_space<vmem>>[vector<16xi32>, vector<16xi32>], vector<16xf32>,
          %add3A_1330 = arith.constant 1 : i32
          %add3A_1331 = vector.broadcast %add3A_1330 : i32 to vector<16xi32>
          %add3A_1332 = arith.addi %select_n3A_1317, %add3A_1331 : vector<16xi32>
          %ge3A_1333 = arith.constant 96 : i32
          %ge3A_1334 = vector.broadcast %ge3A_1333 : i32 to vector<16xi32>
          %ge3A_1335 = arith.cmpi sge, %add3A_1332, %ge3A_1334 : vector<16xi32>
          %sub3A_1336 = arith.constant 96 : i32
          %sub3A_1337 = vector.broadcast %sub3A_1336 : i32 to vector<16xi32>
          %sub3A_1338 = arith.subi %add3A_1332, %sub3A_1337 : vector<16xi32>
          %select_n3A_1339 = arith.select %ge3A_1335, %sub3A_1338, %add3A_1332 : vector<16xi1>, vector<16xi32>
          %add3A_1340 = arith.constant 1 : i32
          %add3A_1341 = vector.broadcast %add3A_1340 : i32 to vector<16xi32>
          %add3A_1342 = arith.addi %select_n3A_1327, %add3A_1341 : vector<16xi32>
          %ge3A_1343 = arith.constant 96 : i32
          %ge3A_1344 = vector.broadcast %ge3A_1343 : i32 to vector<16xi32>
          %ge3A_1345 = arith.cmpi sge, %add3A_1342, %ge3A_1344 : vector<16xi32>
          %sub3A_1346 = arith.constant 96 : i32
          %sub3A_1347 = vector.broadcast %sub3A_1346 : i32 to vector<16xi32>
          %sub3A_1348 = arith.subi %add3A_1342, %sub3A_1347 : vector<16xi32>
          %select_n3A_1349 = arith.select %ge3A_1345, %sub3A_1348, %add3A_1342 : vector<16xi1>, vector<16xi32>
          %gather3A_1350 = tpu.vector_load_idx %arg12[%get3A_642, %select_n3A_1339] : memref<56x128xf32, #tpu.memory_space<vmem>>[vector<16xi32>, vector<16xi32>], vector<16xf32>,
          %gather3A_1351 = tpu.vector_load_idx %arg12[%get3A_642, %select_n3A_1349] : memref<56x128xf32, #tpu.memory_space<vmem>>[vector<16xi32>, vector<16xi32>], vector<16xf32>,
          tpu.vector_store_idx %arg14[%add3A_646, %select_n3A_1339], %gather3A_1350 : memref<256x128xf32, #tpu.memory_space<vmem>>[vector<16xi32>, vector<16xi32>], vector<16xf32>,
          tpu.vector_store_idx %arg14[%add3A_646, %select_n3A_1349], %gather3A_1351 : memref<256x128xf32, #tpu.memory_space<vmem>>[vector<16xi32>, vector<16xi32>], vector<16xf32>,
          %add3A_1352 = arith.constant 1 : i32
          %add3A_1353 = vector.broadcast %add3A_1352 : i32 to vector<16xi32>
          %add3A_1354 = arith.addi %select_n3A_1339, %add3A_1353 : vector<16xi32>
          %ge3A_1355 = arith.constant 96 : i32
          %ge3A_1356 = vector.broadcast %ge3A_1355 : i32 to vector<16xi32>
          %ge3A_1357 = arith.cmpi sge, %add3A_1354, %ge3A_1356 : vector<16xi32>
          %sub3A_1358 = arith.constant 96 : i32
          %sub3A_1359 = vector.broadcast %sub3A_1358 : i32 to vector<16xi32>
          %sub3A_1360 = arith.subi %add3A_1354, %sub3A_1359 : vector<16xi32>
          %select_n3A_1361 = arith.select %ge3A_1357, %sub3A_1360, %add3A_1354 : vector<16xi1>, vector<16xi32>
          %add3A_1362 = arith.constant 1 : i32
          %add3A_1363 = vector.broadcast %add3A_1362 : i32 to vector<16xi32>
          %add3A_1364 = arith.addi %select_n3A_1349, %add3A_1363 : vector<16xi32>
          %ge3A_1365 = arith.constant 96 : i32
          %ge3A_1366 = vector.broadcast %ge3A_1365 : i32 to vector<16xi32>
          %ge3A_1367 = arith.cmpi sge, %add3A_1364, %ge3A_1366 : vector<16xi32>
          %sub3A_1368 = arith.constant 96 : i32
          %sub3A_1369 = vector.broadcast %sub3A_1368 : i32 to vector<16xi32>
          %sub3A_1370 = arith.subi %add3A_1364, %sub3A_1369 : vector<16xi32>
          %select_n3A_1371 = arith.select %ge3A_1367, %sub3A_1370, %add3A_1364 : vector<16xi1>, vector<16xi32>
          %gather3A_1372 = tpu.vector_load_idx %arg12[%get3A_642, %select_n3A_1361] : memref<56x128xf32, #tpu.memory_space<vmem>>[vector<16xi32>, vector<16xi32>], vector<16xf32>,
          %gather3A_1373 = tpu.vector_load_idx %arg12[%get3A_642, %select_n3A_1371] : memref<56x128xf32, #tpu.memory_space<vmem>>[vector<16xi32>, vector<16xi32>], vector<16xf32>,
          tpu.vector_store_idx %arg14[%add3A_646, %select_n3A_1361], %gather3A_1372 : memref<256x128xf32, #tpu.memory_space<vmem>>[vector<16xi32>, vector<16xi32>], vector<16xf32>,
          tpu.vector_store_idx %arg14[%add3A_646, %select_n3A_1371], %gather3A_1373 : memref<256x128xf32, #tpu.memory_space<vmem>>[vector<16xi32>, vector<16xi32>], vector<16xf32>,
          %add3A_1374 = arith.constant 1 : i32
          %add3A_1375 = vector.broadcast %add3A_1374 : i32 to vector<16xi32>
          %add3A_1376 = arith.addi %select_n3A_1361, %add3A_1375 : vector<16xi32>
          %ge3A_1377 = arith.constant 96 : i32
          %ge3A_1378 = vector.broadcast %ge3A_1377 : i32 to vector<16xi32>
          %ge3A_1379 = arith.cmpi sge, %add3A_1376, %ge3A_1378 : vector<16xi32>
          %sub3A_1380 = arith.constant 96 : i32
          %sub3A_1381 = vector.broadcast %sub3A_1380 : i32 to vector<16xi32>
          %sub3A_1382 = arith.subi %add3A_1376, %sub3A_1381 : vector<16xi32>
          %select_n3A_1383 = arith.select %ge3A_1379, %sub3A_1382, %add3A_1376 : vector<16xi1>, vector<16xi32>
          %add3A_1384 = arith.constant 1 : i32
          %add3A_1385 = vector.broadcast %add3A_1384 : i32 to vector<16xi32>
          %add3A_1386 = arith.addi %select_n3A_1371, %add3A_1385 : vector<16xi32>
          %ge3A_1387 = arith.constant 96 : i32
          %ge3A_1388 = vector.broadcast %ge3A_1387 : i32 to vector<16xi32>
          %ge3A_1389 = arith.cmpi sge, %add3A_1386, %ge3A_1388 : vector<16xi32>
          %sub3A_1390 = arith.constant 96 : i32
          %sub3A_1391 = vector.broadcast %sub3A_1390 : i32 to vector<16xi32>
          %sub3A_1392 = arith.subi %add3A_1386, %sub3A_1391 : vector<16xi32>
          %select_n3A_1393 = arith.select %ge3A_1389, %sub3A_1392, %add3A_1386 : vector<16xi1>, vector<16xi32>
          %gather3A_1394 = tpu.vector_load_idx %arg12[%get3A_642, %select_n3A_1383] : memref<56x128xf32, #tpu.memory_space<vmem>>[vector<16xi32>, vector<16xi32>], vector<16xf32>,
          %gather3A_1395 = tpu.vector_load_idx %arg12[%get3A_642, %select_n3A_1393] : memref<56x128xf32, #tpu.memory_space<vmem>>[vector<16xi32>, vector<16xi32>], vector<16xf32>,
          tpu.vector_store_idx %arg14[%add3A_646, %select_n3A_1383], %gather3A_1394 : memref<256x128xf32, #tpu.memory_space<vmem>>[vector<16xi32>, vector<16xi32>], vector<16xf32>,
          tpu.vector_store_idx %arg14[%add3A_646, %select_n3A_1393], %gather3A_1395 : memref<256x128xf32, #tpu.memory_space<vmem>>[vector<16xi32>, vector<16xi32>], vector<16xf32>,
          %add3A_1396 = arith.constant 1 : i32
          %add3A_1397 = vector.broadcast %add3A_1396 : i32 to vector<16xi32>
          %add3A_1398 = arith.addi %select_n3A_1383, %add3A_1397 : vector<16xi32>
          %ge3A_1399 = arith.constant 96 : i32
          %ge3A_1400 = vector.broadcast %ge3A_1399 : i32 to vector<16xi32>
          %ge3A_1401 = arith.cmpi sge, %add3A_1398, %ge3A_1400 : vector<16xi32>
          %sub3A_1402 = arith.constant 96 : i32
          %sub3A_1403 = vector.broadcast %sub3A_1402 : i32 to vector<16xi32>
          %sub3A_1404 = arith.subi %add3A_1398, %sub3A_1403 : vector<16xi32>
          %select_n3A_1405 = arith.select %ge3A_1401, %sub3A_1404, %add3A_1398 : vector<16xi1>, vector<16xi32>
          %add3A_1406 = arith.constant 1 : i32
          %add3A_1407 = vector.broadcast %add3A_1406 : i32 to vector<16xi32>
          %add3A_1408 = arith.addi %select_n3A_1393, %add3A_1407 : vector<16xi32>
          %ge3A_1409 = arith.constant 96 : i32
          %ge3A_1410 = vector.broadcast %ge3A_1409 : i32 to vector<16xi32>
          %ge3A_1411 = arith.cmpi sge, %add3A_1408, %ge3A_1410 : vector<16xi32>
          %sub3A_1412 = arith.constant 96 : i32
          %sub3A_1413 = vector.broadcast %sub3A_1412 : i32 to vector<16xi32>
          %sub3A_1414 = arith.subi %add3A_1408, %sub3A_1413 : vector<16xi32>
          %select_n3A_1415 = arith.select %ge3A_1411, %sub3A_1414, %add3A_1408 : vector<16xi1>, vector<16xi32>
          %gather3A_1416 = tpu.vector_load_idx %arg12[%get3A_642, %select_n3A_1405] : memref<56x128xf32, #tpu.memory_space<vmem>>[vector<16xi32>, vector<16xi32>], vector<16xf32>,
          %gather3A_1417 = tpu.vector_load_idx %arg12[%get3A_642, %select_n3A_1415] : memref<56x128xf32, #tpu.memory_space<vmem>>[vector<16xi32>, vector<16xi32>], vector<16xf32>,
          tpu.vector_store_idx %arg14[%add3A_646, %select_n3A_1405], %gather3A_1416 : memref<256x128xf32, #tpu.memory_space<vmem>>[vector<16xi32>, vector<16xi32>], vector<16xf32>,
          tpu.vector_store_idx %arg14[%add3A_646, %select_n3A_1415], %gather3A_1417 : memref<256x128xf32, #tpu.memory_space<vmem>>[vector<16xi32>, vector<16xi32>], vector<16xf32>,
          %add3A_1418 = arith.constant 1 : i32
          %add3A_1419 = vector.broadcast %add3A_1418 : i32 to vector<16xi32>
          %add3A_1420 = arith.addi %select_n3A_1405, %add3A_1419 : vector<16xi32>
          %ge3A_1421 = arith.constant 96 : i32
          %ge3A_1422 = vector.broadcast %ge3A_1421 : i32 to vector<16xi32>
          %ge3A_1423 = arith.cmpi sge, %add3A_1420, %ge3A_1422 : vector<16xi32>
          %sub3A_1424 = arith.constant 96 : i32
          %sub3A_1425 = vector.broadcast %sub3A_1424 : i32 to vector<16xi32>
          %sub3A_1426 = arith.subi %add3A_1420, %sub3A_1425 : vector<16xi32>
          %select_n3A_1427 = arith.select %ge3A_1423, %sub3A_1426, %add3A_1420 : vector<16xi1>, vector<16xi32>
          %add3A_1428 = arith.constant 1 : i32
          %add3A_1429 = vector.broadcast %add3A_1428 : i32 to vector<16xi32>
          %add3A_1430 = arith.addi %select_n3A_1415, %add3A_1429 : vector<16xi32>
          %ge3A_1431 = arith.constant 96 : i32
          %ge3A_1432 = vector.broadcast %ge3A_1431 : i32 to vector<16xi32>
          %ge3A_1433 = arith.cmpi sge, %add3A_1430, %ge3A_1432 : vector<16xi32>
          %sub3A_1434 = arith.constant 96 : i32
          %sub3A_1435 = vector.broadcast %sub3A_1434 : i32 to vector<16xi32>
          %sub3A_1436 = arith.subi %add3A_1430, %sub3A_1435 : vector<16xi32>
          %select_n3A_1437 = arith.select %ge3A_1433, %sub3A_1436, %add3A_1430 : vector<16xi1>, vector<16xi32>
          %gather3A_1438 = tpu.vector_load_idx %arg12[%get3A_642, %select_n3A_1427] : memref<56x128xf32, #tpu.memory_space<vmem>>[vector<16xi32>, vector<16xi32>], vector<16xf32>,
          %gather3A_1439 = tpu.vector_load_idx %arg12[%get3A_642, %select_n3A_1437] : memref<56x128xf32, #tpu.memory_space<vmem>>[vector<16xi32>, vector<16xi32>], vector<16xf32>,
          tpu.vector_store_idx %arg14[%add3A_646, %select_n3A_1427], %gather3A_1438 : memref<256x128xf32, #tpu.memory_space<vmem>>[vector<16xi32>, vector<16xi32>], vector<16xf32>,
          tpu.vector_store_idx %arg14[%add3A_646, %select_n3A_1437], %gather3A_1439 : memref<256x128xf32, #tpu.memory_space<vmem>>[vector<16xi32>, vector<16xi32>], vector<16xf32>,
          %add3A_1440 = arith.constant 1 : i32
          %add3A_1441 = vector.broadcast %add3A_1440 : i32 to vector<16xi32>
          %add3A_1442 = arith.addi %select_n3A_1427, %add3A_1441 : vector<16xi32>
          %ge3A_1443 = arith.constant 96 : i32
          %ge3A_1444 = vector.broadcast %ge3A_1443 : i32 to vector<16xi32>
          %ge3A_1445 = arith.cmpi sge, %add3A_1442, %ge3A_1444 : vector<16xi32>
          %sub3A_1446 = arith.constant 96 : i32
          %sub3A_1447 = vector.broadcast %sub3A_1446 : i32 to vector<16xi32>
          %sub3A_1448 = arith.subi %add3A_1442, %sub3A_1447 : vector<16xi32>
          %select_n3A_1449 = arith.select %ge3A_1445, %sub3A_1448, %add3A_1442 : vector<16xi1>, vector<16xi32>
          %add3A_1450 = arith.constant 1 : i32
          %add3A_1451 = vector.broadcast %add3A_1450 : i32 to vector<16xi32>
          %add3A_1452 = arith.addi %select_n3A_1437, %add3A_1451 : vector<16xi32>
          %ge3A_1453 = arith.constant 96 : i32
          %ge3A_1454 = vector.broadcast %ge3A_1453 : i32 to vector<16xi32>
          %ge3A_1455 = arith.cmpi sge, %add3A_1452, %ge3A_1454 : vector<16xi32>
          %sub3A_1456 = arith.constant 96 : i32
          %sub3A_1457 = vector.broadcast %sub3A_1456 : i32 to vector<16xi32>
          %sub3A_1458 = arith.subi %add3A_1452, %sub3A_1457 : vector<16xi32>
          %select_n3A_1459 = arith.select %ge3A_1455, %sub3A_1458, %add3A_1452 : vector<16xi1>, vector<16xi32>
          %gather3A_1460 = tpu.vector_load_idx %arg12[%get3A_642, %select_n3A_1449] : memref<56x128xf32, #tpu.memory_space<vmem>>[vector<16xi32>, vector<16xi32>], vector<16xf32>,
          %gather3A_1461 = tpu.vector_load_idx %arg12[%get3A_642, %select_n3A_1459] : memref<56x128xf32, #tpu.memory_space<vmem>>[vector<16xi32>, vector<16xi32>], vector<16xf32>,
          tpu.vector_store_idx %arg14[%add3A_646, %select_n3A_1449], %gather3A_1460 : memref<256x128xf32, #tpu.memory_space<vmem>>[vector<16xi32>, vector<16xi32>], vector<16xf32>,
          tpu.vector_store_idx %arg14[%add3A_646, %select_n3A_1459], %gather3A_1461 : memref<256x128xf32, #tpu.memory_space<vmem>>[vector<16xi32>, vector<16xi32>], vector<16xf32>,
          %add3A_1462 = arith.constant 1 : i32
          %add3A_1463 = vector.broadcast %add3A_1462 : i32 to vector<16xi32>
          %add3A_1464 = arith.addi %select_n3A_1449, %add3A_1463 : vector<16xi32>
          %ge3A_1465 = arith.constant 96 : i32
          %ge3A_1466 = vector.broadcast %ge3A_1465 : i32 to vector<16xi32>
          %ge3A_1467 = arith.cmpi sge, %add3A_1464, %ge3A_1466 : vector<16xi32>
          %sub3A_1468 = arith.constant 96 : i32
          %sub3A_1469 = vector.broadcast %sub3A_1468 : i32 to vector<16xi32>
          %sub3A_1470 = arith.subi %add3A_1464, %sub3A_1469 : vector<16xi32>
          %select_n3A_1471 = arith.select %ge3A_1467, %sub3A_1470, %add3A_1464 : vector<16xi1>, vector<16xi32>
          %add3A_1472 = arith.constant 1 : i32
          %add3A_1473 = vector.broadcast %add3A_1472 : i32 to vector<16xi32>
          %add3A_1474 = arith.addi %select_n3A_1459, %add3A_1473 : vector<16xi32>
          %ge3A_1475 = arith.constant 96 : i32
          %ge3A_1476 = vector.broadcast %ge3A_1475 : i32 to vector<16xi32>
          %ge3A_1477 = arith.cmpi sge, %add3A_1474, %ge3A_1476 : vector<16xi32>
          %sub3A_1478 = arith.constant 96 : i32
          %sub3A_1479 = vector.broadcast %sub3A_1478 : i32 to vector<16xi32>
          %sub3A_1480 = arith.subi %add3A_1474, %sub3A_1479 : vector<16xi32>
          %select_n3A_1481 = arith.select %ge3A_1477, %sub3A_1480, %add3A_1474 : vector<16xi1>, vector<16xi32>
          %gather3A_1482 = tpu.vector_load_idx %arg12[%get3A_642, %select_n3A_1471] : memref<56x128xf32, #tpu.memory_space<vmem>>[vector<16xi32>, vector<16xi32>], vector<16xf32>,
          %gather3A_1483 = tpu.vector_load_idx %arg12[%get3A_642, %select_n3A_1481] : memref<56x128xf32, #tpu.memory_space<vmem>>[vector<16xi32>, vector<16xi32>], vector<16xf32>,
          tpu.vector_store_idx %arg14[%add3A_646, %select_n3A_1471], %gather3A_1482 : memref<256x128xf32, #tpu.memory_space<vmem>>[vector<16xi32>, vector<16xi32>], vector<16xf32>,
          tpu.vector_store_idx %arg14[%add3A_646, %select_n3A_1481], %gather3A_1483 : memref<256x128xf32, #tpu.memory_space<vmem>>[vector<16xi32>, vector<16xi32>], vector<16xf32>,
          %add3A_1484 = arith.constant 1 : i32
          %add3A_1485 = vector.broadcast %add3A_1484 : i32 to vector<16xi32>
          %add3A_1486 = arith.addi %select_n3A_1471, %add3A_1485 : vector<16xi32>
          %ge3A_1487 = arith.constant 96 : i32
          %ge3A_1488 = vector.broadcast %ge3A_1487 : i32 to vector<16xi32>
          %ge3A_1489 = arith.cmpi sge, %add3A_1486, %ge3A_1488 : vector<16xi32>
          %sub3A_1490 = arith.constant 96 : i32
          %sub3A_1491 = vector.broadcast %sub3A_1490 : i32 to vector<16xi32>
          %sub3A_1492 = arith.subi %add3A_1486, %sub3A_1491 : vector<16xi32>
          %select_n3A_1493 = arith.select %ge3A_1489, %sub3A_1492, %add3A_1486 : vector<16xi1>, vector<16xi32>
          %add3A_1494 = arith.constant 1 : i32
          %add3A_1495 = vector.broadcast %add3A_1494 : i32 to vector<16xi32>
          %add3A_1496 = arith.addi %select_n3A_1481, %add3A_1495 : vector<16xi32>
          %ge3A_1497 = arith.constant 96 : i32
          %ge3A_1498 = vector.broadcast %ge3A_1497 : i32 to vector<16xi32>
          %ge3A_1499 = arith.cmpi sge, %add3A_1496, %ge3A_1498 : vector<16xi32>
          %sub3A_1500 = arith.constant 96 : i32
          %sub3A_1501 = vector.broadcast %sub3A_1500 : i32 to vector<16xi32>
          %sub3A_1502 = arith.subi %add3A_1496, %sub3A_1501 : vector<16xi32>
          %select_n3A_1503 = arith.select %ge3A_1499, %sub3A_1502, %add3A_1496 : vector<16xi1>, vector<16xi32>
          %gather3A_1504 = tpu.vector_load_idx %arg12[%get3A_642, %select_n3A_1493] : memref<56x128xf32, #tpu.memory_space<vmem>>[vector<16xi32>, vector<16xi32>], vector<16xf32>,
          %gather3A_1505 = tpu.vector_load_idx %arg12[%get3A_642, %select_n3A_1503] : memref<56x128xf32, #tpu.memory_space<vmem>>[vector<16xi32>, vector<16xi32>], vector<16xf32>,
          tpu.vector_store_idx %arg14[%add3A_646, %select_n3A_1493], %gather3A_1504 : memref<256x128xf32, #tpu.memory_space<vmem>>[vector<16xi32>, vector<16xi32>], vector<16xf32>,
          tpu.vector_store_idx %arg14[%add3A_646, %select_n3A_1503], %gather3A_1505 : memref<256x128xf32, #tpu.memory_space<vmem>>[vector<16xi32>, vector<16xi32>], vector<16xf32>,
          %add3A_1506 = arith.constant 1 : i32
          %add3A_1507 = vector.broadcast %add3A_1506 : i32 to vector<16xi32>
          %add3A_1508 = arith.addi %select_n3A_1493, %add3A_1507 : vector<16xi32>
          %ge3A_1509 = arith.constant 96 : i32
          %ge3A_1510 = vector.broadcast %ge3A_1509 : i32 to vector<16xi32>
          %ge3A_1511 = arith.cmpi sge, %add3A_1508, %ge3A_1510 : vector<16xi32>
          %sub3A_1512 = arith.constant 96 : i32
          %sub3A_1513 = vector.broadcast %sub3A_1512 : i32 to vector<16xi32>
          %sub3A_1514 = arith.subi %add3A_1508, %sub3A_1513 : vector<16xi32>
          %select_n3A_1515 = arith.select %ge3A_1511, %sub3A_1514, %add3A_1508 : vector<16xi1>, vector<16xi32>
          %add3A_1516 = arith.constant 1 : i32
          %add3A_1517 = vector.broadcast %add3A_1516 : i32 to vector<16xi32>
          %add3A_1518 = arith.addi %select_n3A_1503, %add3A_1517 : vector<16xi32>
          %ge3A_1519 = arith.constant 96 : i32
          %ge3A_1520 = vector.broadcast %ge3A_1519 : i32 to vector<16xi32>
          %ge3A_1521 = arith.cmpi sge, %add3A_1518, %ge3A_1520 : vector<16xi32>
          %sub3A_1522 = arith.constant 96 : i32
          %sub3A_1523 = vector.broadcast %sub3A_1522 : i32 to vector<16xi32>
          %sub3A_1524 = arith.subi %add3A_1518, %sub3A_1523 : vector<16xi32>
          %select_n3A_1525 = arith.select %ge3A_1521, %sub3A_1524, %add3A_1518 : vector<16xi1>, vector<16xi32>
          %gather3A_1526 = tpu.vector_load_idx %arg12[%get3A_642, %select_n3A_1515] : memref<56x128xf32, #tpu.memory_space<vmem>>[vector<16xi32>, vector<16xi32>], vector<16xf32>,
          %gather3A_1527 = tpu.vector_load_idx %arg12[%get3A_642, %select_n3A_1525] : memref<56x128xf32, #tpu.memory_space<vmem>>[vector<16xi32>, vector<16xi32>], vector<16xf32>,
          tpu.vector_store_idx %arg14[%add3A_646, %select_n3A_1515], %gather3A_1526 : memref<256x128xf32, #tpu.memory_space<vmem>>[vector<16xi32>, vector<16xi32>], vector<16xf32>,
          tpu.vector_store_idx %arg14[%add3A_646, %select_n3A_1525], %gather3A_1527 : memref<256x128xf32, #tpu.memory_space<vmem>>[vector<16xi32>, vector<16xi32>], vector<16xf32>,
          %add3A_1528 = arith.constant 1 : i32
          %add3A_1529 = vector.broadcast %add3A_1528 : i32 to vector<16xi32>
          %add3A_1530 = arith.addi %select_n3A_1515, %add3A_1529 : vector<16xi32>
          %ge3A_1531 = arith.constant 96 : i32
          %ge3A_1532 = vector.broadcast %ge3A_1531 : i32 to vector<16xi32>
          %ge3A_1533 = arith.cmpi sge, %add3A_1530, %ge3A_1532 : vector<16xi32>
          %sub3A_1534 = arith.constant 96 : i32
          %sub3A_1535 = vector.broadcast %sub3A_1534 : i32 to vector<16xi32>
          %sub3A_1536 = arith.subi %add3A_1530, %sub3A_1535 : vector<16xi32>
          %select_n3A_1537 = arith.select %ge3A_1533, %sub3A_1536, %add3A_1530 : vector<16xi1>, vector<16xi32>
          %add3A_1538 = arith.constant 1 : i32
          %add3A_1539 = vector.broadcast %add3A_1538 : i32 to vector<16xi32>
          %add3A_1540 = arith.addi %select_n3A_1525, %add3A_1539 : vector<16xi32>
          %ge3A_1541 = arith.constant 96 : i32
          %ge3A_1542 = vector.broadcast %ge3A_1541 : i32 to vector<16xi32>
          %ge3A_1543 = arith.cmpi sge, %add3A_1540, %ge3A_1542 : vector<16xi32>
          %sub3A_1544 = arith.constant 96 : i32
          %sub3A_1545 = vector.broadcast %sub3A_1544 : i32 to vector<16xi32>
          %sub3A_1546 = arith.subi %add3A_1540, %sub3A_1545 : vector<16xi32>
          %select_n3A_1547 = arith.select %ge3A_1543, %sub3A_1546, %add3A_1540 : vector<16xi1>, vector<16xi32>
          %gather3A_1548 = tpu.vector_load_idx %arg12[%get3A_642, %select_n3A_1537] : memref<56x128xf32, #tpu.memory_space<vmem>>[vector<16xi32>, vector<16xi32>], vector<16xf32>,
          %gather3A_1549 = tpu.vector_load_idx %arg12[%get3A_642, %select_n3A_1547] : memref<56x128xf32, #tpu.memory_space<vmem>>[vector<16xi32>, vector<16xi32>], vector<16xf32>,
          tpu.vector_store_idx %arg14[%add3A_646, %select_n3A_1537], %gather3A_1548 : memref<256x128xf32, #tpu.memory_space<vmem>>[vector<16xi32>, vector<16xi32>], vector<16xf32>,
          tpu.vector_store_idx %arg14[%add3A_646, %select_n3A_1547], %gather3A_1549 : memref<256x128xf32, #tpu.memory_space<vmem>>[vector<16xi32>, vector<16xi32>], vector<16xf32>,
          %add3A_1550 = arith.constant 1 : i32
          %add3A_1551 = vector.broadcast %add3A_1550 : i32 to vector<16xi32>
          %add3A_1552 = arith.addi %select_n3A_1537, %add3A_1551 : vector<16xi32>
          %ge3A_1553 = arith.constant 96 : i32
          %ge3A_1554 = vector.broadcast %ge3A_1553 : i32 to vector<16xi32>
          %ge3A_1555 = arith.cmpi sge, %add3A_1552, %ge3A_1554 : vector<16xi32>
          %sub3A_1556 = arith.constant 96 : i32
          %sub3A_1557 = vector.broadcast %sub3A_1556 : i32 to vector<16xi32>
          %sub3A_1558 = arith.subi %add3A_1552, %sub3A_1557 : vector<16xi32>
          %select_n3A_1559 = arith.select %ge3A_1555, %sub3A_1558, %add3A_1552 : vector<16xi1>, vector<16xi32>
          %add3A_1560 = arith.constant 1 : i32
          %add3A_1561 = vector.broadcast %add3A_1560 : i32 to vector<16xi32>
          %add3A_1562 = arith.addi %select_n3A_1547, %add3A_1561 : vector<16xi32>
          %ge3A_1563 = arith.constant 96 : i32
          %ge3A_1564 = vector.broadcast %ge3A_1563 : i32 to vector<16xi32>
          %ge3A_1565 = arith.cmpi sge, %add3A_1562, %ge3A_1564 : vector<16xi32>
          %sub3A_1566 = arith.constant 96 : i32
          %sub3A_1567 = vector.broadcast %sub3A_1566 : i32 to vector<16xi32>
          %sub3A_1568 = arith.subi %add3A_1562, %sub3A_1567 : vector<16xi32>
          %select_n3A_1569 = arith.select %ge3A_1565, %sub3A_1568, %add3A_1562 : vector<16xi1>, vector<16xi32>
          %gather3A_1570 = tpu.vector_load_idx %arg12[%get3A_642, %select_n3A_1559] : memref<56x128xf32, #tpu.memory_space<vmem>>[vector<16xi32>, vector<16xi32>], vector<16xf32>,
          %gather3A_1571 = tpu.vector_load_idx %arg12[%get3A_642, %select_n3A_1569] : memref<56x128xf32, #tpu.memory_space<vmem>>[vector<16xi32>, vector<16xi32>], vector<16xf32>,
          tpu.vector_store_idx %arg14[%add3A_646, %select_n3A_1559], %gather3A_1570 : memref<256x128xf32, #tpu.memory_space<vmem>>[vector<16xi32>, vector<16xi32>], vector<16xf32>,
          tpu.vector_store_idx %arg14[%add3A_646, %select_n3A_1569], %gather3A_1571 : memref<256x128xf32, #tpu.memory_space<vmem>>[vector<16xi32>, vector<16xi32>], vector<16xf32>,
          %add3A_1572 = arith.constant 1 : i32
          %add3A_1573 = vector.broadcast %add3A_1572 : i32 to vector<16xi32>
          %add3A_1574 = arith.addi %select_n3A_1559, %add3A_1573 : vector<16xi32>
          %ge3A_1575 = arith.constant 96 : i32
          %ge3A_1576 = vector.broadcast %ge3A_1575 : i32 to vector<16xi32>
          %ge3A_1577 = arith.cmpi sge, %add3A_1574, %ge3A_1576 : vector<16xi32>
          %sub3A_1578 = arith.constant 96 : i32
          %sub3A_1579 = vector.broadcast %sub3A_1578 : i32 to vector<16xi32>
          %sub3A_1580 = arith.subi %add3A_1574, %sub3A_1579 : vector<16xi32>
          %select_n3A_1581 = arith.select %ge3A_1577, %sub3A_1580, %add3A_1574 : vector<16xi1>, vector<16xi32>
          %add3A_1582 = arith.constant 1 : i32
          %add3A_1583 = vector.broadcast %add3A_1582 : i32 to vector<16xi32>
          %add3A_1584 = arith.addi %select_n3A_1569, %add3A_1583 : vector<16xi32>
          %ge3A_1585 = arith.constant 96 : i32
          %ge3A_1586 = vector.broadcast %ge3A_1585 : i32 to vector<16xi32>
          %ge3A_1587 = arith.cmpi sge, %add3A_1584, %ge3A_1586 : vector<16xi32>
          %sub3A_1588 = arith.constant 96 : i32
          %sub3A_1589 = vector.broadcast %sub3A_1588 : i32 to vector<16xi32>
          %sub3A_1590 = arith.subi %add3A_1584, %sub3A_1589 : vector<16xi32>
          %select_n3A_1591 = arith.select %ge3A_1587, %sub3A_1590, %add3A_1584 : vector<16xi1>, vector<16xi32>
          %gather3A_1592 = tpu.vector_load_idx %arg12[%get3A_642, %select_n3A_1581] : memref<56x128xf32, #tpu.memory_space<vmem>>[vector<16xi32>, vector<16xi32>], vector<16xf32>,
          %gather3A_1593 = tpu.vector_load_idx %arg12[%get3A_642, %select_n3A_1591] : memref<56x128xf32, #tpu.memory_space<vmem>>[vector<16xi32>, vector<16xi32>], vector<16xf32>,
          tpu.vector_store_idx %arg14[%add3A_646, %select_n3A_1581], %gather3A_1592 : memref<256x128xf32, #tpu.memory_space<vmem>>[vector<16xi32>, vector<16xi32>], vector<16xf32>,
          tpu.vector_store_idx %arg14[%add3A_646, %select_n3A_1591], %gather3A_1593 : memref<256x128xf32, #tpu.memory_space<vmem>>[vector<16xi32>, vector<16xi32>], vector<16xf32>,
          %add3A_1594 = arith.constant 1 : i32
          %add3A_1595 = vector.broadcast %add3A_1594 : i32 to vector<16xi32>
          %add3A_1596 = arith.addi %select_n3A_1581, %add3A_1595 : vector<16xi32>
          %ge3A_1597 = arith.constant 96 : i32
          %ge3A_1598 = vector.broadcast %ge3A_1597 : i32 to vector<16xi32>
          %ge3A_1599 = arith.cmpi sge, %add3A_1596, %ge3A_1598 : vector<16xi32>
          %sub3A_1600 = arith.constant 96 : i32
          %sub3A_1601 = vector.broadcast %sub3A_1600 : i32 to vector<16xi32>
          %sub3A_1602 = arith.subi %add3A_1596, %sub3A_1601 : vector<16xi32>
          %select_n3A_1603 = arith.select %ge3A_1599, %sub3A_1602, %add3A_1596 : vector<16xi1>, vector<16xi32>
          %add3A_1604 = arith.constant 1 : i32
          %add3A_1605 = vector.broadcast %add3A_1604 : i32 to vector<16xi32>
          %add3A_1606 = arith.addi %select_n3A_1591, %add3A_1605 : vector<16xi32>
          %ge3A_1607 = arith.constant 96 : i32
          %ge3A_1608 = vector.broadcast %ge3A_1607 : i32 to vector<16xi32>
          %ge3A_1609 = arith.cmpi sge, %add3A_1606, %ge3A_1608 : vector<16xi32>
          %sub3A_1610 = arith.constant 96 : i32
          %sub3A_1611 = vector.broadcast %sub3A_1610 : i32 to vector<16xi32>
          %sub3A_1612 = arith.subi %add3A_1606, %sub3A_1611 : vector<16xi32>
          %select_n3A_1613 = arith.select %ge3A_1609, %sub3A_1612, %add3A_1606 : vector<16xi1>, vector<16xi32>
          %gather3A_1614 = tpu.vector_load_idx %arg12[%get3A_642, %select_n3A_1603] : memref<56x128xf32, #tpu.memory_space<vmem>>[vector<16xi32>, vector<16xi32>], vector<16xf32>,
          %gather3A_1615 = tpu.vector_load_idx %arg12[%get3A_642, %select_n3A_1613] : memref<56x128xf32, #tpu.memory_space<vmem>>[vector<16xi32>, vector<16xi32>], vector<16xf32>,
          tpu.vector_store_idx %arg14[%add3A_646, %select_n3A_1603], %gather3A_1614 : memref<256x128xf32, #tpu.memory_space<vmem>>[vector<16xi32>, vector<16xi32>], vector<16xf32>,
          tpu.vector_store_idx %arg14[%add3A_646, %select_n3A_1613], %gather3A_1615 : memref<256x128xf32, #tpu.memory_space<vmem>>[vector<16xi32>, vector<16xi32>], vector<16xf32>,
          %add3A_1616 = arith.constant 1 : i32
          %add3A_1617 = vector.broadcast %add3A_1616 : i32 to vector<16xi32>
          %add3A_1618 = arith.addi %select_n3A_1603, %add3A_1617 : vector<16xi32>
          %ge3A_1619 = arith.constant 96 : i32
          %ge3A_1620 = vector.broadcast %ge3A_1619 : i32 to vector<16xi32>
          %ge3A_1621 = arith.cmpi sge, %add3A_1618, %ge3A_1620 : vector<16xi32>
          %sub3A_1622 = arith.constant 96 : i32
          %sub3A_1623 = vector.broadcast %sub3A_1622 : i32 to vector<16xi32>
          %sub3A_1624 = arith.subi %add3A_1618, %sub3A_1623 : vector<16xi32>
          %select_n3A_1625 = arith.select %ge3A_1621, %sub3A_1624, %add3A_1618 : vector<16xi1>, vector<16xi32>
          %add3A_1626 = arith.constant 1 : i32
          %add3A_1627 = vector.broadcast %add3A_1626 : i32 to vector<16xi32>
          %add3A_1628 = arith.addi %select_n3A_1613, %add3A_1627 : vector<16xi32>
          %ge3A_1629 = arith.constant 96 : i32
          %ge3A_1630 = vector.broadcast %ge3A_1629 : i32 to vector<16xi32>
          %ge3A_1631 = arith.cmpi sge, %add3A_1628, %ge3A_1630 : vector<16xi32>
          %sub3A_1632 = arith.constant 96 : i32
          %sub3A_1633 = vector.broadcast %sub3A_1632 : i32 to vector<16xi32>
          %sub3A_1634 = arith.subi %add3A_1628, %sub3A_1633 : vector<16xi32>
          %select_n3A_1635 = arith.select %ge3A_1631, %sub3A_1634, %add3A_1628 : vector<16xi1>, vector<16xi32>
          %gather3A_1636 = tpu.vector_load_idx %arg12[%get3A_642, %select_n3A_1625] : memref<56x128xf32, #tpu.memory_space<vmem>>[vector<16xi32>, vector<16xi32>], vector<16xf32>,
          %gather3A_1637 = tpu.vector_load_idx %arg12[%get3A_642, %select_n3A_1635] : memref<56x128xf32, #tpu.memory_space<vmem>>[vector<16xi32>, vector<16xi32>], vector<16xf32>,
          tpu.vector_store_idx %arg14[%add3A_646, %select_n3A_1625], %gather3A_1636 : memref<256x128xf32, #tpu.memory_space<vmem>>[vector<16xi32>, vector<16xi32>], vector<16xf32>,
          tpu.vector_store_idx %arg14[%add3A_646, %select_n3A_1635], %gather3A_1637 : memref<256x128xf32, #tpu.memory_space<vmem>>[vector<16xi32>, vector<16xi32>], vector<16xf32>,
          %add3A_1638 = arith.constant 1 : i32
          %add3A_1639 = vector.broadcast %add3A_1638 : i32 to vector<16xi32>
          %add3A_1640 = arith.addi %select_n3A_1625, %add3A_1639 : vector<16xi32>
          %ge3A_1641 = arith.constant 96 : i32
          %ge3A_1642 = vector.broadcast %ge3A_1641 : i32 to vector<16xi32>
          %ge3A_1643 = arith.cmpi sge, %add3A_1640, %ge3A_1642 : vector<16xi32>
          %sub3A_1644 = arith.constant 96 : i32
          %sub3A_1645 = vector.broadcast %sub3A_1644 : i32 to vector<16xi32>
          %sub3A_1646 = arith.subi %add3A_1640, %sub3A_1645 : vector<16xi32>
          %select_n3A_1647 = arith.select %ge3A_1643, %sub3A_1646, %add3A_1640 : vector<16xi1>, vector<16xi32>
          %add3A_1648 = arith.constant 1 : i32
          %add3A_1649 = vector.broadcast %add3A_1648 : i32 to vector<16xi32>
          %add3A_1650 = arith.addi %select_n3A_1635, %add3A_1649 : vector<16xi32>
          %ge3A_1651 = arith.constant 96 : i32
          %ge3A_1652 = vector.broadcast %ge3A_1651 : i32 to vector<16xi32>
          %ge3A_1653 = arith.cmpi sge, %add3A_1650, %ge3A_1652 : vector<16xi32>
          %sub3A_1654 = arith.constant 96 : i32
          %sub3A_1655 = vector.broadcast %sub3A_1654 : i32 to vector<16xi32>
          %sub3A_1656 = arith.subi %add3A_1650, %sub3A_1655 : vector<16xi32>
          %select_n3A_1657 = arith.select %ge3A_1653, %sub3A_1656, %add3A_1650 : vector<16xi1>, vector<16xi32>
          %gather3A_1658 = tpu.vector_load_idx %arg12[%get3A_642, %select_n3A_1647] : memref<56x128xf32, #tpu.memory_space<vmem>>[vector<16xi32>, vector<16xi32>], vector<16xf32>,
          %gather3A_1659 = tpu.vector_load_idx %arg12[%get3A_642, %select_n3A_1657] : memref<56x128xf32, #tpu.memory_space<vmem>>[vector<16xi32>, vector<16xi32>], vector<16xf32>,
          tpu.vector_store_idx %arg14[%add3A_646, %select_n3A_1647], %gather3A_1658 : memref<256x128xf32, #tpu.memory_space<vmem>>[vector<16xi32>, vector<16xi32>], vector<16xf32>,
          tpu.vector_store_idx %arg14[%add3A_646, %select_n3A_1657], %gather3A_1659 : memref<256x128xf32, #tpu.memory_space<vmem>>[vector<16xi32>, vector<16xi32>], vector<16xf32>,
          %add3A_1660 = arith.constant 1 : i32
          %add3A_1661 = vector.broadcast %add3A_1660 : i32 to vector<16xi32>
          %add3A_1662 = arith.addi %select_n3A_1647, %add3A_1661 : vector<16xi32>
          %ge3A_1663 = arith.constant 96 : i32
          %ge3A_1664 = vector.broadcast %ge3A_1663 : i32 to vector<16xi32>
          %ge3A_1665 = arith.cmpi sge, %add3A_1662, %ge3A_1664 : vector<16xi32>
          %sub3A_1666 = arith.constant 96 : i32
          %sub3A_1667 = vector.broadcast %sub3A_1666 : i32 to vector<16xi32>
          %sub3A_1668 = arith.subi %add3A_1662, %sub3A_1667 : vector<16xi32>
          %select_n3A_1669 = arith.select %ge3A_1665, %sub3A_1668, %add3A_1662 : vector<16xi1>, vector<16xi32>
          %add3A_1670 = arith.constant 1 : i32
          %add3A_1671 = vector.broadcast %add3A_1670 : i32 to vector<16xi32>
          %add3A_1672 = arith.addi %select_n3A_1657, %add3A_1671 : vector<16xi32>
          %ge3A_1673 = arith.constant 96 : i32
          %ge3A_1674 = vector.broadcast %ge3A_1673 : i32 to vector<16xi32>
          %ge3A_1675 = arith.cmpi sge, %add3A_1672, %ge3A_1674 : vector<16xi32>
          %sub3A_1676 = arith.constant 96 : i32
          %sub3A_1677 = vector.broadcast %sub3A_1676 : i32 to vector<16xi32>
          %sub3A_1678 = arith.subi %add3A_1672, %sub3A_1677 : vector<16xi32>
          %select_n3A_1679 = arith.select %ge3A_1675, %sub3A_1678, %add3A_1672 : vector<16xi1>, vector<16xi32>
          %gather3A_1680 = tpu.vector_load_idx %arg12[%get3A_642, %select_n3A_1669] : memref<56x128xf32, #tpu.memory_space<vmem>>[vector<16xi32>, vector<16xi32>], vector<16xf32>,
          %gather3A_1681 = tpu.vector_load_idx %arg12[%get3A_642, %select_n3A_1679] : memref<56x128xf32, #tpu.memory_space<vmem>>[vector<16xi32>, vector<16xi32>], vector<16xf32>,
          tpu.vector_store_idx %arg14[%add3A_646, %select_n3A_1669], %gather3A_1680 : memref<256x128xf32, #tpu.memory_space<vmem>>[vector<16xi32>, vector<16xi32>], vector<16xf32>,
          tpu.vector_store_idx %arg14[%add3A_646, %select_n3A_1679], %gather3A_1681 : memref<256x128xf32, #tpu.memory_space<vmem>>[vector<16xi32>, vector<16xi32>], vector<16xf32>,
        }
        %scan3A_631 = arith.constant 16 : i32
      } else {
      }
      %not3A_608 = arith.constant true
      %not3A_609 = arith.xori %lt3A_604, %not3A_608 : i1
      %convert_element_type3A_610 = arith.extui %not3A_609 : i1 to i32
      %cond3A_611 = arith.constant 0 : i32
      %cond3A_612 = arith.cmpi ne, %convert_element_type3A_610, %cond3A_611 : i32
      scf.if %cond3A_612 {
        %dma_start3A_627 = arith.constant 1 : i32
        %dma_start3A_628 = arith.constant 0 : i32
        %dma_start3A_629 = arith.constant 0 : i32
        %dma_start3A_630 = arith.constant 0 : i32
        %dma_start3A_631 = tpu.memref_slice %arg14[%dma_start3A_629, %dma_start3A_630] : memref<256x128xf32, #tpu.memory_space<vmem>> -> memref<128x128xf32, #tpu.memory_space<vmem>>
        %dma_start3A_632 = arith.constant 0 : i32
        %dma_start3A_633 = tpu.memref_slice %arg10[%dma_start3A_627, %dma_start3A_628, %dma_start3A_632] : memref<2x2x128xi32, #tpu.memory_space<vmem>> -> memref<1x1x128xi32, #tpu.memory_space<vmem>>
        %dma_start3A_634 = tpu.memref_squeeze %dma_start3A_633 : memref<1x1x128xi32, #tpu.memory_space<vmem>> -> memref<128xi32, #tpu.memory_space<vmem>>
        %dma_start3A_635 = arith.constant 0 : i32
        %dma_start3A_636 = arith.constant 0 : i32
        %dma_start3A_637 = tpu.memref_slice %arg4[%dma_start3A_635, %dma_start3A_636] : memref<2016x128xf32, #tpu.memory_space<hbm>> -> memref<2016x128xf32, #tpu.memory_space<hbm>>
        tpu.enqueue_indirect_dma source(%dma_start3A_637 : memref<2016x128xf32, #tpu.memory_space<hbm>>) target(%dma_start3A_631 : memref<128x128xf32, #tpu.memory_space<vmem>>) offsets(%dma_start3A_634 : memref<128xi32, #tpu.memory_space<vmem>>) semaphore(%arg19 : memref<!tpu.dma_semaphore, #tpu.memory_space<semaphore_mem>>)
        %dma_start3A_638 = arith.constant 1 : i32
        %dma_start3A_639 = arith.constant 1 : i32
        %dma_start3A_640 = arith.constant 128 : i32
        %dma_start3A_641 = arith.constant 0 : i32
        %dma_start3A_642 = tpu.memref_slice %arg14[%dma_start3A_640, %dma_start3A_641] : memref<256x128xf32, #tpu.memory_space<vmem>> -> memref<128x128xf32, #tpu.memory_space<vmem>>
        %dma_start3A_643 = arith.constant 0 : i32
        %dma_start3A_644 = tpu.memref_slice %arg10[%dma_start3A_638, %dma_start3A_639, %dma_start3A_643] : memref<2x2x128xi32, #tpu.memory_space<vmem>> -> memref<1x1x128xi32, #tpu.memory_space<vmem>>
        %dma_start3A_645 = tpu.memref_squeeze %dma_start3A_644 : memref<1x1x128xi32, #tpu.memory_space<vmem>> -> memref<128xi32, #tpu.memory_space<vmem>>
        %dma_start3A_646 = arith.constant 0 : i32
        %dma_start3A_647 = arith.constant 0 : i32
        %dma_start3A_648 = tpu.memref_slice %arg4[%dma_start3A_646, %dma_start3A_647] : memref<2016x128xf32, #tpu.memory_space<hbm>> -> memref<2016x128xf32, #tpu.memory_space<hbm>>
        tpu.enqueue_indirect_dma source(%dma_start3A_648 : memref<2016x128xf32, #tpu.memory_space<hbm>>) target(%dma_start3A_642 : memref<128x128xf32, #tpu.memory_space<vmem>>) offsets(%dma_start3A_645 : memref<128xi32, #tpu.memory_space<vmem>>) semaphore(%arg19 : memref<!tpu.dma_semaphore, #tpu.memory_space<semaphore_mem>>)
        %dma_wait3A_649 = arith.constant 1 : i32
        %dma_wait3A_650 = arith.constant 0 : i32
        %dma_wait3A_651 = arith.constant 0 : i32
        %dma_wait3A_652 = arith.constant 0 : i32
        %dma_wait3A_653 = tpu.memref_slice %arg14[%dma_wait3A_651, %dma_wait3A_652] : memref<256x128xf32, #tpu.memory_space<vmem>> -> memref<128x128xf32, #tpu.memory_space<vmem>>
        %dma_wait3A_654 = arith.constant 0 : i32
        %dma_wait3A_655 = tpu.memref_slice %arg10[%dma_wait3A_649, %dma_wait3A_650, %dma_wait3A_654] : memref<2x2x128xi32, #tpu.memory_space<vmem>> -> memref<1x1x128xi32, #tpu.memory_space<vmem>>
        %dma_wait3A_656 = tpu.memref_squeeze %dma_wait3A_655 : memref<1x1x128xi32, #tpu.memory_space<vmem>> -> memref<128xi32, #tpu.memory_space<vmem>>
        %dma_wait3A_657 = arith.constant 0 : i32
        %dma_wait3A_658 = arith.constant 0 : i32
        %dma_wait3A_659 = tpu.memref_slice %arg4[%dma_wait3A_657, %dma_wait3A_658] : memref<2016x128xf32, #tpu.memory_space<hbm>> -> memref<2016x128xf32, #tpu.memory_space<hbm>>
        tpu.wait_indirect_dma semaphore(%arg19 : memref<!tpu.dma_semaphore, #tpu.memory_space<semaphore_mem>>) src(%dma_wait3A_659 : memref<2016x128xf32, #tpu.memory_space<hbm>>) dst(%dma_wait3A_653 : memref<128x128xf32, #tpu.memory_space<vmem>>)
        %dma_wait3A_660 = arith.constant 1 : i32
        %dma_wait3A_661 = arith.constant 1 : i32
        %dma_wait3A_662 = arith.constant 128 : i32
        %dma_wait3A_663 = arith.constant 0 : i32
        %dma_wait3A_664 = tpu.memref_slice %arg14[%dma_wait3A_662, %dma_wait3A_663] : memref<256x128xf32, #tpu.memory_space<vmem>> -> memref<128x128xf32, #tpu.memory_space<vmem>>
        %dma_wait3A_665 = arith.constant 0 : i32
        %dma_wait3A_666 = tpu.memref_slice %arg10[%dma_wait3A_660, %dma_wait3A_661, %dma_wait3A_665] : memref<2x2x128xi32, #tpu.memory_space<vmem>> -> memref<1x1x128xi32, #tpu.memory_space<vmem>>
        %dma_wait3A_667 = tpu.memref_squeeze %dma_wait3A_666 : memref<1x1x128xi32, #tpu.memory_space<vmem>> -> memref<128xi32, #tpu.memory_space<vmem>>
        %dma_wait3A_668 = arith.constant 0 : i32
        %dma_wait3A_669 = arith.constant 0 : i32
        %dma_wait3A_670 = tpu.memref_slice %arg4[%dma_wait3A_668, %dma_wait3A_669] : memref<2016x128xf32, #tpu.memory_space<hbm>> -> memref<2016x128xf32, #tpu.memory_space<hbm>>
        tpu.wait_indirect_dma semaphore(%arg19 : memref<!tpu.dma_semaphore, #tpu.memory_space<semaphore_mem>>) src(%dma_wait3A_670 : memref<2016x128xf32, #tpu.memory_space<hbm>>) dst(%dma_wait3A_664 : memref<128x128xf32, #tpu.memory_space<vmem>>)
      } else {
      }
      %mul3A_613 = arith.constant 256 : i32
      %mul3A_614 = arith.muli %add3A_594, %mul3A_613 : i32
      %add3A_615 = arith.addi %mul3A_2, %mul3A_614 : i32
      %dma_start3A_616 = arith.constant 0 : i32
      %dma_start3A_617 = tpu.memref_slice %arg5[%add3A_615, %dma_start3A_616] : memref<3276800x128xf32, #tpu.memory_space<hbm>> -> memref<256x128xf32, #tpu.memory_space<hbm>>
      %dma_start3A_618 = arith.constant 0 : i32
      %dma_start3A_619 = tpu.memref_slice %arg5[%add3A_615, %dma_start3A_618] : memref<3276800x128xf32, #tpu.memory_space<hbm>> -> memref<256x128xf32, #tpu.memory_space<hbm>>
      tpu.enqueue_dma source(%arg14 : memref<256x128xf32, #tpu.memory_space<vmem>>) target(%dma_start3A_619 : memref<256x128xf32, #tpu.memory_space<hbm>>) target_semaphore(%arg21 : memref<!tpu.dma_semaphore, #tpu.memory_space<semaphore_mem>>)
      %add3A_620 = arith.constant 1 : i32
      %add3A_621 = arith.addi %add3A_594, %add3A_620 : i32
      %lt3A_622 = arith.constant 400 : i32
      %lt3A_623 = arith.cmpi slt, %add3A_621, %lt3A_622 : i32
      %convert_element_type3A_624 = arith.extui %lt3A_623 : i1 to i32
      %cond3A_625 = arith.constant 0 : i32
      %cond3A_626 = arith.cmpi ne, %convert_element_type3A_624, %cond3A_625 : i32
      scf.if %cond3A_626 {
        %add3A_627 = arith.constant 1 : i32
        %add3A_628 = arith.addi %add3A_594, %add3A_627 : i32
        %mul3A_629 = arith.constant 256 : i32
        %mul3A_630 = arith.muli %add3A_628, %mul3A_629 : i32
        %add3A_631 = arith.addi %mul3A_2, %mul3A_630 : i32
        %dma_wait3A_632 = tpu.memref_slice %arg2[%add3A_631] : memref<3276800xi32, #tpu.memory_space<hbm>> -> memref<256xi32, #tpu.memory_space<hbm>>
        %dma_wait3A_633 = tpu.memref_slice %arg2[%add3A_631] : memref<3276800xi32, #tpu.memory_space<hbm>> -> memref<256xi32, #tpu.memory_space<hbm>>
        tpu.wait_dma2 semaphore(%arg16 : memref<!tpu.dma_semaphore, #tpu.memory_space<semaphore_mem>>) src(%dma_wait3A_633 : memref<256xi32, #tpu.memory_space<hbm>>) dst(%arg6 : memref<256xi32, #tpu.memory_space<vmem>>)
        %mul3A_634 = arith.constant 256 : i32
        %mul3A_635 = arith.muli %add3A_628, %mul3A_634 : i32
        %add3A_636 = arith.addi %mul3A_2, %mul3A_635 : i32
        %dma_wait3A_637 = tpu.memref_slice %arg3[%add3A_636] : memref<3276800xi32, #tpu.memory_space<hbm>> -> memref<256xi32, #tpu.memory_space<hbm>>
        %dma_wait3A_638 = tpu.memref_slice %arg3[%add3A_636] : memref<3276800xi32, #tpu.memory_space<hbm>> -> memref<256xi32, #tpu.memory_space<hbm>>
        tpu.wait_dma2 semaphore(%arg16 : memref<!tpu.dma_semaphore, #tpu.memory_space<semaphore_mem>>) src(%dma_wait3A_638 : memref<256xi32, #tpu.memory_space<hbm>>) dst(%arg8 : memref<256xi32, #tpu.memory_space<vmem>>)
        %broadcast_in_dim3A_639 = arith.constant 0 : i32
        %broadcast_in_dim3A_640 = vector.broadcast %broadcast_in_dim3A_639 : i32 to vector<16xi32>
        %get3A_641 = arith.constant 0 : index
        %get3A_642 = tpu.vector_load %arg6[%get3A_641] {strides = array<i32>} : memref<256xi32, #tpu.memory_space<vmem>>, vector<16xi32>,
        %get3A_643 = arith.constant 0 : index
        %get3A_644 = tpu.vector_load %arg8[%get3A_643] {strides = array<i32>} : memref<256xi32, #tpu.memory_space<vmem>>, vector<16xi32>,
        %max3A_645 = arith.maxsi %get3A_642, %get3A_644 : vector<16xi32>
        %max3A_646 = arith.maxsi %broadcast_in_dim3A_640, %max3A_645 : vector<16xi32>
        %jit3A_647 = arith.constant 0 : i32
        %jit3A_648 = arith.constant 6 : i32
        %max3A_649 = vector.broadcast %jit3A_647 : i32 to vector<16xi32>
        %max3A_650 = arith.maxsi %max3A_649, %get3A_642 : vector<16xi32>
        %min3A_651 = vector.broadcast %jit3A_648 : i32 to vector<16xi32>
        %min3A_652 = arith.minsi %min3A_651, %max3A_650 : vector<16xi32>
        %jit3A_653 = arith.constant 0 : i32
        %jit3A_654 = arith.constant 287 : i32
        %max3A_655 = vector.broadcast %jit3A_653 : i32 to vector<16xi32>
        %max3A_656 = arith.maxsi %max3A_655, %get3A_644 : vector<16xi32>
        %min3A_657 = vector.broadcast %jit3A_654 : i32 to vector<16xi32>
        %min3A_658 = arith.minsi %min3A_657, %max3A_656 : vector<16xi32>
        %mul3A_659 = arith.constant 7 : i32
        %mul3A_660 = vector.broadcast %mul3A_659 : i32 to vector<16xi32>
        %mul3A_661 = arith.muli %min3A_658, %mul3A_660 : vector<16xi32>
        %add3A_662 = arith.addi %mul3A_661, %min3A_652 : vector<16xi32>
        %swap3A_663 = arith.constant 0 : i32
        %swap3A_664 = arith.constant 0 : i32
        %swap3A_665 = arith.index_cast %swap3A_663 : i32 to index
        %swap3A_666 = arith.index_cast %swap3A_664 : i32 to index
        %swap3A_667 = arith.constant 0 : index
        %swap3A_668 = tpu.vector_load %arg10[%swap3A_665, %swap3A_666, %swap3A_667] {strides = array<i32>} : memref<2x2x128xi32, #tpu.memory_space<vmem>>, vector<16xi32>,
        tpu.vector_store %arg10[%swap3A_665, %swap3A_666, %swap3A_667], %add3A_662 {strides = array<i32>} : memref<2x2x128xi32, #tpu.memory_space<vmem>>, vector<16xi32>,
        %swap3A_669 = arith.constant 0 : i32
        %swap3A_670 = arith.index_cast %swap3A_669 : i32 to index
        %swap3A_671 = arith.constant 0 : index
        %swap3A_672 = tpu.vector_load %arg11[%swap3A_670, %swap3A_671] {strides = array<i32>} : memref<2x256xi32, #tpu.memory_space<vmem>>, vector<16xi32>,
        tpu.vector_store %arg11[%swap3A_670, %swap3A_671], %add3A_662 {strides = array<i32>} : memref<2x256xi32, #tpu.memory_space<vmem>>, vector<16xi32>,
        %get3A_673 = arith.constant 16 : index
        %get3A_674 = tpu.vector_load %arg6[%get3A_673] {strides = array<i32>} : memref<256xi32, #tpu.memory_space<vmem>>, vector<16xi32>,
        %get3A_675 = arith.constant 16 : index
        %get3A_676 = tpu.vector_load %arg8[%get3A_675] {strides = array<i32>} : memref<256xi32, #tpu.memory_space<vmem>>, vector<16xi32>,
        %max3A_677 = arith.maxsi %get3A_674, %get3A_676 : vector<16xi32>
        %max3A_678 = arith.maxsi %max3A_646, %max3A_677 : vector<16xi32>
        %jit3A_679 = arith.constant 0 : i32
        %jit3A_680 = arith.constant 6 : i32
        %max3A_681 = vector.broadcast %jit3A_679 : i32 to vector<16xi32>
        %max3A_682 = arith.maxsi %max3A_681, %get3A_674 : vector<16xi32>
        %min3A_683 = vector.broadcast %jit3A_680 : i32 to vector<16xi32>
        %min3A_684 = arith.minsi %min3A_683, %max3A_682 : vector<16xi32>
        %jit3A_685 = arith.constant 0 : i32
        %jit3A_686 = arith.constant 287 : i32
        %max3A_687 = vector.broadcast %jit3A_685 : i32 to vector<16xi32>
        %max3A_688 = arith.maxsi %max3A_687, %get3A_676 : vector<16xi32>
        %min3A_689 = vector.broadcast %jit3A_686 : i32 to vector<16xi32>
        %min3A_690 = arith.minsi %min3A_689, %max3A_688 : vector<16xi32>
        %mul3A_691 = arith.constant 7 : i32
        %mul3A_692 = vector.broadcast %mul3A_691 : i32 to vector<16xi32>
        %mul3A_693 = arith.muli %min3A_690, %mul3A_692 : vector<16xi32>
        %add3A_694 = arith.addi %mul3A_693, %min3A_684 : vector<16xi32>
        %swap3A_695 = arith.constant 0 : i32
        %swap3A_696 = arith.constant 0 : i32
        %swap3A_697 = arith.index_cast %swap3A_695 : i32 to index
        %swap3A_698 = arith.index_cast %swap3A_696 : i32 to index
        %swap3A_699 = arith.constant 16 : index
        %swap3A_700 = tpu.vector_load %arg10[%swap3A_697, %swap3A_698, %swap3A_699] {strides = array<i32>} : memref<2x2x128xi32, #tpu.memory_space<vmem>>, vector<16xi32>,
        tpu.vector_store %arg10[%swap3A_697, %swap3A_698, %swap3A_699], %add3A_694 {strides = array<i32>} : memref<2x2x128xi32, #tpu.memory_space<vmem>>, vector<16xi32>,
        %swap3A_701 = arith.constant 0 : i32
        %swap3A_702 = arith.index_cast %swap3A_701 : i32 to index
        %swap3A_703 = arith.constant 16 : index
        %swap3A_704 = tpu.vector_load %arg11[%swap3A_702, %swap3A_703] {strides = array<i32>} : memref<2x256xi32, #tpu.memory_space<vmem>>, vector<16xi32>,
        tpu.vector_store %arg11[%swap3A_702, %swap3A_703], %add3A_694 {strides = array<i32>} : memref<2x256xi32, #tpu.memory_space<vmem>>, vector<16xi32>,
        %get3A_705 = arith.constant 32 : index
        %get3A_706 = tpu.vector_load %arg6[%get3A_705] {strides = array<i32>} : memref<256xi32, #tpu.memory_space<vmem>>, vector<16xi32>,
        %get3A_707 = arith.constant 32 : index
        %get3A_708 = tpu.vector_load %arg8[%get3A_707] {strides = array<i32>} : memref<256xi32, #tpu.memory_space<vmem>>, vector<16xi32>,
        %max3A_709 = arith.maxsi %get3A_706, %get3A_708 : vector<16xi32>
        %max3A_710 = arith.maxsi %max3A_678, %max3A_709 : vector<16xi32>
        %jit3A_711 = arith.constant 0 : i32
        %jit3A_712 = arith.constant 6 : i32
        %max3A_713 = vector.broadcast %jit3A_711 : i32 to vector<16xi32>
        %max3A_714 = arith.maxsi %max3A_713, %get3A_706 : vector<16xi32>
        %min3A_715 = vector.broadcast %jit3A_712 : i32 to vector<16xi32>
        %min3A_716 = arith.minsi %min3A_715, %max3A_714 : vector<16xi32>
        %jit3A_717 = arith.constant 0 : i32
        %jit3A_718 = arith.constant 287 : i32
        %max3A_719 = vector.broadcast %jit3A_717 : i32 to vector<16xi32>
        %max3A_720 = arith.maxsi %max3A_719, %get3A_708 : vector<16xi32>
        %min3A_721 = vector.broadcast %jit3A_718 : i32 to vector<16xi32>
        %min3A_722 = arith.minsi %min3A_721, %max3A_720 : vector<16xi32>
        %mul3A_723 = arith.constant 7 : i32
        %mul3A_724 = vector.broadcast %mul3A_723 : i32 to vector<16xi32>
        %mul3A_725 = arith.muli %min3A_722, %mul3A_724 : vector<16xi32>
        %add3A_726 = arith.addi %mul3A_725, %min3A_716 : vector<16xi32>
        %swap3A_727 = arith.constant 0 : i32
        %swap3A_728 = arith.constant 0 : i32
        %swap3A_729 = arith.index_cast %swap3A_727 : i32 to index
        %swap3A_730 = arith.index_cast %swap3A_728 : i32 to index
        %swap3A_731 = arith.constant 32 : index
        %swap3A_732 = tpu.vector_load %arg10[%swap3A_729, %swap3A_730, %swap3A_731] {strides = array<i32>} : memref<2x2x128xi32, #tpu.memory_space<vmem>>, vector<16xi32>,
        tpu.vector_store %arg10[%swap3A_729, %swap3A_730, %swap3A_731], %add3A_726 {strides = array<i32>} : memref<2x2x128xi32, #tpu.memory_space<vmem>>, vector<16xi32>,
        %swap3A_733 = arith.constant 0 : i32
        %swap3A_734 = arith.index_cast %swap3A_733 : i32 to index
        %swap3A_735 = arith.constant 32 : index
        %swap3A_736 = tpu.vector_load %arg11[%swap3A_734, %swap3A_735] {strides = array<i32>} : memref<2x256xi32, #tpu.memory_space<vmem>>, vector<16xi32>,
        tpu.vector_store %arg11[%swap3A_734, %swap3A_735], %add3A_726 {strides = array<i32>} : memref<2x256xi32, #tpu.memory_space<vmem>>, vector<16xi32>,
        %get3A_737 = arith.constant 48 : index
        %get3A_738 = tpu.vector_load %arg6[%get3A_737] {strides = array<i32>} : memref<256xi32, #tpu.memory_space<vmem>>, vector<16xi32>,
        %get3A_739 = arith.constant 48 : index
        %get3A_740 = tpu.vector_load %arg8[%get3A_739] {strides = array<i32>} : memref<256xi32, #tpu.memory_space<vmem>>, vector<16xi32>,
        %max3A_741 = arith.maxsi %get3A_738, %get3A_740 : vector<16xi32>
        %max3A_742 = arith.maxsi %max3A_710, %max3A_741 : vector<16xi32>
        %jit3A_743 = arith.constant 0 : i32
        %jit3A_744 = arith.constant 6 : i32
        %max3A_745 = vector.broadcast %jit3A_743 : i32 to vector<16xi32>
        %max3A_746 = arith.maxsi %max3A_745, %get3A_738 : vector<16xi32>
        %min3A_747 = vector.broadcast %jit3A_744 : i32 to vector<16xi32>
        %min3A_748 = arith.minsi %min3A_747, %max3A_746 : vector<16xi32>
        %jit3A_749 = arith.constant 0 : i32
        %jit3A_750 = arith.constant 287 : i32
        %max3A_751 = vector.broadcast %jit3A_749 : i32 to vector<16xi32>
        %max3A_752 = arith.maxsi %max3A_751, %get3A_740 : vector<16xi32>
        %min3A_753 = vector.broadcast %jit3A_750 : i32 to vector<16xi32>
        %min3A_754 = arith.minsi %min3A_753, %max3A_752 : vector<16xi32>
        %mul3A_755 = arith.constant 7 : i32
        %mul3A_756 = vector.broadcast %mul3A_755 : i32 to vector<16xi32>
        %mul3A_757 = arith.muli %min3A_754, %mul3A_756 : vector<16xi32>
        %add3A_758 = arith.addi %mul3A_757, %min3A_748 : vector<16xi32>
        %swap3A_759 = arith.constant 0 : i32
        %swap3A_760 = arith.constant 0 : i32
        %swap3A_761 = arith.index_cast %swap3A_759 : i32 to index
        %swap3A_762 = arith.index_cast %swap3A_760 : i32 to index
        %swap3A_763 = arith.constant 48 : index
        %swap3A_764 = tpu.vector_load %arg10[%swap3A_761, %swap3A_762, %swap3A_763] {strides = array<i32>} : memref<2x2x128xi32, #tpu.memory_space<vmem>>, vector<16xi32>,
        tpu.vector_store %arg10[%swap3A_761, %swap3A_762, %swap3A_763], %add3A_758 {strides = array<i32>} : memref<2x2x128xi32, #tpu.memory_space<vmem>>, vector<16xi32>,
        %swap3A_765 = arith.constant 0 : i32
        %swap3A_766 = arith.index_cast %swap3A_765 : i32 to index
        %swap3A_767 = arith.constant 48 : index
        %swap3A_768 = tpu.vector_load %arg11[%swap3A_766, %swap3A_767] {strides = array<i32>} : memref<2x256xi32, #tpu.memory_space<vmem>>, vector<16xi32>,
        tpu.vector_store %arg11[%swap3A_766, %swap3A_767], %add3A_758 {strides = array<i32>} : memref<2x256xi32, #tpu.memory_space<vmem>>, vector<16xi32>,
        %get3A_769 = arith.constant 64 : index
        %get3A_770 = tpu.vector_load %arg6[%get3A_769] {strides = array<i32>} : memref<256xi32, #tpu.memory_space<vmem>>, vector<16xi32>,
        %get3A_771 = arith.constant 64 : index
        %get3A_772 = tpu.vector_load %arg8[%get3A_771] {strides = array<i32>} : memref<256xi32, #tpu.memory_space<vmem>>, vector<16xi32>,
        %max3A_773 = arith.maxsi %get3A_770, %get3A_772 : vector<16xi32>
        %max3A_774 = arith.maxsi %max3A_742, %max3A_773 : vector<16xi32>
        %jit3A_775 = arith.constant 0 : i32
        %jit3A_776 = arith.constant 6 : i32
        %max3A_777 = vector.broadcast %jit3A_775 : i32 to vector<16xi32>
        %max3A_778 = arith.maxsi %max3A_777, %get3A_770 : vector<16xi32>
        %min3A_779 = vector.broadcast %jit3A_776 : i32 to vector<16xi32>
        %min3A_780 = arith.minsi %min3A_779, %max3A_778 : vector<16xi32>
        %jit3A_781 = arith.constant 0 : i32
        %jit3A_782 = arith.constant 287 : i32
        %max3A_783 = vector.broadcast %jit3A_781 : i32 to vector<16xi32>
        %max3A_784 = arith.maxsi %max3A_783, %get3A_772 : vector<16xi32>
        %min3A_785 = vector.broadcast %jit3A_782 : i32 to vector<16xi32>
        %min3A_786 = arith.minsi %min3A_785, %max3A_784 : vector<16xi32>
        %mul3A_787 = arith.constant 7 : i32
        %mul3A_788 = vector.broadcast %mul3A_787 : i32 to vector<16xi32>
        %mul3A_789 = arith.muli %min3A_786, %mul3A_788 : vector<16xi32>
        %add3A_790 = arith.addi %mul3A_789, %min3A_780 : vector<16xi32>
        %swap3A_791 = arith.constant 0 : i32
        %swap3A_792 = arith.constant 0 : i32
        %swap3A_793 = arith.index_cast %swap3A_791 : i32 to index
        %swap3A_794 = arith.index_cast %swap3A_792 : i32 to index
        %swap3A_795 = arith.constant 64 : index
        %swap3A_796 = tpu.vector_load %arg10[%swap3A_793, %swap3A_794, %swap3A_795] {strides = array<i32>} : memref<2x2x128xi32, #tpu.memory_space<vmem>>, vector<16xi32>,
        tpu.vector_store %arg10[%swap3A_793, %swap3A_794, %swap3A_795], %add3A_790 {strides = array<i32>} : memref<2x2x128xi32, #tpu.memory_space<vmem>>, vector<16xi32>,
        %swap3A_797 = arith.constant 0 : i32
        %swap3A_798 = arith.index_cast %swap3A_797 : i32 to index
        %swap3A_799 = arith.constant 64 : index
        %swap3A_800 = tpu.vector_load %arg11[%swap3A_798, %swap3A_799] {strides = array<i32>} : memref<2x256xi32, #tpu.memory_space<vmem>>, vector<16xi32>,
        tpu.vector_store %arg11[%swap3A_798, %swap3A_799], %add3A_790 {strides = array<i32>} : memref<2x256xi32, #tpu.memory_space<vmem>>, vector<16xi32>,
        %get3A_801 = arith.constant 80 : index
        %get3A_802 = tpu.vector_load %arg6[%get3A_801] {strides = array<i32>} : memref<256xi32, #tpu.memory_space<vmem>>, vector<16xi32>,
        %get3A_803 = arith.constant 80 : index
        %get3A_804 = tpu.vector_load %arg8[%get3A_803] {strides = array<i32>} : memref<256xi32, #tpu.memory_space<vmem>>, vector<16xi32>,
        %max3A_805 = arith.maxsi %get3A_802, %get3A_804 : vector<16xi32>
        %max3A_806 = arith.maxsi %max3A_774, %max3A_805 : vector<16xi32>
        %jit3A_807 = arith.constant 0 : i32
        %jit3A_808 = arith.constant 6 : i32
        %max3A_809 = vector.broadcast %jit3A_807 : i32 to vector<16xi32>
        %max3A_810 = arith.maxsi %max3A_809, %get3A_802 : vector<16xi32>
        %min3A_811 = vector.broadcast %jit3A_808 : i32 to vector<16xi32>
        %min3A_812 = arith.minsi %min3A_811, %max3A_810 : vector<16xi32>
        %jit3A_813 = arith.constant 0 : i32
        %jit3A_814 = arith.constant 287 : i32
        %max3A_815 = vector.broadcast %jit3A_813 : i32 to vector<16xi32>
        %max3A_816 = arith.maxsi %max3A_815, %get3A_804 : vector<16xi32>
        %min3A_817 = vector.broadcast %jit3A_814 : i32 to vector<16xi32>
        %min3A_818 = arith.minsi %min3A_817, %max3A_816 : vector<16xi32>
        %mul3A_819 = arith.constant 7 : i32
        %mul3A_820 = vector.broadcast %mul3A_819 : i32 to vector<16xi32>
        %mul3A_821 = arith.muli %min3A_818, %mul3A_820 : vector<16xi32>
        %add3A_822 = arith.addi %mul3A_821, %min3A_812 : vector<16xi32>
        %swap3A_823 = arith.constant 0 : i32
        %swap3A_824 = arith.constant 0 : i32
        %swap3A_825 = arith.index_cast %swap3A_823 : i32 to index
        %swap3A_826 = arith.index_cast %swap3A_824 : i32 to index
        %swap3A_827 = arith.constant 80 : index
        %swap3A_828 = tpu.vector_load %arg10[%swap3A_825, %swap3A_826, %swap3A_827] {strides = array<i32>} : memref<2x2x128xi32, #tpu.memory_space<vmem>>, vector<16xi32>,
        tpu.vector_store %arg10[%swap3A_825, %swap3A_826, %swap3A_827], %add3A_822 {strides = array<i32>} : memref<2x2x128xi32, #tpu.memory_space<vmem>>, vector<16xi32>,
        %swap3A_829 = arith.constant 0 : i32
        %swap3A_830 = arith.index_cast %swap3A_829 : i32 to index
        %swap3A_831 = arith.constant 80 : index
        %swap3A_832 = tpu.vector_load %arg11[%swap3A_830, %swap3A_831] {strides = array<i32>} : memref<2x256xi32, #tpu.memory_space<vmem>>, vector<16xi32>,
        tpu.vector_store %arg11[%swap3A_830, %swap3A_831], %add3A_822 {strides = array<i32>} : memref<2x256xi32, #tpu.memory_space<vmem>>, vector<16xi32>,
        %get3A_833 = arith.constant 96 : index
        %get3A_834 = tpu.vector_load %arg6[%get3A_833] {strides = array<i32>} : memref<256xi32, #tpu.memory_space<vmem>>, vector<16xi32>,
        %get3A_835 = arith.constant 96 : index
        %get3A_836 = tpu.vector_load %arg8[%get3A_835] {strides = array<i32>} : memref<256xi32, #tpu.memory_space<vmem>>, vector<16xi32>,
        %max3A_837 = arith.maxsi %get3A_834, %get3A_836 : vector<16xi32>
        %max3A_838 = arith.maxsi %max3A_806, %max3A_837 : vector<16xi32>
        %jit3A_839 = arith.constant 0 : i32
        %jit3A_840 = arith.constant 6 : i32
        %max3A_841 = vector.broadcast %jit3A_839 : i32 to vector<16xi32>
        %max3A_842 = arith.maxsi %max3A_841, %get3A_834 : vector<16xi32>
        %min3A_843 = vector.broadcast %jit3A_840 : i32 to vector<16xi32>
        %min3A_844 = arith.minsi %min3A_843, %max3A_842 : vector<16xi32>
        %jit3A_845 = arith.constant 0 : i32
        %jit3A_846 = arith.constant 287 : i32
        %max3A_847 = vector.broadcast %jit3A_845 : i32 to vector<16xi32>
        %max3A_848 = arith.maxsi %max3A_847, %get3A_836 : vector<16xi32>
        %min3A_849 = vector.broadcast %jit3A_846 : i32 to vector<16xi32>
        %min3A_850 = arith.minsi %min3A_849, %max3A_848 : vector<16xi32>
        %mul3A_851 = arith.constant 7 : i32
        %mul3A_852 = vector.broadcast %mul3A_851 : i32 to vector<16xi32>
        %mul3A_853 = arith.muli %min3A_850, %mul3A_852 : vector<16xi32>
        %add3A_854 = arith.addi %mul3A_853, %min3A_844 : vector<16xi32>
        %swap3A_855 = arith.constant 0 : i32
        %swap3A_856 = arith.constant 0 : i32
        %swap3A_857 = arith.index_cast %swap3A_855 : i32 to index
        %swap3A_858 = arith.index_cast %swap3A_856 : i32 to index
        %swap3A_859 = arith.constant 96 : index
        %swap3A_860 = tpu.vector_load %arg10[%swap3A_857, %swap3A_858, %swap3A_859] {strides = array<i32>} : memref<2x2x128xi32, #tpu.memory_space<vmem>>, vector<16xi32>,
        tpu.vector_store %arg10[%swap3A_857, %swap3A_858, %swap3A_859], %add3A_854 {strides = array<i32>} : memref<2x2x128xi32, #tpu.memory_space<vmem>>, vector<16xi32>,
        %swap3A_861 = arith.constant 0 : i32
        %swap3A_862 = arith.index_cast %swap3A_861 : i32 to index
        %swap3A_863 = arith.constant 96 : index
        %swap3A_864 = tpu.vector_load %arg11[%swap3A_862, %swap3A_863] {strides = array<i32>} : memref<2x256xi32, #tpu.memory_space<vmem>>, vector<16xi32>,
        tpu.vector_store %arg11[%swap3A_862, %swap3A_863], %add3A_854 {strides = array<i32>} : memref<2x256xi32, #tpu.memory_space<vmem>>, vector<16xi32>,
        %get3A_865 = arith.constant 112 : index
        %get3A_866 = tpu.vector_load %arg6[%get3A_865] {strides = array<i32>} : memref<256xi32, #tpu.memory_space<vmem>>, vector<16xi32>,
        %get3A_867 = arith.constant 112 : index
        %get3A_868 = tpu.vector_load %arg8[%get3A_867] {strides = array<i32>} : memref<256xi32, #tpu.memory_space<vmem>>, vector<16xi32>,
        %max3A_869 = arith.maxsi %get3A_866, %get3A_868 : vector<16xi32>
        %max3A_870 = arith.maxsi %max3A_838, %max3A_869 : vector<16xi32>
        %jit3A_871 = arith.constant 0 : i32
        %jit3A_872 = arith.constant 6 : i32
        %max3A_873 = vector.broadcast %jit3A_871 : i32 to vector<16xi32>
        %max3A_874 = arith.maxsi %max3A_873, %get3A_866 : vector<16xi32>
        %min3A_875 = vector.broadcast %jit3A_872 : i32 to vector<16xi32>
        %min3A_876 = arith.minsi %min3A_875, %max3A_874 : vector<16xi32>
        %jit3A_877 = arith.constant 0 : i32
        %jit3A_878 = arith.constant 287 : i32
        %max3A_879 = vector.broadcast %jit3A_877 : i32 to vector<16xi32>
        %max3A_880 = arith.maxsi %max3A_879, %get3A_868 : vector<16xi32>
        %min3A_881 = vector.broadcast %jit3A_878 : i32 to vector<16xi32>
        %min3A_882 = arith.minsi %min3A_881, %max3A_880 : vector<16xi32>
        %mul3A_883 = arith.constant 7 : i32
        %mul3A_884 = vector.broadcast %mul3A_883 : i32 to vector<16xi32>
        %mul3A_885 = arith.muli %min3A_882, %mul3A_884 : vector<16xi32>
        %add3A_886 = arith.addi %mul3A_885, %min3A_876 : vector<16xi32>
        %swap3A_887 = arith.constant 0 : i32
        %swap3A_888 = arith.constant 0 : i32
        %swap3A_889 = arith.index_cast %swap3A_887 : i32 to index
        %swap3A_890 = arith.index_cast %swap3A_888 : i32 to index
        %swap3A_891 = arith.constant 112 : index
        %swap3A_892 = tpu.vector_load %arg10[%swap3A_889, %swap3A_890, %swap3A_891] {strides = array<i32>} : memref<2x2x128xi32, #tpu.memory_space<vmem>>, vector<16xi32>,
        tpu.vector_store %arg10[%swap3A_889, %swap3A_890, %swap3A_891], %add3A_886 {strides = array<i32>} : memref<2x2x128xi32, #tpu.memory_space<vmem>>, vector<16xi32>,
        %swap3A_893 = arith.constant 0 : i32
        %swap3A_894 = arith.index_cast %swap3A_893 : i32 to index
        %swap3A_895 = arith.constant 112 : index
        %swap3A_896 = tpu.vector_load %arg11[%swap3A_894, %swap3A_895] {strides = array<i32>} : memref<2x256xi32, #tpu.memory_space<vmem>>, vector<16xi32>,
        tpu.vector_store %arg11[%swap3A_894, %swap3A_895], %add3A_886 {strides = array<i32>} : memref<2x256xi32, #tpu.memory_space<vmem>>, vector<16xi32>,
        %get3A_897 = arith.constant 128 : index
        %get3A_898 = tpu.vector_load %arg6[%get3A_897] {strides = array<i32>} : memref<256xi32, #tpu.memory_space<vmem>>, vector<16xi32>,
        %get3A_899 = arith.constant 128 : index
        %get3A_900 = tpu.vector_load %arg8[%get3A_899] {strides = array<i32>} : memref<256xi32, #tpu.memory_space<vmem>>, vector<16xi32>,
        %max3A_901 = arith.maxsi %get3A_898, %get3A_900 : vector<16xi32>
        %max3A_902 = arith.maxsi %max3A_870, %max3A_901 : vector<16xi32>
        %jit3A_903 = arith.constant 0 : i32
        %jit3A_904 = arith.constant 6 : i32
        %max3A_905 = vector.broadcast %jit3A_903 : i32 to vector<16xi32>
        %max3A_906 = arith.maxsi %max3A_905, %get3A_898 : vector<16xi32>
        %min3A_907 = vector.broadcast %jit3A_904 : i32 to vector<16xi32>
        %min3A_908 = arith.minsi %min3A_907, %max3A_906 : vector<16xi32>
        %jit3A_909 = arith.constant 0 : i32
        %jit3A_910 = arith.constant 287 : i32
        %max3A_911 = vector.broadcast %jit3A_909 : i32 to vector<16xi32>
        %max3A_912 = arith.maxsi %max3A_911, %get3A_900 : vector<16xi32>
        %min3A_913 = vector.broadcast %jit3A_910 : i32 to vector<16xi32>
        %min3A_914 = arith.minsi %min3A_913, %max3A_912 : vector<16xi32>
        %mul3A_915 = arith.constant 7 : i32
        %mul3A_916 = vector.broadcast %mul3A_915 : i32 to vector<16xi32>
        %mul3A_917 = arith.muli %min3A_914, %mul3A_916 : vector<16xi32>
        %add3A_918 = arith.addi %mul3A_917, %min3A_908 : vector<16xi32>
        %swap3A_919 = arith.constant 0 : i32
        %swap3A_920 = arith.constant 1 : i32
        %swap3A_921 = arith.index_cast %swap3A_919 : i32 to index
        %swap3A_922 = arith.index_cast %swap3A_920 : i32 to index
        %swap3A_923 = arith.constant 0 : index
        %swap3A_924 = tpu.vector_load %arg10[%swap3A_921, %swap3A_922, %swap3A_923] {strides = array<i32>} : memref<2x2x128xi32, #tpu.memory_space<vmem>>, vector<16xi32>,
        tpu.vector_store %arg10[%swap3A_921, %swap3A_922, %swap3A_923], %add3A_918 {strides = array<i32>} : memref<2x2x128xi32, #tpu.memory_space<vmem>>, vector<16xi32>,
        %swap3A_925 = arith.constant 0 : i32
        %swap3A_926 = arith.index_cast %swap3A_925 : i32 to index
        %swap3A_927 = arith.constant 128 : index
        %swap3A_928 = tpu.vector_load %arg11[%swap3A_926, %swap3A_927] {strides = array<i32>} : memref<2x256xi32, #tpu.memory_space<vmem>>, vector<16xi32>,
        tpu.vector_store %arg11[%swap3A_926, %swap3A_927], %add3A_918 {strides = array<i32>} : memref<2x256xi32, #tpu.memory_space<vmem>>, vector<16xi32>,
        %get3A_929 = arith.constant 144 : index
        %get3A_930 = tpu.vector_load %arg6[%get3A_929] {strides = array<i32>} : memref<256xi32, #tpu.memory_space<vmem>>, vector<16xi32>,
        %get3A_931 = arith.constant 144 : index
        %get3A_932 = tpu.vector_load %arg8[%get3A_931] {strides = array<i32>} : memref<256xi32, #tpu.memory_space<vmem>>, vector<16xi32>,
        %max3A_933 = arith.maxsi %get3A_930, %get3A_932 : vector<16xi32>
        %max3A_934 = arith.maxsi %max3A_902, %max3A_933 : vector<16xi32>
        %jit3A_935 = arith.constant 0 : i32
        %jit3A_936 = arith.constant 6 : i32
        %max3A_937 = vector.broadcast %jit3A_935 : i32 to vector<16xi32>
        %max3A_938 = arith.maxsi %max3A_937, %get3A_930 : vector<16xi32>
        %min3A_939 = vector.broadcast %jit3A_936 : i32 to vector<16xi32>
        %min3A_940 = arith.minsi %min3A_939, %max3A_938 : vector<16xi32>
        %jit3A_941 = arith.constant 0 : i32
        %jit3A_942 = arith.constant 287 : i32
        %max3A_943 = vector.broadcast %jit3A_941 : i32 to vector<16xi32>
        %max3A_944 = arith.maxsi %max3A_943, %get3A_932 : vector<16xi32>
        %min3A_945 = vector.broadcast %jit3A_942 : i32 to vector<16xi32>
        %min3A_946 = arith.minsi %min3A_945, %max3A_944 : vector<16xi32>
        %mul3A_947 = arith.constant 7 : i32
        %mul3A_948 = vector.broadcast %mul3A_947 : i32 to vector<16xi32>
        %mul3A_949 = arith.muli %min3A_946, %mul3A_948 : vector<16xi32>
        %add3A_950 = arith.addi %mul3A_949, %min3A_940 : vector<16xi32>
        %swap3A_951 = arith.constant 0 : i32
        %swap3A_952 = arith.constant 1 : i32
        %swap3A_953 = arith.index_cast %swap3A_951 : i32 to index
        %swap3A_954 = arith.index_cast %swap3A_952 : i32 to index
        %swap3A_955 = arith.constant 16 : index
        %swap3A_956 = tpu.vector_load %arg10[%swap3A_953, %swap3A_954, %swap3A_955] {strides = array<i32>} : memref<2x2x128xi32, #tpu.memory_space<vmem>>, vector<16xi32>,
        tpu.vector_store %arg10[%swap3A_953, %swap3A_954, %swap3A_955], %add3A_950 {strides = array<i32>} : memref<2x2x128xi32, #tpu.memory_space<vmem>>, vector<16xi32>,
        %swap3A_957 = arith.constant 0 : i32
        %swap3A_958 = arith.index_cast %swap3A_957 : i32 to index
        %swap3A_959 = arith.constant 144 : index
        %swap3A_960 = tpu.vector_load %arg11[%swap3A_958, %swap3A_959] {strides = array<i32>} : memref<2x256xi32, #tpu.memory_space<vmem>>, vector<16xi32>,
        tpu.vector_store %arg11[%swap3A_958, %swap3A_959], %add3A_950 {strides = array<i32>} : memref<2x256xi32, #tpu.memory_space<vmem>>, vector<16xi32>,
        %get3A_961 = arith.constant 160 : index
        %get3A_962 = tpu.vector_load %arg6[%get3A_961] {strides = array<i32>} : memref<256xi32, #tpu.memory_space<vmem>>, vector<16xi32>,
        %get3A_963 = arith.constant 160 : index
        %get3A_964 = tpu.vector_load %arg8[%get3A_963] {strides = array<i32>} : memref<256xi32, #tpu.memory_space<vmem>>, vector<16xi32>,
        %max3A_965 = arith.maxsi %get3A_962, %get3A_964 : vector<16xi32>
        %max3A_966 = arith.maxsi %max3A_934, %max3A_965 : vector<16xi32>
        %jit3A_967 = arith.constant 0 : i32
        %jit3A_968 = arith.constant 6 : i32
        %max3A_969 = vector.broadcast %jit3A_967 : i32 to vector<16xi32>
        %max3A_970 = arith.maxsi %max3A_969, %get3A_962 : vector<16xi32>
        %min3A_971 = vector.broadcast %jit3A_968 : i32 to vector<16xi32>
        %min3A_972 = arith.minsi %min3A_971, %max3A_970 : vector<16xi32>
        %jit3A_973 = arith.constant 0 : i32
        %jit3A_974 = arith.constant 287 : i32
        %max3A_975 = vector.broadcast %jit3A_973 : i32 to vector<16xi32>
        %max3A_976 = arith.maxsi %max3A_975, %get3A_964 : vector<16xi32>
        %min3A_977 = vector.broadcast %jit3A_974 : i32 to vector<16xi32>
        %min3A_978 = arith.minsi %min3A_977, %max3A_976 : vector<16xi32>
        %mul3A_979 = arith.constant 7 : i32
        %mul3A_980 = vector.broadcast %mul3A_979 : i32 to vector<16xi32>
        %mul3A_981 = arith.muli %min3A_978, %mul3A_980 : vector<16xi32>
        %add3A_982 = arith.addi %mul3A_981, %min3A_972 : vector<16xi32>
        %swap3A_983 = arith.constant 0 : i32
        %swap3A_984 = arith.constant 1 : i32
        %swap3A_985 = arith.index_cast %swap3A_983 : i32 to index
        %swap3A_986 = arith.index_cast %swap3A_984 : i32 to index
        %swap3A_987 = arith.constant 32 : index
        %swap3A_988 = tpu.vector_load %arg10[%swap3A_985, %swap3A_986, %swap3A_987] {strides = array<i32>} : memref<2x2x128xi32, #tpu.memory_space<vmem>>, vector<16xi32>,
        tpu.vector_store %arg10[%swap3A_985, %swap3A_986, %swap3A_987], %add3A_982 {strides = array<i32>} : memref<2x2x128xi32, #tpu.memory_space<vmem>>, vector<16xi32>,
        %swap3A_989 = arith.constant 0 : i32
        %swap3A_990 = arith.index_cast %swap3A_989 : i32 to index
        %swap3A_991 = arith.constant 160 : index
        %swap3A_992 = tpu.vector_load %arg11[%swap3A_990, %swap3A_991] {strides = array<i32>} : memref<2x256xi32, #tpu.memory_space<vmem>>, vector<16xi32>,
        tpu.vector_store %arg11[%swap3A_990, %swap3A_991], %add3A_982 {strides = array<i32>} : memref<2x256xi32, #tpu.memory_space<vmem>>, vector<16xi32>,
        %get3A_993 = arith.constant 176 : index
        %get3A_994 = tpu.vector_load %arg6[%get3A_993] {strides = array<i32>} : memref<256xi32, #tpu.memory_space<vmem>>, vector<16xi32>,
        %get3A_995 = arith.constant 176 : index
        %get3A_996 = tpu.vector_load %arg8[%get3A_995] {strides = array<i32>} : memref<256xi32, #tpu.memory_space<vmem>>, vector<16xi32>,
        %max3A_997 = arith.maxsi %get3A_994, %get3A_996 : vector<16xi32>
        %max3A_998 = arith.maxsi %max3A_966, %max3A_997 : vector<16xi32>
        %jit3A_999 = arith.constant 0 : i32
        %jit3A_1000 = arith.constant 6 : i32
        %max3A_1001 = vector.broadcast %jit3A_999 : i32 to vector<16xi32>
        %max3A_1002 = arith.maxsi %max3A_1001, %get3A_994 : vector<16xi32>
        %min3A_1003 = vector.broadcast %jit3A_1000 : i32 to vector<16xi32>
        %min3A_1004 = arith.minsi %min3A_1003, %max3A_1002 : vector<16xi32>
        %jit3A_1005 = arith.constant 0 : i32
        %jit3A_1006 = arith.constant 287 : i32
        %max3A_1007 = vector.broadcast %jit3A_1005 : i32 to vector<16xi32>
        %max3A_1008 = arith.maxsi %max3A_1007, %get3A_996 : vector<16xi32>
        %min3A_1009 = vector.broadcast %jit3A_1006 : i32 to vector<16xi32>
        %min3A_1010 = arith.minsi %min3A_1009, %max3A_1008 : vector<16xi32>
        %mul3A_1011 = arith.constant 7 : i32
        %mul3A_1012 = vector.broadcast %mul3A_1011 : i32 to vector<16xi32>
        %mul3A_1013 = arith.muli %min3A_1010, %mul3A_1012 : vector<16xi32>
        %add3A_1014 = arith.addi %mul3A_1013, %min3A_1004 : vector<16xi32>
        %swap3A_1015 = arith.constant 0 : i32
        %swap3A_1016 = arith.constant 1 : i32
        %swap3A_1017 = arith.index_cast %swap3A_1015 : i32 to index
        %swap3A_1018 = arith.index_cast %swap3A_1016 : i32 to index
        %swap3A_1019 = arith.constant 48 : index
        %swap3A_1020 = tpu.vector_load %arg10[%swap3A_1017, %swap3A_1018, %swap3A_1019] {strides = array<i32>} : memref<2x2x128xi32, #tpu.memory_space<vmem>>, vector<16xi32>,
        tpu.vector_store %arg10[%swap3A_1017, %swap3A_1018, %swap3A_1019], %add3A_1014 {strides = array<i32>} : memref<2x2x128xi32, #tpu.memory_space<vmem>>, vector<16xi32>,
        %swap3A_1021 = arith.constant 0 : i32
        %swap3A_1022 = arith.index_cast %swap3A_1021 : i32 to index
        %swap3A_1023 = arith.constant 176 : index
        %swap3A_1024 = tpu.vector_load %arg11[%swap3A_1022, %swap3A_1023] {strides = array<i32>} : memref<2x256xi32, #tpu.memory_space<vmem>>, vector<16xi32>,
        tpu.vector_store %arg11[%swap3A_1022, %swap3A_1023], %add3A_1014 {strides = array<i32>} : memref<2x256xi32, #tpu.memory_space<vmem>>, vector<16xi32>,
        %get3A_1025 = arith.constant 192 : index
        %get3A_1026 = tpu.vector_load %arg6[%get3A_1025] {strides = array<i32>} : memref<256xi32, #tpu.memory_space<vmem>>, vector<16xi32>,
        %get3A_1027 = arith.constant 192 : index
        %get3A_1028 = tpu.vector_load %arg8[%get3A_1027] {strides = array<i32>} : memref<256xi32, #tpu.memory_space<vmem>>, vector<16xi32>,
        %max3A_1029 = arith.maxsi %get3A_1026, %get3A_1028 : vector<16xi32>
        %max3A_1030 = arith.maxsi %max3A_998, %max3A_1029 : vector<16xi32>
        %jit3A_1031 = arith.constant 0 : i32
        %jit3A_1032 = arith.constant 6 : i32
        %max3A_1033 = vector.broadcast %jit3A_1031 : i32 to vector<16xi32>
        %max3A_1034 = arith.maxsi %max3A_1033, %get3A_1026 : vector<16xi32>
        %min3A_1035 = vector.broadcast %jit3A_1032 : i32 to vector<16xi32>
        %min3A_1036 = arith.minsi %min3A_1035, %max3A_1034 : vector<16xi32>
        %jit3A_1037 = arith.constant 0 : i32
        %jit3A_1038 = arith.constant 287 : i32
        %max3A_1039 = vector.broadcast %jit3A_1037 : i32 to vector<16xi32>
        %max3A_1040 = arith.maxsi %max3A_1039, %get3A_1028 : vector<16xi32>
        %min3A_1041 = vector.broadcast %jit3A_1038 : i32 to vector<16xi32>
        %min3A_1042 = arith.minsi %min3A_1041, %max3A_1040 : vector<16xi32>
        %mul3A_1043 = arith.constant 7 : i32
        %mul3A_1044 = vector.broadcast %mul3A_1043 : i32 to vector<16xi32>
        %mul3A_1045 = arith.muli %min3A_1042, %mul3A_1044 : vector<16xi32>
        %add3A_1046 = arith.addi %mul3A_1045, %min3A_1036 : vector<16xi32>
        %swap3A_1047 = arith.constant 0 : i32
        %swap3A_1048 = arith.constant 1 : i32
        %swap3A_1049 = arith.index_cast %swap3A_1047 : i32 to index
        %swap3A_1050 = arith.index_cast %swap3A_1048 : i32 to index
        %swap3A_1051 = arith.constant 64 : index
        %swap3A_1052 = tpu.vector_load %arg10[%swap3A_1049, %swap3A_1050, %swap3A_1051] {strides = array<i32>} : memref<2x2x128xi32, #tpu.memory_space<vmem>>, vector<16xi32>,
        tpu.vector_store %arg10[%swap3A_1049, %swap3A_1050, %swap3A_1051], %add3A_1046 {strides = array<i32>} : memref<2x2x128xi32, #tpu.memory_space<vmem>>, vector<16xi32>,
        %swap3A_1053 = arith.constant 0 : i32
        %swap3A_1054 = arith.index_cast %swap3A_1053 : i32 to index
        %swap3A_1055 = arith.constant 192 : index
        %swap3A_1056 = tpu.vector_load %arg11[%swap3A_1054, %swap3A_1055] {strides = array<i32>} : memref<2x256xi32, #tpu.memory_space<vmem>>, vector<16xi32>,
        tpu.vector_store %arg11[%swap3A_1054, %swap3A_1055], %add3A_1046 {strides = array<i32>} : memref<2x256xi32, #tpu.memory_space<vmem>>, vector<16xi32>,
        %get3A_1057 = arith.constant 208 : index
        %get3A_1058 = tpu.vector_load %arg6[%get3A_1057] {strides = array<i32>} : memref<256xi32, #tpu.memory_space<vmem>>, vector<16xi32>,
        %get3A_1059 = arith.constant 208 : index
        %get3A_1060 = tpu.vector_load %arg8[%get3A_1059] {strides = array<i32>} : memref<256xi32, #tpu.memory_space<vmem>>, vector<16xi32>,
        %max3A_1061 = arith.maxsi %get3A_1058, %get3A_1060 : vector<16xi32>
        %max3A_1062 = arith.maxsi %max3A_1030, %max3A_1061 : vector<16xi32>
        %jit3A_1063 = arith.constant 0 : i32
        %jit3A_1064 = arith.constant 6 : i32
        %max3A_1065 = vector.broadcast %jit3A_1063 : i32 to vector<16xi32>
        %max3A_1066 = arith.maxsi %max3A_1065, %get3A_1058 : vector<16xi32>
        %min3A_1067 = vector.broadcast %jit3A_1064 : i32 to vector<16xi32>
        %min3A_1068 = arith.minsi %min3A_1067, %max3A_1066 : vector<16xi32>
        %jit3A_1069 = arith.constant 0 : i32
        %jit3A_1070 = arith.constant 287 : i32
        %max3A_1071 = vector.broadcast %jit3A_1069 : i32 to vector<16xi32>
        %max3A_1072 = arith.maxsi %max3A_1071, %get3A_1060 : vector<16xi32>
        %min3A_1073 = vector.broadcast %jit3A_1070 : i32 to vector<16xi32>
        %min3A_1074 = arith.minsi %min3A_1073, %max3A_1072 : vector<16xi32>
        %mul3A_1075 = arith.constant 7 : i32
        %mul3A_1076 = vector.broadcast %mul3A_1075 : i32 to vector<16xi32>
        %mul3A_1077 = arith.muli %min3A_1074, %mul3A_1076 : vector<16xi32>
        %add3A_1078 = arith.addi %mul3A_1077, %min3A_1068 : vector<16xi32>
        %swap3A_1079 = arith.constant 0 : i32
        %swap3A_1080 = arith.constant 1 : i32
        %swap3A_1081 = arith.index_cast %swap3A_1079 : i32 to index
        %swap3A_1082 = arith.index_cast %swap3A_1080 : i32 to index
        %swap3A_1083 = arith.constant 80 : index
        %swap3A_1084 = tpu.vector_load %arg10[%swap3A_1081, %swap3A_1082, %swap3A_1083] {strides = array<i32>} : memref<2x2x128xi32, #tpu.memory_space<vmem>>, vector<16xi32>,
        tpu.vector_store %arg10[%swap3A_1081, %swap3A_1082, %swap3A_1083], %add3A_1078 {strides = array<i32>} : memref<2x2x128xi32, #tpu.memory_space<vmem>>, vector<16xi32>,
        %swap3A_1085 = arith.constant 0 : i32
        %swap3A_1086 = arith.index_cast %swap3A_1085 : i32 to index
        %swap3A_1087 = arith.constant 208 : index
        %swap3A_1088 = tpu.vector_load %arg11[%swap3A_1086, %swap3A_1087] {strides = array<i32>} : memref<2x256xi32, #tpu.memory_space<vmem>>, vector<16xi32>,
        tpu.vector_store %arg11[%swap3A_1086, %swap3A_1087], %add3A_1078 {strides = array<i32>} : memref<2x256xi32, #tpu.memory_space<vmem>>, vector<16xi32>,
        %get3A_1089 = arith.constant 224 : index
        %get3A_1090 = tpu.vector_load %arg6[%get3A_1089] {strides = array<i32>} : memref<256xi32, #tpu.memory_space<vmem>>, vector<16xi32>,
        %get3A_1091 = arith.constant 224 : index
        %get3A_1092 = tpu.vector_load %arg8[%get3A_1091] {strides = array<i32>} : memref<256xi32, #tpu.memory_space<vmem>>, vector<16xi32>,
        %max3A_1093 = arith.maxsi %get3A_1090, %get3A_1092 : vector<16xi32>
        %max3A_1094 = arith.maxsi %max3A_1062, %max3A_1093 : vector<16xi32>
        %jit3A_1095 = arith.constant 0 : i32
        %jit3A_1096 = arith.constant 6 : i32
        %max3A_1097 = vector.broadcast %jit3A_1095 : i32 to vector<16xi32>
        %max3A_1098 = arith.maxsi %max3A_1097, %get3A_1090 : vector<16xi32>
        %min3A_1099 = vector.broadcast %jit3A_1096 : i32 to vector<16xi32>
        %min3A_1100 = arith.minsi %min3A_1099, %max3A_1098 : vector<16xi32>
        %jit3A_1101 = arith.constant 0 : i32
        %jit3A_1102 = arith.constant 287 : i32
        %max3A_1103 = vector.broadcast %jit3A_1101 : i32 to vector<16xi32>
        %max3A_1104 = arith.maxsi %max3A_1103, %get3A_1092 : vector<16xi32>
        %min3A_1105 = vector.broadcast %jit3A_1102 : i32 to vector<16xi32>
        %min3A_1106 = arith.minsi %min3A_1105, %max3A_1104 : vector<16xi32>
        %mul3A_1107 = arith.constant 7 : i32
        %mul3A_1108 = vector.broadcast %mul3A_1107 : i32 to vector<16xi32>
        %mul3A_1109 = arith.muli %min3A_1106, %mul3A_1108 : vector<16xi32>
        %add3A_1110 = arith.addi %mul3A_1109, %min3A_1100 : vector<16xi32>
        %swap3A_1111 = arith.constant 0 : i32
        %swap3A_1112 = arith.constant 1 : i32
        %swap3A_1113 = arith.index_cast %swap3A_1111 : i32 to index
        %swap3A_1114 = arith.index_cast %swap3A_1112 : i32 to index
        %swap3A_1115 = arith.constant 96 : index
        %swap3A_1116 = tpu.vector_load %arg10[%swap3A_1113, %swap3A_1114, %swap3A_1115] {strides = array<i32>} : memref<2x2x128xi32, #tpu.memory_space<vmem>>, vector<16xi32>,
        tpu.vector_store %arg10[%swap3A_1113, %swap3A_1114, %swap3A_1115], %add3A_1110 {strides = array<i32>} : memref<2x2x128xi32, #tpu.memory_space<vmem>>, vector<16xi32>,
        %swap3A_1117 = arith.constant 0 : i32
        %swap3A_1118 = arith.index_cast %swap3A_1117 : i32 to index
        %swap3A_1119 = arith.constant 224 : index
        %swap3A_1120 = tpu.vector_load %arg11[%swap3A_1118, %swap3A_1119] {strides = array<i32>} : memref<2x256xi32, #tpu.memory_space<vmem>>, vector<16xi32>,
        tpu.vector_store %arg11[%swap3A_1118, %swap3A_1119], %add3A_1110 {strides = array<i32>} : memref<2x256xi32, #tpu.memory_space<vmem>>, vector<16xi32>,
        %get3A_1121 = arith.constant 240 : index
        %get3A_1122 = tpu.vector_load %arg6[%get3A_1121] {strides = array<i32>} : memref<256xi32, #tpu.memory_space<vmem>>, vector<16xi32>,
        %get3A_1123 = arith.constant 240 : index
        %get3A_1124 = tpu.vector_load %arg8[%get3A_1123] {strides = array<i32>} : memref<256xi32, #tpu.memory_space<vmem>>, vector<16xi32>,
        %max3A_1125 = arith.maxsi %get3A_1122, %get3A_1124 : vector<16xi32>
        %max3A_1126 = arith.maxsi %max3A_1094, %max3A_1125 : vector<16xi32>
        %jit3A_1127 = arith.constant 0 : i32
        %jit3A_1128 = arith.constant 6 : i32
        %max3A_1129 = vector.broadcast %jit3A_1127 : i32 to vector<16xi32>
        %max3A_1130 = arith.maxsi %max3A_1129, %get3A_1122 : vector<16xi32>
        %min3A_1131 = vector.broadcast %jit3A_1128 : i32 to vector<16xi32>
        %min3A_1132 = arith.minsi %min3A_1131, %max3A_1130 : vector<16xi32>
        %jit3A_1133 = arith.constant 0 : i32
        %jit3A_1134 = arith.constant 287 : i32
        %max3A_1135 = vector.broadcast %jit3A_1133 : i32 to vector<16xi32>
        %max3A_1136 = arith.maxsi %max3A_1135, %get3A_1124 : vector<16xi32>
        %min3A_1137 = vector.broadcast %jit3A_1134 : i32 to vector<16xi32>
        %min3A_1138 = arith.minsi %min3A_1137, %max3A_1136 : vector<16xi32>
        %mul3A_1139 = arith.constant 7 : i32
        %mul3A_1140 = vector.broadcast %mul3A_1139 : i32 to vector<16xi32>
        %mul3A_1141 = arith.muli %min3A_1138, %mul3A_1140 : vector<16xi32>
        %add3A_1142 = arith.addi %mul3A_1141, %min3A_1132 : vector<16xi32>
        %swap3A_1143 = arith.constant 0 : i32
        %swap3A_1144 = arith.constant 1 : i32
        %swap3A_1145 = arith.index_cast %swap3A_1143 : i32 to index
        %swap3A_1146 = arith.index_cast %swap3A_1144 : i32 to index
        %swap3A_1147 = arith.constant 112 : index
        %swap3A_1148 = tpu.vector_load %arg10[%swap3A_1145, %swap3A_1146, %swap3A_1147] {strides = array<i32>} : memref<2x2x128xi32, #tpu.memory_space<vmem>>, vector<16xi32>,
        tpu.vector_store %arg10[%swap3A_1145, %swap3A_1146, %swap3A_1147], %add3A_1142 {strides = array<i32>} : memref<2x2x128xi32, #tpu.memory_space<vmem>>, vector<16xi32>,
        %swap3A_1149 = arith.constant 0 : i32
        %swap3A_1150 = arith.index_cast %swap3A_1149 : i32 to index
        %swap3A_1151 = arith.constant 240 : index
        %swap3A_1152 = tpu.vector_load %arg11[%swap3A_1150, %swap3A_1151] {strides = array<i32>} : memref<2x256xi32, #tpu.memory_space<vmem>>, vector<16xi32>,
        tpu.vector_store %arg11[%swap3A_1150, %swap3A_1151], %add3A_1142 {strides = array<i32>} : memref<2x256xi32, #tpu.memory_space<vmem>>, vector<16xi32>,
        %reduce_max3A_1153 = arith.constant true
        %reduce_max3A_1154 = vector.broadcast %reduce_max3A_1153 : i1 to vector<16xi1>
        %reduce_max3A_1155 = arith.constant -2147483648 : i32
        %reduce_max3A_1156 = vector.broadcast %reduce_max3A_1155 : i32 to vector<16xi32>
        %reduce_max3A_1157 = arith.xori %max3A_1126, %reduce_max3A_1156 : vector<16xi32>
        %reduce_max3A_1158 = tpu.scan <max>, %reduce_max3A_1157 masked %reduce_max3A_1154 : vector<16xi32>, vector<16xi1> -> vector<16xi32>
        %reduce_max3A_1159 = arith.xori %reduce_max3A_1158, %reduce_max3A_1156 : vector<16xi32>
        %reduce_max3A_1160 = vector.extract %reduce_max3A_1159[15] : i32 from vector<16xi32>
        %swap3A_1161 = arith.constant 0 : i32
        %swap3A_1162 = arith.index_cast %swap3A_1161 : i32 to index
        %swap3A_1163 = memref.load %arg15[%swap3A_1162] : memref<2xi32, #tpu.memory_space<smem>>
        memref.store %reduce_max3A_1160, %arg15[%swap3A_1162] : memref<2xi32, #tpu.memory_space<smem>>
        %add3A_1164 = arith.constant 2 : i32
        %add3A_1165 = arith.addi %add3A_594, %add3A_1164 : i32
        %lt3A_1166 = arith.constant 400 : i32
        %lt3A_1167 = arith.cmpi slt, %add3A_1165, %lt3A_1166 : i32
        %convert_element_type3A_1168 = arith.extui %lt3A_1167 : i1 to i32
        %cond3A_1169 = arith.constant 0 : i32
        %cond3A_1170 = arith.cmpi ne, %convert_element_type3A_1168, %cond3A_1169 : i32
        scf.if %cond3A_1170 {
          %add3A_1171 = arith.constant 2 : i32
          %add3A_1172 = arith.addi %add3A_594, %add3A_1171 : i32
          %mul3A_1173 = arith.constant 256 : i32
          %mul3A_1174 = arith.muli %add3A_1172, %mul3A_1173 : i32
          %add3A_1175 = arith.addi %mul3A_2, %mul3A_1174 : i32
          %dma_start3A_1176 = tpu.memref_slice %arg2[%add3A_1175] : memref<3276800xi32, #tpu.memory_space<hbm>> -> memref<256xi32, #tpu.memory_space<hbm>>
          %dma_start3A_1177 = tpu.memref_slice %arg2[%add3A_1175] : memref<3276800xi32, #tpu.memory_space<hbm>> -> memref<256xi32, #tpu.memory_space<hbm>>
          tpu.enqueue_dma source(%dma_start3A_1177 : memref<256xi32, #tpu.memory_space<hbm>>) target(%arg7 : memref<256xi32, #tpu.memory_space<vmem>>) target_semaphore(%arg17 : memref<!tpu.dma_semaphore, #tpu.memory_space<semaphore_mem>>)
          %mul3A_1178 = arith.constant 256 : i32
          %mul3A_1179 = arith.muli %add3A_1172, %mul3A_1178 : i32
          %add3A_1180 = arith.addi %mul3A_2, %mul3A_1179 : i32
          %dma_start3A_1181 = tpu.memref_slice %arg3[%add3A_1180] : memref<3276800xi32, #tpu.memory_space<hbm>> -> memref<256xi32, #tpu.memory_space<hbm>>
          %dma_start3A_1182 = tpu.memref_slice %arg3[%add3A_1180] : memref<3276800xi32, #tpu.memory_space<hbm>> -> memref<256xi32, #tpu.memory_space<hbm>>
          tpu.enqueue_dma source(%dma_start3A_1182 : memref<256xi32, #tpu.memory_space<hbm>>) target(%arg9 : memref<256xi32, #tpu.memory_space<vmem>>) target_semaphore(%arg17 : memref<!tpu.dma_semaphore, #tpu.memory_space<semaphore_mem>>)
        } else {
        }
      } else {
      }
    }
    %scan3A_546 = arith.constant 200 : i32
    %add3A_547 = arith.constant 101888 : i32
    %add3A_548 = arith.addi %mul3A_2, %add3A_547 : i32
    %dma_wait3A_549 = arith.constant 0 : i32
    %dma_wait3A_550 = tpu.memref_slice %arg5[%add3A_548, %dma_wait3A_549] : memref<3276800x128xf32, #tpu.memory_space<hbm>> -> memref<256x128xf32, #tpu.memory_space<hbm>>
    %dma_wait3A_551 = arith.constant 0 : i32
    %dma_wait3A_552 = tpu.memref_slice %arg5[%add3A_548, %dma_wait3A_551] : memref<3276800x128xf32, #tpu.memory_space<hbm>> -> memref<256x128xf32, #tpu.memory_space<hbm>>
    tpu.wait_dma2 semaphore(%arg20 : memref<!tpu.dma_semaphore, #tpu.memory_space<semaphore_mem>>) src(%arg13 : memref<256x128xf32, #tpu.memory_space<vmem>>) dst(%dma_wait3A_552 : memref<256x128xf32, #tpu.memory_space<hbm>>)
    %add3A_553 = arith.constant 102144 : i32
    %add3A_554 = arith.addi %mul3A_2, %add3A_553 : i32
    %dma_wait3A_555 = arith.constant 0 : i32
    %dma_wait3A_556 = tpu.memref_slice %arg5[%add3A_554, %dma_wait3A_555] : memref<3276800x128xf32, #tpu.memory_space<hbm>> -> memref<256x128xf32, #tpu.memory_space<hbm>>
    %dma_wait3A_557 = arith.constant 0 : i32
    %dma_wait3A_558 = tpu.memref_slice %arg5[%add3A_554, %dma_wait3A_557] : memref<3276800x128xf32, #tpu.memory_space<hbm>> -> memref<256x128xf32, #tpu.memory_space<hbm>>
    tpu.wait_dma2 semaphore(%arg21 : memref<!tpu.dma_semaphore, #tpu.memory_space<semaphore_mem>>) src(%arg14 : memref<256x128xf32, #tpu.memory_space<vmem>>) dst(%dma_wait3A_558 : memref<256x128xf32, #tpu.memory_space<hbm>>)
    return
  }
}

</mosaic_0001>

<sc_bundles>
// kernel: kernel.3.cloned.1.call-start
scs
__scs_entry_jumppad:
0x0: {  	(pc) =	sbr.rel $0x88, $3  }
0x1: {  	(tag) =	ssettag $0x0;
	lr =	simm.s32 $0x1  }
0x2: {  	[smem:$0x3F9E] =	sst lr;
	_ =	strace $0xD0000000  }
0x3: {  	_ = 	snop  }
0x4: {  	_ = 	snop  }
0x5: {  	_ = 	snop  }
0x6: {  	_ = 	snop  }
0x7: {  	_ = 	snop  }
__scs_overlays_trampoline_lowered:
0x8: {  	[smem:$0x3FAD] =	sst s0  }
0x9: {  	[smem:$0x3FAE] =	sst s1  }
0xa: {  	[smem:$0x3FAF] =	sst s2  }
0xb: {  	[smem:$0x3FB0] =	sst s3  }
0xc: {  	[smem:$0x3FB1] =	sst s4  }
0xd: {  	[smem:$0x3FB2] =	sst s5  }
0xe: {  	[smem:$0x3FB3] =	sst s6  }
0xf: {  	[smem:$0x3FB4] =	sst s7  }
0x10: {  	[smem:$0x3FB5] =	sst s8  }
0x11: {  	[smem:$0x3FB6] =	sst s9;
	s0 =	simm.s32 @!p0 $0x0  }
0x12: {  	s1 =	sld [smem:$0x3F9C];
	s0 =	simm.s32 @p0 $0x1  }
0x13: {  	[smem:$0x3FB7] =	sst s0;
	s0 =	simm.s32 @!p1 $0x0  }
0x14: {  	s2 =	sld [smem:$0x3F9B];
	s0 =	simm.s32 @p1 $0x1  }
0x15: {  	[smem:$0x3FB8] =	sst s0;
	s0 =	simm.s32 @!p2 $0x0  }
0x16: {  	s3 =	sld [smem:$0x3FDB];
	s0 =	simm.s32 @p2 $0x1  }
0x17: {  	s4 =	simm.s32 $0x1BF5;
	[smem:$0x3FBA] =	sst s0  }
0x18: {  	s0 =	sld [smem:$0x3F9D];
	_ =	swait.ge [sflag:s4], $0x0  }
0x19: {  	s7 =	sld [smem:$0x3F9E]  }
0x1a: {  	s8 =	sadd.s32 $0xFFFFE003, lr  }
0x1b: {  	s9 =	sadd.s32 $0xFFFFFEF7, lr;
	s5 =	simm.s32 $0xFFFFFFFF;
	p2 =	slt.u32 s8, $0xFFFFF086  }
0x1c: {  	p1 =	slt.u32 s9, $0xF7A;
	s5 =	simm.s32 @!p2 $0x0  }
0x1d: {  	s5 =	simm.s32 @p1 $0x1;
	p0 =	seq.s32 s7, s2  }
0x1e: {  	s7 =	smul.u32 @!p0 $0xF7A, s2;
	p2 =	seq.s32 @!p0 s5, $0x0  }
0x1f: {  	s9 =	smul.u32 $0xF7A, s1;
	s8 =	simm.s32 @!p0 $0x1BF5;
	p2 =	por !p2, p0  }
0x20: {  	[sflag:s8] =	ssyncset.s32 @!p0 $0xFFFFF086;
	s6 =	sadd.s32 @!p0 s3, s7;
	s7 =	simm.s32 @!p0 $0x108  }
0x21: {  	s3 =	sadd.s32 s3, s9;
	s6 =	sadd.s32 @!p0 $0x88, s6;
	s7 =	simm.s32 @p2 $0x1082  }
0x22: {  	[simem:s7], [sflag:s8] =	dma.local @!p0 [hbm:s6], $0xF7A  }
0x23: {  	s9 =	sor.u32 $0xD0000000, s2;
	s6 =	simm.s32 $0x108;
	_ =	swait.ge @!p0 [sflag:s8], $0x0  }
0x24: {  	s3 =	sadd.s32 $0x88, s3;
	s6 =	simm.s32 @!p1 $0x1082;
	[sflag:s4] =	ssyncset.s32 $0xFFFFF086  }
0x25: {  	[simem:s6], [sflag:s4] =	dma.local [hbm:s3], $0xF7A  }
0x26: {  	[smem:$0x3F9E] =	sst s1;
	(tag) =	ssettag s2;
	_ =	strace s9  }
0x27: {  	s1 =	sld [smem:$0x3FAE]  }
0x28: {  	s2 =	sld [smem:$0x3FAF]  }
0x29: {  	s4 =	sld [smem:$0x3FB1]  }
0x2a: {  	p0 =	seq.s32 s5, $0x0;
	s5 =	sld [smem:$0x3FB2]  }
0x2b: {  	s6 =	sld [smem:$0x3FB3]  }
0x2c: {  	s7 =	sld [smem:$0x3FB4]  }
0x2d: {  	s3 =	simm.s32 $0x108;
	s8 =	sld [smem:$0x3FB5]  }
0x2e: {  	s3 =	simm.s32 @!p0 $0x1082;
	s9 =	sld [smem:$0x3FB6]  }
0x2f: {  	lr =	sadd.s32 s0, s3;
	s0 =	sld [smem:$0x3FAD]  }
0x30: {  	s3 =	sld [smem:$0x3FB0]  }
0x31: {  	[smem:$0x3FB9] =	sst s10  }
0x32: {  	s10 =	sld [smem:$0x3FB7];
	_ =	sdelay $0x3  }
0x33: {  	p0 =	seq.s32 s10, $0x1;
	s10 =	sld [smem:$0x3FB9];
	_ =	sdelay $0x3  }
0x34: {  	[smem:$0x3FB9] =	sst s10  }
0x35: {  	s10 =	sld [smem:$0x3FB8];
	_ =	sdelay $0x3  }
0x36: {  	p1 =	seq.s32 s10, $0x1;
	s10 =	sld [smem:$0x3FB9];
	_ =	sdelay $0x3  }
0x37: {  	[smem:$0x3FB9] =	sst s10  }
0x38: {  	s10 =	sld [smem:$0x3FBA]  }
0x39: {  	_ = 	snop;
	(pc) =	sbr.ind lr, $3  }
0x3a: {  	_ = 	snop  }
0x3b: {  	_ = 	snop  }
0x3c: {  	p2 =	seq.s32 s10, $0x1;
	s10 =	sld [smem:$0x3FB9]  }
0x3d: {  	_ =	shalt  }
0x3e: {  	_ =	shalt  }
0x3f: {  	_ =	shalt  }
0x40: {  	_ =	shalt  }
0x41: {  	_ =	shalt  }
0x42: {  	_ =	shalt  }
0x43: {  	_ =	shalt  }
0x44: {  	_ =	shalt  }
0x45: {  	_ =	shalt  }
0x46: {  	_ =	shalt  }
0x47: {  	_ =	shalt  }
0x48: {  	_ =	shalt  }
0x49: {  	_ =	shalt  }
0x4a: {  	_ =	shalt  }
0x4b: {  	_ =	shalt  }
0x4c: {  	_ =	shalt  }
0x4d: {  	_ =	shalt  }
0x4e: {  	_ =	shalt  }
0x4f: {  	_ =	shalt  }
0x50: {  	_ =	shalt  }
0x51: {  	_ =	shalt  }
0x52: {  	_ =	shalt  }
0x53: {  	_ =	shalt  }
0x54: {  	_ =	shalt  }
0x55: {  	_ =	shalt  }
0x56: {  	_ =	shalt  }
0x57: {  	_ =	shalt  }
0x58: {  	_ =	shalt  }
0x59: {  	_ =	shalt  }
0x5a: {  	_ =	shalt  }
0x5b: {  	_ =	shalt  }
0x5c: {  	_ =	shalt  }
0x5d: {  	_ =	shalt  }
0x5e: {  	_ =	shalt  }
0x5f: {  	_ =	shalt  }
0x60: {  	_ =	shalt  }
0x61: {  	_ =	shalt  }
0x62: {  	_ =	shalt  }
0x63: {  	_ =	shalt  }
0x64: {  	_ =	shalt  }
0x65: {  	_ =	shalt  }
0x66: {  	_ =	shalt  }
0x67: {  	_ =	shalt  }
0x68: {  	_ =	shalt  }
0x69: {  	_ =	shalt  }
0x6a: {  	_ =	shalt  }
0x6b: {  	_ =	shalt  }
0x6c: {  	_ =	shalt  }
0x6d: {  	_ =	shalt  }
0x6e: {  	_ =	shalt  }
0x6f: {  	_ =	shalt  }
0x70: {  	_ =	shalt  }
0x71: {  	_ =	shalt  }
0x72: {  	_ =	shalt  }
0x73: {  	_ =	shalt  }
0x74: {  	_ =	shalt  }
0x75: {  	_ =	shalt  }
0x76: {  	_ =	shalt  }
0x77: {  	_ =	shalt  }
0x78: {  	_ =	shalt  }
0x79: {  	_ =	shalt  }
0x7a: {  	_ =	shalt  }
0x7b: {  	_ =	shalt  }
0x7c: {  	_ =	shalt  }
0x7d: {  	_ =	shalt  }
0x7e: {  	_ =	shalt  }
0x7f: {  	_ =	shalt  }
0x80: {  	_ =	shalt  }
0x81: {  	_ =	shalt  }
0x82: {  	_ =	shalt  }
0x83: {  	_ =	shalt  }
0x84: {  	_ =	shalt  }
0x85: {  	_ =	shalt  }
0x86: {  	_ =	shalt  }
0x87: {  	_ =	shalt  }
.Lfunc_end0:
.L_simem_size_0:
called_computation.1_lowered:
.L_overlay_start_0:
0x88: {  	s2 =	sld [smem:$0x3FD9]  }
0x89: {  	s3 =	sld [smem:$0x3FFE];
	_ =	sdelay $0x1  }
0x8a: {  	s1 =	srdreg.scid  }
0x8b: {  	s0 =	sand.u32 $0x1, s1  }
0x8c: {  	s17 =	sshll.u32 s0, $0xA;
	s2 =	sadd.s32 s3, s2  }
0x8d: {  	s2 =	sadd.s32 s2, s17  }
0x8e: {  	[smem:$0x3FC5] =	sst s2  }
0x8f: {  	_ = 	snop  }
0x90: {  	s2 =	sld [smem:$0x3FD0];
	(tm) =	ssettm $0x1  }
0x91: {  	s18 =	sld [smem:$0x3FFB];
	_ =	sdelay $0x3  }
0x92: {  	_ =	strace s18  }
0x93: {  	s3 =	sld [smem:$0x3FFC];
	_ =	sdelay $0x3  }
0x94: {  	_ =	strace s3  }
0x95: {  	s3 =	sld [smem:$0x3FFD];
	_ =	sdelay $0x3  }
0x96: {  	_ =	strace s3  }
0x97: {  	_ =	strace $0x8FFFFFFF  }
0x98: {  	s19 =	sld [smem:$0x3FDB];
	_ =	sdelay $0x1  }
0x99: {  	s4 =	simm.s32 $_scs_section_size  }
0x9a: {  	s5 =	simm.s32 $_size__tile_overlayer_lowered;
	s6 =	simm.s32 $_tile_overlayer_lowered  }
0x9b: {  	s22 =	simm.s32 $0x1BFF;
	s21 =	sshll.u32 s6, $0x1;
	s3 =	sadd.s32 s4, s19  }
0x9c: {  	s7 =	simm.s32 $0x0;
	s20 =	sshll.u32 s5, $0x1;
	s5 =	sadd.s32 s21, s3  }
0x9d: {  	[timem:s7], [sflag:s22] =	dma.local [hbm:s5], s20  }
0x9e: {  	_ =	swait.ge [sflag:s22], s20  }
0x9f: {  	s4 =	ssub.s32 $0x0, s20;
	[sflag:s22] =	ssyncset.done $0x0  }
0xa0: {  	[sflag:s22] =	ssyncadd.s32 s4;
	_ =	sdelay $0x1  }
0xa1: {  	s23 =	simm.s32 $0x1B8B  }
0xa2: {  	_ =	swait.ge [sflag:s23], $0x1  }
0xa3: {  	[sflag:s23] =	ssyncset.done $0x0  }
0xa4: {  	s25 =	simm.s32 $0x1B8E;
	s24 =	sld [smem:$0x3FFE];
	[sflag:s23] =	ssyncadd.s32 $0xFFFFFFFF  }
0xa5: {  	s26 =	simm.s32 $execute0_lowered;
	[smem:$0x3FD2] =	sst s25  }
0xa6: {  	s5 =	sshll.u32 s26, $0x1;
	_ =	strace $0x80000046;
	[dreg:$0x1] =	wrdreg $0xFFFFFFFF  }
0xa7: {  	s28 =	simm.s32 $_size_execute0_lowered;
	s3 =	sadd.s32 s3, s5;
	[dreg:$0x0] =	wrdreg $0x0  }
0xa8: {  	s5 =	sshll.u32 s28, $0x1;
	[dreg:$0x2] =	wrdreg s3  }
0xa9: {  	[dreg:$0x3] =	wrdreg s5  }
0xaa: {  	[dreg:$0x4] =	wrdreg $0xC0  }
0xab: {  	_ =	task [dreg:s7], $0x5FFFF  }
0xac: {  	[dreg:$0x1] =	wrdreg $0xFFFFFFFF  }
0xad: {  	[dreg:$0x0] =	wrdreg $0x60  }
0xae: {  	[dreg:$0x2] =	wrdreg s2  }
0xaf: {  	[dreg:$0x3] =	wrdreg s24  }
0xb0: {  	[dreg:$0x4] =	wrdreg $0x9  }
0xb1: {  	_ =	task.clear_ibuf [dreg:s7], $0x5FFFF;
	_ =	strace $0x90000046  }
0xb2: {  	s29 =	simm.s32 $0x9;
	_ =	strace $0x80000048  }
0xb3: {  	_ =	swait.ge [sflag:s29], $0x1  }
0xb4: {  	[sflag:s29] =	ssyncadd.s32 $0xFFFFFFFF  }
0xb5: {  	_ =	strace $0x90000048  }
0xb6: {  	_ =	sfence  }
0xb7: {  	s30 =	sld [smem:$0x0];
	_ =	sdelay $0x2  }
0xb8: {  	s31 =	sshll.u32 s1, $0xD;
	s1 =	sshrl.u32 s1, $0x2  }
0xb9: {  	s3 =	sand.u32 $0x4000, s31;
	s1 =	sadd.s32 s1, s30  }
0xba: {  	s0 =	sor.u32 s3, s0;
	s1 =	sshll.u32 s1, $0x11  }
0xbb: {  	s0 =	sor.u32 s1, s0  }
0xbc: {  	s0 =	sadd.s32 $0x8F2B, s0  }
0xbd: {  	[sflag:s0] =	ssyncadd.remote.s32 $0x1  }
0xbe: {  	_ =	sfence.sel $0xFFFF  }
0xbf: {  	[dreg:$0x0] =	wrdreg $0xFFFFFFFF;
	(pc) =	sbr.abs _section_cstart, $3  }
0xc0: {  	[dreg:$0x1] =	wrdreg $0xFFFFFFFF  }
0xc1: {  	_ =	task.clear_ibuf [dreg:s7], $0x2FFFF;
	_ =	strace $0x9FFFFFFF  }
0xc2: {  	(tm) =	ssettm $0x7FFFFFFF  }
0xc3: {  	_ =	shalt  }
tec
execute0_lowered:
.L_overlay_start_1:
0x0: {  	(tag) =	ssettag $0x1  }
0x1: {  	v0 =	vimm.s32 $0x54535251;
	v1 =	vimm.s32 $0x58575655  }
0x2: {  	vm0 =	vcmask $0x1F10;
	v3 =	vimm.s32 $0x5C5B5A59;
	v4 =	vimm.s32 $0x5F5E5D  }
0x3: {  	v5 =	vimm.s32 $0x55545352;
	v6 =	vimm.s32 $0x56555453;
	v8 =	vimm.s32 $0x5A595857  }
0x4: {  	v9 =	vimm.s32 $0x5D5C5B5A;
	v11 =	vimm.s32 $0x3020100;
	v13 =	vimm.s32 $0x5E5D5C5B  }
0x5: {  	v12 =	vimm.s32 $0x57565554;
	v14 =	vimm.s32 $0x5B5A5958;
	v16 =	vimm.s32 $0x201005F  }
0x6: {  	v18 =	vimm.s32 $0x5040302;
	v19 =	vimm.s32 $0x32107654;
	v20 =	vimm.s32 $0x6050403  }
0x7: {  	vm2 =	vcmask $0x2F10;
	v23 =	vimm.s32 $0xB0A0908;
	v24 =	vimm.s32 $0x54329876  }
0x8: {  	vm1 =	vcmask $0x3F30;
	v26 =	vimm.s32 $0xD0C0B0A;
	v2 =	vunpack.c.0.s8.s32 v0  }
0x9: {  	v0 =	vunpack.c.0.s8.s32 v1;
	v1 =	vlaneseq.u32;
	v3 =	vunpack.c.0.s8.s32 v3  }
0xa: {  	v4 =	vunpack.c.0.s8.s32 v4;
	v7 =	vunpack.c.0.s8.s32 v5;
	v5 =	vimm.s32 $0x59585756  }
0xb: {  	v10 =	vunpack.c.0.s8.s32 v6;
	v6 =	vunpack.c.0.s8.s32 v8;
	v8 =	vunpack.c.0.s8.s32 v9  }
0xc: {  	v9 =	vimm.s32 $0x1005F5E;
	v15 =	vunpack.c.0.s8.s32 v11;
	v11 =	vimm.s32 $0x5F5E5D5C  }
0xd: {  	v17 =	vunpack.c.0.s8.s32 v12;
	v12 =	vunpack.c.0.s8.s32 v14;
	v13 =	vunpack.c.0.s8.s32 v13  }
0xe: {  	v14 =	vunpack.c.0.s8.s32 v16;
	v18 =	vunpack.c.0.s8.s32 v18;
	v19 =	vunpack.c.l.s4.s8 v19  }
0xf: {  	v21 =	vunpack.c.0.s8.s32 v20;
	v20 =	vimm.s32 $0x43218765;
	v23 =	vunpack.c.0.s8.s32 v23  }
0x10: {  	v24 =	vunpack.c.l.s4.s8 v24;
	v26 =	vunpack.c.0.s8.s32 v26;
	v5 =	vunpack.c.0.s8.s32 v5  }
0x11: {  	s0 =	rddreg [dreg:$0x0];
	s1 =	srdreg.scid;
	v9 =	vunpack.c.0.s8.s32 v9;
	v11 =	vunpack.c.0.s8.s32 v11;
	v20 =	vunpack.c.l.s4.s8 v20  }
0x12: {  	s3 =	stileid.u32;
	s2 =	rddreg [dreg:$0x1];
	s16 =	simm.s32 $0x800;
	v16 =	vsel vm0, v12, v17;
	v17 =	vimm.s32 $0x4030201;
	v19 =	vunpack.c.0.s8.s32 v19  }
0x13: {  	s19 =	simm.s32 $0x1;
	s20 =	simm.s32 $0x100;
	s21 =	simm.s32 $0x300;
	v2 =	vsel vm0, v0, v2;
	v15 =	vsel vm0, v15, v11;
	v17 =	vunpack.c.0.s8.s32 v17  }
0x14: {  	s22 =	simm.s32 $0x2400;
	s23 =	simm.s32 $0x2;
	s24 =	simm.s32 $0xA400;
	v20 =	vunpack.c.0.s8.s32 v20;
	v15 =	vcombine.low v16, v15;
	v19 =	vand.u32 $0xF, v19  }
0x15: {  	s28 =	simm.s32 $0x80;
	s31 =	simm.s32 $0xE400;
	s18 =	simm.s32 $0x480;
	v16 =	vsel vm0, v17, v4;
	v17 =	vsel vm0, v18, v9;
	v18 =	vimm.s32 $0x76543210  }
0x16: {  	s11 =	simm.s32 $0x0;
	s1 =	sand.u32 $0x1, s1;
	s4 =	sshll.u32 s3, $0x1;
	v19 =	vsel vm2, v19, v11;
	v22 =	vunpack.c.l.s4.s8 v18;
	v18 =	vimm.s32 $0x87654321  }
0x17: {  	s3 =	simm.s32 $0x0;
	s5 =	sadd.s32 $0x64C00, s2;
	s6 =	sadd.s32 $0x6CA00, s2;
	v25 =	vunpack.c.l.s4.s8 v18;
	v18 =	vsel vm1, v23, v19;
	v19 =	vand.u32 $0xF, v20  }
0x18: {  	s7 =	sor.u32 s1, s4;
	[smem:$0x7FF] =	sst s3;
	s1 =	ssub.s32 $0x2, s1;
	v20 =	vimm.s32 $0xC0B0A09;
	v23 =	vunpack.c.0.s8.s32 v24;
	v24 =	vimm.s32 $0x6543A987  }
0x19: {  	s4 =	sadd.s32 $0xC00, s2;
	v10 =	vsel vm0, v6, v10;
	s8 =	smul.u32 $0x19000, s7;
	s9 =	sshrl.u32 s1, $0x1;
	v20 =	vunpack.c.0.s8.s32 v20;
	v24 =	vunpack.c.l.s4.s8 v24  }
0x1a: {  	_ =	strace $0x80000047;
	v21 =	vsel vm0, v21, v14;
	s1 =	ssub.s32 s1, s9;
	s9 =	smul.u32 $0xC80000, s7;
	v19 =	vsel vm2, v19, v4;
	v23 =	vand.u32 $0xF, v23  }
0x1b: {  	s7 =	simm.s32 $0x6400;
	s10 =	sshrl.u32 s8, $0x3;
	s12 =	sor.u32 $0x200, s8;
	v19 =	vsel vm1, v20, v19;
	v20 =	vsel vm2, v23, v9;
	v23 =	vunpack.c.0.s8.s32 v24  }
0x1c: {  	s14 =	sor.u32 $0x300, s8;
	s1 =	smax.u32 s1, $0x1;
	s8 =	simm.s32 $0x3;
	v24 =	vimm.s32 $0x98765432;
	v20 =	vsel vm1, v26, v20;
	v26 =	vimm.s32 $0xA9876543  }
.Ltmp0:
0x1d: {  	s25 =	sadd.s32 s0, s10;
	[dreg:$0x7] =	wrdreg s1;
	v24 =	vunpack.c.l.s4.s8 v24;
	v26 =	vunpack.c.l.s4.s8 v26;
	v23 =	vand.u32 $0xF, v23;
	(pc) =	sbr.rel .LBB2_1-.Ltmp0, $4  }
0x1e: {  	s26 =	sadd.s32 s4, s10;
	s29 =	sor.u32 $0x20, s10;
	[dreg:$0x3] =	wrdreg s25;
	v25 =	vunpack.c.0.s8.s32 v25;
	v27 =	vsel vm2, v23, v14;
	v23 =	vimm.s32 $0xE0D0C0B  }
0x1f: {  	s13 =	sor.u32 $0x8000, s9;
	[dreg:$0x4] =	wrdreg s26;
	s30 =	sadd.s32 s0, s29;
	v24 =	vunpack.c.0.s8.s32 v24;
	v26 =	vunpack.c.0.s8.s32 v26;
	v28 =	vunpack.c.0.s8.s32 v23  }
0x20: {  	v7 =	vsel vm0, v5, v7;
	s1 =	simm.s32 $0x400;
	s2 =	sadd.s32 s4, s29;
	[dreg:$0x5] =	wrdreg s30;
	v22 =	vunpack.c.0.s8.s32 v22;
	v23 =	vand.u32 $0xF, v25  }
0x21: {  	s26 =	simm.s32 $0x6;
	[dreg:$0x6] =	wrdreg s2;
	s2 =	simm.s32 $0x4;
	v24 =	vand.u32 $0xF, v24;
	v25 =	vand.u32 $0xF, v26;
	v26 =	vsel vm1, v28, v27  }
.LBB2_10:
0x22: {  	s10 =	simm.s32 $0x5  }
0x23: {  	_ =	swait.ge [sflag:s10], $0x8000  }
0x24: {  	[sflag:s10] =	ssyncset.done $0x0  }
0x25: {  	[sflag:s10] =	ssyncadd.s32 $0xFFFF8000  }
0x26: {  	_ =	swait.ge [sflag:s26], $0x8000  }
0x27: {  	s11 =	rddreg [dreg:$0x8]  }
0x28: {  	s30 =	rddreg [dreg:$0x7];
	s11 =	sadd.s32 $0x1, s11  }
0x29: {  	p0 =	sne.s32 s11, s30  }
.Ltmp1:
0x2a: {  	_ = 	snop;
	(pc) =	sbr.rel @!p0 .LBB2_11-.Ltmp1, $3  }
0x2b: {  	_ =	sdelay $0x1  }
0x2c: {  	[sflag:s26] =	ssyncset.done $0x0  }
0x2d: {  	[sflag:s26] =	ssyncadd.s32 $0xFFFF8000  }
.LBB2_1:
0x2e: {  	[tilespmem:s16], [sflag:$0x7] =	stream.linear.gather [hbm4b:s5+s3], $0x1C00, $0x38;
	[tilespmem:$0x12400] =	vst v63  }
0x2f: {  	[dreg:$0x8] =	wrdreg s11;
	s10 =	simm.s32 $0x7  }
0x30: {  	_ =	swait.ge [sflag:s10], $0x1C00  }
0x31: {  	[sflag:s10] =	ssyncset.done $0x0  }
0x32: {  	s11 =	rddreg [dreg:$0x3];
	[sflag:s10] =	ssyncadd.s32 $0xFFFFE400  }
0x33: {  	[tilespmem:s3], [sflag:$0x1] =	stream.linear.gather [hbm4b:s11+s3], $0x100, $0x38;
	[tilespmem:$0x12400] =	vst v63  }
0x34: {  	s17 =	simm.s32 $0x200;
	s15 =	rddreg [dreg:$0x4]  }
0x35: {  	[tilespmem:s17], [sflag:$0x1] =	stream.linear.gather [hbm4b:s15+s3], $0x100, $0x38;
	[tilespmem:$0x12400] =	vst v63  }
0x36: {  	_ =	swait.ge [sflag:s19], $0x100  }
0x37: {  	[sflag:s19] =	ssyncset.done $0x0  }
0x38: {  	[sflag:s19] =	ssyncadd.s32 $0xFFFFFF00  }
0x39: {  	_ =	swait.ge [sflag:s19], $0x100  }
0x3a: {  	[sflag:s19] =	ssyncset.done $0x0  }
0x3b: {  	[sflag:s19] =	ssyncadd.s32 $0xFFFFFF00  }
0x3c: {  	v29 =	vld [tilespmem:$0x0]  }
0x3d: {  	v31 =	vld [tilespmem:$0x200]  }
0x3e: {  	v44 =	vld [tilespmem:$0x10]  }
0x3f: {  	v37 =	vld [tilespmem:$0x210]  }
0x40: {  	v45 =	vld [tilespmem:$0x20]  }
0x41: {  	v46 =	vld [tilespmem:$0x220]  }
0x42: {  	v47 =	vld [tilespmem:$0x30]  }
0x43: {  	v48 =	vld [tilespmem:$0x230]  }
0x44: {  	v49 =	vld [tilespmem:$0x40];
	vm1 =	vgt.s32 v29, v31;
	vm2 =	vgt.s32 v44, v37  }
0x45: {  	v50 =	vld [tilespmem:$0x240];
	v27 =	vsel vm1, v29, v31;
	v28 =	vsel vm2, v44, v37  }
0x46: {  	v51 =	vld [tilespmem:$0x50];
	vm2 =	vgt.s32 v45, v46;
	vm1 =	vgt.s32 v27, v28  }
0x47: {  	v52 =	vld [tilespmem:$0x250];
	v36 =	vsel vm2, v45, v46;
	v27 =	vsel vm1, v27, v28  }
0x48: {  	v53 =	vld [tilespmem:$0x60];
	vm2 =	vgt.s32 v47, v48;
	vm1 =	vgt.s32 v27, v36  }
0x49: {  	v54 =	vld [tilespmem:$0x260];
	v38 =	vsel vm2, v47, v48;
	v27 =	vsel vm1, v27, v36  }
0x4a: {  	v41 =	vld [tilespmem:$0x70];
	vm2 =	vgt.s32 v49, v50;
	vm1 =	vgt.s32 v27, v38  }
0x4b: {  	v55 =	vld [tilespmem:$0x270];
	v57 =	vsel vm2, v49, v50;
	v27 =	vsel vm1, v27, v38  }
0x4c: {  	v43 =	vld [tilespmem:$0x80];
	vm2 =	vgt.s32 v51, v52;
	vm1 =	vgt.s32 v27, v57  }
0x4d: {  	v42 =	vld [tilespmem:$0x280];
	v58 =	vsel vm2, v51, v52;
	v27 =	vsel vm1, v27, v57  }
0x4e: {  	v39 =	vld [tilespmem:$0x90];
	vm2 =	vgt.s32 v53, v54;
	vm1 =	vgt.s32 v27, v58  }
0x4f: {  	v59 =	vsel vm2, v53, v54;
	v38 =	vld [tilespmem:$0x290];
	v27 =	vsel vm1, v27, v58  }
0x50: {  	v40 =	vld [tilespmem:$0x2A0];
	vm2 =	vgt.s32 v41, v55;
	vm1 =	vgt.s32 v27, v59  }
0x51: {  	v36 =	vld [tilespmem:$0xA0];
	v60 =	vsel vm2, v41, v55;
	v27 =	vsel vm1, v27, v59  }
0x52: {  	v34 =	vld [tilespmem:$0xB0];
	vm2 =	vgt.s32 v43, v42;
	vm1 =	vgt.s32 v27, v60  }
0x53: {  	v32 =	vld [tilespmem:$0x2B0];
	v30 =	vsel vm2, v43, v42;
	v28 =	vsel vm1, v27, v60  }
0x54: {  	v33 =	vld [tilespmem:$0x2C0];
	vm2 =	vgt.s32 v39, v38;
	vm1 =	vgt.s32 v28, v30  }
0x55: {  	v61 =	vsel vm2, v39, v38;
	v27 =	vld [tilespmem:$0xC0];
	v28 =	vsel vm1, v28, v30  }
0x56: {  	vm2 =	vgt.s32 v36, v40;
	vm1 =	vgt.s32 v28, v61  }
0x57: {  	v56 =	vsel vm2, v36, v40;
	v30 =	vld [tilespmem:$0xD0];
	v35 =	vsel vm1, v28, v61  }
0x58: {  	vm2 =	vgt.s32 v34, v32;
	v28 =	vld [tilespmem:$0x2D0];
	vm1 =	vgt.s32 v35, v56  }
0x59: {  	v62 =	vsel vm2, v34, v32;
	v35 =	vsel vm1, v35, v56;
	vm1 =	vgt.s32 v31, $0x0  }
0x5a: {  	vm2 =	vgt.s32 v27, v33;
	v31 =	vnsel vm1, $0x0, v31;
	vm1 =	vgt.s32 v35, v62  }
0x5b: {  	v63 =	vsel vm2, v27, v33;
	v35 =	vsel vm1, v35, v62;
	vm1 =	vgt.s32 v29, $0x0  }
0x5c: {  	v57 =	vmin.u32 v31, $0x11F;
	v31 =	vld [tilespmem:$0xE0];
	v29 =	vnsel vm1, $0x0, v29;
	vm1 =	vgt.s32 v35, v63  }
0x5d: {  	v57 =	vmul.u32 $0x7, v57;
	v56 =	vsel vm1, v35, v63;
	vm1 =	vgt.s32 v30, v28;
	v35 =	vld [tilespmem:$0x2E0]  }
0x5e: {  	v29 =	vmin.u32 v29, $0x6;
	v58 =	vsel vm1, v30, v28;
	vm1 =	vgt.s32 v37, $0x0  }
0x5f: {  	v57 =	vadd.s32 v29, v57;
	v29 =	vld [tilespmem:$0xF0];
	v37 =	vnsel vm1, $0x0, v37;
	vm1 =	vgt.s32 v56, v58  }
0x60: {  	v56 =	vsel vm1, v56, v58;
	vm1 =	vgt.s32 v44, $0x0;
	v60 =	vmin.u32 v37, $0x11F;
	v37 =	vld [tilespmem:$0x2F0]  }
0x61: {  	v44 =	vnsel vm1, $0x0, v44;
	v58 =	vmul.u32 $0x7, v60;
	vm1 =	vgt.s32 v46, $0x0  }
0x62: {  	v44 =	vmin.u32 v44, $0x6;
	v46 =	vnsel vm1, $0x0, v46;
	vm1 =	vgt.s32 v31, v35  }
0x63: {  	v44 =	vadd.s32 v44, v58;
	v61 =	vsel vm1, v31, v35;
	vm1 =	vgt.s32 v45, $0x0  }
0x64: {  	v46 =	vmin.u32 v46, $0x11F;
	v45 =	vnsel vm1, $0x0, v45;
	vm1 =	vgt.s32 v56, v61  }
0x65: {  	v46 =	vmul.u32 $0x7, v46;
	v56 =	vsel vm1, v56, v61;
	vm1 =	vgt.s32 v29, v37  }
0x66: {  	v45 =	vmin.u32 v45, $0x6;
	v62 =	vsel vm1, v29, v37;
	vm1 =	vgt.s32 v48, $0x0  }
0x67: {  	v45 =	vadd.s32 v45, v46;
	v63 =	vnsel vm1, $0x0, v48;
	vm1 =	vgt.s32 v56, v62  }
0x68: {  	v59 =	vsel vm1, v56, v62;
	vm1 =	vgt.s32 v47, $0x0;
	v46 =	vmin.u32 v63, $0x11F  }
0x69: {  	v47 =	vnsel vm1, $0x0, v47;
	v46 =	vmul.u32 $0x7, v46;
	vm1 =	vgt.s32 v49, $0x0  }
0x6a: {  	v47 =	vmin.u32 v47, $0x6;
	v49 =	vnsel vm1, $0x0, v49;
	vm1 =	vgt.s32 v50, $0x0  }
0x6b: {  	v46 =	vadd.s32 v47, v46;
	v60 =	vnsel vm1, $0x0, v50;
	vm1 =	vgt.s32 v52, $0x0  }
0x6c: {  	v49 =	vmin.u32 v49, $0x6;
	v47 =	vmin.u32 v60, $0x11F;
	v61 =	vnsel vm1, $0x0, v52  }
0x6d: {  	vm1 =	vgt.s32 v51, $0x0;
	v47 =	vmul.u32 $0x7, v47;
	v50 =	vmin.u32 v61, $0x11F  }
0x6e: {  	[tilespmem:$0x400] =	vst v57;
	v51 =	vnsel vm1, $0x0, v51;
	vm1 =	vgt.s32 v53, $0x0;
	v50 =	vmul.u32 $0x7, v50  }
0x6f: {  	[tilespmem:$0x600] =	vst v57;
	v51 =	vmin.u32 v51, $0x6;
	v62 =	vnsel vm1, $0x0, v53;
	vm1 =	vgt.s32 v54, $0x0  }
0x70: {  	[tilespmem:$0x410] =	vst v44;
	v47 =	vadd.s32 v49, v47;
	v53 =	vnsel vm1, $0x0, v54;
	v54 =	vmin.u32 v62, $0x6  }
0x71: {  	[tilespmem:$0x610] =	vst v44;
	vm1 =	vgt.s32 v55, $0x0;
	v63 =	vadd.s32 v51, v50;
	v50 =	vmin.u32 v53, $0x11F  }
0x72: {  	[tilespmem:$0x420] =	vst v45;
	v55 =	vnsel vm1, $0x0, v55;
	vm1 =	vgt.s32 v41, $0x0;
	v50 =	vmul.u32 $0x7, v50  }
0x73: {  	[tilespmem:$0x620] =	vst v45;
	v41 =	vnsel vm1, $0x0, v41;
	v56 =	vmin.u32 v55, $0x11F;
	vm1 =	vgt.s32 v43, $0x0  }
0x74: {  	[tilespmem:$0x430] =	vst v46;
	v45 =	vmul.u32 $0x7, v56;
	v43 =	vnsel vm1, $0x0, v43;
	vm1 =	vgt.s32 v42, $0x0  }
0x75: {  	[tilespmem:$0x630] =	vst v46;
	v41 =	vmin.u32 v41, $0x6;
	v42 =	vnsel vm1, $0x0, v42;
	vm1 =	vgt.s32 v59, $0x0  }
0x76: {  	[tilespmem:$0x440] =	vst v47;
	v44 =	vadd.s32 v54, v50;
	v43 =	vmin.u32 v43, $0x6;
	v41 =	vadd.s32 v41, v45  }
0x77: {  	[tilespmem:$0x640] =	vst v47;
	v57 =	vnsel vm1, $0x0, v59;
	v42 =	vmin.u32 v42, $0x11F;
	vm1 =	vgt.s32 v39, $0x0  }
0x78: {  	[tilespmem:$0x450] =	vst v63;
	v42 =	vmul.u32 $0x7, v42;
	v39 =	vnsel vm1, $0x0, v39;
	vm1 =	vgt.s32 v38, $0x0  }
0x79: {  	[tilespmem:$0x650] =	vst v63;
	v45 =	vor.u32 $0x80000000, v57;
	v38 =	vnsel vm1, $0x0, v38;
	vm1 =	vgt.s32 v40, $0x0  }
0x7a: {  	[tilespmem:$0x460] =	vst v44;
	v39 =	vmin.u32 v39, $0x6;
	v42 =	vadd.s32 v43, v42;
	v38 =	vmin.u32 v38, $0x11F  }
0x7b: {  	(xrf0) =	vmax.scan.msk.u32 $0xffff, v45;
	v40 =	vnsel vm1, $0x0, v40;
	vm1 =	vgt.s32 v36, $0x0;
	v38 =	vmul.u32 $0x7, v38  }
0x7c: {  	[tilespmem:$0x660] =	vst v44;
	v40 =	vmin.u32 v40, $0x11F;
	v36 =	vnsel vm1, $0x0, v36;
	vm1 =	vgt.s32 v34, $0x0  }
0x7d: {  	[tilespmem:$0x470] =	vst v41;
	v40 =	vmul.u32 $0x7, v40;
	v34 =	vnsel vm1, $0x0, v34;
	vm1 =	vgt.s32 v32, $0x0  }
0x7e: {  	[tilespmem:$0x670] =	vst v41;
	v36 =	vmin.u32 v36, $0x6;
	v38 =	vadd.s32 v39, v38;
	v32 =	vnsel vm1, $0x0, v32  }
0x7f: {  	[tilespmem:$0x480] =	vst v42;
	vm1 =	vgt.s32 v33, $0x0;
	v34 =	vmin.u32 v34, $0x6;
	v36 =	vadd.s32 v36, v40  }
0x80: {  	[tilespmem:$0x700] =	vst v42;
	v32 =	vmin.u32 v32, $0x11F;
	v33 =	vnsel vm1, $0x0, v33;
	vm1 =	vgt.s32 v27, $0x0  }
0x81: {  	[tilespmem:$0x490] =	vst v38;
	v58, _, _ =	vpop (xrf0);
	v32 =	vmul.u32 $0x7, v32;
	v33 =	vmin.u32 v33, $0x11F;
	v27 =	vnsel vm1, $0x0, v27  }
0x82: {  	[tilespmem:$0x710] =	vst v38;
	vm1 =	vgt.s32 v30, $0x0;
	(v2sf) =	vpush v58, $0xF;
	v33 =	vmul.u32 $0x7, v33  }
0x83: {  	[tilespmem:$0x4A0] =	vst v36;
	v27 =	vmin.u32 v27, $0x6;
	v30 =	vnsel vm1, $0x0, v30;
	vm1 =	vgt.s32 v28, $0x0  }
0x84: {  	[tilespmem:$0x720] =	vst v36;
	v32 =	vadd.s32 v34, v32;
	v28 =	vnsel vm1, $0x0, v28;
	v30 =	vmin.u32 v30, $0x6  }
0x85: {  	vm1 =	vgt.s32 v35, $0x0;
	v27 =	vadd.s32 v27, v33;
	[tilespmem:$0x4B0] =	vst v32;
	v28 =	vmin.u32 v28, $0x11F  }
0x86: {  	[tilespmem:$0x730] =	vst v32;
	v59 =	vnsel vm1, $0x0, v35;
	vm1 =	vgt.s32 v31, $0x0;
	v28 =	vmul.u32 $0x7, v28  }
0x87: {  	[tilespmem:$0x4C0] =	vst v27;
	v31 =	vnsel vm1, $0x0, v31;
	v32 =	vmin.u32 v59, $0x11F;
	vm1 =	vgt.s32 v37, $0x0  }
0x88: {  	[tilespmem:$0x740] =	vst v27;
	v60 =	vmul.u32 $0x7, v32;
	v61 =	vnsel vm1, $0x0, v37;
	v27 =	vadd.s32 v30, v28  }
0x89: {  	v31 =	vmin.u32 v31, $0x6;
	vm1 =	vgt.s32 v29, $0x0;
	v30 =	vmin.u32 v61, $0x11F;
	[tilespmem:$0x4D0] =	vst v27  }
0x8a: {  	v62 =	vnsel vm1, $0x0, v29;
	[tilespmem:$0x750] =	vst v27;
	v27 =	vadd.s32 v31, v60;
	v63 =	vmul.u32 $0x7, v30  }
0x8b: {  	v28 =	vmin.u32 v62, $0x6;
	[tilespmem:$0x4E0] =	vst v27  }
0x8c: {  	[tilespmem:$0x760] =	vst v27;
	v27 =	vadd.s32 v28, v63  }
0x8d: {  	[tilespmem:$0x4F0] =	vst v27  }
0x8e: {  	s25 =	rddreg [dreg:$0x5];
	[tilespmem:$0x770] =	vst v27  }
0x8f: {  	[tilespmem:s20], [sflag:$0x2] =	stream.linear.gather [hbm4b:s25+s3], $0x100, $0x38;
	[tilespmem:$0x12400] =	vst v63  }
0x90: {  	s30 =	rddreg [dreg:$0x6]  }
0x91: {  	[tilespmem:s21], [sflag:$0x2] =	stream.linear.gather [hbm4b:s30+s3], $0x100, $0x38;
	[tilespmem:$0x12400] =	vst v63  }
0x92: {  	s29 =	spop (v2sf)  }
0x93: {  	s10 =	sxor.u32 $0x80000000, s29  }
0x94: {  	s11 =	simm.s32 $0x0;
	[smem:$0x0] =	sst s10  }
.LBB2_2:
0x95: {  	p0 =	seq.s32 s11, $0x0  }
0x96: {  	s10 =	simm.s32 @!p0 $0x5  }
0x97: {  	_ =	swait.ge @!p0 [sflag:s10], $0x8000  }
0x98: {  	[sflag:s10] =	ssyncset.done @!p0 $0x0  }
0x99: {  	[sflag:s10] =	ssyncadd.s32 @!p0 $0xFFFF8000  }
0x9a: {  	s10 =	sld [smem:$0x0];
	_ =	sdelay $0x2  }
0x9b: {  	p0 =	sgt.s32 s10, $0x6  }
.Ltmp2:
0x9c: {  	_ = 	snop;
	(pc) =	sbr.rel @p0 .LBB2_4-.Ltmp2, $2  }
0x9d: {  	_ =	sdelay $0x2  }
0x9e: {  	s15 =	simm.s32 $0x0;
	s17 =	simm.s32 $0x0  }
.LBB2_3:
0x9f: {  	s10 =	sand.u32 $0x70, s17;
	s25 =	sand.u32 $0x100, s15  }
0xa0: {  	s10 =	sor.u32 s10, s25  }
0xa1: {  	v27 =	vld [tilespmem:s10+$0x600];
	_ =	sdelay $0x4  }
0xa2: {  	v27 =	vshll.u32 v27, $0x7  }
0xa3: {  	v30 =	vor.u32 $0x30, v1;
	v29 =	vor.u32 v1, v27  }
0xa4: {  	v31 =	vor.u32 v30, v27  }
0xa5: {  	v28 =	vmov s17;
	v32 =	vmul.u32 $0x80, v1  }
0xa6: {  	v28 =	vshll.u32 v28, $0x7  }
0xa7: {  	v28 =	vor.u32 v32, v28  }
0xa8: {  	v32 =	vor.u32 v1, v28;
	v29 =	vld.idx.msk [tilespmem:v29+s16+$0x0], $0xffff  }
0xa9: {  	v33 =	vadd.s32 $0x1, v1;
	v30 =	vor.u32 v30, v28;
	v31 =	vld.idx.msk [tilespmem:v31+s16+$0x0], $0xffff  }
0xaa: {  	v35 =	vadd.s32 $0x31, v1;
	v34 =	vor.u32 v33, v27  }
0xab: {  	v36 =	vor.u32 v35, v27;
	_ =	sdelay $0x1  }
0xac: {  	[tilespmem:v32+s22+$0x0] =	vst.idx.msk $0xffff, v29  }
0xad: {  	[tilespmem:v30+s22+$0x0] =	vst.idx.msk $0xffff, v31  }
0xae: {  	v43 =	vor.u32 v33, v28;
	v29 =	vld.idx.msk [tilespmem:v34+s16+$0x0], $0xffff  }
0xaf: {  	v45 =	vadd.s32 $0x2, v1;
	v44 =	vor.u32 v35, v28;
	v31 =	vld.idx.msk [tilespmem:v36+s16+$0x0], $0xffff  }
0xb0: {  	v47 =	vadd.s32 $0x32, v1;
	v46 =	vor.u32 v45, v27  }
0xb1: {  	v48 =	vor.u32 v47, v27;
	_ =	sdelay $0x1  }
0xb2: {  	[tilespmem:v43+s22+$0x0] =	vst.idx.msk $0xffff, v29  }
0xb3: {  	[tilespmem:v44+s22+$0x0] =	vst.idx.msk $0xffff, v31  }
0xb4: {  	v49 =	vor.u32 v45, v28;
	v29 =	vld.idx.msk [tilespmem:v46+s16+$0x0], $0xffff  }
0xb5: {  	v51 =	vadd.s32 $0x3, v1;
	v50 =	vor.u32 v47, v28;
	v31 =	vld.idx.msk [tilespmem:v48+s16+$0x0], $0xffff  }
0xb6: {  	v53 =	vadd.s32 $0x33, v1;
	v52 =	vor.u32 v51, v27  }
0xb7: {  	v54 =	vor.u32 v53, v27;
	_ =	sdelay $0x1  }
0xb8: {  	[tilespmem:v49+s22+$0x0] =	vst.idx.msk $0xffff, v29  }
0xb9: {  	[tilespmem:v50+s22+$0x0] =	vst.idx.msk $0xffff, v31  }
0xba: {  	v55 =	vor.u32 v51, v28;
	v29 =	vld.idx.msk [tilespmem:v52+s16+$0x0], $0xffff  }
0xbb: {  	v57 =	vadd.s32 $0x4, v1;
	v56 =	vor.u32 v53, v28;
	v31 =	vld.idx.msk [tilespmem:v54+s16+$0x0], $0xffff  }
0xbc: {  	v59 =	vadd.s32 $0x34, v1;
	v58 =	vor.u32 v57, v27  }
0xbd: {  	v60 =	vor.u32 v59, v27;
	_ =	sdelay $0x1  }
0xbe: {  	[tilespmem:v55+s22+$0x0] =	vst.idx.msk $0xffff, v29  }
0xbf: {  	[tilespmem:v56+s22+$0x0] =	vst.idx.msk $0xffff, v31  }
0xc0: {  	v61 =	vor.u32 v57, v28;
	v29 =	vld.idx.msk [tilespmem:v58+s16+$0x0], $0xffff  }
0xc1: {  	v63 =	vadd.s32 $0x5, v1;
	v62 =	vor.u32 v59, v28;
	v31 =	vld.idx.msk [tilespmem:v60+s16+$0x0], $0xffff  }
0xc2: {  	v41 =	vadd.s32 $0x35, v1;
	v40 =	vor.u32 v63, v27  }
0xc3: {  	v42 =	vor.u32 v41, v27;
	_ =	sdelay $0x1  }
0xc4: {  	[tilespmem:v61+s22+$0x0] =	vst.idx.msk $0xffff, v29  }
0xc5: {  	[tilespmem:v62+s22+$0x0] =	vst.idx.msk $0xffff, v31  }
0xc6: {  	v43 =	vor.u32 v63, v28;
	v29 =	vld.idx.msk [tilespmem:v40+s16+$0x0], $0xffff  }
0xc7: {  	v45 =	vadd.s32 $0x6, v1;
	v44 =	vor.u32 v41, v28;
	v31 =	vld.idx.msk [tilespmem:v42+s16+$0x0], $0xffff  }
0xc8: {  	v47 =	vadd.s32 $0x36, v1;
	v46 =	vor.u32 v45, v27  }
0xc9: {  	v48 =	vor.u32 v47, v27;
	_ =	sdelay $0x1  }
0xca: {  	[tilespmem:v43+s22+$0x0] =	vst.idx.msk $0xffff, v29  }
0xcb: {  	[tilespmem:v44+s22+$0x0] =	vst.idx.msk $0xffff, v31  }
0xcc: {  	v49 =	vor.u32 v45, v28;
	v29 =	vld.idx.msk [tilespmem:v46+s16+$0x0], $0xffff  }
0xcd: {  	v51 =	vadd.s32 $0x7, v1;
	v50 =	vor.u32 v47, v28;
	v31 =	vld.idx.msk [tilespmem:v48+s16+$0x0], $0xffff  }
0xce: {  	v53 =	vadd.s32 $0x37, v1;
	v52 =	vor.u32 v51, v27  }
0xcf: {  	v54 =	vor.u32 v53, v27;
	_ =	sdelay $0x1  }
0xd0: {  	[tilespmem:v49+s22+$0x0] =	vst.idx.msk $0xffff, v29  }
0xd1: {  	[tilespmem:v50+s22+$0x0] =	vst.idx.msk $0xffff, v31  }
0xd2: {  	v55 =	vor.u32 v51, v28;
	v29 =	vld.idx.msk [tilespmem:v52+s16+$0x0], $0xffff  }
0xd3: {  	v57 =	vadd.s32 $0x8, v1;
	v56 =	vor.u32 v53, v28;
	v31 =	vld.idx.msk [tilespmem:v54+s16+$0x0], $0xffff  }
0xd4: {  	v59 =	vadd.s32 $0x38, v1;
	v58 =	vor.u32 v57, v27  }
0xd5: {  	v60 =	vor.u32 v59, v27;
	_ =	sdelay $0x1  }
0xd6: {  	[tilespmem:v55+s22+$0x0] =	vst.idx.msk $0xffff, v29  }
0xd7: {  	[tilespmem:v56+s22+$0x0] =	vst.idx.msk $0xffff, v31  }
0xd8: {  	v61 =	vor.u32 v57, v28;
	v29 =	vld.idx.msk [tilespmem:v58+s16+$0x0], $0xffff  }
0xd9: {  	v63 =	vadd.s32 $0x9, v1;
	v62 =	vor.u32 v59, v28;
	v31 =	vld.idx.msk [tilespmem:v60+s16+$0x0], $0xffff  }
0xda: {  	v41 =	vadd.s32 $0x39, v1;
	v40 =	vor.u32 v63, v27  }
0xdb: {  	v42 =	vor.u32 v41, v27;
	_ =	sdelay $0x1  }
0xdc: {  	[tilespmem:v61+s22+$0x0] =	vst.idx.msk $0xffff, v29  }
0xdd: {  	[tilespmem:v62+s22+$0x0] =	vst.idx.msk $0xffff, v31  }
0xde: {  	v43 =	vor.u32 v63, v28;
	v29 =	vld.idx.msk [tilespmem:v40+s16+$0x0], $0xffff  }
0xdf: {  	v45 =	vadd.s32 $0xA, v1;
	v44 =	vor.u32 v41, v28;
	v31 =	vld.idx.msk [tilespmem:v42+s16+$0x0], $0xffff  }
0xe0: {  	v47 =	vadd.s32 $0x3A, v1;
	v46 =	vor.u32 v45, v27  }
0xe1: {  	v48 =	vor.u32 v47, v27;
	_ =	sdelay $0x1  }
0xe2: {  	[tilespmem:v43+s22+$0x0] =	vst.idx.msk $0xffff, v29  }
0xe3: {  	[tilespmem:v44+s22+$0x0] =	vst.idx.msk $0xffff, v31  }
0xe4: {  	v49 =	vor.u32 v45, v28;
	v29 =	vld.idx.msk [tilespmem:v46+s16+$0x0], $0xffff  }
0xe5: {  	v51 =	vadd.s32 $0xB, v1;
	v50 =	vor.u32 v47, v28;
	v31 =	vld.idx.msk [tilespmem:v48+s16+$0x0], $0xffff  }
0xe6: {  	v53 =	vadd.s32 $0x3B, v1;
	v52 =	vor.u32 v51, v27  }
0xe7: {  	v54 =	vor.u32 v53, v27;
	_ =	sdelay $0x1  }
0xe8: {  	[tilespmem:v49+s22+$0x0] =	vst.idx.msk $0xffff, v29  }
0xe9: {  	[tilespmem:v50+s22+$0x0] =	vst.idx.msk $0xffff, v31  }
0xea: {  	v55 =	vor.u32 v51, v28;
	v29 =	vld.idx.msk [tilespmem:v52+s16+$0x0], $0xffff  }
0xeb: {  	v57 =	vadd.s32 $0xC, v1;
	v56 =	vor.u32 v53, v28;
	v31 =	vld.idx.msk [tilespmem:v54+s16+$0x0], $0xffff  }
0xec: {  	v59 =	vadd.s32 $0x3C, v1;
	v58 =	vor.u32 v57, v27  }
0xed: {  	v60 =	vor.u32 v59, v27;
	_ =	sdelay $0x1  }
0xee: {  	[tilespmem:v55+s22+$0x0] =	vst.idx.msk $0xffff, v29  }
0xef: {  	[tilespmem:v56+s22+$0x0] =	vst.idx.msk $0xffff, v31  }
0xf0: {  	v61 =	vor.u32 v57, v28;
	v29 =	vld.idx.msk [tilespmem:v58+s16+$0x0], $0xffff  }
0xf1: {  	v63 =	vadd.s32 $0xD, v1;
	v62 =	vor.u32 v59, v28;
	v31 =	vld.idx.msk [tilespmem:v60+s16+$0x0], $0xffff  }
0xf2: {  	v41 =	vadd.s32 $0x3D, v1;
	v40 =	vor.u32 v63, v27  }
0xf3: {  	v42 =	vor.u32 v41, v27;
	_ =	sdelay $0x1  }
0xf4: {  	[tilespmem:v61+s22+$0x0] =	vst.idx.msk $0xffff, v29  }
0xf5: {  	[tilespmem:v62+s22+$0x0] =	vst.idx.msk $0xffff, v31  }
0xf6: {  	v43 =	vor.u32 v63, v28;
	v29 =	vld.idx.msk [tilespmem:v40+s16+$0x0], $0xffff  }
0xf7: {  	v45 =	vadd.s32 $0xE, v1;
	v44 =	vor.u32 v41, v28;
	v31 =	vld.idx.msk [tilespmem:v42+s16+$0x0], $0xffff  }
0xf8: {  	v47 =	vadd.s32 $0x3E, v1;
	v46 =	vor.u32 v45, v27  }
0xf9: {  	v48 =	vor.u32 v47, v27;
	_ =	sdelay $0x1  }
0xfa: {  	[tilespmem:v43+s22+$0x0] =	vst.idx.msk $0xffff, v29  }
0xfb: {  	[tilespmem:v44+s22+$0x0] =	vst.idx.msk $0xffff, v31  }
0xfc: {  	v49 =	vor.u32 v45, v28;
	v29 =	vld.idx.msk [tilespmem:v46+s16+$0x0], $0xffff  }
0xfd: {  	v51 =	vadd.s32 $0xF, v1;
	v50 =	vor.u32 v47, v28;
	v31 =	vld.idx.msk [tilespmem:v48+s16+$0x0], $0xffff  }
0xfe: {  	v53 =	vadd.s32 $0x3F, v1;
	v52 =	vor.u32 v51, v27  }
0xff: {  	v54 =	vor.u32 v53, v27;
	_ =	sdelay $0x1  }
0x100: {  	[tilespmem:v49+s22+$0x0] =	vst.idx.msk $0xffff, v29  }
0x101: {  	[tilespmem:v50+s22+$0x0] =	vst.idx.msk $0xffff, v31  }
0x102: {  	v55 =	vor.u32 v51, v28;
	v29 =	vld.idx.msk [tilespmem:v52+s16+$0x0], $0xffff  }
0x103: {  	v57 =	vor.u32 $0x10, v1;
	v56 =	vor.u32 v53, v28;
	v31 =	vld.idx.msk [tilespmem:v54+s16+$0x0], $0xffff  }
0x104: {  	v59 =	vor.u32 $0x40, v1;
	v58 =	vor.u32 v57, v27  }
0x105: {  	v60 =	vor.u32 v59, v27;
	_ =	sdelay $0x1  }
0x106: {  	[tilespmem:v55+s22+$0x0] =	vst.idx.msk $0xffff, v29  }
0x107: {  	[tilespmem:v56+s22+$0x0] =	vst.idx.msk $0xffff, v31  }
0x108: {  	v61 =	vor.u32 v57, v28;
	v29 =	vld.idx.msk [tilespmem:v58+s16+$0x0], $0xffff  }
0x109: {  	v63 =	vadd.s32 $0x11, v1;
	v62 =	vor.u32 v59, v28;
	v31 =	vld.idx.msk [tilespmem:v60+s16+$0x0], $0xffff  }
0x10a: {  	v41 =	vadd.s32 $0x41, v1;
	v40 =	vor.u32 v63, v27  }
0x10b: {  	v42 =	vor.u32 v41, v27;
	_ =	sdelay $0x1  }
0x10c: {  	[tilespmem:v61+s22+$0x0] =	vst.idx.msk $0xffff, v29  }
0x10d: {  	[tilespmem:v62+s22+$0x0] =	vst.idx.msk $0xffff, v31  }
0x10e: {  	v43 =	vor.u32 v63, v28;
	v29 =	vld.idx.msk [tilespmem:v40+s16+$0x0], $0xffff  }
0x10f: {  	v45 =	vadd.s32 $0x12, v1;
	v44 =	vor.u32 v41, v28;
	v31 =	vld.idx.msk [tilespmem:v42+s16+$0x0], $0xffff  }
0x110: {  	v47 =	vadd.s32 $0x42, v1;
	v46 =	vor.u32 v45, v27  }
0x111: {  	v48 =	vor.u32 v47, v27;
	_ =	sdelay $0x1  }
0x112: {  	[tilespmem:v43+s22+$0x0] =	vst.idx.msk $0xffff, v29  }
0x113: {  	[tilespmem:v44+s22+$0x0] =	vst.idx.msk $0xffff, v31  }
0x114: {  	v49 =	vor.u32 v45, v28;
	v29 =	vld.idx.msk [tilespmem:v46+s16+$0x0], $0xffff  }
0x115: {  	v51 =	vadd.s32 $0x13, v1;
	v50 =	vor.u32 v47, v28;
	v31 =	vld.idx.msk [tilespmem:v48+s16+$0x0], $0xffff  }
0x116: {  	v53 =	vadd.s32 $0x43, v1;
	v52 =	vor.u32 v51, v27  }
0x117: {  	v54 =	vor.u32 v53, v27;
	_ =	sdelay $0x1  }
0x118: {  	[tilespmem:v49+s22+$0x0] =	vst.idx.msk $0xffff, v29  }
0x119: {  	[tilespmem:v50+s22+$0x0] =	vst.idx.msk $0xffff, v31  }
0x11a: {  	v55 =	vor.u32 v51, v28;
	v29 =	vld.idx.msk [tilespmem:v52+s16+$0x0], $0xffff  }
0x11b: {  	v57 =	vadd.s32 $0x14, v1;
	v56 =	vor.u32 v53, v28;
	v31 =	vld.idx.msk [tilespmem:v54+s16+$0x0], $0xffff  }
0x11c: {  	v59 =	vadd.s32 $0x44, v1;
	v58 =	vor.u32 v57, v27  }
0x11d: {  	v60 =	vor.u32 v59, v27;
	_ =	sdelay $0x1  }
0x11e: {  	[tilespmem:v55+s22+$0x0] =	vst.idx.msk $0xffff, v29  }
0x11f: {  	[tilespmem:v56+s22+$0x0] =	vst.idx.msk $0xffff, v31  }
0x120: {  	v61 =	vor.u32 v57, v28;
	v29 =	vld.idx.msk [tilespmem:v58+s16+$0x0], $0xffff  }
0x121: {  	v63 =	vadd.s32 $0x15, v1;
	v62 =	vor.u32 v59, v28;
	v31 =	vld.idx.msk [tilespmem:v60+s16+$0x0], $0xffff  }
0x122: {  	v41 =	vadd.s32 $0x45, v1;
	v40 =	vor.u32 v63, v27  }
0x123: {  	v42 =	vor.u32 v41, v27;
	_ =	sdelay $0x1  }
0x124: {  	[tilespmem:v61+s22+$0x0] =	vst.idx.msk $0xffff, v29  }
0x125: {  	[tilespmem:v62+s22+$0x0] =	vst.idx.msk $0xffff, v31  }
0x126: {  	v43 =	vor.u32 v63, v28;
	v29 =	vld.idx.msk [tilespmem:v40+s16+$0x0], $0xffff  }
0x127: {  	v45 =	vadd.s32 $0x16, v1;
	v44 =	vor.u32 v41, v28;
	v31 =	vld.idx.msk [tilespmem:v42+s16+$0x0], $0xffff  }
0x128: {  	v47 =	vadd.s32 $0x46, v1;
	v46 =	vor.u32 v45, v27  }
0x129: {  	v48 =	vor.u32 v47, v27;
	_ =	sdelay $0x1  }
0x12a: {  	[tilespmem:v43+s22+$0x0] =	vst.idx.msk $0xffff, v29  }
0x12b: {  	[tilespmem:v44+s22+$0x0] =	vst.idx.msk $0xffff, v31  }
0x12c: {  	v49 =	vor.u32 v45, v28;
	v29 =	vld.idx.msk [tilespmem:v46+s16+$0x0], $0xffff  }
0x12d: {  	v51 =	vadd.s32 $0x17, v1;
	v50 =	vor.u32 v47, v28;
	v31 =	vld.idx.msk [tilespmem:v48+s16+$0x0], $0xffff  }
0x12e: {  	v53 =	vadd.s32 $0x47, v1;
	v52 =	vor.u32 v51, v27  }
0x12f: {  	v54 =	vor.u32 v53, v27;
	_ =	sdelay $0x1  }
0x130: {  	[tilespmem:v49+s22+$0x0] =	vst.idx.msk $0xffff, v29  }
0x131: {  	[tilespmem:v50+s22+$0x0] =	vst.idx.msk $0xffff, v31  }
0x132: {  	v55 =	vor.u32 v51, v28;
	v29 =	vld.idx.msk [tilespmem:v52+s16+$0x0], $0xffff  }
0x133: {  	v57 =	vadd.s32 $0x18, v1;
	v56 =	vor.u32 v53, v28;
	v31 =	vld.idx.msk [tilespmem:v54+s16+$0x0], $0xffff  }
0x134: {  	v59 =	vadd.s32 $0x48, v1;
	v58 =	vor.u32 v57, v27  }
0x135: {  	v60 =	vor.u32 v59, v27;
	_ =	sdelay $0x1  }
0x136: {  	[tilespmem:v55+s22+$0x0] =	vst.idx.msk $0xffff, v29  }
0x137: {  	[tilespmem:v56+s22+$0x0] =	vst.idx.msk $0xffff, v31  }
0x138: {  	v61 =	vor.u32 v57, v28;
	v29 =	vld.idx.msk [tilespmem:v58+s16+$0x0], $0xffff  }
0x139: {  	v63 =	vadd.s32 $0x19, v1;
	v62 =	vor.u32 v59, v28;
	v31 =	vld.idx.msk [tilespmem:v60+s16+$0x0], $0xffff  }
0x13a: {  	v41 =	vadd.s32 $0x49, v1;
	v40 =	vor.u32 v63, v27  }
0x13b: {  	v42 =	vor.u32 v41, v27;
	_ =	sdelay $0x1  }
0x13c: {  	[tilespmem:v61+s22+$0x0] =	vst.idx.msk $0xffff, v29  }
0x13d: {  	[tilespmem:v62+s22+$0x0] =	vst.idx.msk $0xffff, v31  }
0x13e: {  	v43 =	vor.u32 v63, v28;
	v29 =	vld.idx.msk [tilespmem:v40+s16+$0x0], $0xffff  }
0x13f: {  	v45 =	vadd.s32 $0x1A, v1;
	v44 =	vor.u32 v41, v28;
	v31 =	vld.idx.msk [tilespmem:v42+s16+$0x0], $0xffff  }
0x140: {  	v47 =	vadd.s32 $0x4A, v1;
	v46 =	vor.u32 v45, v27  }
0x141: {  	v48 =	vor.u32 v47, v27;
	_ =	sdelay $0x1  }
0x142: {  	[tilespmem:v43+s22+$0x0] =	vst.idx.msk $0xffff, v29  }
0x143: {  	[tilespmem:v44+s22+$0x0] =	vst.idx.msk $0xffff, v31  }
0x144: {  	v49 =	vor.u32 v45, v28;
	v29 =	vld.idx.msk [tilespmem:v46+s16+$0x0], $0xffff  }
0x145: {  	v51 =	vadd.s32 $0x1B, v1;
	v50 =	vor.u32 v47, v28;
	v31 =	vld.idx.msk [tilespmem:v48+s16+$0x0], $0xffff  }
0x146: {  	v53 =	vadd.s32 $0x4B, v1;
	v52 =	vor.u32 v51, v27  }
0x147: {  	v54 =	vor.u32 v53, v27;
	_ =	sdelay $0x1  }
0x148: {  	[tilespmem:v49+s22+$0x0] =	vst.idx.msk $0xffff, v29  }
0x149: {  	[tilespmem:v50+s22+$0x0] =	vst.idx.msk $0xffff, v31  }
0x14a: {  	v55 =	vor.u32 v51, v28;
	v29 =	vld.idx.msk [tilespmem:v52+s16+$0x0], $0xffff  }
0x14b: {  	v57 =	vadd.s32 $0x1C, v1;
	v56 =	vor.u32 v53, v28;
	v31 =	vld.idx.msk [tilespmem:v54+s16+$0x0], $0xffff  }
0x14c: {  	v59 =	vadd.s32 $0x4C, v1;
	v58 =	vor.u32 v57, v27  }
0x14d: {  	v60 =	vor.u32 v59, v27;
	_ =	sdelay $0x1  }
0x14e: {  	[tilespmem:v55+s22+$0x0] =	vst.idx.msk $0xffff, v29  }
0x14f: {  	[tilespmem:v56+s22+$0x0] =	vst.idx.msk $0xffff, v31  }
0x150: {  	v61 =	vor.u32 v57, v28;
	v29 =	vld.idx.msk [tilespmem:v58+s16+$0x0], $0xffff  }
0x151: {  	v63 =	vadd.s32 $0x1D, v1;
	v62 =	vor.u32 v59, v28;
	v31 =	vld.idx.msk [tilespmem:v60+s16+$0x0], $0xffff  }
0x152: {  	v41 =	vadd.s32 $0x4D, v1;
	v40 =	vor.u32 v63, v27  }
0x153: {  	v42 =	vor.u32 v41, v27;
	_ =	sdelay $0x1  }
0x154: {  	[tilespmem:v61+s22+$0x0] =	vst.idx.msk $0xffff, v29  }
0x155: {  	[tilespmem:v62+s22+$0x0] =	vst.idx.msk $0xffff, v31  }
0x156: {  	v43 =	vor.u32 v63, v28;
	v29 =	vld.idx.msk [tilespmem:v40+s16+$0x0], $0xffff  }
0x157: {  	v45 =	vadd.s32 $0x1E, v1;
	v44 =	vor.u32 v41, v28;
	v31 =	vld.idx.msk [tilespmem:v42+s16+$0x0], $0xffff  }
0x158: {  	v47 =	vadd.s32 $0x4E, v1;
	v46 =	vor.u32 v45, v27  }
0x159: {  	v48 =	vor.u32 v47, v27;
	_ =	sdelay $0x1  }
0x15a: {  	[tilespmem:v43+s22+$0x0] =	vst.idx.msk $0xffff, v29  }
0x15b: {  	[tilespmem:v44+s22+$0x0] =	vst.idx.msk $0xffff, v31  }
0x15c: {  	v49 =	vor.u32 v45, v28;
	v29 =	vld.idx.msk [tilespmem:v46+s16+$0x0], $0xffff  }
0x15d: {  	v51 =	vadd.s32 $0x1F, v1;
	v50 =	vor.u32 v47, v28;
	v31 =	vld.idx.msk [tilespmem:v48+s16+$0x0], $0xffff  }
0x15e: {  	v53 =	vadd.s32 $0x4F, v1;
	v52 =	vor.u32 v51, v27  }
0x15f: {  	v54 =	vor.u32 v53, v27;
	_ =	sdelay $0x1  }
0x160: {  	[tilespmem:v49+s22+$0x0] =	vst.idx.msk $0xffff, v29  }
0x161: {  	[tilespmem:v50+s22+$0x0] =	vst.idx.msk $0xffff, v31  }
0x162: {  	v55 =	vor.u32 v51, v28;
	v29 =	vld.idx.msk [tilespmem:v52+s16+$0x0], $0xffff  }
0x163: {  	v57 =	vor.u32 $0x20, v1;
	v56 =	vor.u32 v53, v28;
	v31 =	vld.idx.msk [tilespmem:v54+s16+$0x0], $0xffff  }
0x164: {  	v59 =	vor.u32 $0x50, v1;
	v58 =	vor.u32 v57, v27  }
0x165: {  	v60 =	vor.u32 v59, v27;
	_ =	sdelay $0x1  }
0x166: {  	[tilespmem:v55+s22+$0x0] =	vst.idx.msk $0xffff, v29  }
0x167: {  	[tilespmem:v56+s22+$0x0] =	vst.idx.msk $0xffff, v31  }
0x168: {  	v61 =	vor.u32 v57, v28;
	v31 =	vsel vm0, v4, v3;
	v29 =	vld.idx.msk [tilespmem:v58+s16+$0x0], $0xffff  }
0x169: {  	v63 =	vadd.s32 $0x21, v1;
	v62 =	vor.u32 v59, v28;
	v32 =	vld.idx.msk [tilespmem:v60+s16+$0x0], $0xffff;
	v40 =	vcombine.low v2, v31  }
0x16a: {  	v41 =	vor.u32 v63, v27  }
0x16b: {  	v37 =	vor.u32 v40, v27;
	_ =	sdelay $0x1  }
0x16c: {  	[tilespmem:v61+s22+$0x0] =	vst.idx.msk $0xffff, v29  }
0x16d: {  	[tilespmem:v62+s22+$0x0] =	vst.idx.msk $0xffff, v32  }
0x16e: {  	v42 =	vor.u32 v63, v28;
	v32 =	vsel vm0, v9, v8;
	v29 =	vld.idx.msk [tilespmem:v41+s16+$0x0], $0xffff  }
0x16f: {  	v44 =	vadd.s32 $0x22, v1;
	v43 =	vor.u32 v40, v28;
	v33 =	vld.idx.msk [tilespmem:v37+s16+$0x0], $0xffff;
	v45 =	vcombine.low v7, v32  }
0x170: {  	v46 =	vor.u32 v44, v27  }
0x171: {  	v38 =	vor.u32 v45, v27;
	_ =	sdelay $0x1  }
0x172: {  	[tilespmem:v42+s22+$0x0] =	vst.idx.msk $0xffff, v29  }
0x173: {  	[tilespmem:v43+s22+$0x0] =	vst.idx.msk $0xffff, v33  }
0x174: {  	v47 =	vor.u32 v44, v28;
	v33 =	vsel vm0, v14, v13;
	v29 =	vld.idx.msk [tilespmem:v46+s16+$0x0], $0xffff  }
0x175: {  	v49 =	vadd.s32 $0x23, v1;
	v48 =	vor.u32 v45, v28;
	v34 =	vld.idx.msk [tilespmem:v38+s16+$0x0], $0xffff;
	v50 =	vcombine.low v10, v33  }
0x176: {  	v51 =	vor.u32 v49, v27  }
0x177: {  	v39 =	vor.u32 v50, v27;
	_ =	sdelay $0x1  }
0x178: {  	[tilespmem:v47+s22+$0x0] =	vst.idx.msk $0xffff, v29  }
0x179: {  	[tilespmem:v48+s22+$0x0] =	vst.idx.msk $0xffff, v34  }
0x17a: {  	v52 =	vor.u32 v49, v28;
	v29 =	vld.idx.msk [tilespmem:v51+s16+$0x0], $0xffff  }
0x17b: {  	v54 =	vadd.s32 $0x24, v1;
	v53 =	vor.u32 v50, v28;
	v34 =	vld.idx.msk [tilespmem:v39+s16+$0x0], $0xffff  }
0x17c: {  	v55 =	vor.u32 v54, v27  }
0x17d: {  	v56 =	vor.u32 v15, v27;
	_ =	sdelay $0x1  }
0x17e: {  	[tilespmem:v52+s22+$0x0] =	vst.idx.msk $0xffff, v29  }
0x17f: {  	[tilespmem:v53+s22+$0x0] =	vst.idx.msk $0xffff, v34  }
0x180: {  	v57 =	vor.u32 v54, v28;
	v58 =	vsel vm0, v3, v0;
	v29 =	vld.idx.msk [tilespmem:v55+s16+$0x0], $0xffff  }
0x181: {  	v59 =	vor.u32 v15, v28;
	v60 =	vadd.s32 $0x25, v1;
	v34 =	vcombine.low v58, v16;
	v35 =	vld.idx.msk [tilespmem:v56+s16+$0x0], $0xffff  }
0x182: {  	v61 =	vor.u32 v60, v27  }
0x183: {  	v62 =	vor.u32 v34, v27;
	_ =	sdelay $0x1  }
0x184: {  	[tilespmem:v57+s22+$0x0] =	vst.idx.msk $0xffff, v29  }
0x185: {  	[tilespmem:v59+s22+$0x0] =	vst.idx.msk $0xffff, v35  }
0x186: {  	v63 =	vor.u32 v60, v28;
	v42 =	vsel vm0, v8, v5;
	v29 =	vld.idx.msk [tilespmem:v61+s16+$0x0], $0xffff  }
0x187: {  	v43 =	vadd.s32 $0x26, v1;
	v34 =	vor.u32 v34, v28;
	v35 =	vcombine.low v42, v17;
	v36 =	vld.idx.msk [tilespmem:v62+s16+$0x0], $0xffff  }
0x188: {  	v44 =	vor.u32 v43, v27  }
0x189: {  	v45 =	vor.u32 v35, v27;
	_ =	sdelay $0x1  }
0x18a: {  	[tilespmem:v63+s22+$0x0] =	vst.idx.msk $0xffff, v29  }
0x18b: {  	[tilespmem:v34+s22+$0x0] =	vst.idx.msk $0xffff, v36  }
0x18c: {  	v46 =	vor.u32 v43, v28;
	v47 =	vsel vm0, v13, v6;
	v29 =	vld.idx.msk [tilespmem:v44+s16+$0x0], $0xffff  }
0x18d: {  	v48 =	vadd.s32 $0x27, v1;
	v35 =	vor.u32 v35, v28;
	v34 =	vcombine.low v47, v21;
	v36 =	vld.idx.msk [tilespmem:v45+s16+$0x0], $0xffff  }
0x18e: {  	v49 =	vor.u32 v48, v27  }
0x18f: {  	v50 =	vor.u32 v34, v27;
	_ =	sdelay $0x1  }
0x190: {  	[tilespmem:v46+s22+$0x0] =	vst.idx.msk $0xffff, v29  }
0x191: {  	[tilespmem:v35+s22+$0x0] =	vst.idx.msk $0xffff, v36  }
0x192: {  	v51 =	vor.u32 v48, v28;
	v52 =	vsel vm0, v11, v12;
	v29 =	vld.idx.msk [tilespmem:v49+s16+$0x0], $0xffff  }
0x193: {  	v53 =	vadd.s32 $0x28, v1;
	v34 =	vor.u32 v34, v28;
	v35 =	vcombine.low v52, v22;
	v36 =	vld.idx.msk [tilespmem:v50+s16+$0x0], $0xffff  }
0x194: {  	v54 =	vor.u32 v53, v27  }
0x195: {  	v55 =	vor.u32 v35, v27;
	_ =	sdelay $0x1  }
0x196: {  	[tilespmem:v51+s22+$0x0] =	vst.idx.msk $0xffff, v29  }
0x197: {  	[tilespmem:v34+s22+$0x0] =	vst.idx.msk $0xffff, v36  }
0x198: {  	v56 =	vor.u32 v53, v28;
	v29 =	vld.idx.msk [tilespmem:v54+s16+$0x0], $0xffff  }
0x199: {  	v31 =	vcombine.low v31, v23;
	v57 =	vadd.s32 $0x29, v1;
	v35 =	vor.u32 v35, v28;
	v34 =	vld.idx.msk [tilespmem:v55+s16+$0x0], $0xffff  }
0x19a: {  	v58 =	vor.u32 v57, v27  }
0x19b: {  	v59 =	vor.u32 v31, v27;
	_ =	sdelay $0x1  }
0x19c: {  	[tilespmem:v56+s22+$0x0] =	vst.idx.msk $0xffff, v29  }
0x19d: {  	[tilespmem:v35+s22+$0x0] =	vst.idx.msk $0xffff, v34  }
0x19e: {  	v60 =	vor.u32 v57, v28;
	v29 =	vld.idx.msk [tilespmem:v58+s16+$0x0], $0xffff  }
0x19f: {  	v32 =	vcombine.low v32, v24;
	v31 =	vor.u32 v31, v28;
	v61 =	vadd.s32 $0x2A, v1;
	v34 =	vld.idx.msk [tilespmem:v59+s16+$0x0], $0xffff  }
0x1a0: {  	v62 =	vor.u32 v61, v27  }
0x1a1: {  	v63 =	vor.u32 v32, v27;
	_ =	sdelay $0x1  }
0x1a2: {  	[tilespmem:v60+s22+$0x0] =	vst.idx.msk $0xffff, v29  }
0x1a3: {  	[tilespmem:v31+s22+$0x0] =	vst.idx.msk $0xffff, v34  }
0x1a4: {  	v40 =	vor.u32 v61, v28;
	v29 =	vld.idx.msk [tilespmem:v62+s16+$0x0], $0xffff  }
0x1a5: {  	v41 =	vadd.s32 $0x2B, v1;
	v33 =	vcombine.low v33, v25;
	v32 =	vor.u32 v32, v28;
	v31 =	vld.idx.msk [tilespmem:v63+s16+$0x0], $0xffff  }
0x1a6: {  	v42 =	vor.u32 v41, v27  }
0x1a7: {  	v43 =	vor.u32 v33, v27;
	_ =	sdelay $0x1  }
0x1a8: {  	[tilespmem:v40+s22+$0x0] =	vst.idx.msk $0xffff, v29  }
0x1a9: {  	[tilespmem:v32+s22+$0x0] =	vst.idx.msk $0xffff, v31  }
0x1aa: {  	v44 =	vor.u32 v41, v28;
	v29 =	vld.idx.msk [tilespmem:v42+s16+$0x0], $0xffff  }
0x1ab: {  	v45 =	vor.u32 v33, v28;
	v46 =	vadd.s32 $0x2C, v1;
	v31 =	vld.idx.msk [tilespmem:v43+s16+$0x0], $0xffff  }
0x1ac: {  	v47 =	vor.u32 v46, v27  }
0x1ad: {  	v48 =	vor.u32 v18, v27;
	_ =	sdelay $0x1  }
0x1ae: {  	[tilespmem:v44+s22+$0x0] =	vst.idx.msk $0xffff, v29  }
0x1af: {  	[tilespmem:v45+s22+$0x0] =	vst.idx.msk $0xffff, v31  }
0x1b0: {  	v49 =	vor.u32 v46, v28;
	v29 =	vld.idx.msk [tilespmem:v47+s16+$0x0], $0xffff  }
0x1b1: {  	v50 =	vor.u32 v18, v28;
	v51 =	vadd.s32 $0x2D, v1;
	v31 =	vld.idx.msk [tilespmem:v48+s16+$0x0], $0xffff  }
0x1b2: {  	v52 =	vor.u32 v51, v27  }
0x1b3: {  	v53 =	vor.u32 v19, v27;
	_ =	sdelay $0x1  }
0x1b4: {  	[tilespmem:v49+s22+$0x0] =	vst.idx.msk $0xffff, v29  }
0x1b5: {  	[tilespmem:v50+s22+$0x0] =	vst.idx.msk $0xffff, v31  }
0x1b6: {  	v54 =	vor.u32 v51, v28;
	v29 =	vld.idx.msk [tilespmem:v52+s16+$0x0], $0xffff  }
0x1b7: {  	v55 =	vor.u32 v19, v28;
	v56 =	vadd.s32 $0x2E, v1;
	v31 =	vld.idx.msk [tilespmem:v53+s16+$0x0], $0xffff  }
0x1b8: {  	v57 =	vor.u32 v56, v27  }
0x1b9: {  	v58 =	vor.u32 v20, v27;
	_ =	sdelay $0x1  }
0x1ba: {  	[tilespmem:v54+s22+$0x0] =	vst.idx.msk $0xffff, v29  }
0x1bb: {  	[tilespmem:v55+s22+$0x0] =	vst.idx.msk $0xffff, v31  }
0x1bc: {  	v59 =	vor.u32 v56, v28;
	v29 =	vld.idx.msk [tilespmem:v57+s16+$0x0], $0xffff  }
0x1bd: {  	v61 =	vadd.s32 $0x2F, v1;
	v60 =	vor.u32 v20, v28;
	v31 =	vld.idx.msk [tilespmem:v58+s16+$0x0], $0xffff  }
0x1be: {  	v62 =	vor.u32 v61, v27  }
0x1bf: {  	v27 =	vor.u32 v26, v27;
	_ =	sdelay $0x1  }
0x1c0: {  	[tilespmem:v59+s22+$0x0] =	vst.idx.msk $0xffff, v29  }
0x1c1: {  	[tilespmem:v60+s22+$0x0] =	vst.idx.msk $0xffff, v31  }
0x1c2: {  	v63 =	vor.u32 v61, v28;
	v29 =	vld.idx.msk [tilespmem:v62+s16+$0x0], $0xffff  }
0x1c3: {  	p0 =	seq.s32 s17, $0xF0;
	v28 =	vor.u32 v26, v28;
	v27 =	vld.idx.msk [tilespmem:v27+s16+$0x0], $0xffff  }
.Ltmp3:
0x1c4: {  	_ = 	snop;
	(pc) =	sbr.rel @!p0 .LBB2_3-.Ltmp3, $3  }
0x1c5: {  	_ =	sdelay $0x1  }
0x1c6: {  	[tilespmem:v63+s22+$0x0] =	vst.idx.msk $0xffff, v29  }
0x1c7: {  	s15 =	sadd.s32 $0x20, s15;
	s17 =	sadd.s32 $0x10, s17;
	[tilespmem:v28+s22+$0x0] =	vst.idx.msk $0xffff, v27  }
.Ltmp4:
0x1c8: {  	_ = 	snop;
	(pc) =	sbr.rel .LBB2_5-.Ltmp4, $1  }
0x1c9: {  	_ =	sdelay $0x3  }
.LBB2_4:
0x1ca: {  	[tilespmem:s22], [sflag:$0x3] =	stream.indirect.gather [hbm4b:s5+s28], $0x80, s1, s28, $0xb8;
	[tilespmem:$0x12400] =	vst v63  }
0x1cb: {  	_ = 	snop  }
0x1cc: {  	[tilespmem:s7], [sflag:$0x3] =	stream.indirect.gather [hbm4b:s5+s28], $0x80, s18, s28, $0xb8;
	[tilespmem:$0x12400] =	vst v63  }
0x1cd: {  	_ =	swait.ge [sflag:s8], $0x4000  }
0x1ce: {  	[sflag:s8] =	ssyncset.done $0x0  }
0x1cf: {  	[sflag:s8] =	ssyncadd.s32 $0xFFFFC000  }
0x1d0: {  	_ =	swait.ge [sflag:s8], $0x4000  }
0x1d1: {  	[sflag:s8] =	ssyncset.done $0x0  }
0x1d2: {  	[sflag:s8] =	ssyncadd.s32 $0xFFFFC000  }
.LBB2_5:
0x1d3: {  	s17 =	sshll.u32 s11, $0x10  }
0x1d4: {  	s10 =	sadd.s32 s9, s17  }
0x1d5: {  	s10 =	sshrl.u32 s10, $0x3  }
0x1d6: {  	s10 =	sadd.s32 s6, s10  }
0x1d7: {  	[hbm4b:s10+s3] =	stream.linear.scatter [tilespmem:s22], [sflag:$0x5], $0x8000, $0x38;
	[tilespmem:$0x12400] =	vst v63  }
0x1d8: {  	_ =	swait.ge [sflag:s23], $0x100  }
0x1d9: {  	[sflag:s23] =	ssyncset.done $0x0  }
0x1da: {  	[sflag:s23] =	ssyncadd.s32 $0xFFFFFF00  }
0x1db: {  	_ =	swait.ge [sflag:s23], $0x100  }
0x1dc: {  	[sflag:s23] =	ssyncset.done $0x0  }
0x1dd: {  	[sflag:s23] =	ssyncadd.s32 $0xFFFFFF00  }
0x1de: {  	v29 =	vld [tilespmem:$0x100]  }
0x1df: {  	v31 =	vld [tilespmem:$0x300]  }
0x1e0: {  	v44 =	vld [tilespmem:$0x110]  }
0x1e1: {  	v37 =	vld [tilespmem:$0x310]  }
0x1e2: {  	v45 =	vld [tilespmem:$0x120]  }
0x1e3: {  	v46 =	vld [tilespmem:$0x320]  }
0x1e4: {  	v47 =	vld [tilespmem:$0x130]  }
0x1e5: {  	v48 =	vld [tilespmem:$0x330]  }
0x1e6: {  	v49 =	vld [tilespmem:$0x140];
	vm1 =	vgt.s32 v29, v31;
	vm2 =	vgt.s32 v44, v37  }
0x1e7: {  	v50 =	vld [tilespmem:$0x340];
	v27 =	vsel vm1, v29, v31;
	v28 =	vsel vm2, v44, v37  }
0x1e8: {  	v51 =	vld [tilespmem:$0x150];
	vm2 =	vgt.s32 v45, v46;
	vm1 =	vgt.s32 v27, v28  }
0x1e9: {  	v52 =	vld [tilespmem:$0x350];
	v36 =	vsel vm2, v45, v46;
	v27 =	vsel vm1, v27, v28  }
0x1ea: {  	v53 =	vld [tilespmem:$0x160];
	vm2 =	vgt.s32 v47, v48;
	vm1 =	vgt.s32 v27, v36  }
0x1eb: {  	v54 =	vld [tilespmem:$0x360];
	v38 =	vsel vm2, v47, v48;
	v27 =	vsel vm1, v27, v36  }
0x1ec: {  	v41 =	vld [tilespmem:$0x170];
	vm2 =	vgt.s32 v49, v50;
	vm1 =	vgt.s32 v27, v38  }
0x1ed: {  	v55 =	vld [tilespmem:$0x370];
	v57 =	vsel vm2, v49, v50;
	v27 =	vsel vm1, v27, v38  }
0x1ee: {  	v43 =	vld [tilespmem:$0x180];
	vm2 =	vgt.s32 v51, v52;
	vm1 =	vgt.s32 v27, v57  }
0x1ef: {  	v42 =	vld [tilespmem:$0x380];
	v58 =	vsel vm2, v51, v52;
	v27 =	vsel vm1, v27, v57  }
0x1f0: {  	v39 =	vld [tilespmem:$0x190];
	vm2 =	vgt.s32 v53, v54;
	vm1 =	vgt.s32 v27, v58  }
0x1f1: {  	v59 =	vsel vm2, v53, v54;
	v38 =	vld [tilespmem:$0x390];
	v27 =	vsel vm1, v27, v58  }
0x1f2: {  	v40 =	vld [tilespmem:$0x3A0];
	vm2 =	vgt.s32 v41, v55;
	vm1 =	vgt.s32 v27, v59  }
0x1f3: {  	v36 =	vld [tilespmem:$0x1A0];
	v60 =	vsel vm2, v41, v55;
	v27 =	vsel vm1, v27, v59  }
0x1f4: {  	v34 =	vld [tilespmem:$0x1B0];
	vm2 =	vgt.s32 v43, v42;
	vm1 =	vgt.s32 v27, v60  }
0x1f5: {  	v32 =	vld [tilespmem:$0x3B0];
	v30 =	vsel vm2, v43, v42;
	v28 =	vsel vm1, v27, v60  }
0x1f6: {  	v33 =	vld [tilespmem:$0x3C0];
	vm2 =	vgt.s32 v39, v38;
	vm1 =	vgt.s32 v28, v30  }
0x1f7: {  	v61 =	vsel vm2, v39, v38;
	v27 =	vld [tilespmem:$0x1C0];
	v28 =	vsel vm1, v28, v30  }
0x1f8: {  	vm2 =	vgt.s32 v36, v40;
	vm1 =	vgt.s32 v28, v61  }
0x1f9: {  	v56 =	vsel vm2, v36, v40;
	v30 =	vld [tilespmem:$0x1D0];
	v35 =	vsel vm1, v28, v61  }
0x1fa: {  	vm2 =	vgt.s32 v34, v32;
	v28 =	vld [tilespmem:$0x3D0];
	vm1 =	vgt.s32 v35, v56  }
0x1fb: {  	v62 =	vsel vm2, v34, v32;
	v35 =	vsel vm1, v35, v56;
	vm1 =	vgt.s32 v31, $0x0  }
0x1fc: {  	vm2 =	vgt.s32 v27, v33;
	v31 =	vnsel vm1, $0x0, v31;
	vm1 =	vgt.s32 v35, v62  }
0x1fd: {  	v63 =	vsel vm2, v27, v33;
	v35 =	vsel vm1, v35, v62;
	vm1 =	vgt.s32 v29, $0x0  }
0x1fe: {  	v57 =	vmin.u32 v31, $0x11F;
	v31 =	vld [tilespmem:$0x1E0];
	v29 =	vnsel vm1, $0x0, v29;
	vm1 =	vgt.s32 v35, v63  }
0x1ff: {  	v57 =	vmul.u32 $0x7, v57;
	v56 =	vsel vm1, v35, v63;
	vm1 =	vgt.s32 v30, v28;
	v35 =	vld [tilespmem:$0x3E0]  }
0x200: {  	v29 =	vmin.u32 v29, $0x6;
	v58 =	vsel vm1, v30, v28;
	vm1 =	vgt.s32 v37, $0x0  }
0x201: {  	v57 =	vadd.s32 v29, v57;
	v29 =	vld [tilespmem:$0x1F0];
	v37 =	vnsel vm1, $0x0, v37;
	vm1 =	vgt.s32 v56, v58  }
0x202: {  	v56 =	vsel vm1, v56, v58;
	vm1 =	vgt.s32 v44, $0x0;
	v60 =	vmin.u32 v37, $0x11F;
	v37 =	vld [tilespmem:$0x3F0]  }
0x203: {  	v44 =	vnsel vm1, $0x0, v44;
	v58 =	vmul.u32 $0x7, v60;
	vm1 =	vgt.s32 v46, $0x0  }
0x204: {  	v44 =	vmin.u32 v44, $0x6;
	v46 =	vnsel vm1, $0x0, v46;
	vm1 =	vgt.s32 v31, v35  }
0x205: {  	v44 =	vadd.s32 v44, v58;
	v61 =	vsel vm1, v31, v35;
	vm1 =	vgt.s32 v45, $0x0  }
0x206: {  	v46 =	vmin.u32 v46, $0x11F;
	v45 =	vnsel vm1, $0x0, v45;
	vm1 =	vgt.s32 v56, v61  }
0x207: {  	v46 =	vmul.u32 $0x7, v46;
	v56 =	vsel vm1, v56, v61;
	vm1 =	vgt.s32 v29, v37  }
0x208: {  	v45 =	vmin.u32 v45, $0x6;
	v62 =	vsel vm1, v29, v37;
	vm1 =	vgt.s32 v48, $0x0  }
0x209: {  	v45 =	vadd.s32 v45, v46;
	v63 =	vnsel vm1, $0x0, v48;
	vm1 =	vgt.s32 v56, v62  }
0x20a: {  	v59 =	vsel vm1, v56, v62;
	vm1 =	vgt.s32 v47, $0x0;
	v46 =	vmin.u32 v63, $0x11F  }
0x20b: {  	v47 =	vnsel vm1, $0x0, v47;
	v46 =	vmul.u32 $0x7, v46;
	vm1 =	vgt.s32 v49, $0x0  }
0x20c: {  	v47 =	vmin.u32 v47, $0x6;
	v49 =	vnsel vm1, $0x0, v49;
	vm1 =	vgt.s32 v50, $0x0  }
0x20d: {  	v46 =	vadd.s32 v47, v46;
	v60 =	vnsel vm1, $0x0, v50;
	vm1 =	vgt.s32 v52, $0x0  }
0x20e: {  	v49 =	vmin.u32 v49, $0x6;
	v47 =	vmin.u32 v60, $0x11F;
	v61 =	vnsel vm1, $0x0, v52  }
0x20f: {  	vm1 =	vgt.s32 v51, $0x0;
	v47 =	vmul.u32 $0x7, v47;
	v50 =	vmin.u32 v61, $0x11F  }
0x210: {  	[tilespmem:$0x500] =	vst v57;
	v51 =	vnsel vm1, $0x0, v51;
	vm1 =	vgt.s32 v53, $0x0;
	v50 =	vmul.u32 $0x7, v50  }
0x211: {  	[tilespmem:$0x680] =	vst v57;
	v51 =	vmin.u32 v51, $0x6;
	v62 =	vnsel vm1, $0x0, v53;
	vm1 =	vgt.s32 v54, $0x0  }
0x212: {  	[tilespmem:$0x510] =	vst v44;
	v47 =	vadd.s32 v49, v47;
	v53 =	vnsel vm1, $0x0, v54;
	v54 =	vmin.u32 v62, $0x6  }
0x213: {  	[tilespmem:$0x690] =	vst v44;
	vm1 =	vgt.s32 v55, $0x0;
	v63 =	vadd.s32 v51, v50;
	v50 =	vmin.u32 v53, $0x11F  }
0x214: {  	[tilespmem:$0x520] =	vst v45;
	v55 =	vnsel vm1, $0x0, v55;
	vm1 =	vgt.s32 v41, $0x0;
	v50 =	vmul.u32 $0x7, v50  }
0x215: {  	[tilespmem:$0x6A0] =	vst v45;
	v41 =	vnsel vm1, $0x0, v41;
	v56 =	vmin.u32 v55, $0x11F;
	vm1 =	vgt.s32 v43, $0x0  }
0x216: {  	[tilespmem:$0x530] =	vst v46;
	v45 =	vmul.u32 $0x7, v56;
	v43 =	vnsel vm1, $0x0, v43;
	vm1 =	vgt.s32 v42, $0x0  }
0x217: {  	[tilespmem:$0x6B0] =	vst v46;
	v41 =	vmin.u32 v41, $0x6;
	v42 =	vnsel vm1, $0x0, v42;
	vm1 =	vgt.s32 v59, $0x0  }
0x218: {  	[tilespmem:$0x540] =	vst v47;
	v44 =	vadd.s32 v54, v50;
	v43 =	vmin.u32 v43, $0x6;
	v41 =	vadd.s32 v41, v45  }
0x219: {  	[tilespmem:$0x6C0] =	vst v47;
	v57 =	vnsel vm1, $0x0, v59;
	v42 =	vmin.u32 v42, $0x11F;
	vm1 =	vgt.s32 v39, $0x0  }
0x21a: {  	[tilespmem:$0x550] =	vst v63;
	v42 =	vmul.u32 $0x7, v42;
	v39 =	vnsel vm1, $0x0, v39;
	vm1 =	vgt.s32 v38, $0x0  }
0x21b: {  	[tilespmem:$0x6D0] =	vst v63;
	v45 =	vor.u32 $0x80000000, v57;
	v38 =	vnsel vm1, $0x0, v38;
	vm1 =	vgt.s32 v40, $0x0  }
0x21c: {  	[tilespmem:$0x560] =	vst v44;
	v39 =	vmin.u32 v39, $0x6;
	v42 =	vadd.s32 v43, v42;
	v38 =	vmin.u32 v38, $0x11F  }
0x21d: {  	(xrf0) =	vmax.scan.msk.u32 $0xffff, v45;
	v40 =	vnsel vm1, $0x0, v40;
	vm1 =	vgt.s32 v36, $0x0;
	v38 =	vmul.u32 $0x7, v38  }
0x21e: {  	[tilespmem:$0x6E0] =	vst v44;
	v40 =	vmin.u32 v40, $0x11F;
	v36 =	vnsel vm1, $0x0, v36;
	vm1 =	vgt.s32 v34, $0x0  }
0x21f: {  	[tilespmem:$0x570] =	vst v41;
	v40 =	vmul.u32 $0x7, v40;
	v34 =	vnsel vm1, $0x0, v34;
	vm1 =	vgt.s32 v32, $0x0  }
0x220: {  	[tilespmem:$0x6F0] =	vst v41;
	v36 =	vmin.u32 v36, $0x6;
	v38 =	vadd.s32 v39, v38;
	v32 =	vnsel vm1, $0x0, v32  }
0x221: {  	[tilespmem:$0x580] =	vst v42;
	vm1 =	vgt.s32 v33, $0x0;
	v34 =	vmin.u32 v34, $0x6;
	v36 =	vadd.s32 v36, v40  }
0x222: {  	[tilespmem:$0x780] =	vst v42;
	v32 =	vmin.u32 v32, $0x11F;
	v33 =	vnsel vm1, $0x0, v33;
	vm1 =	vgt.s32 v27, $0x0  }
0x223: {  	[tilespmem:$0x590] =	vst v38;
	v58, _, _ =	vpop (xrf0);
	v32 =	vmul.u32 $0x7, v32;
	v33 =	vmin.u32 v33, $0x11F;
	v27 =	vnsel vm1, $0x0, v27  }
0x224: {  	[tilespmem:$0x790] =	vst v38;
	vm1 =	vgt.s32 v30, $0x0;
	(v2sf) =	vpush v58, $0xF;
	v33 =	vmul.u32 $0x7, v33  }
0x225: {  	[tilespmem:$0x5A0] =	vst v36;
	v27 =	vmin.u32 v27, $0x6;
	v30 =	vnsel vm1, $0x0, v30;
	vm1 =	vgt.s32 v28, $0x0  }
0x226: {  	[tilespmem:$0x7A0] =	vst v36;
	v32 =	vadd.s32 v34, v32;
	v28 =	vnsel vm1, $0x0, v28;
	v30 =	vmin.u32 v30, $0x6  }
0x227: {  	vm1 =	vgt.s32 v35, $0x0;
	v27 =	vadd.s32 v27, v33;
	[tilespmem:$0x5B0] =	vst v32;
	v28 =	vmin.u32 v28, $0x11F  }
0x228: {  	[tilespmem:$0x7B0] =	vst v32;
	v59 =	vnsel vm1, $0x0, v35;
	vm1 =	vgt.s32 v31, $0x0;
	v28 =	vmul.u32 $0x7, v28  }
0x229: {  	[tilespmem:$0x5C0] =	vst v27;
	v31 =	vnsel vm1, $0x0, v31;
	v32 =	vmin.u32 v59, $0x11F;
	vm1 =	vgt.s32 v37, $0x0  }
0x22a: {  	[tilespmem:$0x7C0] =	vst v27;
	v60 =	vmul.u32 $0x7, v32;
	v61 =	vnsel vm1, $0x0, v37;
	v27 =	vadd.s32 v30, v28  }
0x22b: {  	v31 =	vmin.u32 v31, $0x6;
	vm1 =	vgt.s32 v29, $0x0;
	v30 =	vmin.u32 v61, $0x11F;
	[tilespmem:$0x5D0] =	vst v27  }
0x22c: {  	v62 =	vnsel vm1, $0x0, v29;
	[tilespmem:$0x7D0] =	vst v27;
	v27 =	vadd.s32 v31, v60;
	v63 =	vmul.u32 $0x7, v30  }
0x22d: {  	s15 =	sshll.u32 s11, $0x9;
	p0 =	seq.s32 s11, $0xC7;
	v28 =	vmin.u32 v62, $0x6;
	[tilespmem:$0x5E0] =	vst v27  }
0x22e: {  	s10 =	sadd.s32 @!p0 s15, s12;
	[tilespmem:$0x7E0] =	vst v27;
	v27 =	vadd.s32 v28, v63  }
0x22f: {  	s10 =	sshrl.u32 @!p0 s10, $0x3;
	[tilespmem:$0x5F0] =	vst v27  }
0x230: {  	s30 =	simm.s32 @!p0 $0x0;
	s29 =	sadd.s32 @!p0 s0, s10;
	[tilespmem:$0x7F0] =	vst v27  }
0x231: {  	[tilespmem:s30], [sflag:$0x1] =	stream.linear.gather @!p0 [hbm4b:s29+s30], $0x100, $0x38;
	[tilespmem:$0x12400] =	vst v63  }
0x232: {  	s10 =	sadd.s32 @!p0 s4, s10;
	s29 =	simm.s32 @!p0 $0x200  }
0x233: {  	[tilespmem:s29], [sflag:$0x1] =	stream.linear.gather @!p0 [hbm4b:s10+s30], $0x100, $0x38;
	[tilespmem:$0x12400] =	vst v63  }
0x234: {  	s25 =	spop (v2sf)  }
0x235: {  	p1 =	seq.s32 @!p0 s11, $0x0;
	s30 =	sxor.u32 $0x80000000, s25  }
0x236: {  	p1 =	por p0, !p1;
	[smem:$0x1] =	sst s30  }
0x237: {  	_ =	swait.ge @p1 [sflag:s26], $0x8000  }
0x238: {  	[sflag:s26] =	ssyncset.done @p1 $0x0  }
0x239: {  	[sflag:s26] =	ssyncadd.s32 @p1 $0xFFFF8000;
	p1 =	sgt.s32 s30, $0x6  }
.Ltmp5:
0x23a: {  	_ = 	snop;
	(pc) =	sbr.rel @p1 .LBB2_7-.Ltmp5, $2  }
0x23b: {  	_ =	sdelay $0x2  }
0x23c: {  	s10 =	simm.s32 $0x0;
	s25 =	simm.s32 $0x0  }
.LBB2_6:
0x23d: {  	s29 =	sand.u32 $0x70, s10;
	s30 =	sand.u32 $0x100, s25  }
0x23e: {  	s29 =	sor.u32 s29, s30  }
0x23f: {  	v27 =	vld [tilespmem:s29+$0x680];
	_ =	sdelay $0x4  }
0x240: {  	v27 =	vshll.u32 v27, $0x7  }
0x241: {  	v30 =	vor.u32 $0x30, v1;
	v29 =	vor.u32 v1, v27  }
0x242: {  	v31 =	vor.u32 v30, v27  }
0x243: {  	v28 =	vmov s10;
	v32 =	vmul.u32 $0x80, v1  }
0x244: {  	v28 =	vshll.u32 v28, $0x7  }
0x245: {  	v28 =	vor.u32 v32, v28  }
0x246: {  	v32 =	vor.u32 v1, v28;
	v29 =	vld.idx.msk [tilespmem:v29+s16+$0x0], $0xffff  }
0x247: {  	v33 =	vadd.s32 $0x1, v1;
	v30 =	vor.u32 v30, v28;
	v31 =	vld.idx.msk [tilespmem:v31+s16+$0x0], $0xffff  }
0x248: {  	v35 =	vadd.s32 $0x31, v1;
	v34 =	vor.u32 v33, v27  }
0x249: {  	v36 =	vor.u32 v35, v27;
	_ =	sdelay $0x1  }
0x24a: {  	[tilespmem:v32+s24+$0x0] =	vst.idx.msk $0xffff, v29  }
0x24b: {  	[tilespmem:v30+s24+$0x0] =	vst.idx.msk $0xffff, v31  }
0x24c: {  	v43 =	vor.u32 v33, v28;
	v29 =	vld.idx.msk [tilespmem:v34+s16+$0x0], $0xffff  }
0x24d: {  	v45 =	vadd.s32 $0x2, v1;
	v44 =	vor.u32 v35, v28;
	v31 =	vld.idx.msk [tilespmem:v36+s16+$0x0], $0xffff  }
0x24e: {  	v47 =	vadd.s32 $0x32, v1;
	v46 =	vor.u32 v45, v27  }
0x24f: {  	v48 =	vor.u32 v47, v27;
	_ =	sdelay $0x1  }
0x250: {  	[tilespmem:v43+s24+$0x0] =	vst.idx.msk $0xffff, v29  }
0x251: {  	[tilespmem:v44+s24+$0x0] =	vst.idx.msk $0xffff, v31  }
0x252: {  	v49 =	vor.u32 v45, v28;
	v29 =	vld.idx.msk [tilespmem:v46+s16+$0x0], $0xffff  }
0x253: {  	v51 =	vadd.s32 $0x3, v1;
	v50 =	vor.u32 v47, v28;
	v31 =	vld.idx.msk [tilespmem:v48+s16+$0x0], $0xffff  }
0x254: {  	v53 =	vadd.s32 $0x33, v1;
	v52 =	vor.u32 v51, v27  }
0x255: {  	v54 =	vor.u32 v53, v27;
	_ =	sdelay $0x1  }
0x256: {  	[tilespmem:v49+s24+$0x0] =	vst.idx.msk $0xffff, v29  }
0x257: {  	[tilespmem:v50+s24+$0x0] =	vst.idx.msk $0xffff, v31  }
0x258: {  	v55 =	vor.u32 v51, v28;
	v29 =	vld.idx.msk [tilespmem:v52+s16+$0x0], $0xffff  }
0x259: {  	v57 =	vadd.s32 $0x4, v1;
	v56 =	vor.u32 v53, v28;
	v31 =	vld.idx.msk [tilespmem:v54+s16+$0x0], $0xffff  }
0x25a: {  	v59 =	vadd.s32 $0x34, v1;
	v58 =	vor.u32 v57, v27  }
0x25b: {  	v60 =	vor.u32 v59, v27;
	_ =	sdelay $0x1  }
0x25c: {  	[tilespmem:v55+s24+$0x0] =	vst.idx.msk $0xffff, v29  }
0x25d: {  	[tilespmem:v56+s24+$0x0] =	vst.idx.msk $0xffff, v31  }
0x25e: {  	v61 =	vor.u32 v57, v28;
	v29 =	vld.idx.msk [tilespmem:v58+s16+$0x0], $0xffff  }
0x25f: {  	v63 =	vadd.s32 $0x5, v1;
	v62 =	vor.u32 v59, v28;
	v31 =	vld.idx.msk [tilespmem:v60+s16+$0x0], $0xffff  }
0x260: {  	v41 =	vadd.s32 $0x35, v1;
	v40 =	vor.u32 v63, v27  }
0x261: {  	v42 =	vor.u32 v41, v27;
	_ =	sdelay $0x1  }
0x262: {  	[tilespmem:v61+s24+$0x0] =	vst.idx.msk $0xffff, v29  }
0x263: {  	[tilespmem:v62+s24+$0x0] =	vst.idx.msk $0xffff, v31  }
0x264: {  	v43 =	vor.u32 v63, v28;
	v29 =	vld.idx.msk [tilespmem:v40+s16+$0x0], $0xffff  }
0x265: {  	v45 =	vadd.s32 $0x6, v1;
	v44 =	vor.u32 v41, v28;
	v31 =	vld.idx.msk [tilespmem:v42+s16+$0x0], $0xffff  }
0x266: {  	v47 =	vadd.s32 $0x36, v1;
	v46 =	vor.u32 v45, v27  }
0x267: {  	v48 =	vor.u32 v47, v27;
	_ =	sdelay $0x1  }
0x268: {  	[tilespmem:v43+s24+$0x0] =	vst.idx.msk $0xffff, v29  }
0x269: {  	[tilespmem:v44+s24+$0x0] =	vst.idx.msk $0xffff, v31  }
0x26a: {  	v49 =	vor.u32 v45, v28;
	v29 =	vld.idx.msk [tilespmem:v46+s16+$0x0], $0xffff  }
0x26b: {  	v51 =	vadd.s32 $0x7, v1;
	v50 =	vor.u32 v47, v28;
	v31 =	vld.idx.msk [tilespmem:v48+s16+$0x0], $0xffff  }
0x26c: {  	v53 =	vadd.s32 $0x37, v1;
	v52 =	vor.u32 v51, v27  }
0x26d: {  	v54 =	vor.u32 v53, v27;
	_ =	sdelay $0x1  }
0x26e: {  	[tilespmem:v49+s24+$0x0] =	vst.idx.msk $0xffff, v29  }
0x26f: {  	[tilespmem:v50+s24+$0x0] =	vst.idx.msk $0xffff, v31  }
0x270: {  	v55 =	vor.u32 v51, v28;
	v29 =	vld.idx.msk [tilespmem:v52+s16+$0x0], $0xffff  }
0x271: {  	v57 =	vadd.s32 $0x8, v1;
	v56 =	vor.u32 v53, v28;
	v31 =	vld.idx.msk [tilespmem:v54+s16+$0x0], $0xffff  }
0x272: {  	v59 =	vadd.s32 $0x38, v1;
	v58 =	vor.u32 v57, v27  }
0x273: {  	v60 =	vor.u32 v59, v27;
	_ =	sdelay $0x1  }
0x274: {  	[tilespmem:v55+s24+$0x0] =	vst.idx.msk $0xffff, v29  }
0x275: {  	[tilespmem:v56+s24+$0x0] =	vst.idx.msk $0xffff, v31  }
0x276: {  	v61 =	vor.u32 v57, v28;
	v29 =	vld.idx.msk [tilespmem:v58+s16+$0x0], $0xffff  }
0x277: {  	v63 =	vadd.s32 $0x9, v1;
	v62 =	vor.u32 v59, v28;
	v31 =	vld.idx.msk [tilespmem:v60+s16+$0x0], $0xffff  }
0x278: {  	v41 =	vadd.s32 $0x39, v1;
	v40 =	vor.u32 v63, v27  }
0x279: {  	v42 =	vor.u32 v41, v27;
	_ =	sdelay $0x1  }
0x27a: {  	[tilespmem:v61+s24+$0x0] =	vst.idx.msk $0xffff, v29  }
0x27b: {  	[tilespmem:v62+s24+$0x0] =	vst.idx.msk $0xffff, v31  }
0x27c: {  	v43 =	vor.u32 v63, v28;
	v29 =	vld.idx.msk [tilespmem:v40+s16+$0x0], $0xffff  }
0x27d: {  	v45 =	vadd.s32 $0xA, v1;
	v44 =	vor.u32 v41, v28;
	v31 =	vld.idx.msk [tilespmem:v42+s16+$0x0], $0xffff  }
0x27e: {  	v47 =	vadd.s32 $0x3A, v1;
	v46 =	vor.u32 v45, v27  }
0x27f: {  	v48 =	vor.u32 v47, v27;
	_ =	sdelay $0x1  }
0x280: {  	[tilespmem:v43+s24+$0x0] =	vst.idx.msk $0xffff, v29  }
0x281: {  	[tilespmem:v44+s24+$0x0] =	vst.idx.msk $0xffff, v31  }
0x282: {  	v49 =	vor.u32 v45, v28;
	v29 =	vld.idx.msk [tilespmem:v46+s16+$0x0], $0xffff  }
0x283: {  	v51 =	vadd.s32 $0xB, v1;
	v50 =	vor.u32 v47, v28;
	v31 =	vld.idx.msk [tilespmem:v48+s16+$0x0], $0xffff  }
0x284: {  	v53 =	vadd.s32 $0x3B, v1;
	v52 =	vor.u32 v51, v27  }
0x285: {  	v54 =	vor.u32 v53, v27;
	_ =	sdelay $0x1  }
0x286: {  	[tilespmem:v49+s24+$0x0] =	vst.idx.msk $0xffff, v29  }
0x287: {  	[tilespmem:v50+s24+$0x0] =	vst.idx.msk $0xffff, v31  }
0x288: {  	v55 =	vor.u32 v51, v28;
	v29 =	vld.idx.msk [tilespmem:v52+s16+$0x0], $0xffff  }
0x289: {  	v57 =	vadd.s32 $0xC, v1;
	v56 =	vor.u32 v53, v28;
	v31 =	vld.idx.msk [tilespmem:v54+s16+$0x0], $0xffff  }
0x28a: {  	v59 =	vadd.s32 $0x3C, v1;
	v58 =	vor.u32 v57, v27  }
0x28b: {  	v60 =	vor.u32 v59, v27;
	_ =	sdelay $0x1  }
0x28c: {  	[tilespmem:v55+s24+$0x0] =	vst.idx.msk $0xffff, v29  }
0x28d: {  	[tilespmem:v56+s24+$0x0] =	vst.idx.msk $0xffff, v31  }
0x28e: {  	v61 =	vor.u32 v57, v28;
	v29 =	vld.idx.msk [tilespmem:v58+s16+$0x0], $0xffff  }
0x28f: {  	v63 =	vadd.s32 $0xD, v1;
	v62 =	vor.u32 v59, v28;
	v31 =	vld.idx.msk [tilespmem:v60+s16+$0x0], $0xffff  }
0x290: {  	v41 =	vadd.s32 $0x3D, v1;
	v40 =	vor.u32 v63, v27  }
0x291: {  	v42 =	vor.u32 v41, v27;
	_ =	sdelay $0x1  }
0x292: {  	[tilespmem:v61+s24+$0x0] =	vst.idx.msk $0xffff, v29  }
0x293: {  	[tilespmem:v62+s24+$0x0] =	vst.idx.msk $0xffff, v31  }
0x294: {  	v43 =	vor.u32 v63, v28;
	v29 =	vld.idx.msk [tilespmem:v40+s16+$0x0], $0xffff  }
0x295: {  	v45 =	vadd.s32 $0xE, v1;
	v44 =	vor.u32 v41, v28;
	v31 =	vld.idx.msk [tilespmem:v42+s16+$0x0], $0xffff  }
0x296: {  	v47 =	vadd.s32 $0x3E, v1;
	v46 =	vor.u32 v45, v27  }
0x297: {  	v48 =	vor.u32 v47, v27;
	_ =	sdelay $0x1  }
0x298: {  	[tilespmem:v43+s24+$0x0] =	vst.idx.msk $0xffff, v29  }
0x299: {  	[tilespmem:v44+s24+$0x0] =	vst.idx.msk $0xffff, v31  }
0x29a: {  	v49 =	vor.u32 v45, v28;
	v29 =	vld.idx.msk [tilespmem:v46+s16+$0x0], $0xffff  }
0x29b: {  	v51 =	vadd.s32 $0xF, v1;
	v50 =	vor.u32 v47, v28;
	v31 =	vld.idx.msk [tilespmem:v48+s16+$0x0], $0xffff  }
0x29c: {  	v53 =	vadd.s32 $0x3F, v1;
	v52 =	vor.u32 v51, v27  }
0x29d: {  	v54 =	vor.u32 v53, v27;
	_ =	sdelay $0x1  }
0x29e: {  	[tilespmem:v49+s24+$0x0] =	vst.idx.msk $0xffff, v29  }
0x29f: {  	[tilespmem:v50+s24+$0x0] =	vst.idx.msk $0xffff, v31  }
0x2a0: {  	v55 =	vor.u32 v51, v28;
	v29 =	vld.idx.msk [tilespmem:v52+s16+$0x0], $0xffff  }
0x2a1: {  	v57 =	vor.u32 $0x10, v1;
	v56 =	vor.u32 v53, v28;
	v31 =	vld.idx.msk [tilespmem:v54+s16+$0x0], $0xffff  }
0x2a2: {  	v59 =	vor.u32 $0x40, v1;
	v58 =	vor.u32 v57, v27  }
0x2a3: {  	v60 =	vor.u32 v59, v27;
	_ =	sdelay $0x1  }
0x2a4: {  	[tilespmem:v55+s24+$0x0] =	vst.idx.msk $0xffff, v29  }
0x2a5: {  	[tilespmem:v56+s24+$0x0] =	vst.idx.msk $0xffff, v31  }
0x2a6: {  	v61 =	vor.u32 v57, v28;
	v29 =	vld.idx.msk [tilespmem:v58+s16+$0x0], $0xffff  }
0x2a7: {  	v63 =	vadd.s32 $0x11, v1;
	v62 =	vor.u32 v59, v28;
	v31 =	vld.idx.msk [tilespmem:v60+s16+$0x0], $0xffff  }
0x2a8: {  	v41 =	vadd.s32 $0x41, v1;
	v40 =	vor.u32 v63, v27  }
0x2a9: {  	v42 =	vor.u32 v41, v27;
	_ =	sdelay $0x1  }
0x2aa: {  	[tilespmem:v61+s24+$0x0] =	vst.idx.msk $0xffff, v29  }
0x2ab: {  	[tilespmem:v62+s24+$0x0] =	vst.idx.msk $0xffff, v31  }
0x2ac: {  	v43 =	vor.u32 v63, v28;
	v29 =	vld.idx.msk [tilespmem:v40+s16+$0x0], $0xffff  }
0x2ad: {  	v45 =	vadd.s32 $0x12, v1;
	v44 =	vor.u32 v41, v28;
	v31 =	vld.idx.msk [tilespmem:v42+s16+$0x0], $0xffff  }
0x2ae: {  	v47 =	vadd.s32 $0x42, v1;
	v46 =	vor.u32 v45, v27  }
0x2af: {  	v48 =	vor.u32 v47, v27;
	_ =	sdelay $0x1  }
0x2b0: {  	[tilespmem:v43+s24+$0x0] =	vst.idx.msk $0xffff, v29  }
0x2b1: {  	[tilespmem:v44+s24+$0x0] =	vst.idx.msk $0xffff, v31  }
0x2b2: {  	v49 =	vor.u32 v45, v28;
	v29 =	vld.idx.msk [tilespmem:v46+s16+$0x0], $0xffff  }
0x2b3: {  	v51 =	vadd.s32 $0x13, v1;
	v50 =	vor.u32 v47, v28;
	v31 =	vld.idx.msk [tilespmem:v48+s16+$0x0], $0xffff  }
0x2b4: {  	v53 =	vadd.s32 $0x43, v1;
	v52 =	vor.u32 v51, v27  }
0x2b5: {  	v54 =	vor.u32 v53, v27;
	_ =	sdelay $0x1  }
0x2b6: {  	[tilespmem:v49+s24+$0x0] =	vst.idx.msk $0xffff, v29  }
0x2b7: {  	[tilespmem:v50+s24+$0x0] =	vst.idx.msk $0xffff, v31  }
0x2b8: {  	v55 =	vor.u32 v51, v28;
	v29 =	vld.idx.msk [tilespmem:v52+s16+$0x0], $0xffff  }
0x2b9: {  	v57 =	vadd.s32 $0x14, v1;
	v56 =	vor.u32 v53, v28;
	v31 =	vld.idx.msk [tilespmem:v54+s16+$0x0], $0xffff  }
0x2ba: {  	v59 =	vadd.s32 $0x44, v1;
	v58 =	vor.u32 v57, v27  }
0x2bb: {  	v60 =	vor.u32 v59, v27;
	_ =	sdelay $0x1  }
0x2bc: {  	[tilespmem:v55+s24+$0x0] =	vst.idx.msk $0xffff, v29  }
0x2bd: {  	[tilespmem:v56+s24+$0x0] =	vst.idx.msk $0xffff, v31  }
0x2be: {  	v61 =	vor.u32 v57, v28;
	v29 =	vld.idx.msk [tilespmem:v58+s16+$0x0], $0xffff  }
0x2bf: {  	v63 =	vadd.s32 $0x15, v1;
	v62 =	vor.u32 v59, v28;
	v31 =	vld.idx.msk [tilespmem:v60+s16+$0x0], $0xffff  }
0x2c0: {  	v41 =	vadd.s32 $0x45, v1;
	v40 =	vor.u32 v63, v27  }
0x2c1: {  	v42 =	vor.u32 v41, v27;
	_ =	sdelay $0x1  }
0x2c2: {  	[tilespmem:v61+s24+$0x0] =	vst.idx.msk $0xffff, v29  }
0x2c3: {  	[tilespmem:v62+s24+$0x0] =	vst.idx.msk $0xffff, v31  }
0x2c4: {  	v43 =	vor.u32 v63, v28;
	v29 =	vld.idx.msk [tilespmem:v40+s16+$0x0], $0xffff  }
0x2c5: {  	v45 =	vadd.s32 $0x16, v1;
	v44 =	vor.u32 v41, v28;
	v31 =	vld.idx.msk [tilespmem:v42+s16+$0x0], $0xffff  }
0x2c6: {  	v47 =	vadd.s32 $0x46, v1;
	v46 =	vor.u32 v45, v27  }
0x2c7: {  	v48 =	vor.u32 v47, v27;
	_ =	sdelay $0x1  }
0x2c8: {  	[tilespmem:v43+s24+$0x0] =	vst.idx.msk $0xffff, v29  }
0x2c9: {  	[tilespmem:v44+s24+$0x0] =	vst.idx.msk $0xffff, v31  }
0x2ca: {  	v49 =	vor.u32 v45, v28;
	v29 =	vld.idx.msk [tilespmem:v46+s16+$0x0], $0xffff  }
0x2cb: {  	v51 =	vadd.s32 $0x17, v1;
	v50 =	vor.u32 v47, v28;
	v31 =	vld.idx.msk [tilespmem:v48+s16+$0x0], $0xffff  }
0x2cc: {  	v53 =	vadd.s32 $0x47, v1;
	v52 =	vor.u32 v51, v27  }
0x2cd: {  	v54 =	vor.u32 v53, v27;
	_ =	sdelay $0x1  }
0x2ce: {  	[tilespmem:v49+s24+$0x0] =	vst.idx.msk $0xffff, v29  }
0x2cf: {  	[tilespmem:v50+s24+$0x0] =	vst.idx.msk $0xffff, v31  }
0x2d0: {  	v55 =	vor.u32 v51, v28;
	v29 =	vld.idx.msk [tilespmem:v52+s16+$0x0], $0xffff  }
0x2d1: {  	v57 =	vadd.s32 $0x18, v1;
	v56 =	vor.u32 v53, v28;
	v31 =	vld.idx.msk [tilespmem:v54+s16+$0x0], $0xffff  }
0x2d2: {  	v59 =	vadd.s32 $0x48, v1;
	v58 =	vor.u32 v57, v27  }
0x2d3: {  	v60 =	vor.u32 v59, v27;
	_ =	sdelay $0x1  }
0x2d4: {  	[tilespmem:v55+s24+$0x0] =	vst.idx.msk $0xffff, v29  }
0x2d5: {  	[tilespmem:v56+s24+$0x0] =	vst.idx.msk $0xffff, v31  }
0x2d6: {  	v61 =	vor.u32 v57, v28;
	v29 =	vld.idx.msk [tilespmem:v58+s16+$0x0], $0xffff  }
0x2d7: {  	v63 =	vadd.s32 $0x19, v1;
	v62 =	vor.u32 v59, v28;
	v31 =	vld.idx.msk [tilespmem:v60+s16+$0x0], $0xffff  }
0x2d8: {  	v41 =	vadd.s32 $0x49, v1;
	v40 =	vor.u32 v63, v27  }
0x2d9: {  	v42 =	vor.u32 v41, v27;
	_ =	sdelay $0x1  }
0x2da: {  	[tilespmem:v61+s24+$0x0] =	vst.idx.msk $0xffff, v29  }
0x2db: {  	[tilespmem:v62+s24+$0x0] =	vst.idx.msk $0xffff, v31  }
0x2dc: {  	v43 =	vor.u32 v63, v28;
	v29 =	vld.idx.msk [tilespmem:v40+s16+$0x0], $0xffff  }
0x2dd: {  	v45 =	vadd.s32 $0x1A, v1;
	v44 =	vor.u32 v41, v28;
	v31 =	vld.idx.msk [tilespmem:v42+s16+$0x0], $0xffff  }
0x2de: {  	v47 =	vadd.s32 $0x4A, v1;
	v46 =	vor.u32 v45, v27  }
0x2df: {  	v48 =	vor.u32 v47, v27;
	_ =	sdelay $0x1  }
0x2e0: {  	[tilespmem:v43+s24+$0x0] =	vst.idx.msk $0xffff, v29  }
0x2e1: {  	[tilespmem:v44+s24+$0x0] =	vst.idx.msk $0xffff, v31  }
0x2e2: {  	v49 =	vor.u32 v45, v28;
	v29 =	vld.idx.msk [tilespmem:v46+s16+$0x0], $0xffff  }
0x2e3: {  	v51 =	vadd.s32 $0x1B, v1;
	v50 =	vor.u32 v47, v28;
	v31 =	vld.idx.msk [tilespmem:v48+s16+$0x0], $0xffff  }
0x2e4: {  	v53 =	vadd.s32 $0x4B, v1;
	v52 =	vor.u32 v51, v27  }
0x2e5: {  	v54 =	vor.u32 v53, v27;
	_ =	sdelay $0x1  }
0x2e6: {  	[tilespmem:v49+s24+$0x0] =	vst.idx.msk $0xffff, v29  }
0x2e7: {  	[tilespmem:v50+s24+$0x0] =	vst.idx.msk $0xffff, v31  }
0x2e8: {  	v55 =	vor.u32 v51, v28;
	v29 =	vld.idx.msk [tilespmem:v52+s16+$0x0], $0xffff  }
0x2e9: {  	v57 =	vadd.s32 $0x1C, v1;
	v56 =	vor.u32 v53, v28;
	v31 =	vld.idx.msk [tilespmem:v54+s16+$0x0], $0xffff  }
0x2ea: {  	v59 =	vadd.s32 $0x4C, v1;
	v58 =	vor.u32 v57, v27  }
0x2eb: {  	v60 =	vor.u32 v59, v27;
	_ =	sdelay $0x1  }
0x2ec: {  	[tilespmem:v55+s24+$0x0] =	vst.idx.msk $0xffff, v29  }
0x2ed: {  	[tilespmem:v56+s24+$0x0] =	vst.idx.msk $0xffff, v31  }
0x2ee: {  	v61 =	vor.u32 v57, v28;
	v29 =	vld.idx.msk [tilespmem:v58+s16+$0x0], $0xffff  }
0x2ef: {  	v63 =	vadd.s32 $0x1D, v1;
	v62 =	vor.u32 v59, v28;
	v31 =	vld.idx.msk [tilespmem:v60+s16+$0x0], $0xffff  }
0x2f0: {  	v41 =	vadd.s32 $0x4D, v1;
	v40 =	vor.u32 v63, v27  }
0x2f1: {  	v42 =	vor.u32 v41, v27;
	_ =	sdelay $0x1  }
0x2f2: {  	[tilespmem:v61+s24+$0x0] =	vst.idx.msk $0xffff, v29  }
0x2f3: {  	[tilespmem:v62+s24+$0x0] =	vst.idx.msk $0xffff, v31  }
0x2f4: {  	v43 =	vor.u32 v63, v28;
	v29 =	vld.idx.msk [tilespmem:v40+s16+$0x0], $0xffff  }
0x2f5: {  	v45 =	vadd.s32 $0x1E, v1;
	v44 =	vor.u32 v41, v28;
	v31 =	vld.idx.msk [tilespmem:v42+s16+$0x0], $0xffff  }
0x2f6: {  	v47 =	vadd.s32 $0x4E, v1;
	v46 =	vor.u32 v45, v27  }
0x2f7: {  	v48 =	vor.u32 v47, v27;
	_ =	sdelay $0x1  }
0x2f8: {  	[tilespmem:v43+s24+$0x0] =	vst.idx.msk $0xffff, v29  }
0x2f9: {  	[tilespmem:v44+s24+$0x0] =	vst.idx.msk $0xffff, v31  }
0x2fa: {  	v49 =	vor.u32 v45, v28;
	v29 =	vld.idx.msk [tilespmem:v46+s16+$0x0], $0xffff  }
0x2fb: {  	v51 =	vadd.s32 $0x1F, v1;
	v50 =	vor.u32 v47, v28;
	v31 =	vld.idx.msk [tilespmem:v48+s16+$0x0], $0xffff  }
0x2fc: {  	v53 =	vadd.s32 $0x4F, v1;
	v52 =	vor.u32 v51, v27  }
0x2fd: {  	v54 =	vor.u32 v53, v27;
	_ =	sdelay $0x1  }
0x2fe: {  	[tilespmem:v49+s24+$0x0] =	vst.idx.msk $0xffff, v29  }
0x2ff: {  	[tilespmem:v50+s24+$0x0] =	vst.idx.msk $0xffff, v31  }
0x300: {  	v55 =	vor.u32 v51, v28;
	v29 =	vld.idx.msk [tilespmem:v52+s16+$0x0], $0xffff  }
0x301: {  	v57 =	vor.u32 $0x20, v1;
	v56 =	vor.u32 v53, v28;
	v31 =	vld.idx.msk [tilespmem:v54+s16+$0x0], $0xffff  }
0x302: {  	v59 =	vor.u32 $0x50, v1;
	v58 =	vor.u32 v57, v27  }
0x303: {  	v60 =	vor.u32 v59, v27;
	_ =	sdelay $0x1  }
0x304: {  	[tilespmem:v55+s24+$0x0] =	vst.idx.msk $0xffff, v29  }
0x305: {  	[tilespmem:v56+s24+$0x0] =	vst.idx.msk $0xffff, v31  }
0x306: {  	v61 =	vor.u32 v57, v28;
	v31 =	vsel vm0, v4, v3;
	v29 =	vld.idx.msk [tilespmem:v58+s16+$0x0], $0xffff  }
0x307: {  	v63 =	vadd.s32 $0x21, v1;
	v62 =	vor.u32 v59, v28;
	v32 =	vld.idx.msk [tilespmem:v60+s16+$0x0], $0xffff;
	v40 =	vcombine.low v2, v31  }
0x308: {  	v41 =	vor.u32 v63, v27  }
0x309: {  	v37 =	vor.u32 v40, v27;
	_ =	sdelay $0x1  }
0x30a: {  	[tilespmem:v61+s24+$0x0] =	vst.idx.msk $0xffff, v29  }
0x30b: {  	[tilespmem:v62+s24+$0x0] =	vst.idx.msk $0xffff, v32  }
0x30c: {  	v42 =	vor.u32 v63, v28;
	v32 =	vsel vm0, v9, v8;
	v29 =	vld.idx.msk [tilespmem:v41+s16+$0x0], $0xffff  }
0x30d: {  	v44 =	vadd.s32 $0x22, v1;
	v43 =	vor.u32 v40, v28;
	v33 =	vld.idx.msk [tilespmem:v37+s16+$0x0], $0xffff;
	v45 =	vcombine.low v7, v32  }
0x30e: {  	v46 =	vor.u32 v44, v27  }
0x30f: {  	v38 =	vor.u32 v45, v27;
	_ =	sdelay $0x1  }
0x310: {  	[tilespmem:v42+s24+$0x0] =	vst.idx.msk $0xffff, v29  }
0x311: {  	[tilespmem:v43+s24+$0x0] =	vst.idx.msk $0xffff, v33  }
0x312: {  	v47 =	vor.u32 v44, v28;
	v33 =	vsel vm0, v14, v13;
	v29 =	vld.idx.msk [tilespmem:v46+s16+$0x0], $0xffff  }
0x313: {  	v49 =	vadd.s32 $0x23, v1;
	v48 =	vor.u32 v45, v28;
	v34 =	vld.idx.msk [tilespmem:v38+s16+$0x0], $0xffff;
	v50 =	vcombine.low v10, v33  }
0x314: {  	v51 =	vor.u32 v49, v27  }
0x315: {  	v39 =	vor.u32 v50, v27;
	_ =	sdelay $0x1  }
0x316: {  	[tilespmem:v47+s24+$0x0] =	vst.idx.msk $0xffff, v29  }
0x317: {  	[tilespmem:v48+s24+$0x0] =	vst.idx.msk $0xffff, v34  }
0x318: {  	v52 =	vor.u32 v49, v28;
	v29 =	vld.idx.msk [tilespmem:v51+s16+$0x0], $0xffff  }
0x319: {  	v54 =	vadd.s32 $0x24, v1;
	v53 =	vor.u32 v50, v28;
	v34 =	vld.idx.msk [tilespmem:v39+s16+$0x0], $0xffff  }
0x31a: {  	v55 =	vor.u32 v54, v27  }
0x31b: {  	v56 =	vor.u32 v15, v27;
	_ =	sdelay $0x1  }
0x31c: {  	[tilespmem:v52+s24+$0x0] =	vst.idx.msk $0xffff, v29  }
0x31d: {  	[tilespmem:v53+s24+$0x0] =	vst.idx.msk $0xffff, v34  }
0x31e: {  	v57 =	vor.u32 v54, v28;
	v58 =	vsel vm0, v3, v0;
	v29 =	vld.idx.msk [tilespmem:v55+s16+$0x0], $0xffff  }
0x31f: {  	v59 =	vor.u32 v15, v28;
	v60 =	vadd.s32 $0x25, v1;
	v34 =	vcombine.low v58, v16;
	v35 =	vld.idx.msk [tilespmem:v56+s16+$0x0], $0xffff  }
0x320: {  	v61 =	vor.u32 v60, v27  }
0x321: {  	v62 =	vor.u32 v34, v27;
	_ =	sdelay $0x1  }
0x322: {  	[tilespmem:v57+s24+$0x0] =	vst.idx.msk $0xffff, v29  }
0x323: {  	[tilespmem:v59+s24+$0x0] =	vst.idx.msk $0xffff, v35  }
0x324: {  	v63 =	vor.u32 v60, v28;
	v42 =	vsel vm0, v8, v5;
	v29 =	vld.idx.msk [tilespmem:v61+s16+$0x0], $0xffff  }
0x325: {  	v43 =	vadd.s32 $0x26, v1;
	v34 =	vor.u32 v34, v28;
	v35 =	vcombine.low v42, v17;
	v36 =	vld.idx.msk [tilespmem:v62+s16+$0x0], $0xffff  }
0x326: {  	v44 =	vor.u32 v43, v27  }
0x327: {  	v45 =	vor.u32 v35, v27;
	_ =	sdelay $0x1  }
0x328: {  	[tilespmem:v63+s24+$0x0] =	vst.idx.msk $0xffff, v29  }
0x329: {  	[tilespmem:v34+s24+$0x0] =	vst.idx.msk $0xffff, v36  }
0x32a: {  	v46 =	vor.u32 v43, v28;
	v47 =	vsel vm0, v13, v6;
	v29 =	vld.idx.msk [tilespmem:v44+s16+$0x0], $0xffff  }
0x32b: {  	v48 =	vadd.s32 $0x27, v1;
	v35 =	vor.u32 v35, v28;
	v34 =	vcombine.low v47, v21;
	v36 =	vld.idx.msk [tilespmem:v45+s16+$0x0], $0xffff  }
0x32c: {  	v49 =	vor.u32 v48, v27  }
0x32d: {  	v50 =	vor.u32 v34, v27;
	_ =	sdelay $0x1  }
0x32e: {  	[tilespmem:v46+s24+$0x0] =	vst.idx.msk $0xffff, v29  }
0x32f: {  	[tilespmem:v35+s24+$0x0] =	vst.idx.msk $0xffff, v36  }
0x330: {  	v51 =	vor.u32 v48, v28;
	v52 =	vsel vm0, v11, v12;
	v29 =	vld.idx.msk [tilespmem:v49+s16+$0x0], $0xffff  }
0x331: {  	v53 =	vadd.s32 $0x28, v1;
	v34 =	vor.u32 v34, v28;
	v35 =	vcombine.low v52, v22;
	v36 =	vld.idx.msk [tilespmem:v50+s16+$0x0], $0xffff  }
0x332: {  	v54 =	vor.u32 v53, v27  }
0x333: {  	v55 =	vor.u32 v35, v27;
	_ =	sdelay $0x1  }
0x334: {  	[tilespmem:v51+s24+$0x0] =	vst.idx.msk $0xffff, v29  }
0x335: {  	[tilespmem:v34+s24+$0x0] =	vst.idx.msk $0xffff, v36  }
0x336: {  	v56 =	vor.u32 v53, v28;
	v29 =	vld.idx.msk [tilespmem:v54+s16+$0x0], $0xffff  }
0x337: {  	v31 =	vcombine.low v31, v23;
	v57 =	vadd.s32 $0x29, v1;
	v35 =	vor.u32 v35, v28;
	v34 =	vld.idx.msk [tilespmem:v55+s16+$0x0], $0xffff  }
0x338: {  	v58 =	vor.u32 v57, v27  }
0x339: {  	v59 =	vor.u32 v31, v27;
	_ =	sdelay $0x1  }
0x33a: {  	[tilespmem:v56+s24+$0x0] =	vst.idx.msk $0xffff, v29  }
0x33b: {  	[tilespmem:v35+s24+$0x0] =	vst.idx.msk $0xffff, v34  }
0x33c: {  	v60 =	vor.u32 v57, v28;
	v29 =	vld.idx.msk [tilespmem:v58+s16+$0x0], $0xffff  }
0x33d: {  	v32 =	vcombine.low v32, v24;
	v31 =	vor.u32 v31, v28;
	v61 =	vadd.s32 $0x2A, v1;
	v34 =	vld.idx.msk [tilespmem:v59+s16+$0x0], $0xffff  }
0x33e: {  	v62 =	vor.u32 v61, v27  }
0x33f: {  	v63 =	vor.u32 v32, v27;
	_ =	sdelay $0x1  }
0x340: {  	[tilespmem:v60+s24+$0x0] =	vst.idx.msk $0xffff, v29  }
0x341: {  	[tilespmem:v31+s24+$0x0] =	vst.idx.msk $0xffff, v34  }
0x342: {  	v40 =	vor.u32 v61, v28;
	v29 =	vld.idx.msk [tilespmem:v62+s16+$0x0], $0xffff  }
0x343: {  	v41 =	vadd.s32 $0x2B, v1;
	v33 =	vcombine.low v33, v25;
	v32 =	vor.u32 v32, v28;
	v31 =	vld.idx.msk [tilespmem:v63+s16+$0x0], $0xffff  }
0x344: {  	v42 =	vor.u32 v41, v27  }
0x345: {  	v43 =	vor.u32 v33, v27;
	_ =	sdelay $0x1  }
0x346: {  	[tilespmem:v40+s24+$0x0] =	vst.idx.msk $0xffff, v29  }
0x347: {  	[tilespmem:v32+s24+$0x0] =	vst.idx.msk $0xffff, v31  }
0x348: {  	v44 =	vor.u32 v41, v28;
	v29 =	vld.idx.msk [tilespmem:v42+s16+$0x0], $0xffff  }
0x349: {  	v45 =	vor.u32 v33, v28;
	v46 =	vadd.s32 $0x2C, v1;
	v31 =	vld.idx.msk [tilespmem:v43+s16+$0x0], $0xffff  }
0x34a: {  	v47 =	vor.u32 v46, v27  }
0x34b: {  	v48 =	vor.u32 v18, v27;
	_ =	sdelay $0x1  }
0x34c: {  	[tilespmem:v44+s24+$0x0] =	vst.idx.msk $0xffff, v29  }
0x34d: {  	[tilespmem:v45+s24+$0x0] =	vst.idx.msk $0xffff, v31  }
0x34e: {  	v49 =	vor.u32 v46, v28;
	v29 =	vld.idx.msk [tilespmem:v47+s16+$0x0], $0xffff  }
0x34f: {  	v50 =	vor.u32 v18, v28;
	v51 =	vadd.s32 $0x2D, v1;
	v31 =	vld.idx.msk [tilespmem:v48+s16+$0x0], $0xffff  }
0x350: {  	v52 =	vor.u32 v51, v27  }
0x351: {  	v53 =	vor.u32 v19, v27;
	_ =	sdelay $0x1  }
0x352: {  	[tilespmem:v49+s24+$0x0] =	vst.idx.msk $0xffff, v29  }
0x353: {  	[tilespmem:v50+s24+$0x0] =	vst.idx.msk $0xffff, v31  }
0x354: {  	v54 =	vor.u32 v51, v28;
	v29 =	vld.idx.msk [tilespmem:v52+s16+$0x0], $0xffff  }
0x355: {  	v55 =	vor.u32 v19, v28;
	v56 =	vadd.s32 $0x2E, v1;
	v31 =	vld.idx.msk [tilespmem:v53+s16+$0x0], $0xffff  }
0x356: {  	v57 =	vor.u32 v56, v27  }
0x357: {  	v58 =	vor.u32 v20, v27;
	_ =	sdelay $0x1  }
0x358: {  	[tilespmem:v54+s24+$0x0] =	vst.idx.msk $0xffff, v29  }
0x359: {  	[tilespmem:v55+s24+$0x0] =	vst.idx.msk $0xffff, v31  }
0x35a: {  	v59 =	vor.u32 v56, v28;
	v29 =	vld.idx.msk [tilespmem:v57+s16+$0x0], $0xffff  }
0x35b: {  	v61 =	vadd.s32 $0x2F, v1;
	v60 =	vor.u32 v20, v28;
	v31 =	vld.idx.msk [tilespmem:v58+s16+$0x0], $0xffff  }
0x35c: {  	v62 =	vor.u32 v61, v27  }
0x35d: {  	v27 =	vor.u32 v26, v27;
	_ =	sdelay $0x1  }
0x35e: {  	[tilespmem:v59+s24+$0x0] =	vst.idx.msk $0xffff, v29  }
0x35f: {  	[tilespmem:v60+s24+$0x0] =	vst.idx.msk $0xffff, v31  }
0x360: {  	v63 =	vor.u32 v61, v28;
	v29 =	vld.idx.msk [tilespmem:v62+s16+$0x0], $0xffff  }
0x361: {  	p1 =	seq.s32 s10, $0xF0;
	v28 =	vor.u32 v26, v28;
	v27 =	vld.idx.msk [tilespmem:v27+s16+$0x0], $0xffff  }
.Ltmp6:
0x362: {  	_ = 	snop;
	(pc) =	sbr.rel @!p1 .LBB2_6-.Ltmp6, $3  }
0x363: {  	_ =	sdelay $0x1  }
0x364: {  	[tilespmem:v63+s24+$0x0] =	vst.idx.msk $0xffff, v29  }
0x365: {  	s25 =	sadd.s32 $0x20, s25;
	s10 =	sadd.s32 $0x10, s10;
	[tilespmem:v28+s24+$0x0] =	vst.idx.msk $0xffff, v27  }
.Ltmp7:
0x366: {  	_ = 	snop;
	(pc) =	sbr.rel .LBB2_8-.Ltmp7, $1  }
0x367: {  	_ =	sdelay $0x3  }
.LBB2_7:
0x368: {  	s10 =	simm.s32 $0x500  }
0x369: {  	[tilespmem:s24], [sflag:$0x4] =	stream.indirect.gather [hbm4b:s5+s28], $0x80, s10, s28, $0xb8;
	[tilespmem:$0x12400] =	vst v63  }
0x36a: {  	s30 =	simm.s32 $0x580  }
0x36b: {  	[tilespmem:s31], [sflag:$0x4] =	stream.indirect.gather [hbm4b:s5+s28], $0x80, s30, s28, $0xb8;
	[tilespmem:$0x12400] =	vst v63  }
0x36c: {  	_ =	swait.ge [sflag:s2], $0x4000  }
0x36d: {  	[sflag:s2] =	ssyncset.done $0x0  }
0x36e: {  	[sflag:s2] =	ssyncadd.s32 $0xFFFFC000  }
0x36f: {  	_ =	swait.ge [sflag:s2], $0x4000  }
0x370: {  	[sflag:s2] =	ssyncset.done $0x0  }
0x371: {  	[sflag:s2] =	ssyncadd.s32 $0xFFFFC000  }
.LBB2_8:
.Ltmp8:
0x372: {  	(pc) =	sbr.rel @p0 .LBB2_10-.Ltmp8, $4  }
0x373: {  	s10 =	sadd.s32 s17, s13  }
0x374: {  	s10 =	sshrl.u32 s10, $0x3  }
0x375: {  	s10 =	sadd.s32 s6, s10  }
0x376: {  	[hbm4b:s10+s3] =	stream.linear.scatter [tilespmem:s24], [sflag:$0x6], $0x8000, $0x38;
	[tilespmem:$0x12400] =	vst v63  }
0x377: {  	_ =	swait.ge [sflag:s19], $0x100  }
0x378: {  	[sflag:s19] =	ssyncset.done $0x0  }
0x379: {  	[sflag:s19] =	ssyncadd.s32 $0xFFFFFF00  }
0x37a: {  	_ =	swait.ge [sflag:s19], $0x100  }
0x37b: {  	[sflag:s19] =	ssyncset.done $0x0  }
0x37c: {  	[sflag:s19] =	ssyncadd.s32 $0xFFFFFF00  }
0x37d: {  	v29 =	vld [tilespmem:$0x0]  }
0x37e: {  	v31 =	vld [tilespmem:$0x200]  }
0x37f: {  	v44 =	vld [tilespmem:$0x10]  }
0x380: {  	v37 =	vld [tilespmem:$0x210]  }
0x381: {  	v45 =	vld [tilespmem:$0x20]  }
0x382: {  	v46 =	vld [tilespmem:$0x220]  }
0x383: {  	v47 =	vld [tilespmem:$0x30]  }
0x384: {  	v48 =	vld [tilespmem:$0x230]  }
0x385: {  	v49 =	vld [tilespmem:$0x40];
	vm1 =	vgt.s32 v29, v31;
	vm2 =	vgt.s32 v44, v37  }
0x386: {  	v50 =	vld [tilespmem:$0x240];
	v27 =	vsel vm1, v29, v31;
	v28 =	vsel vm2, v44, v37  }
0x387: {  	v51 =	vld [tilespmem:$0x50];
	vm2 =	vgt.s32 v45, v46;
	vm1 =	vgt.s32 v27, v28  }
0x388: {  	v52 =	vld [tilespmem:$0x250];
	v36 =	vsel vm2, v45, v46;
	v27 =	vsel vm1, v27, v28  }
0x389: {  	v53 =	vld [tilespmem:$0x60];
	vm2 =	vgt.s32 v47, v48;
	vm1 =	vgt.s32 v27, v36  }
0x38a: {  	v54 =	vld [tilespmem:$0x260];
	v38 =	vsel vm2, v47, v48;
	v27 =	vsel vm1, v27, v36  }
0x38b: {  	v41 =	vld [tilespmem:$0x70];
	vm2 =	vgt.s32 v49, v50;
	vm1 =	vgt.s32 v27, v38  }
0x38c: {  	v55 =	vld [tilespmem:$0x270];
	v57 =	vsel vm2, v49, v50;
	v27 =	vsel vm1, v27, v38  }
0x38d: {  	v43 =	vld [tilespmem:$0x80];
	vm2 =	vgt.s32 v51, v52;
	vm1 =	vgt.s32 v27, v57  }
0x38e: {  	v42 =	vld [tilespmem:$0x280];
	v58 =	vsel vm2, v51, v52;
	v27 =	vsel vm1, v27, v57  }
0x38f: {  	v39 =	vld [tilespmem:$0x90];
	vm2 =	vgt.s32 v53, v54;
	vm1 =	vgt.s32 v27, v58  }
0x390: {  	v59 =	vsel vm2, v53, v54;
	v38 =	vld [tilespmem:$0x290];
	v27 =	vsel vm1, v27, v58  }
0x391: {  	v40 =	vld [tilespmem:$0x2A0];
	vm2 =	vgt.s32 v41, v55;
	vm1 =	vgt.s32 v27, v59  }
0x392: {  	v36 =	vld [tilespmem:$0xA0];
	v60 =	vsel vm2, v41, v55;
	v27 =	vsel vm1, v27, v59  }
0x393: {  	v34 =	vld [tilespmem:$0xB0];
	vm2 =	vgt.s32 v43, v42;
	vm1 =	vgt.s32 v27, v60  }
0x394: {  	v32 =	vld [tilespmem:$0x2B0];
	v30 =	vsel vm2, v43, v42;
	v28 =	vsel vm1, v27, v60  }
0x395: {  	v33 =	vld [tilespmem:$0x2C0];
	vm2 =	vgt.s32 v39, v38;
	vm1 =	vgt.s32 v28, v30  }
0x396: {  	v61 =	vsel vm2, v39, v38;
	v27 =	vld [tilespmem:$0xC0];
	v28 =	vsel vm1, v28, v30  }
0x397: {  	vm2 =	vgt.s32 v36, v40;
	vm1 =	vgt.s32 v28, v61  }
0x398: {  	v56 =	vsel vm2, v36, v40;
	v30 =	vld [tilespmem:$0xD0];
	v35 =	vsel vm1, v28, v61  }
0x399: {  	vm2 =	vgt.s32 v34, v32;
	v28 =	vld [tilespmem:$0x2D0];
	vm1 =	vgt.s32 v35, v56  }
0x39a: {  	v62 =	vsel vm2, v34, v32;
	v35 =	vsel vm1, v35, v56;
	vm1 =	vgt.s32 v31, $0x0  }
0x39b: {  	vm2 =	vgt.s32 v27, v33;
	v31 =	vnsel vm1, $0x0, v31;
	vm1 =	vgt.s32 v35, v62  }
0x39c: {  	v63 =	vsel vm2, v27, v33;
	v35 =	vsel vm1, v35, v62;
	vm1 =	vgt.s32 v29, $0x0  }
0x39d: {  	v57 =	vmin.u32 v31, $0x11F;
	v31 =	vld [tilespmem:$0xE0];
	v29 =	vnsel vm1, $0x0, v29;
	vm1 =	vgt.s32 v35, v63  }
0x39e: {  	v57 =	vmul.u32 $0x7, v57;
	v56 =	vsel vm1, v35, v63;
	vm1 =	vgt.s32 v30, v28;
	v35 =	vld [tilespmem:$0x2E0]  }
0x39f: {  	v29 =	vmin.u32 v29, $0x6;
	v58 =	vsel vm1, v30, v28;
	vm1 =	vgt.s32 v37, $0x0  }
0x3a0: {  	v57 =	vadd.s32 v29, v57;
	v29 =	vld [tilespmem:$0xF0];
	v37 =	vnsel vm1, $0x0, v37;
	vm1 =	vgt.s32 v56, v58  }
0x3a1: {  	v56 =	vsel vm1, v56, v58;
	vm1 =	vgt.s32 v44, $0x0;
	v60 =	vmin.u32 v37, $0x11F;
	v37 =	vld [tilespmem:$0x2F0]  }
0x3a2: {  	v44 =	vnsel vm1, $0x0, v44;
	v58 =	vmul.u32 $0x7, v60;
	vm1 =	vgt.s32 v46, $0x0  }
0x3a3: {  	v44 =	vmin.u32 v44, $0x6;
	v46 =	vnsel vm1, $0x0, v46;
	vm1 =	vgt.s32 v31, v35  }
0x3a4: {  	v44 =	vadd.s32 v44, v58;
	v61 =	vsel vm1, v31, v35;
	vm1 =	vgt.s32 v45, $0x0  }
0x3a5: {  	v46 =	vmin.u32 v46, $0x11F;
	v45 =	vnsel vm1, $0x0, v45;
	vm1 =	vgt.s32 v56, v61  }
0x3a6: {  	v46 =	vmul.u32 $0x7, v46;
	v56 =	vsel vm1, v56, v61;
	vm1 =	vgt.s32 v29, v37  }
0x3a7: {  	v45 =	vmin.u32 v45, $0x6;
	v62 =	vsel vm1, v29, v37;
	vm1 =	vgt.s32 v48, $0x0  }
0x3a8: {  	v45 =	vadd.s32 v45, v46;
	v63 =	vnsel vm1, $0x0, v48;
	vm1 =	vgt.s32 v56, v62  }
0x3a9: {  	v59 =	vsel vm1, v56, v62;
	vm1 =	vgt.s32 v47, $0x0;
	v46 =	vmin.u32 v63, $0x11F  }
0x3aa: {  	v47 =	vnsel vm1, $0x0, v47;
	v46 =	vmul.u32 $0x7, v46;
	vm1 =	vgt.s32 v49, $0x0  }
0x3ab: {  	v47 =	vmin.u32 v47, $0x6;
	v49 =	vnsel vm1, $0x0, v49;
	vm1 =	vgt.s32 v50, $0x0  }
0x3ac: {  	v46 =	vadd.s32 v47, v46;
	v60 =	vnsel vm1, $0x0, v50;
	vm1 =	vgt.s32 v52, $0x0  }
0x3ad: {  	v49 =	vmin.u32 v49, $0x6;
	v47 =	vmin.u32 v60, $0x11F;
	v61 =	vnsel vm1, $0x0, v52  }
0x3ae: {  	vm1 =	vgt.s32 v51, $0x0;
	v47 =	vmul.u32 $0x7, v47;
	v50 =	vmin.u32 v61, $0x11F  }
0x3af: {  	[tilespmem:$0x400] =	vst v57;
	v51 =	vnsel vm1, $0x0, v51;
	vm1 =	vgt.s32 v53, $0x0;
	v50 =	vmul.u32 $0x7, v50  }
0x3b0: {  	[tilespmem:$0x600] =	vst v57;
	v51 =	vmin.u32 v51, $0x6;
	v62 =	vnsel vm1, $0x0, v53;
	vm1 =	vgt.s32 v54, $0x0  }
0x3b1: {  	[tilespmem:$0x410] =	vst v44;
	v47 =	vadd.s32 v49, v47;
	v53 =	vnsel vm1, $0x0, v54;
	v54 =	vmin.u32 v62, $0x6  }
0x3b2: {  	[tilespmem:$0x610] =	vst v44;
	vm1 =	vgt.s32 v55, $0x0;
	v63 =	vadd.s32 v51, v50;
	v50 =	vmin.u32 v53, $0x11F  }
0x3b3: {  	[tilespmem:$0x420] =	vst v45;
	v55 =	vnsel vm1, $0x0, v55;
	vm1 =	vgt.s32 v41, $0x0;
	v50 =	vmul.u32 $0x7, v50  }
0x3b4: {  	[tilespmem:$0x620] =	vst v45;
	v41 =	vnsel vm1, $0x0, v41;
	v56 =	vmin.u32 v55, $0x11F;
	vm1 =	vgt.s32 v43, $0x0  }
0x3b5: {  	[tilespmem:$0x430] =	vst v46;
	v45 =	vmul.u32 $0x7, v56;
	v43 =	vnsel vm1, $0x0, v43;
	vm1 =	vgt.s32 v42, $0x0  }
0x3b6: {  	[tilespmem:$0x630] =	vst v46;
	v41 =	vmin.u32 v41, $0x6;
	v42 =	vnsel vm1, $0x0, v42;
	vm1 =	vgt.s32 v59, $0x0  }
0x3b7: {  	[tilespmem:$0x440] =	vst v47;
	v44 =	vadd.s32 v54, v50;
	v43 =	vmin.u32 v43, $0x6;
	v41 =	vadd.s32 v41, v45  }
0x3b8: {  	[tilespmem:$0x640] =	vst v47;
	v57 =	vnsel vm1, $0x0, v59;
	v42 =	vmin.u32 v42, $0x11F;
	vm1 =	vgt.s32 v39, $0x0  }
0x3b9: {  	[tilespmem:$0x450] =	vst v63;
	v42 =	vmul.u32 $0x7, v42;
	v39 =	vnsel vm1, $0x0, v39;
	vm1 =	vgt.s32 v38, $0x0  }
0x3ba: {  	[tilespmem:$0x650] =	vst v63;
	v45 =	vor.u32 $0x80000000, v57;
	v38 =	vnsel vm1, $0x0, v38;
	vm1 =	vgt.s32 v40, $0x0  }
0x3bb: {  	[tilespmem:$0x460] =	vst v44;
	v39 =	vmin.u32 v39, $0x6;
	v42 =	vadd.s32 v43, v42;
	v38 =	vmin.u32 v38, $0x11F  }
0x3bc: {  	(xrf0) =	vmax.scan.msk.u32 $0xffff, v45;
	v40 =	vnsel vm1, $0x0, v40;
	vm1 =	vgt.s32 v36, $0x0;
	v38 =	vmul.u32 $0x7, v38  }
0x3bd: {  	[tilespmem:$0x660] =	vst v44;
	v40 =	vmin.u32 v40, $0x11F;
	v36 =	vnsel vm1, $0x0, v36;
	vm1 =	vgt.s32 v34, $0x0  }
0x3be: {  	[tilespmem:$0x470] =	vst v41;
	v40 =	vmul.u32 $0x7, v40;
	v34 =	vnsel vm1, $0x0, v34;
	vm1 =	vgt.s32 v32, $0x0  }
0x3bf: {  	[tilespmem:$0x670] =	vst v41;
	v36 =	vmin.u32 v36, $0x6;
	v38 =	vadd.s32 v39, v38;
	v32 =	vnsel vm1, $0x0, v32  }
0x3c0: {  	[tilespmem:$0x480] =	vst v42;
	vm1 =	vgt.s32 v33, $0x0;
	v34 =	vmin.u32 v34, $0x6;
	v36 =	vadd.s32 v36, v40  }
0x3c1: {  	[tilespmem:$0x700] =	vst v42;
	v32 =	vmin.u32 v32, $0x11F;
	v33 =	vnsel vm1, $0x0, v33;
	vm1 =	vgt.s32 v27, $0x0  }
0x3c2: {  	[tilespmem:$0x490] =	vst v38;
	v58, _, _ =	vpop (xrf0);
	v32 =	vmul.u32 $0x7, v32;
	v33 =	vmin.u32 v33, $0x11F;
	v27 =	vnsel vm1, $0x0, v27  }
0x3c3: {  	[tilespmem:$0x710] =	vst v38;
	vm1 =	vgt.s32 v30, $0x0;
	(v2sf) =	vpush v58, $0xF;
	v33 =	vmul.u32 $0x7, v33  }
0x3c4: {  	[tilespmem:$0x4A0] =	vst v36;
	v27 =	vmin.u32 v27, $0x6;
	v30 =	vnsel vm1, $0x0, v30;
	vm1 =	vgt.s32 v28, $0x0  }
0x3c5: {  	[tilespmem:$0x720] =	vst v36;
	v32 =	vadd.s32 v34, v32;
	v28 =	vnsel vm1, $0x0, v28;
	v30 =	vmin.u32 v30, $0x6  }
0x3c6: {  	vm1 =	vgt.s32 v35, $0x0;
	v27 =	vadd.s32 v27, v33;
	[tilespmem:$0x4B0] =	vst v32;
	v28 =	vmin.u32 v28, $0x11F  }
0x3c7: {  	[tilespmem:$0x730] =	vst v32;
	v59 =	vnsel vm1, $0x0, v35;
	vm1 =	vgt.s32 v31, $0x0;
	v28 =	vmul.u32 $0x7, v28  }
0x3c8: {  	[tilespmem:$0x4C0] =	vst v27;
	v31 =	vnsel vm1, $0x0, v31;
	v32 =	vmin.u32 v59, $0x11F;
	vm1 =	vgt.s32 v37, $0x0  }
0x3c9: {  	[tilespmem:$0x740] =	vst v27;
	v60 =	vmul.u32 $0x7, v32;
	v61 =	vnsel vm1, $0x0, v37;
	v27 =	vadd.s32 v30, v28  }
0x3ca: {  	v31 =	vmin.u32 v31, $0x6;
	vm1 =	vgt.s32 v29, $0x0;
	v30 =	vmin.u32 v61, $0x11F;
	[tilespmem:$0x4D0] =	vst v27  }
0x3cb: {  	v62 =	vnsel vm1, $0x0, v29;
	[tilespmem:$0x750] =	vst v27;
	v27 =	vadd.s32 v31, v60;
	v63 =	vmul.u32 $0x7, v30  }
0x3cc: {  	v28 =	vmin.u32 v62, $0x6;
	[tilespmem:$0x4E0] =	vst v27  }
0x3cd: {  	s10 =	sadd.s32 s15, s14;
	[tilespmem:$0x760] =	vst v27;
	v27 =	vadd.s32 v28, v63  }
0x3ce: {  	s10 =	sshrl.u32 s10, $0x3;
	[tilespmem:$0x4F0] =	vst v27  }
0x3cf: {  	s25 =	sadd.s32 s0, s10;
	[tilespmem:$0x770] =	vst v27  }
0x3d0: {  	[tilespmem:s20], [sflag:$0x2] =	stream.linear.gather [hbm4b:s25+s3], $0x100, $0x38;
	[tilespmem:$0x12400] =	vst v63  }
.Ltmp9:
0x3d1: {  	s10 =	sadd.s32 s4, s10;
	(pc) =	sbr.rel .LBB2_2-.Ltmp9, $4  }
0x3d2: {  	[tilespmem:s21], [sflag:$0x2] =	stream.linear.gather [hbm4b:s10+s3], $0x100, $0x38;
	[tilespmem:$0x12400] =	vst v63  }
0x3d3: {  	s29 =	spop (v2sf)  }
0x3d4: {  	s30 =	sxor.u32 $0x80000000, s29  }
0x3d5: {  	s11 =	sadd.s32 $0x1, s11;
	[smem:$0x0] =	sst s30  }
.LBB2_11:
0x3d6: {  	_ =	sfence.sel $0x180000  }
0x3d7: {  	[bflag:$0x0] =	sbarrier.arrive $0xFFFF  }
0x3d8: {  	_ =	strace $0x90000047  }
0x3d9: {  	s0 =	stileid.u32;
	[bflag:$0x2] =	sbarrier.arrive $0xFFFF  }
0x3da: {  	p0 =	sne.s32 s0, $0x0;
	s0 =	rddreg [dreg:$0x2]  }
0x3db: {  	s0 =	sadd.s32 @!p0 $0x100000, s0  }
0x3dc: {  	[sflag:s0] =	ssyncadd.tile.s32 @!p0 $0x1;
	_ =	shalt  }
.Lfunc_end2:
_tile_overlayer_lowered:
.L_overlay_start_2:
0x3dd: {  	(tag) =	ssettag $0x2  }
0x3de: {  	s0 =	rddreg [dreg:$0x0];
	s2 =	stileid.u32  }
0x3df: {  	s1 =	rddreg [dreg:$0x1];
	p0 =	sne.s32 s2, $0x0  }
0x3e0: {  	s3 =	rddreg [dreg:$0x2];
	[bflag:$0x3] =	sbarrier.arrive $0xFFFF;
	s2 =	simm.s32 @!p0 $0x1C07  }
0x3e1: {  	[timem:s3], [sflag:s2] =	dma.local @!p0 [hbm:s0], s1  }
0x3e2: {  	s0 =	simm.s32 @!p0 $0x7  }
0x3e3: {  	_ =	swait.ge @!p0 [sflag:s0], s1  }
0x3e4: {  	s1 =	ssub.s32 @!p0 $0x0, s1;
	[sflag:s0] =	ssyncset.done @!p0 $0x0  }
0x3e5: {  	[sflag:s0] =	ssyncadd.s32 @!p0 s1  }
0x3e6: {  	[bflag:$0x3] =	sbarrier.arrive $0xFFFF  }
0x3e7: {  	_ =	shalt  }

// kernel: sparse-core-data-format-call.cloned.1.call-start
scs
called_computation_lowered:
.L_overlay_start_0:
0x0: {  	s2 =	sld [smem:$0x3FD9]  }
0x1: {  	s3 =	sld [smem:$0x3FFE];
	_ =	sdelay $0x1  }
0x2: {  	s1 =	srdreg.scid  }
0x3: {  	s0 =	sand.u32 $0x1, s1  }
0x4: {  	s18 =	sshll.u32 s0, $0xA;
	s2 =	sadd.s32 s3, s2  }
0x5: {  	s2 =	sadd.s32 s2, s18  }
0x6: {  	[smem:$0x3FC5] =	sst s2  }
0x7: {  	_ = 	snop  }
0x8: {  	s2 =	sld [smem:$0x3FD0];
	(tm) =	ssettm $0x1  }
0x9: {  	s19 =	sld [smem:$0x3FFB];
	_ =	sdelay $0x3  }
0xa: {  	_ =	strace s19  }
0xb: {  	s3 =	sld [smem:$0x3FFC];
	_ =	sdelay $0x3  }
0xc: {  	_ =	strace s3  }
0xd: {  	s3 =	sld [smem:$0x3FFD];
	_ =	sdelay $0x3  }
0xe: {  	_ =	strace s3  }
0xf: {  	_ =	strace $0x8FFFFFFF  }
0x10: {  	s20 =	sld [smem:$0x3FDB];
	_ =	sdelay $0x1  }
0x11: {  	s4 =	simm.s32 $_scs_section_size  }
0x12: {  	s5 =	simm.s32 $_size__tile_overlayer_lowered;
	s6 =	simm.s32 $_tile_overlayer_lowered  }
0x13: {  	s23 =	simm.s32 $0x1BFF;
	s22 =	sshll.u32 s6, $0x1;
	s3 =	sadd.s32 s4, s20  }
0x14: {  	s7 =	simm.s32 $0x0;
	s21 =	sshll.u32 s5, $0x1;
	s5 =	sadd.s32 s22, s3  }
0x15: {  	[timem:s7], [sflag:s23] =	dma.local [hbm:s5], s21  }
0x16: {  	_ =	swait.ge [sflag:s23], s21  }
0x17: {  	s4 =	ssub.s32 $0x0, s21;
	[sflag:s23] =	ssyncset.done $0x0  }
0x18: {  	[sflag:s23] =	ssyncadd.s32 s4;
	_ =	sdelay $0x1  }
0x19: {  	s24 =	simm.s32 $0x1B8B  }
0x1a: {  	_ =	swait.ge [sflag:s24], $0x1  }
0x1b: {  	[sflag:s24] =	ssyncset.done $0x0  }
0x1c: {  	s26 =	simm.s32 $0x1B8E;
	s25 =	sld [smem:$0x3FFE];
	[sflag:s24] =	ssyncadd.s32 $0xFFFFFFFF  }
0x1d: {  	s27 =	simm.s32 $execute0_lowered;
	[smem:$0x3FD2] =	sst s26  }
0x1e: {  	s5 =	sshll.u32 s27, $0x1;
	_ =	strace $0x80000049;
	[dreg:$0x1] =	wrdreg $0xFFFFFFFF  }
0x1f: {  	s28 =	simm.s32 $_size_execute0_lowered;
	s3 =	sadd.s32 s3, s5;
	[dreg:$0x0] =	wrdreg $0x0  }
0x20: {  	s5 =	sshll.u32 s28, $0x1;
	[dreg:$0x2] =	wrdreg s3  }
0x21: {  	[dreg:$0x3] =	wrdreg s5  }
0x22: {  	[dreg:$0x4] =	wrdreg $0xC0  }
0x23: {  	_ =	task [dreg:s7], $0x5FFFF  }
0x24: {  	[dreg:$0x1] =	wrdreg $0xFFFFFFFF  }
0x25: {  	[dreg:$0x0] =	wrdreg $0x60  }
0x26: {  	[dreg:$0x2] =	wrdreg s25  }
0x27: {  	[dreg:$0x3] =	wrdreg s2  }
0x28: {  	[dreg:$0x4] =	wrdreg $0x9  }
0x29: {  	_ =	task.clear_ibuf [dreg:s7], $0x5FFFF;
	_ =	strace $0x90000049  }
0x2a: {  	s29 =	simm.s32 $0x9;
	_ =	strace $0x8000004B  }
0x2b: {  	_ =	swait.ge [sflag:s29], $0x1  }
0x2c: {  	[sflag:s29] =	ssyncadd.s32 $0xFFFFFFFF  }
0x2d: {  	_ =	strace $0x9000004B  }
0x2e: {  	_ =	sfence  }
0x2f: {  	s30 =	sld [smem:$0x0];
	_ =	sdelay $0x2  }
0x30: {  	s31 =	sshll.u32 s1, $0xD;
	s1 =	sshrl.u32 s1, $0x2  }
0x31: {  	s3 =	sand.u32 $0x4000, s31;
	s1 =	sadd.s32 s1, s30  }
0x32: {  	s0 =	sor.u32 s3, s0;
	s1 =	sshll.u32 s1, $0x11  }
0x33: {  	s0 =	sor.u32 s1, s0  }
0x34: {  	s0 =	sadd.s32 $0x8F2B, s0  }
0x35: {  	[sflag:s0] =	ssyncadd.remote.s32 $0x1  }
0x36: {  	_ =	sfence.sel $0xFFFF  }
0x37: {  	[dreg:$0x0] =	wrdreg $0xFFFFFFFF;
	(pc) =	sbr.abs _section_cstart, $3  }
0x38: {  	[dreg:$0x1] =	wrdreg $0xFFFFFFFF  }
0x39: {  	_ =	task.clear_ibuf [dreg:s7], $0x2FFFF;
	_ =	strace $0x9FFFFFFF  }
0x3a: {  	(tm) =	ssettm $0x7FFFFFFF  }
0x3b: {  	_ =	shalt  }
tec
execute0_lowered:
.L_overlay_start_1:
0x0: {  	(tag) =	ssettag $0x1  }
0x1: {  	s0 =	srdreg.scid  }
0x2: {  	s1 =	sshll.u32 s0, $0x4  }
0x3: {  	s6 =	rddreg [dreg:$0x0];
	s0 =	stileid.u32;
	s1 =	sand.u32 $0x10, s1  }
0x4: {  	s3 =	rddreg [dreg:$0x1];
	s1 =	sor.u32 s0, s1  }
0x5: {  	s5 =	simm.s32 $0x1;
	s31 =	simm.s32 $0x2;
	s2 =	sshll.u32 s1, $0x7  }
0x6: {  	s15 =	simm.s32 $0x0;
	s8 =	simm.s32 $0x20000;
	s4 =	ssub.s32 $0x4000, s2  }
0x7: {  	s14 =	simm.s32 $0x0;
	s9 =	simm.s32 $0x0;
	s30 =	sand.u32 $0xF80, s4  }
0x8: {  	s10 =	simm.s32 $0x0;
	s11 =	simm.s32 $0x0;
	p0 =	sne.s32 s30, $0x0  }
.Ltmp0:
0x9: {  	s7 =	sshrl.u32 s4, $0xC;
	s5 =	simm.s32 @!p0 $0x0;
	(pc) =	sbr.rel .LBB1_1-.Ltmp0, $4  }
0xa: {  	s13 =	simm.s32 $0x0;
	s1 =	rddreg [dreg:$0x2];
	s5 =	sadd.s32 s5, s7  }
0xb: {  	_ =	strace $0x8000004A;
	s4 =	simm.s32 $0x1;
	s5 =	smul.u32 $0xC8, s5  }
0xc: {  	s6 =	sadd.s32 $0x6CA00, s6;
	s12 =	smov.u32 s2;
	[sflag:s4] =	ssyncpa.u1 $0x0  }
0xd: {  	[sflag:s31] =	ssyncpa.u1 $0x0;
	p0 =	por $0x0, $0x0;
	s7 =	sor.u32 $0x1, s5  }
.LBB1_4:
0xe: {  	s20 =	sshra.s32 s20, $0x2;
	s28 =	sshll.u32 s10, $0x3;
	p1 =	sgt.s32 s9, $0xC7  }
0xf: {  	s21 =	smov.u32 s9;
	s23 =	sshra.s32 s9, $0x1F;
	s24 =	smov.u32 s10  }
0x10: {  	v5 =	vld [tilespmem:s17+$0xFFFFFFD0];
	[tilespmem:s18+$0x2040 ss:$0x81] =	vst.msk $0xffff, v4;
	s25 =	sshra.s32 s10, $0x1F;
	s26 =	sand.u32 $0x78, s10;
	s19 =	sadd.s32 s20, s19  }
0x11: {  	v58 =	vld [tilespmem:s17+$0xFFFFFFE0];
	[tilespmem:s18+$0x2850 ss:$0x81] =	vst.msk $0xffff, v3;
	s22 =	sshrl.u32 s28, $0xE;
	s21 =	simm.s32 @!p1 $0xC7;
	s23 =	sand.u32 s23, s9  }
0x12: {  	v59 =	vld [tilespmem:s17+$0xFFFFFFF0];
	[tilespmem:s18+$0x3060 ss:$0x81] =	vst.msk $0xffff, v2;
	p1 =	sgt.s32 s10, $0x3F80;
	s29 =	sand.u32 s25, s10;
	s20 =	sand.u32 $0x3C00, s28  }
0x13: {  	v60 =	vld [tilespmem:s17+$0x0];
	[tilespmem:s18+$0x0 ss:$0x81] =	vst.msk $0xffff, v0;
	s28 =	smul.u32 $0x30000, s9;
	s21 =	ssub.s32 s21, s23;
	s24 =	simm.s32 @!p1 $0x3F80  }
0x14: {  	v61 =	vld [tilespmem:s17+$0x10];
	s30 =	smulhi.u32 $0x2AAAAAB, s22;
	[tilespmem:s19+$0x3870 ss:$0x81] =	vst.msk $0xffff, v1;
	s20 =	sor.u32 s26, s20;
	s31 =	ssub.s32 $0xC8, s21  }
0x15: {  	v62 =	vld [tilespmem:s17+$0x20];
	s23 =	ssub.s32 s24, s29;
	s21 =	sadd.s32 $0xFFFFFF39, s21;
	s25 =	smul.u32 $0x60, s31;
	[tilespmem:s19+$0x810 ss:$0x81] =	vst.msk $0xffff, v5  }
0x16: {  	v63 =	vld [tilespmem:s17+$0xFFFFFFC0];
	s18 =	smul.u32 $0x60, s30;
	p1 =	sgt.s32 s21, $0x0;
	s27 =	sadd.s32 $0xFFFFC080, s23;
	[tilespmem:s19+$0x1020 ss:$0x81] =	vst.msk $0xffff, v58  }
0x17: {  	s17 =	ssub.s32 $0x4000, s23;
	[tilespmem:s19+$0x1830 ss:$0x81] =	vst.msk $0xffff, v59;
	s25 =	simm.s32 @p1 $0x0;
	p1 =	sgt.s32 s27, $0x7F  }
0x18: {  	s29 =	sand.u32 $0x7, s10;
	[tilespmem:s19+$0x2040 ss:$0x81] =	vst.msk $0xffff, v60;
	s18 =	ssub.s32 s22, s18;
	s17 =	simm.s32 @p1 $0x0  }
0x19: {  	s21 =	sadd.s32 s3, s28;
	[tilespmem:s19+$0x2850 ss:$0x81] =	vst.msk $0xffff, v61;
	s18 =	sshll.u32 s18, $0xB;
	s17 =	smul.u32 s17, s25  }
0x1a: {  	s20 =	sshrl.u32 s20, $0x3;
	s30 =	sshll.u32 s29, $0x12;
	[tilespmem:s19+$0x3060 ss:$0x81] =	vst.msk $0xffff, v62;
	s18 =	sadd.s32 s18, s21  }
0x1b: {  	[tilespmem:s19+$0x0 ss:$0x81] =	vst.msk $0xffff, v63;
	s31 =	sor.u32 $0x400, s30;
	s18 =	sadd.s32 s20, s18;
	s17 =	sand.u32 $0x3FFFFFE0, s17  }
0x1c: {  	[hbm4b:s18+s31] =	stream.strided.scatter [tilespmem:s16], [sflag:$0x2], s17, s8, s31, $0x20;
	[tilespmem:$0x10100] =	vst v63  }
.LBB1_5:
0x1d: {  	p1 =	slt.u32 s13, $0x2  }
0x1e: {  	s17 =	smov.u32 s15;
	p2 =	sgt.s32 @!p1 s15, $0xC7;
	s16 =	sshra.s32 @!p1 s15, $0x1F  }
0x1f: {  	p3 =	sgt.s32 @!p1 s14, $0x3F80;
	s18 =	sshra.s32 @!p1 s14, $0x1F;
	p2 =	por !p2, p1  }
0x20: {  	s15 =	sand.u32 @!p1 s16, s15;
	p3 =	por !p3, p1;
	s16 =	smov.u32 s14  }
0x21: {  	s14 =	sand.u32 @!p1 s18, s14;
	s17 =	simm.s32 @p2 $0xC7;
	s16 =	simm.s32 @p3 $0x3F80  }
0x22: {  	s18 =	smov.u32 s12;
	s15 =	ssub.s32 @!p1 s17, s15;
	s14 =	ssub.s32 @!p1 s16, s14  }
0x23: {  	s16 =	sadd.s32 @!p1 $0xFFFFFF39, s15;
	s15 =	ssub.s32 @!p1 $0xC8, s15;
	s17 =	sadd.s32 @!p1 $0xFFFFC080, s14  }
0x24: {  	p2 =	sgt.s32 @!p1 s16, $0x0;
	s15 =	smul.u32 @!p1 $0x60, s15;
	p3 =	sgt.s32 @!p1 s17, $0x7F  }
0x25: {  	s14 =	ssub.s32 @!p1 $0x4000, s14;
	p2 =	por !p2, p1;
	p3 =	por !p3, p1  }
0x26: {  	s16 =	sadd.s32 $0x1, s11;
	s15 =	simm.s32 @!p2 $0x0;
	s14 =	simm.s32 @!p3 $0x0  }
0x27: {  	p2 =	sgt.s32 s16, $0xC7;
	s14 =	smul.u32 @!p1 s14, s15;
	s15 =	sadd.s32 $0x1000, s12  }
0x28: {  	s18 =	smov.u32 @p2 s15  }
0x29: {  	s16 =	simm.s32 @p2 $0x0;
	p2 =	sgt.s32 s18, $0x3FFF  }
0x2a: {  	s18 =	smov.u32 @p2 s2;
	p2 =	sne.s32 s13, s7  }
.Ltmp1:
0x2b: {  	p0 =	por !p0, !p0;
	s17 =	simm.s32 @!p1 $0x2;
	(pc) =	sbr.rel @!p2 .LBB1_6-.Ltmp1, $4  }
0x2c: {  	s15 =	smov.u32 s9;
	s9 =	smov.u32 s11;
	s14 =	sand.u32 @!p1 $0x3FFFFFE0, s14  }
0x2d: {  	s11 =	smov.u32 s16;
	_ =	swait.ge @!p1 [sflag:s17], s14;
	s19 =	ssub.s32 @!p1 $0x0, s14  }
0x2e: {  	s14 =	smov.u32 s10;
	s13 =	sadd.s32 $0x1, s13;
	[sflag:s17] =	ssyncset.done @!p1 $0x0  }
0x2f: {  	s10 =	smov.u32 s12;
	s12 =	smov.u32 s18;
	[sflag:s17] =	ssyncadd.s32 @!p1 s19  }
.LBB1_1:
0x30: {  	p1 =	sge.u32 s13, s5  }
0x31: {  	s16 =	sand.u32 @!p1 $0x1FFFFFF, s11  }
0x32: {  	s17 =	smulhi.u32 @!p1 $0x147AE15, s16;
	_ =	sdelay $0x1  }
0x33: {  	s17 =	smul.u32 @!p1 $0xC8, s17  }
0x34: {  	s18 =	sxor.u32 @!p1 $0xFFFFFFFF, s13;
	s19 =	smul.u32 @!p1 $0xC80, s12  }
0x35: {  	s31 =	sadd.s32 $0xFFFFFFFF, s13;
	s18 =	sshll.u32 @!p1 s18, $0xE;
	s16 =	ssub.s32 @!p1 s16, s17  }
0x36: {  	s17 =	sand.u32 @!p1 $0x4000, s18;
	s18 =	sadd.s32 @!p1 s6, s19;
	s16 =	sshll.u32 @!p1 s16, $0x4  }
0x37: {  	s19 =	simm.s32 @!p1 $0x6400;
	s16 =	sadd.s32 @!p1 s16, s18;
	s18 =	simm.s32 @!p1 $0x80  }
0x38: {  	[tilespmem:s17], [sflag:$0x1] =	stream.strided.gather @!p1 [hbm4b:s16+s18], $0x4000, s19, s18, $0x38;
	[tilespmem:$0x10100] =	vst v63  }
0x39: {  	p1 =	sge.u32 s31, s5  }
.Ltmp2:
0x3a: {  	_ = 	snop;
	(pc) =	sbr.rel @p1 .LBB1_5-.Ltmp2, $1  }
0x3b: {  	_ =	sdelay $0x3  }
0x3c: {  	s16 =	simm.s32 $0x1  }
0x3d: {  	_ =	swait.ge [sflag:s4], $0x4000;
	s16 =	simm.s32 @!p0 $0x0  }
0x3e: {  	[sflag:s4] =	ssyncset.done $0x0;
	s17 =	sshll.u32 s16, $0xE  }
0x3f: {  	[sflag:s4] =	ssyncadd.s32 $0xFFFFC000;
	s17 =	sor.u32 $0x40, s17  }
0x40: {  	s16 =	smul.u32 $0x10200, s16;
	v0 =	vld [tilespmem:s17+$0x30]  }
0x41: {  	v1 =	vld [tilespmem:s17+$0xFFFFFFD0]  }
0x42: {  	s16 =	sshrl.u32 s16, $0x2;
	v5 =	vld [tilespmem:s17+$0xFFFFFFE0]  }
0x43: {  	v6 =	vld [tilespmem:s17+$0xFFFFFFF0];
	s19 =	sor.u32 $0x8000, s16  }
0x44: {  	s31 =	sand.u32 $0x1, s13;
	v4 =	vld [tilespmem:s17+$0x0];
	s18 =	sadd.s32 $0x0, s19  }
0x45: {  	v3 =	vld [tilespmem:s17+$0x10];
	s16 =	smul.u32 $0x10200, s31;
	[tilespmem:s18+$0x3870 ss:$0x81] =	vst.msk $0xffff, v0  }
0x46: {  	v2 =	vld [tilespmem:s17+$0x20];
	[tilespmem:s18+$0x810 ss:$0x81] =	vst.msk $0xffff, v1  }
0x47: {  	s16 =	sshrl.u32 s16, $0x2;
	v0 =	vld [tilespmem:s17+$0xFFFFFFC0];
	[tilespmem:s18+$0x1020 ss:$0x81] =	vst.msk $0xffff, v5;
	s17 =	sadd.s32 $0x80, s17  }
0x48: {  	s20 =	simm.s32 $0x4;
	s21 =	simm.s32 $0x8;
	s16 =	sor.u32 $0x8000, s16;
	[tilespmem:s18+$0x1830 ss:$0x81] =	vst.msk $0xffff, v6;
	v1 =	vld [tilespmem:s17+$0x30]  }
.LBB1_3:
0x49: {  	p1 =	sne.s32 s21, $0x1FC;
	v5 =	vld [tilespmem:s17+$0xFFFFFFD0];
	[tilespmem:s18+$0x2040 ss:$0x81] =	vst.msk $0xffff, v4  }
0x4a: {  	v6 =	vld [tilespmem:s17+$0xFFFFFFE0];
	[tilespmem:s18+$0x2850 ss:$0x81] =	vst.msk $0xffff, v3  }
0x4b: {  	s22 =	sshra.s32 s20, $0x2;
	s20 =	smov.u32 s21;
	v7 =	vld [tilespmem:s17+$0xFFFFFFF0];
	[tilespmem:s18+$0x3060 ss:$0x81] =	vst.msk $0xffff, v2  }
.Ltmp3:
0x4c: {  	v4 =	vld [tilespmem:s17+$0x0];
	[tilespmem:s18+$0x0 ss:$0x81] =	vst.msk $0xffff, v0;
	s18 =	sadd.s32 s22, s19;
	(pc) =	sbr.rel @p1 .LBB1_3-.Ltmp3, $4  }
0x4d: {  	v3 =	vld [tilespmem:s17+$0x10];
	[tilespmem:s18+$0x3870 ss:$0x81] =	vst.msk $0xffff, v1  }
0x4e: {  	[tilespmem:s18+$0x810 ss:$0x81] =	vst.msk $0xffff, v5;
	v2 =	vld [tilespmem:s17+$0x20]  }
0x4f: {  	v0 =	vld [tilespmem:s17+$0xFFFFFFC0];
	[tilespmem:s18+$0x1020 ss:$0x81] =	vst.msk $0xffff, v6;
	s17 =	sadd.s32 $0x80, s17  }
0x50: {  	s21 =	sadd.s32 $0x4, s21;
	v1 =	vld [tilespmem:s17+$0x30];
	[tilespmem:s18+$0x1830 ss:$0x81] =	vst.msk $0xffff, v7  }
.Ltmp4:
0x51: {  	_ = 	snop;
	(pc) =	sbr.rel .LBB1_4-.Ltmp4, $1  }
0x52: {  	_ =	sdelay $0x3  }
.LBB1_6:
0x53: {  	_ =	sfence.sel $0x180000  }
0x54: {  	s2 =	simm.s32 $0x1;
	[bflag:$0x0] =	sbarrier.arrive $0xFFFF  }
0x55: {  	s31 =	simm.s32 $0x2;
	[sflag:s2] =	ssyncpa.u1 $0x1  }
0x56: {  	[sflag:s31] =	ssyncpa.u1 $0x1  }
0x57: {  	p0 =	sne.s32 s0, $0x0;
	_ =	strace $0x9000004A  }
0x58: {  	s0 =	sadd.s32 @!p0 $0x100000, s1;
	[bflag:$0x2] =	sbarrier.arrive $0xFFFF  }
0x59: {  	[sflag:s0] =	ssyncadd.tile.s32 @!p0 $0x1;
	_ =	shalt  }
.Lfunc_end1:
_tile_overlayer_lowered:
.L_overlay_start_2:
0x5a: {  	(tag) =	ssettag $0x2  }
0x5b: {  	s0 =	rddreg [dreg:$0x0];
	s2 =	stileid.u32  }
0x5c: {  	s1 =	rddreg [dreg:$0x1];
	p0 =	sne.s32 s2, $0x0  }
0x5d: {  	s3 =	rddreg [dreg:$0x2];
	[bflag:$0x3] =	sbarrier.arrive $0xFFFF;
	s2 =	simm.s32 @!p0 $0x1C01  }
0x5e: {  	[timem:s3], [sflag:s2] =	dma.local @!p0 [hbm:s0], s1  }
0x5f: {  	s0 =	simm.s32 @!p0 $0x1  }
0x60: {  	_ =	swait.ge @!p0 [sflag:s0], s1  }
0x61: {  	s1 =	ssub.s32 @!p0 $0x0, s1;
	[sflag:s0] =	ssyncset.done @!p0 $0x0  }
0x62: {  	[sflag:s0] =	ssyncadd.s32 @!p0 s1  }
0x63: {  	[bflag:$0x3] =	sbarrier.arrive $0xFFFF  }
0x64: {  	_ =	shalt  }

</sc_bundles>
